<compile_context>
chip_gen: v7x
topology: tpu7x:2x2x1
jax: 0.10.2.dev20260603
libtpu: 0.0.44.dev20260713+nightly
codegen_flags: <defaults>
</compile_context>

<pallas_src>
import functools

import jax
import jax.numpy as jnp
from jax import lax
from jax.experimental import pallas as pl
from jax.experimental.pallas import tpu as pltpu
from jax.experimental.pallas import tpu_sc as plsc

N = 10000
E = 320000
D = 128

NC = 2
NS = 16
NW = NC * NS

PAIRS = 2 * E
PW = 20480
PPAD = NW * PW
CAP = 12800
CHG = 32
CPR = 128 // CHG
NBUF = 4
PAD_CH = NBUF * CHG
HALF = 5000
NRA = 5008
TRASH = HALF
RPT = 320
RPT_LAST = NRA - 15 * RPT

BM = 1000



def _sc_prepass_body(gsrc_hbm, tgt_hbm, lg0_hbm, ls0_hbm, lg1_hbm, ls1_hbm,
                     cnts_hbm, g_in, t_in, lg0_v, ls0_v, lg1_v, ls1_v, cnt_v):
    c = lax.axis_index("c")
    s = lax.axis_index("s")
    w = c * NS + s

    pltpu.sync_copy(gsrc_hbm.at[w], g_in)
    pltpu.sync_copy(tgt_hbm.at[w], t_in)

    def step(k, carry):
        c0, c1 = carry
        row = k // 8
        col = (k % 8) * 16
        t = t_in[row, pl.ds(col, 16)]
        g = g_in[row, pl.ds(col, 16)]
        m0 = (t >= 0) & (t < HALF)
        m1 = t >= HALF
        i0 = m0.astype(jnp.int32)
        i1 = m1.astype(jnp.int32)
        r0 = plsc.cumsum(i0)
        r1 = plsc.cumsum(i1)
        pos0 = jnp.where(m0, c0 + r0 - 1, CAP - 1)
        pos1 = jnp.where(m1, c1 + r1 - 1, CAP - 1)
        plsc.store_scatter(lg0_v, [pos0], g)
        plsc.store_scatter(ls0_v, [pos0], t)
        plsc.store_scatter(lg1_v, [pos1], g)
        plsc.store_scatter(ls1_v, [pos1], t - HALF)
        c0 = jnp.minimum(c0 + jnp.sum(i0), CAP - 2 * PAD_CH)
        c1 = jnp.minimum(c1 + jnp.sum(i1), CAP - 2 * PAD_CH)
        return c0, c1

    c0, c1 = lax.fori_loop(0, PW // 16, step, (jnp.int32(0), jnp.int32(0)),
                           unroll=False)

    zero16 = jnp.zeros((16,), jnp.int32)
    trash16 = zero16 + TRASH
    for r in range(PAD_CH // 16):
        lg0_v[pl.ds(c0 + r * 16, 16)] = zero16
        ls0_v[pl.ds(c0 + r * 16, 16)] = trash16
        lg1_v[pl.ds(c1 + r * 16, 16)] = zero16
        ls1_v[pl.ds(c1 + r * 16, 16)] = trash16
    c0p = ((c0 + PAD_CH - 1) // PAD_CH) * PAD_CH
    c1p = ((c1 + PAD_CH - 1) // PAD_CH) * PAD_CH

    io = lax.iota(jnp.int32, 16)
    cnt_v[...] = jnp.where(io == 0, c0p, jnp.where(io == 1, c1p, 0))

    pltpu.sync_copy(lg0_v, lg0_hbm.at[pl.ds(w * CAP, CAP)])
    pltpu.sync_copy(ls0_v, ls0_hbm.at[pl.ds(w * CAP, CAP)])
    pltpu.sync_copy(lg1_v, lg1_hbm.at[pl.ds(w * CAP, CAP)])
    pltpu.sync_copy(ls1_v, ls1_hbm.at[pl.ds(w * CAP, CAP)])
    pltpu.sync_copy(cnt_v, cnts_hbm.at[pl.ds(w * 16, 16)])


@functools.partial(
    pl.kernel,
    mesh=plsc.VectorSubcoreMesh(core_axis_name="c", subcore_axis_name="s"),
    compiler_params=pltpu.CompilerParams(needs_layout_passes=False),
    out_type=[
        jax.ShapeDtypeStruct((NW * CAP,), jnp.int32),
        jax.ShapeDtypeStruct((NW * CAP,), jnp.int32),
        jax.ShapeDtypeStruct((NW * CAP,), jnp.int32),
        jax.ShapeDtypeStruct((NW * CAP,), jnp.int32),
        jax.ShapeDtypeStruct((NW * 16,), jnp.int32),
    ],
    scratch_types=[
        pltpu.VMEM((PW // 128, 128), jnp.int32),
        pltpu.VMEM((PW // 128, 128), jnp.int32),
        pltpu.VMEM((CAP,), jnp.int32),
        pltpu.VMEM((CAP,), jnp.int32),
        pltpu.VMEM((CAP,), jnp.int32),
        pltpu.VMEM((CAP,), jnp.int32),
        pltpu.VMEM((16,), jnp.int32),
    ],
)
def _sc_prepass(*refs):
    _sc_prepass_body(*refs)



def _sc_scatter_body(table_hbm, lg0_hbm, lg1_hbm, ls0_hbm, ls1_hbm, cnts_hbm,
                     zeros_hbm, out_hbm,
                     lg_v, ls_v, cnt_v, rows_a, rows_b, rows_c, rows_d,
                     acc_sh, sem_a, sem_b, sem_c, sem_d):
    c = lax.axis_index("c")
    s = lax.axis_index("s")

    @pl.when(s < NS - 1)
    def _():
        pltpu.sync_copy(zeros_hbm.at[pl.ds(s * RPT, RPT)],
                        acc_sh.at[pl.ds(s * RPT, RPT)])

    @pl.when(s == NS - 1)
    def _():
        pltpu.sync_copy(zeros_hbm.at[pl.ds((NS - 1) * RPT, RPT_LAST)],
                        acc_sh.at[pl.ds((NS - 1) * RPT, RPT_LAST)])

    plsc.subcore_barrier()

    bufs = [(rows_a, sem_a), (rows_b, sem_b), (rows_c, sem_c), (rows_d, sem_d)]

    def gather(k, buf, sem):
        pltpu.async_copy(table_hbm.at[lg_v.at[pl.ds(k * CHG, CHG)]], buf, sem)

    def drain_scatter(k, buf, sem):
        pltpu.make_async_copy(
            table_hbm.at[lg_v.at[pl.ds(k * CHG, CHG)]], buf, sem).wait()
        pltpu.sync_copy(
            buf, acc_sh.at[ls_v.at[k // CPR, pl.ds((k % CPR) * CHG, CHG)]],
            add=True)

    for li in range(2):
        w = 2 * s + li

        @pl.when(c == 0)
        def _():
            pltpu.sync_copy(lg0_hbm.at[pl.ds(w * CAP, CAP)], lg_v)
            pltpu.sync_copy(ls0_hbm.at[w], ls_v)

        @pl.when(c == 1)
        def _():
            pltpu.sync_copy(lg1_hbm.at[pl.ds(w * CAP, CAP)], lg_v)
            pltpu.sync_copy(ls1_hbm.at[w], ls_v)

        pltpu.sync_copy(cnts_hbm.at[pl.ds(w * 16, 16)], cnt_v)
        io = lax.iota(jnp.int32, 16)
        cnt = jnp.sum(jnp.where(io == c, cnt_v[...], 0))
        nch = cnt // CHG
        n4 = cnt // PAD_CH

        for q in range(NBUF - 1):
            @pl.when(q < nch)
            def _():
                gather(q, *bufs[q])

        def chunk(j, carry):
            for q in range(NBUF):
                k = NBUF * j + q
                kn = k + NBUF - 1

                @pl.when(kn < nch)
                def _():
                    gather(kn, *bufs[(q + NBUF - 1) % NBUF])

                drain_scatter(k, *bufs[q])
            return carry

        lax.fori_loop(0, n4, chunk, 0, unroll=False)

    plsc.subcore_barrier()

    @pl.when(s < NS - 1)
    def _():
        pltpu.sync_copy(acc_sh.at[pl.ds(s * RPT, RPT)],
                        out_hbm.at[c, pl.ds(s * RPT, RPT)])

    @pl.when(s == NS - 1)
    def _():
        pltpu.sync_copy(acc_sh.at[pl.ds((NS - 1) * RPT, RPT_LAST)],
                        out_hbm.at[c, pl.ds((NS - 1) * RPT, RPT_LAST)])


@functools.partial(
    pl.kernel,
    mesh=plsc.VectorSubcoreMesh(core_axis_name="c", subcore_axis_name="s"),
    compiler_params=pltpu.CompilerParams(needs_layout_passes=False),
    out_type=jax.ShapeDtypeStruct((NC, NRA, D), jnp.float32),
    scratch_types=[
        pltpu.VMEM((CAP,), jnp.int32),
        pltpu.VMEM((CAP // 128, 128), jnp.int32),
        pltpu.VMEM((16,), jnp.int32),
        pltpu.VMEM((CHG, D), jnp.float32),
        pltpu.VMEM((CHG, D), jnp.float32),
        pltpu.VMEM((CHG, D), jnp.float32),
        pltpu.VMEM((CHG, D), jnp.float32),
        pltpu.VMEM_SHARED((NRA, D), jnp.float32),
        pltpu.SemaphoreType.DMA,
        pltpu.SemaphoreType.DMA,
        pltpu.SemaphoreType.DMA,
        pltpu.SemaphoreType.DMA,
    ],
)
def _sc_scatter(*refs):
    _sc_scatter_body(*refs)



def _lin2_kernel(x_ref, w0_ref, b0_ref, w1_ref, b1_ref, o0_ref, o1_ref):
    x = x_ref[...]
    o0_ref[...] = jnp.dot(x, w0_ref[...], preferred_element_type=jnp.float32) + b0_ref[...]
    o1_ref[...] = jnp.dot(x, w1_ref[...], preferred_element_type=jnp.float32) + b1_ref[...]


def _lin2_fused_kernel(vw0_ref, ns_ref, w0_ref, b0_ref, w1_ref, b1_ref,
                       o0_ref, o1_ref):
    h = jax.nn.relu(vw0_ref[...] + ns_ref[0])
    o0_ref[...] = jnp.dot(h, w0_ref[...], preferred_element_type=jnp.float32) + b0_ref[...]
    o1_ref[...] = jnp.dot(h, w1_ref[...], preferred_element_type=jnp.float32) + b1_ref[...]


def _final_kernel(x_ref, vw0_ref, ns_ref, o_ref):
    h = jax.nn.relu(vw0_ref[...] + ns_ref[0])
    o_ref[...] = (x_ref[...] + h) * 0.5


_W_SPEC = pl.BlockSpec((D, D), lambda i: (0, 0))
_B_SPEC = pl.BlockSpec((1, D), lambda i: (0, 0))
_X_SPEC = pl.BlockSpec((BM, D), lambda i: (i, 0))
_NS_SPEC = pl.BlockSpec((1, BM, D), lambda i: (i // 5, i % 5, 0))
_OUT2_SHAPE = [jax.ShapeDtypeStruct((N, D), jnp.float32)] * 2


def _lin2(x, w0t, b0, w1t, b1):
    return pl.pallas_call(
        _lin2_kernel,
        grid=(N // BM,),
        in_specs=[_X_SPEC, _W_SPEC, _B_SPEC, _W_SPEC, _B_SPEC],
        out_specs=[_X_SPEC, _X_SPEC],
        out_shape=_OUT2_SHAPE,
    )(x, w0t, b0.reshape(1, D), w1t, b1.reshape(1, D))


def _lin2_fused(vw0, ns, w0t, b0, w1t, b1):
    return pl.pallas_call(
        _lin2_fused_kernel,
        grid=(N // BM,),
        in_specs=[_X_SPEC, _NS_SPEC, _W_SPEC, _B_SPEC, _W_SPEC, _B_SPEC],
        out_specs=[_X_SPEC, _X_SPEC],
        out_shape=_OUT2_SHAPE,
    )(vw0, ns, w0t, b0.reshape(1, D), w1t, b1.reshape(1, D))


def _final(x, vw0, ns):
    return pl.pallas_call(
        _final_kernel,
        grid=(N // BM,),
        in_specs=[_X_SPEC, _X_SPEC, _NS_SPEC],
        out_specs=_X_SPEC,
        out_shape=jax.ShapeDtypeStruct((N, D), jnp.float32),
    )(x, vw0, ns)



def kernel(input_feats, edges_packed, W0_1, b0_1, W1_1, b1_1,
           W0_2, b0_2, W1_2, b1_2):
    src = edges_packed[:, 0].astype(jnp.int32)
    dst = edges_packed[:, 1].astype(jnp.int32)
    padz = jnp.zeros((PPAD - PAIRS,), jnp.int32)
    gsrc = jnp.concatenate([dst, src, padz]).reshape(NW, PW // 128, 128)
    tgt = jnp.concatenate([src, dst, padz - 1]).reshape(NW, PW // 128, 128)

    lg0, ls0, lg1, ls1, cnts = _sc_prepass(gsrc, tgt)
    ls0 = ls0.reshape(NW, CAP // 128, 128)
    ls1 = ls1.reshape(NW, CAP // 128, 128)
    zeros = jnp.zeros((NRA, D), jnp.float32)

    vw0_1, vw1_1 = _lin2(input_feats, W0_1.T, b0_1, W1_1.T, b1_1)
    ns1 = _sc_scatter(vw1_1, lg0, lg1, ls0, ls1, cnts, zeros)
    vw0_2, vw1_2 = _lin2_fused(vw0_1, ns1, W0_2.T, b0_2, W1_2.T, b1_2)
    ns2 = _sc_scatter(vw1_2, lg0, lg1, ls0, ls1, cnts, zeros)
    return _final(input_feats, vw0_2, ns2)

# --- scband reference (transcript-rebuilt; emitter-appended) ---
"""Pipeline reference for scband-res-graph-conv-13589276524722 (READ-ONLY COPY).

The authoritative reference and input builder live on the scoring server;
editing this copy changes nothing except your own understanding.
"""

import jax, jax.numpy as jnp
import numpy as np

N = 10000
E = 320000
D = 128


def _linear_params(key, in_dim, out_dim):
    kw, kb = jax.random.split(key)
    # pytorch3d GraphConv 'normal' init: weights ~ N(0, 1/in_dim) style; bias zero-ish
    W = jax.random.normal(kw, (out_dim, in_dim), dtype=jnp.float32) / np.sqrt(in_dim)
    b = jnp.zeros((out_dim,), dtype=jnp.float32)
    return W, b


def setup_inputs(seed: int = 0) -> dict:
    key = jax.random.key(seed)
    ks = jax.random.split(key, 6)
    input_feats = jax.random.normal(ks[0], (N, D), dtype=jnp.float32)
    edges_packed = jax.random.randint(ks[1], (E, 2), 0, N)
    W0_1, b0_1 = _linear_params(ks[2], D, D)
    W1_1, b1_1 = _linear_params(ks[3], D, D)
    W0_2, b0_2 = _linear_params(ks[4], D, D)
    W1_2, b1_2 = _linear_params(ks[5], D, D)
    return {
        "input_feats": input_feats,
        "edges_packed": edges_packed,
        "W0_1": W0_1, "b0_1": b0_1, "W1_1": W1_1, "b1_1": b1_1,
        "W0_2": W0_2, "b0_2": b0_2, "W1_2": W1_2, "b1_2": b1_2,
    }


def _graph_conv(x, edges, W0, b0, W1, b1):
    # verts_w0 = self.w0(verts); verts_w1 = self.w1(verts)
    vw0 = x @ W0.T + b0
    vw1 = x @ W1.T + b1
    # gather_scatter with directed=False: for edge (i, j), out[i] += vw1[j] and out[j] += vw1[i]
    src = edges[:, 0]
    dst = edges[:, 1]
    ns = jnp.zeros_like(vw0)
    ns = ns.at[src].add(jnp.take(vw1, dst, axis=0))
    ns = ns.at[dst].add(jnp.take(vw1, src, axis=0))
    return vw0 + ns


def reference(input_feats, edges_packed, W0_1, b0_1, W1_1, b1_1, W0_2, b0_2, W1_2, b1_2):
    vert_feats = jax.nn.relu(_graph_conv(input_feats, edges_packed, W0_1, b0_1, W1_1, b1_1))
    vert_feats = jax.nn.relu(_graph_conv(vert_feats, edges_packed, W0_2, b0_2, W1_2, b1_2))
    return (input_feats + vert_feats) * 0.5

if __name__ == "__main__":
    import jax
    _d = setup_inputs()
    print(jax.jit(kernel)(*tuple(_d.values())))

</pallas_src>

<mosaic_0001>
#map = affine_map<(d0, d1) -> (0, 0)>
#map1 = affine_map<(d0, d1) -> (0)>
#map2 = affine_map<(d0, d1) -> (0, 0, 0)>
module attributes {stable_mosaic.version = 14 : i64} {
  func.func @_sc_scatter(%arg0: i32, %arg1: i32, %arg2: memref<10000x128xf32, #tpu.memory_space<hbm>>, %arg3: memref<409600xi32, #tpu.memory_space<hbm>>, %arg4: memref<409600xi32, #tpu.memory_space<hbm>>, %arg5: memref<32x100x128xi32, #tpu.memory_space<hbm>>, %arg6: memref<32x100x128xi32, #tpu.memory_space<hbm>>, %arg7: memref<512xi32, #tpu.memory_space<hbm>>, %arg8: memref<5008x128xf32, #tpu.memory_space<hbm>>, %arg9: memref<2x5008x128xf32, #tpu.memory_space<hbm>>, %arg10: memref<12800xi32, #tpu.memory_space<vmem>>, %arg11: memref<100x128xi32, #tpu.memory_space<vmem>>, %arg12: memref<16xi32, #tpu.memory_space<vmem>>, %arg13: memref<32x128xf32, #tpu.memory_space<vmem>>, %arg14: memref<32x128xf32, #tpu.memory_space<vmem>>, %arg15: memref<32x128xf32, #tpu.memory_space<vmem>>, %arg16: memref<32x128xf32, #tpu.memory_space<vmem>>, %arg17: memref<5008x128xf32, #tpu.memory_space<vmem_shared>>, %arg18: memref<!tpu.dma_semaphore, #tpu.memory_space<semaphore_mem>>, %arg19: memref<!tpu.dma_semaphore, #tpu.memory_space<semaphore_mem>>, %arg20: memref<!tpu.dma_semaphore, #tpu.memory_space<semaphore_mem>>, %arg21: memref<!tpu.dma_semaphore, #tpu.memory_space<semaphore_mem>>) attributes {dimension_semantics = [#tpu.dimension_semantics<core_parallel>, #tpu.dimension_semantics<subcore_parallel>], iteration_bounds = array<i64: 2, 16>, scalar_prefetch = 0 : i64, scratch_operands = 12 : i64, tpu.core_type = #tpu.core_type<sc_vector_subcore>, window_params = [{transform_indices = #map}, {transform_indices = #map1}, {transform_indices = #map1}, {transform_indices = #map2}, {transform_indices = #map2}, {transform_indices = #map1}, {transform_indices = #map}, {transform_indices = #map2}]} {
    %lt3A = arith.constant 15 : i32
    %lt3A_0 = arith.cmpi slt, %arg1, %lt3A : i32
    %convert_element_type3A = arith.extui %lt3A_0 : i1 to i32
    %cond3A = arith.constant 0 : i32
    %cond3A_1 = arith.cmpi ne, %convert_element_type3A, %cond3A : i32
    scf.if %cond3A_1 {
      %mul3A_203 = arith.constant 320 : i32
      %mul3A_204 = arith.muli %arg1, %mul3A_203 : i32
      %mul3A_205 = arith.constant 320 : i32
      %mul3A_206 = arith.muli %arg1, %mul3A_205 : i32
      "tpu.region"() ({
        %run_scoped3A = tpu.sem_alloc : memref<!tpu.dma_semaphore, #tpu.memory_space<semaphore_mem>>
        %dma_start3A = arith.constant 0 : i32
        %dma_start3A_207 = tpu.memref_slice %arg17[%mul3A_206, %dma_start3A] : memref<5008x128xf32, #tpu.memory_space<vmem_shared>> -> memref<320x128xf32, #tpu.memory_space<vmem_shared>>
        %dma_start3A_208 = arith.constant 0 : i32
        %dma_start3A_209 = tpu.memref_slice %arg8[%mul3A_204, %dma_start3A_208] : memref<5008x128xf32, #tpu.memory_space<hbm>> -> memref<320x128xf32, #tpu.memory_space<hbm>>
        tpu.enqueue_dma source(%dma_start3A_209 : memref<320x128xf32, #tpu.memory_space<hbm>>) target(%dma_start3A_207 : memref<320x128xf32, #tpu.memory_space<vmem_shared>>) target_semaphore(%run_scoped3A : memref<!tpu.dma_semaphore, #tpu.memory_space<semaphore_mem>>)
        %dma_wait3A = arith.constant 0 : i32
        %dma_wait3A_210 = tpu.memref_slice %arg17[%mul3A_206, %dma_wait3A] : memref<5008x128xf32, #tpu.memory_space<vmem_shared>> -> memref<320x128xf32, #tpu.memory_space<vmem_shared>>
        %dma_wait3A_211 = arith.constant 0 : i32
        %dma_wait3A_212 = tpu.memref_slice %arg8[%mul3A_204, %dma_wait3A_211] : memref<5008x128xf32, #tpu.memory_space<hbm>> -> memref<320x128xf32, #tpu.memory_space<hbm>>
        tpu.wait_dma2 semaphore(%run_scoped3A : memref<!tpu.dma_semaphore, #tpu.memory_space<semaphore_mem>>) src(%dma_wait3A_212 : memref<320x128xf32, #tpu.memory_space<hbm>>) dst(%dma_wait3A_210 : memref<320x128xf32, #tpu.memory_space<vmem_shared>>)
        tpu.yield
      }) : () -> ()
    } else {
    }
    %eq3A = arith.constant 15 : i32
    %eq3A_2 = arith.cmpi eq, %arg1, %eq3A : i32
    %convert_element_type3A_3 = arith.extui %eq3A_2 : i1 to i32
    %cond3A_4 = arith.constant 0 : i32
    %cond3A_5 = arith.cmpi ne, %convert_element_type3A_3, %cond3A_4 : i32
    scf.if %cond3A_5 {
      "tpu.region"() ({
        %run_scoped3A = tpu.sem_alloc : memref<!tpu.dma_semaphore, #tpu.memory_space<semaphore_mem>>
        %dma_start3A = arith.constant 4800 : i32
        %dma_start3A_203 = arith.constant 0 : i32
        %dma_start3A_204 = tpu.memref_slice %arg17[%dma_start3A, %dma_start3A_203] : memref<5008x128xf32, #tpu.memory_space<vmem_shared>> -> memref<208x128xf32, #tpu.memory_space<vmem_shared>>
        %dma_start3A_205 = arith.constant 4800 : i32
        %dma_start3A_206 = arith.constant 0 : i32
        %dma_start3A_207 = tpu.memref_slice %arg8[%dma_start3A_205, %dma_start3A_206] : memref<5008x128xf32, #tpu.memory_space<hbm>> -> memref<208x128xf32, #tpu.memory_space<hbm>>
        tpu.enqueue_dma source(%dma_start3A_207 : memref<208x128xf32, #tpu.memory_space<hbm>>) target(%dma_start3A_204 : memref<208x128xf32, #tpu.memory_space<vmem_shared>>) target_semaphore(%run_scoped3A : memref<!tpu.dma_semaphore, #tpu.memory_space<semaphore_mem>>)
        %dma_wait3A = arith.constant 4800 : i32
        %dma_wait3A_208 = arith.constant 0 : i32
        %dma_wait3A_209 = tpu.memref_slice %arg17[%dma_wait3A, %dma_wait3A_208] : memref<5008x128xf32, #tpu.memory_space<vmem_shared>> -> memref<208x128xf32, #tpu.memory_space<vmem_shared>>
        %dma_wait3A_210 = arith.constant 4800 : i32
        %dma_wait3A_211 = arith.constant 0 : i32
        %dma_wait3A_212 = tpu.memref_slice %arg8[%dma_wait3A_210, %dma_wait3A_211] : memref<5008x128xf32, #tpu.memory_space<hbm>> -> memref<208x128xf32, #tpu.memory_space<hbm>>
        tpu.wait_dma2 semaphore(%run_scoped3A : memref<!tpu.dma_semaphore, #tpu.memory_space<semaphore_mem>>) src(%dma_wait3A_212 : memref<208x128xf32, #tpu.memory_space<hbm>>) dst(%dma_wait3A_209 : memref<208x128xf32, #tpu.memory_space<vmem_shared>>)
        tpu.yield
      }) : () -> ()
    } else {
    }
    %barrier3A = arith.constant 0 : index
    tpu.barrier barrier_id(%barrier3A)
    %mul3A = arith.constant 2 : i32
    %mul3A_6 = arith.muli %mul3A, %arg1 : i32
    %add3A = arith.constant 0 : i32
    %add3A_7 = arith.addi %mul3A_6, %add3A : i32
    %eq3A_8 = arith.constant 0 : i32
    %eq3A_9 = arith.cmpi eq, %arg0, %eq3A_8 : i32
    %convert_element_type3A_10 = arith.extui %eq3A_9 : i1 to i32
    %cond3A_11 = arith.constant 0 : i32
    %cond3A_12 = arith.cmpi ne, %convert_element_type3A_10, %cond3A_11 : i32
    scf.if %cond3A_12 {
      %mul3A_203 = arith.constant 12800 : i32
      %mul3A_204 = arith.muli %add3A_7, %mul3A_203 : i32
      "tpu.region"() ({
        %run_scoped3A = tpu.sem_alloc : memref<!tpu.dma_semaphore, #tpu.memory_space<semaphore_mem>>
        %dma_start3A = tpu.memref_slice %arg3[%mul3A_204] : memref<409600xi32, #tpu.memory_space<hbm>> -> memref<12800xi32, #tpu.memory_space<hbm>>
        %dma_start3A_205 = tpu.memref_slice %arg3[%mul3A_204] : memref<409600xi32, #tpu.memory_space<hbm>> -> memref<12800xi32, #tpu.memory_space<hbm>>
        tpu.enqueue_dma source(%dma_start3A_205 : memref<12800xi32, #tpu.memory_space<hbm>>) target(%arg10 : memref<12800xi32, #tpu.memory_space<vmem>>) target_semaphore(%run_scoped3A : memref<!tpu.dma_semaphore, #tpu.memory_space<semaphore_mem>>)
        %dma_wait3A = tpu.memref_slice %arg3[%mul3A_204] : memref<409600xi32, #tpu.memory_space<hbm>> -> memref<12800xi32, #tpu.memory_space<hbm>>
        %dma_wait3A_206 = tpu.memref_slice %arg3[%mul3A_204] : memref<409600xi32, #tpu.memory_space<hbm>> -> memref<12800xi32, #tpu.memory_space<hbm>>
        tpu.wait_dma2 semaphore(%run_scoped3A : memref<!tpu.dma_semaphore, #tpu.memory_space<semaphore_mem>>) src(%dma_wait3A_206 : memref<12800xi32, #tpu.memory_space<hbm>>) dst(%arg10 : memref<12800xi32, #tpu.memory_space<vmem>>)
        tpu.yield
      }) : () -> ()
      "tpu.region"() ({
        %run_scoped3A = tpu.sem_alloc : memref<!tpu.dma_semaphore, #tpu.memory_space<semaphore_mem>>
        %dma_start3A = arith.constant 0 : i32
        %dma_start3A_205 = arith.constant 0 : i32
        %dma_start3A_206 = tpu.memref_slice %arg5[%add3A_7, %dma_start3A, %dma_start3A_205] : memref<32x100x128xi32, #tpu.memory_space<hbm>> -> memref<1x100x128xi32, #tpu.memory_space<hbm>>
        %dma_start3A_207 = tpu.memref_squeeze %dma_start3A_206 : memref<1x100x128xi32, #tpu.memory_space<hbm>> -> memref<100x128xi32, #tpu.memory_space<hbm>>
        %dma_start3A_208 = arith.constant 0 : i32
        %dma_start3A_209 = arith.constant 0 : i32
        %dma_start3A_210 = tpu.memref_slice %arg5[%add3A_7, %dma_start3A_208, %dma_start3A_209] : memref<32x100x128xi32, #tpu.memory_space<hbm>> -> memref<1x100x128xi32, #tpu.memory_space<hbm>>
        %dma_start3A_211 = tpu.memref_squeeze %dma_start3A_210 : memref<1x100x128xi32, #tpu.memory_space<hbm>> -> memref<100x128xi32, #tpu.memory_space<hbm>>
        tpu.enqueue_dma source(%dma_start3A_211 : memref<100x128xi32, #tpu.memory_space<hbm>>) target(%arg11 : memref<100x128xi32, #tpu.memory_space<vmem>>) target_semaphore(%run_scoped3A : memref<!tpu.dma_semaphore, #tpu.memory_space<semaphore_mem>>)
        %dma_wait3A = arith.constant 0 : i32
        %dma_wait3A_212 = arith.constant 0 : i32
        %dma_wait3A_213 = tpu.memref_slice %arg5[%add3A_7, %dma_wait3A, %dma_wait3A_212] : memref<32x100x128xi32, #tpu.memory_space<hbm>> -> memref<1x100x128xi32, #tpu.memory_space<hbm>>
        %dma_wait3A_214 = tpu.memref_squeeze %dma_wait3A_213 : memref<1x100x128xi32, #tpu.memory_space<hbm>> -> memref<100x128xi32, #tpu.memory_space<hbm>>
        %dma_wait3A_215 = arith.constant 0 : i32
        %dma_wait3A_216 = arith.constant 0 : i32
        %dma_wait3A_217 = tpu.memref_slice %arg5[%add3A_7, %dma_wait3A_215, %dma_wait3A_216] : memref<32x100x128xi32, #tpu.memory_space<hbm>> -> memref<1x100x128xi32, #tpu.memory_space<hbm>>
        %dma_wait3A_218 = tpu.memref_squeeze %dma_wait3A_217 : memref<1x100x128xi32, #tpu.memory_space<hbm>> -> memref<100x128xi32, #tpu.memory_space<hbm>>
        tpu.wait_dma2 semaphore(%run_scoped3A : memref<!tpu.dma_semaphore, #tpu.memory_space<semaphore_mem>>) src(%dma_wait3A_218 : memref<100x128xi32, #tpu.memory_space<hbm>>) dst(%arg11 : memref<100x128xi32, #tpu.memory_space<vmem>>)
        tpu.yield
      }) : () -> ()
    } else {
    }
    %eq3A_13 = arith.constant 1 : i32
    %eq3A_14 = arith.cmpi eq, %arg0, %eq3A_13 : i32
    %convert_element_type3A_15 = arith.extui %eq3A_14 : i1 to i32
    %cond3A_16 = arith.constant 0 : i32
    %cond3A_17 = arith.cmpi ne, %convert_element_type3A_15, %cond3A_16 : i32
    scf.if %cond3A_17 {
      %mul3A_203 = arith.constant 12800 : i32
      %mul3A_204 = arith.muli %add3A_7, %mul3A_203 : i32
      "tpu.region"() ({
        %run_scoped3A = tpu.sem_alloc : memref<!tpu.dma_semaphore, #tpu.memory_space<semaphore_mem>>
        %dma_start3A = tpu.memref_slice %arg4[%mul3A_204] : memref<409600xi32, #tpu.memory_space<hbm>> -> memref<12800xi32, #tpu.memory_space<hbm>>
        %dma_start3A_205 = tpu.memref_slice %arg4[%mul3A_204] : memref<409600xi32, #tpu.memory_space<hbm>> -> memref<12800xi32, #tpu.memory_space<hbm>>
        tpu.enqueue_dma source(%dma_start3A_205 : memref<12800xi32, #tpu.memory_space<hbm>>) target(%arg10 : memref<12800xi32, #tpu.memory_space<vmem>>) target_semaphore(%run_scoped3A : memref<!tpu.dma_semaphore, #tpu.memory_space<semaphore_mem>>)
        %dma_wait3A = tpu.memref_slice %arg4[%mul3A_204] : memref<409600xi32, #tpu.memory_space<hbm>> -> memref<12800xi32, #tpu.memory_space<hbm>>
        %dma_wait3A_206 = tpu.memref_slice %arg4[%mul3A_204] : memref<409600xi32, #tpu.memory_space<hbm>> -> memref<12800xi32, #tpu.memory_space<hbm>>
        tpu.wait_dma2 semaphore(%run_scoped3A : memref<!tpu.dma_semaphore, #tpu.memory_space<semaphore_mem>>) src(%dma_wait3A_206 : memref<12800xi32, #tpu.memory_space<hbm>>) dst(%arg10 : memref<12800xi32, #tpu.memory_space<vmem>>)
        tpu.yield
      }) : () -> ()
      "tpu.region"() ({
        %run_scoped3A = tpu.sem_alloc : memref<!tpu.dma_semaphore, #tpu.memory_space<semaphore_mem>>
        %dma_start3A = arith.constant 0 : i32
        %dma_start3A_205 = arith.constant 0 : i32
        %dma_start3A_206 = tpu.memref_slice %arg6[%add3A_7, %dma_start3A, %dma_start3A_205] : memref<32x100x128xi32, #tpu.memory_space<hbm>> -> memref<1x100x128xi32, #tpu.memory_space<hbm>>
        %dma_start3A_207 = tpu.memref_squeeze %dma_start3A_206 : memref<1x100x128xi32, #tpu.memory_space<hbm>> -> memref<100x128xi32, #tpu.memory_space<hbm>>
        %dma_start3A_208 = arith.constant 0 : i32
        %dma_start3A_209 = arith.constant 0 : i32
        %dma_start3A_210 = tpu.memref_slice %arg6[%add3A_7, %dma_start3A_208, %dma_start3A_209] : memref<32x100x128xi32, #tpu.memory_space<hbm>> -> memref<1x100x128xi32, #tpu.memory_space<hbm>>
        %dma_start3A_211 = tpu.memref_squeeze %dma_start3A_210 : memref<1x100x128xi32, #tpu.memory_space<hbm>> -> memref<100x128xi32, #tpu.memory_space<hbm>>
        tpu.enqueue_dma source(%dma_start3A_211 : memref<100x128xi32, #tpu.memory_space<hbm>>) target(%arg11 : memref<100x128xi32, #tpu.memory_space<vmem>>) target_semaphore(%run_scoped3A : memref<!tpu.dma_semaphore, #tpu.memory_space<semaphore_mem>>)
        %dma_wait3A = arith.constant 0 : i32
        %dma_wait3A_212 = arith.constant 0 : i32
        %dma_wait3A_213 = tpu.memref_slice %arg6[%add3A_7, %dma_wait3A, %dma_wait3A_212] : memref<32x100x128xi32, #tpu.memory_space<hbm>> -> memref<1x100x128xi32, #tpu.memory_space<hbm>>
        %dma_wait3A_214 = tpu.memref_squeeze %dma_wait3A_213 : memref<1x100x128xi32, #tpu.memory_space<hbm>> -> memref<100x128xi32, #tpu.memory_space<hbm>>
        %dma_wait3A_215 = arith.constant 0 : i32
        %dma_wait3A_216 = arith.constant 0 : i32
        %dma_wait3A_217 = tpu.memref_slice %arg6[%add3A_7, %dma_wait3A_215, %dma_wait3A_216] : memref<32x100x128xi32, #tpu.memory_space<hbm>> -> memref<1x100x128xi32, #tpu.memory_space<hbm>>
        %dma_wait3A_218 = tpu.memref_squeeze %dma_wait3A_217 : memref<1x100x128xi32, #tpu.memory_space<hbm>> -> memref<100x128xi32, #tpu.memory_space<hbm>>
        tpu.wait_dma2 semaphore(%run_scoped3A : memref<!tpu.dma_semaphore, #tpu.memory_space<semaphore_mem>>) src(%dma_wait3A_218 : memref<100x128xi32, #tpu.memory_space<hbm>>) dst(%arg11 : memref<100x128xi32, #tpu.memory_space<vmem>>)
        tpu.yield
      }) : () -> ()
    } else {
    }
    %mul3A_18 = arith.constant 16 : i32
    %mul3A_19 = arith.muli %add3A_7, %mul3A_18 : i32
    "tpu.region"() ({
      %run_scoped3A = tpu.sem_alloc : memref<!tpu.dma_semaphore, #tpu.memory_space<semaphore_mem>>
      %dma_start3A = tpu.memref_slice %arg7[%mul3A_19] : memref<512xi32, #tpu.memory_space<hbm>> -> memref<16xi32, #tpu.memory_space<hbm>>
      %dma_start3A_203 = tpu.memref_slice %arg7[%mul3A_19] : memref<512xi32, #tpu.memory_space<hbm>> -> memref<16xi32, #tpu.memory_space<hbm>>
      tpu.enqueue_dma source(%dma_start3A_203 : memref<16xi32, #tpu.memory_space<hbm>>) target(%arg12 : memref<16xi32, #tpu.memory_space<vmem>>) target_semaphore(%run_scoped3A : memref<!tpu.dma_semaphore, #tpu.memory_space<semaphore_mem>>)
      %dma_wait3A = tpu.memref_slice %arg7[%mul3A_19] : memref<512xi32, #tpu.memory_space<hbm>> -> memref<16xi32, #tpu.memory_space<hbm>>
      %dma_wait3A_204 = tpu.memref_slice %arg7[%mul3A_19] : memref<512xi32, #tpu.memory_space<hbm>> -> memref<16xi32, #tpu.memory_space<hbm>>
      tpu.wait_dma2 semaphore(%run_scoped3A : memref<!tpu.dma_semaphore, #tpu.memory_space<semaphore_mem>>) src(%dma_wait3A_204 : memref<16xi32, #tpu.memory_space<hbm>>) dst(%arg12 : memref<16xi32, #tpu.memory_space<vmem>>)
      tpu.yield
    }) : () -> ()
    %iota3A = tpu.iota {dimensions = array<i32: 0>} : vector<16xi32>
    %eq3A_20 = vector.broadcast %arg0 : i32 to vector<16xi32>
    %eq3A_21 = arith.cmpi eq, %iota3A, %eq3A_20 : vector<16xi32>
    %get3A = arith.constant 0 : index
    %get3A_22 = tpu.vector_load %arg12[%get3A] {strides = array<i32>} : memref<16xi32, #tpu.memory_space<vmem>>, vector<16xi32>,
    %jit3A = arith.constant 0 : i32
    %broadcast_in_dim3A = vector.broadcast %jit3A : i32 to vector<16xi32>
    %select_n3A = arith.select %eq3A_21, %get3A_22, %broadcast_in_dim3A : vector<16xi1>, vector<16xi32>
    %reduce_sum3A = arith.constant true
    %reduce_sum3A_23 = vector.broadcast %reduce_sum3A : i1 to vector<16xi1>
    %reduce_sum3A_24 = tpu.scan <sum>, %select_n3A masked %reduce_sum3A_23 : vector<16xi32>, vector<16xi1> -> vector<16xi32>
    %reduce_sum3A_25 = vector.extract %reduce_sum3A_24[15] : i32 from vector<16xi32>
    %jit3A_26 = arith.constant 32 : i32
    %div3A = arith.divsi %reduce_sum3A_25, %jit3A_26 : i32
    %sign3A = arith.constant 0 : i32
    %sign3A_27 = arith.cmpi sgt, %reduce_sum3A_25, %sign3A : i32
    %sign3A_28 = arith.extui %sign3A_27 : i1 to i32
    %sign3A_29 = arith.constant 0 : i32
    %sign3A_30 = arith.cmpi slt, %reduce_sum3A_25, %sign3A_29 : i32
    %sign3A_31 = arith.extui %sign3A_30 : i1 to i32
    %sign3A_32 = arith.subi %sign3A_28, %sign3A_31 : i32
    %sign3A_33 = arith.constant 0 : i32
    %sign3A_34 = arith.cmpi sgt, %jit3A_26, %sign3A_33 : i32
    %sign3A_35 = arith.extui %sign3A_34 : i1 to i32
    %sign3A_36 = arith.constant 0 : i32
    %sign3A_37 = arith.cmpi slt, %jit3A_26, %sign3A_36 : i32
    %sign3A_38 = arith.extui %sign3A_37 : i1 to i32
    %sign3A_39 = arith.subi %sign3A_35, %sign3A_38 : i32
    %ne3A = arith.cmpi ne, %sign3A_32, %sign3A_39 : i32
    %rem3A = arith.remsi %reduce_sum3A_25, %jit3A_26 : i32
    %ne3A_40 = arith.constant 0 : i32
    %ne3A_41 = arith.cmpi ne, %rem3A, %ne3A_40 : i32
    %and3A = arith.andi %ne3A, %ne3A_41 : i1
    %sub3A = arith.constant 1 : i32
    %sub3A_42 = arith.subi %div3A, %sub3A : i32
    %select_n3A_43 = arith.select %and3A, %sub3A_42, %div3A : i32
    %jit3A_44 = arith.constant 128 : i32
    %div3A_45 = arith.divsi %reduce_sum3A_25, %jit3A_44 : i32
    %sign3A_46 = arith.constant 0 : i32
    %sign3A_47 = arith.cmpi sgt, %reduce_sum3A_25, %sign3A_46 : i32
    %sign3A_48 = arith.extui %sign3A_47 : i1 to i32
    %sign3A_49 = arith.constant 0 : i32
    %sign3A_50 = arith.cmpi slt, %reduce_sum3A_25, %sign3A_49 : i32
    %sign3A_51 = arith.extui %sign3A_50 : i1 to i32
    %sign3A_52 = arith.subi %sign3A_48, %sign3A_51 : i32
    %sign3A_53 = arith.constant 0 : i32
    %sign3A_54 = arith.cmpi sgt, %jit3A_44, %sign3A_53 : i32
    %sign3A_55 = arith.extui %sign3A_54 : i1 to i32
    %sign3A_56 = arith.constant 0 : i32
    %sign3A_57 = arith.cmpi slt, %jit3A_44, %sign3A_56 : i32
    %sign3A_58 = arith.extui %sign3A_57 : i1 to i32
    %sign3A_59 = arith.subi %sign3A_55, %sign3A_58 : i32
    %ne3A_60 = arith.cmpi ne, %sign3A_52, %sign3A_59 : i32
    %rem3A_61 = arith.remsi %reduce_sum3A_25, %jit3A_44 : i32
    %ne3A_62 = arith.constant 0 : i32
    %ne3A_63 = arith.cmpi ne, %rem3A_61, %ne3A_62 : i32
    %and3A_64 = arith.andi %ne3A_60, %ne3A_63 : i1
    %sub3A_65 = arith.constant 1 : i32
    %sub3A_66 = arith.subi %div3A_45, %sub3A_65 : i32
    %select_n3A_67 = arith.select %and3A_64, %sub3A_66, %div3A_45 : i32
    %gt3A = arith.constant 0 : i32
    %gt3A_68 = arith.cmpi sgt, %select_n3A_43, %gt3A : i32
    %convert_element_type3A_69 = arith.extui %gt3A_68 : i1 to i32
    %cond3A_70 = arith.constant 0 : i32
    %cond3A_71 = arith.cmpi ne, %convert_element_type3A_69, %cond3A_70 : i32
    scf.if %cond3A_71 {
      %dma_start3A = arith.constant 0 : i32
      %dma_start3A_203 = tpu.memref_slice %arg10[%dma_start3A] : memref<12800xi32, #tpu.memory_space<vmem>> -> memref<32xi32, #tpu.memory_space<vmem>>
      %dma_start3A_204 = arith.constant 0 : i32
      %dma_start3A_205 = arith.constant 0 : i32
      %dma_start3A_206 = tpu.memref_slice %arg2[%dma_start3A_204, %dma_start3A_205] : memref<10000x128xf32, #tpu.memory_space<hbm>> -> memref<10000x128xf32, #tpu.memory_space<hbm>>
      tpu.enqueue_indirect_dma source(%dma_start3A_206 : memref<10000x128xf32, #tpu.memory_space<hbm>>) target(%arg13 : memref<32x128xf32, #tpu.memory_space<vmem>>) offsets(%dma_start3A_203 : memref<32xi32, #tpu.memory_space<vmem>>) semaphore(%arg18 : memref<!tpu.dma_semaphore, #tpu.memory_space<semaphore_mem>>)
    } else {
    }
    %gt3A_72 = arith.constant 1 : i32
    %gt3A_73 = arith.cmpi sgt, %select_n3A_43, %gt3A_72 : i32
    %convert_element_type3A_74 = arith.extui %gt3A_73 : i1 to i32
    %cond3A_75 = arith.constant 0 : i32
    %cond3A_76 = arith.cmpi ne, %convert_element_type3A_74, %cond3A_75 : i32
    scf.if %cond3A_76 {
      %dma_start3A = arith.constant 32 : i32
      %dma_start3A_203 = tpu.memref_slice %arg10[%dma_start3A] : memref<12800xi32, #tpu.memory_space<vmem>> -> memref<32xi32, #tpu.memory_space<vmem>>
      %dma_start3A_204 = arith.constant 0 : i32
      %dma_start3A_205 = arith.constant 0 : i32
      %dma_start3A_206 = tpu.memref_slice %arg2[%dma_start3A_204, %dma_start3A_205] : memref<10000x128xf32, #tpu.memory_space<hbm>> -> memref<10000x128xf32, #tpu.memory_space<hbm>>
      tpu.enqueue_indirect_dma source(%dma_start3A_206 : memref<10000x128xf32, #tpu.memory_space<hbm>>) target(%arg14 : memref<32x128xf32, #tpu.memory_space<vmem>>) offsets(%dma_start3A_203 : memref<32xi32, #tpu.memory_space<vmem>>) semaphore(%arg19 : memref<!tpu.dma_semaphore, #tpu.memory_space<semaphore_mem>>)
    } else {
    }
    %gt3A_77 = arith.constant 2 : i32
    %gt3A_78 = arith.cmpi sgt, %select_n3A_43, %gt3A_77 : i32
    %convert_element_type3A_79 = arith.extui %gt3A_78 : i1 to i32
    %cond3A_80 = arith.constant 0 : i32
    %cond3A_81 = arith.cmpi ne, %convert_element_type3A_79, %cond3A_80 : i32
    scf.if %cond3A_81 {
      %dma_start3A = arith.constant 64 : i32
      %dma_start3A_203 = tpu.memref_slice %arg10[%dma_start3A] : memref<12800xi32, #tpu.memory_space<vmem>> -> memref<32xi32, #tpu.memory_space<vmem>>
      %dma_start3A_204 = arith.constant 0 : i32
      %dma_start3A_205 = arith.constant 0 : i32
      %dma_start3A_206 = tpu.memref_slice %arg2[%dma_start3A_204, %dma_start3A_205] : memref<10000x128xf32, #tpu.memory_space<hbm>> -> memref<10000x128xf32, #tpu.memory_space<hbm>>
      tpu.enqueue_indirect_dma source(%dma_start3A_206 : memref<10000x128xf32, #tpu.memory_space<hbm>>) target(%arg15 : memref<32x128xf32, #tpu.memory_space<vmem>>) offsets(%dma_start3A_203 : memref<32xi32, #tpu.memory_space<vmem>>) semaphore(%arg20 : memref<!tpu.dma_semaphore, #tpu.memory_space<semaphore_mem>>)
    } else {
    }
    %while3A = arith.constant 0 : i32
    %while3A_82 = arith.constant 0 : i32
    %while3A_83 = arith.subi %select_n3A_67, %while3A_82 : i32
    %while3A_84 = arith.addi %while3A_82, %while3A_83 : i32
    %while3A_85 = arith.constant 1 : i32
    %while3A_86 = arith.divsi %while3A_83, %while3A_85 : i32
    %while3A_87 = arith.muli %while3A_86, %while3A_85 : i32
    %while3A_88 = arith.addi %while3A_82, %while3A_87 : i32
    %while3A_89 = arith.constant 1 : i32
    scf.for %while3A_203 = %while3A_82 to %while3A_88 step %while3A_89  : i32 {
      %mul3A_204 = arith.constant 4 : i32
      %mul3A_205 = arith.muli %mul3A_204, %while3A_203 : i32
      %add3A_206 = arith.constant 0 : i32
      %add3A_207 = arith.addi %mul3A_205, %add3A_206 : i32
      %add3A_208 = arith.constant 4 : i32
      %add3A_209 = arith.addi %add3A_207, %add3A_208 : i32
      %sub3A_210 = arith.constant 1 : i32
      %sub3A_211 = arith.subi %add3A_209, %sub3A_210 : i32
      %lt3A_212 = arith.cmpi slt, %sub3A_211, %select_n3A_43 : i32
      %convert_element_type3A_213 = arith.extui %lt3A_212 : i1 to i32
      %cond3A_214 = arith.constant 0 : i32
      %cond3A_215 = arith.cmpi ne, %convert_element_type3A_213, %cond3A_214 : i32
      scf.if %cond3A_215 {
        %mul3A_443 = arith.constant 32 : i32
        %mul3A_444 = arith.muli %sub3A_211, %mul3A_443 : i32
        %dma_start3A = tpu.memref_slice %arg10[%mul3A_444] : memref<12800xi32, #tpu.memory_space<vmem>> -> memref<32xi32, #tpu.memory_space<vmem>>
        %dma_start3A_445 = arith.constant 0 : i32
        %dma_start3A_446 = arith.constant 0 : i32
        %dma_start3A_447 = tpu.memref_slice %arg2[%dma_start3A_445, %dma_start3A_446] : memref<10000x128xf32, #tpu.memory_space<hbm>> -> memref<10000x128xf32, #tpu.memory_space<hbm>>
        tpu.enqueue_indirect_dma source(%dma_start3A_447 : memref<10000x128xf32, #tpu.memory_space<hbm>>) target(%arg16 : memref<32x128xf32, #tpu.memory_space<vmem>>) offsets(%dma_start3A : memref<32xi32, #tpu.memory_space<vmem>>) semaphore(%arg21 : memref<!tpu.dma_semaphore, #tpu.memory_space<semaphore_mem>>)
      } else {
      }
      %mul3A_216 = arith.constant 32 : i32
      %mul3A_217 = arith.muli %add3A_207, %mul3A_216 : i32
      %dma_wait3A = tpu.memref_slice %arg10[%mul3A_217] : memref<12800xi32, #tpu.memory_space<vmem>> -> memref<32xi32, #tpu.memory_space<vmem>>
      %dma_wait3A_218 = arith.constant 0 : i32
      %dma_wait3A_219 = arith.constant 0 : i32
      %dma_wait3A_220 = tpu.memref_slice %arg2[%dma_wait3A_218, %dma_wait3A_219] : memref<10000x128xf32, #tpu.memory_space<hbm>> -> memref<10000x128xf32, #tpu.memory_space<hbm>>
      tpu.wait_indirect_dma semaphore(%arg18 : memref<!tpu.dma_semaphore, #tpu.memory_space<semaphore_mem>>) src(%dma_wait3A_220 : memref<10000x128xf32, #tpu.memory_space<hbm>>) dst(%arg13 : memref<32x128xf32, #tpu.memory_space<vmem>>)
      %jit3A_221 = arith.constant 4 : i32
      %div3A_222 = arith.divsi %add3A_207, %jit3A_221 : i32
      %sign3A_223 = arith.constant 0 : i32
      %sign3A_224 = arith.cmpi sgt, %add3A_207, %sign3A_223 : i32
      %sign3A_225 = arith.extui %sign3A_224 : i1 to i32
      %sign3A_226 = arith.constant 0 : i32
      %sign3A_227 = arith.cmpi slt, %add3A_207, %sign3A_226 : i32
      %sign3A_228 = arith.extui %sign3A_227 : i1 to i32
      %sign3A_229 = arith.subi %sign3A_225, %sign3A_228 : i32
      %sign3A_230 = arith.constant 0 : i32
      %sign3A_231 = arith.cmpi sgt, %jit3A_221, %sign3A_230 : i32
      %sign3A_232 = arith.extui %sign3A_231 : i1 to i32
      %sign3A_233 = arith.constant 0 : i32
      %sign3A_234 = arith.cmpi slt, %jit3A_221, %sign3A_233 : i32
      %sign3A_235 = arith.extui %sign3A_234 : i1 to i32
      %sign3A_236 = arith.subi %sign3A_232, %sign3A_235 : i32
      %ne3A_237 = arith.cmpi ne, %sign3A_229, %sign3A_236 : i32
      %rem3A_238 = arith.remsi %add3A_207, %jit3A_221 : i32
      %ne3A_239 = arith.constant 0 : i32
      %ne3A_240 = arith.cmpi ne, %rem3A_238, %ne3A_239 : i32
      %and3A_241 = arith.andi %ne3A_237, %ne3A_240 : i1
      %sub3A_242 = arith.constant 1 : i32
      %sub3A_243 = arith.subi %div3A_222, %sub3A_242 : i32
      %select_n3A_244 = arith.select %and3A_241, %sub3A_243, %div3A_222 : i32
      %jit3A_245 = arith.constant 4 : i32
      %eq3A_246 = arith.constant 0 : i32
      %eq3A_247 = arith.cmpi eq, %jit3A_245, %eq3A_246 : i32
      %jit3A_248 = arith.constant 1 : i32
      %select_n3A_249 = arith.select %eq3A_247, %jit3A_248, %jit3A_245 : i32
      %rem3A_250 = arith.remsi %add3A_207, %select_n3A_249 : i32
      %ne3A_251 = arith.constant 0 : i32
      %ne3A_252 = arith.cmpi ne, %rem3A_250, %ne3A_251 : i32
      %lt3A_253 = arith.constant 0 : i32
      %lt3A_254 = arith.cmpi slt, %rem3A_250, %lt3A_253 : i32
      %lt3A_255 = arith.constant 0 : i32
      %lt3A_256 = arith.cmpi slt, %select_n3A_249, %lt3A_255 : i32
      %ne3A_257 = arith.xori %lt3A_254, %lt3A_256 : i1
      %and3A_258 = arith.andi %ne3A_257, %ne3A_252 : i1
      %add3A_259 = arith.addi %rem3A_250, %select_n3A_249 : i32
      %select_n3A_260 = arith.select %and3A_258, %add3A_259, %rem3A_250 : i32
      %mul3A_261 = arith.constant 32 : i32
      %mul3A_262 = arith.muli %select_n3A_260, %mul3A_261 : i32
      "tpu.region"() ({
        %run_scoped3A = tpu.sem_alloc : memref<!tpu.dma_semaphore, #tpu.memory_space<semaphore_mem>>
        %dma_start3A = tpu.memref_slice %arg11[%select_n3A_244, %mul3A_262] : memref<100x128xi32, #tpu.memory_space<vmem>> -> memref<1x32xi32, #tpu.memory_space<vmem>>
        %dma_start3A_443 = tpu.memref_squeeze %dma_start3A : memref<1x32xi32, #tpu.memory_space<vmem>> -> memref<32xi32, #tpu.memory_space<vmem>>
        %dma_start3A_444 = arith.constant 0 : i32
        %dma_start3A_445 = arith.constant 0 : i32
        %dma_start3A_446 = tpu.memref_slice %arg17[%dma_start3A_444, %dma_start3A_445] : memref<5008x128xf32, #tpu.memory_space<vmem_shared>> -> memref<5008x128xf32, #tpu.memory_space<vmem_shared>>
        tpu.enqueue_indirect_dma source(%arg13 : memref<32x128xf32, #tpu.memory_space<vmem>>) target(%dma_start3A_446 : memref<5008x128xf32, #tpu.memory_space<vmem_shared>>) offsets(%dma_start3A_443 : memref<32xi32, #tpu.memory_space<vmem>>) semaphore(%run_scoped3A : memref<!tpu.dma_semaphore, #tpu.memory_space<semaphore_mem>>) {add = true}
        %dma_wait3A_447 = tpu.memref_slice %arg11[%select_n3A_244, %mul3A_262] : memref<100x128xi32, #tpu.memory_space<vmem>> -> memref<1x32xi32, #tpu.memory_space<vmem>>
        %dma_wait3A_448 = tpu.memref_squeeze %dma_wait3A_447 : memref<1x32xi32, #tpu.memory_space<vmem>> -> memref<32xi32, #tpu.memory_space<vmem>>
        %dma_wait3A_449 = arith.constant 0 : i32
        %dma_wait3A_450 = arith.constant 0 : i32
        %dma_wait3A_451 = tpu.memref_slice %arg17[%dma_wait3A_449, %dma_wait3A_450] : memref<5008x128xf32, #tpu.memory_space<vmem_shared>> -> memref<5008x128xf32, #tpu.memory_space<vmem_shared>>
        tpu.wait_indirect_dma semaphore(%run_scoped3A : memref<!tpu.dma_semaphore, #tpu.memory_space<semaphore_mem>>) src(%arg13 : memref<32x128xf32, #tpu.memory_space<vmem>>) dst(%dma_wait3A_451 : memref<5008x128xf32, #tpu.memory_space<vmem_shared>>)
        tpu.yield
      }) : () -> ()
      %mul3A_263 = arith.constant 4 : i32
      %mul3A_264 = arith.muli %mul3A_263, %while3A_203 : i32
      %add3A_265 = arith.constant 1 : i32
      %add3A_266 = arith.addi %mul3A_264, %add3A_265 : i32
      %add3A_267 = arith.constant 4 : i32
      %add3A_268 = arith.addi %add3A_266, %add3A_267 : i32
      %sub3A_269 = arith.constant 1 : i32
      %sub3A_270 = arith.subi %add3A_268, %sub3A_269 : i32
      %lt3A_271 = arith.cmpi slt, %sub3A_270, %select_n3A_43 : i32
      %convert_element_type3A_272 = arith.extui %lt3A_271 : i1 to i32
      %cond3A_273 = arith.constant 0 : i32
      %cond3A_274 = arith.cmpi ne, %convert_element_type3A_272, %cond3A_273 : i32
      scf.if %cond3A_274 {
        %mul3A_443 = arith.constant 32 : i32
        %mul3A_444 = arith.muli %sub3A_270, %mul3A_443 : i32
        %dma_start3A = tpu.memref_slice %arg10[%mul3A_444] : memref<12800xi32, #tpu.memory_space<vmem>> -> memref<32xi32, #tpu.memory_space<vmem>>
        %dma_start3A_445 = arith.constant 0 : i32
        %dma_start3A_446 = arith.constant 0 : i32
        %dma_start3A_447 = tpu.memref_slice %arg2[%dma_start3A_445, %dma_start3A_446] : memref<10000x128xf32, #tpu.memory_space<hbm>> -> memref<10000x128xf32, #tpu.memory_space<hbm>>
        tpu.enqueue_indirect_dma source(%dma_start3A_447 : memref<10000x128xf32, #tpu.memory_space<hbm>>) target(%arg13 : memref<32x128xf32, #tpu.memory_space<vmem>>) offsets(%dma_start3A : memref<32xi32, #tpu.memory_space<vmem>>) semaphore(%arg18 : memref<!tpu.dma_semaphore, #tpu.memory_space<semaphore_mem>>)
      } else {
      }
      %mul3A_275 = arith.constant 32 : i32
      %mul3A_276 = arith.muli %add3A_266, %mul3A_275 : i32
      %dma_wait3A_277 = tpu.memref_slice %arg10[%mul3A_276] : memref<12800xi32, #tpu.memory_space<vmem>> -> memref<32xi32, #tpu.memory_space<vmem>>
      %dma_wait3A_278 = arith.constant 0 : i32
      %dma_wait3A_279 = arith.constant 0 : i32
      %dma_wait3A_280 = tpu.memref_slice %arg2[%dma_wait3A_278, %dma_wait3A_279] : memref<10000x128xf32, #tpu.memory_space<hbm>> -> memref<10000x128xf32, #tpu.memory_space<hbm>>
      tpu.wait_indirect_dma semaphore(%arg19 : memref<!tpu.dma_semaphore, #tpu.memory_space<semaphore_mem>>) src(%dma_wait3A_280 : memref<10000x128xf32, #tpu.memory_space<hbm>>) dst(%arg14 : memref<32x128xf32, #tpu.memory_space<vmem>>)
      %jit3A_281 = arith.constant 4 : i32
      %div3A_282 = arith.divsi %add3A_266, %jit3A_281 : i32
      %sign3A_283 = arith.constant 0 : i32
      %sign3A_284 = arith.cmpi sgt, %add3A_266, %sign3A_283 : i32
      %sign3A_285 = arith.extui %sign3A_284 : i1 to i32
      %sign3A_286 = arith.constant 0 : i32
      %sign3A_287 = arith.cmpi slt, %add3A_266, %sign3A_286 : i32
      %sign3A_288 = arith.extui %sign3A_287 : i1 to i32
      %sign3A_289 = arith.subi %sign3A_285, %sign3A_288 : i32
      %sign3A_290 = arith.constant 0 : i32
      %sign3A_291 = arith.cmpi sgt, %jit3A_281, %sign3A_290 : i32
      %sign3A_292 = arith.extui %sign3A_291 : i1 to i32
      %sign3A_293 = arith.constant 0 : i32
      %sign3A_294 = arith.cmpi slt, %jit3A_281, %sign3A_293 : i32
      %sign3A_295 = arith.extui %sign3A_294 : i1 to i32
      %sign3A_296 = arith.subi %sign3A_292, %sign3A_295 : i32
      %ne3A_297 = arith.cmpi ne, %sign3A_289, %sign3A_296 : i32
      %rem3A_298 = arith.remsi %add3A_266, %jit3A_281 : i32
      %ne3A_299 = arith.constant 0 : i32
      %ne3A_300 = arith.cmpi ne, %rem3A_298, %ne3A_299 : i32
      %and3A_301 = arith.andi %ne3A_297, %ne3A_300 : i1
      %sub3A_302 = arith.constant 1 : i32
      %sub3A_303 = arith.subi %div3A_282, %sub3A_302 : i32
      %select_n3A_304 = arith.select %and3A_301, %sub3A_303, %div3A_282 : i32
      %jit3A_305 = arith.constant 4 : i32
      %eq3A_306 = arith.constant 0 : i32
      %eq3A_307 = arith.cmpi eq, %jit3A_305, %eq3A_306 : i32
      %jit3A_308 = arith.constant 1 : i32
      %select_n3A_309 = arith.select %eq3A_307, %jit3A_308, %jit3A_305 : i32
      %rem3A_310 = arith.remsi %add3A_266, %select_n3A_309 : i32
      %ne3A_311 = arith.constant 0 : i32
      %ne3A_312 = arith.cmpi ne, %rem3A_310, %ne3A_311 : i32
      %lt3A_313 = arith.constant 0 : i32
      %lt3A_314 = arith.cmpi slt, %rem3A_310, %lt3A_313 : i32
      %lt3A_315 = arith.constant 0 : i32
      %lt3A_316 = arith.cmpi slt, %select_n3A_309, %lt3A_315 : i32
      %ne3A_317 = arith.xori %lt3A_314, %lt3A_316 : i1
      %and3A_318 = arith.andi %ne3A_317, %ne3A_312 : i1
      %add3A_319 = arith.addi %rem3A_310, %select_n3A_309 : i32
      %select_n3A_320 = arith.select %and3A_318, %add3A_319, %rem3A_310 : i32
      %mul3A_321 = arith.constant 32 : i32
      %mul3A_322 = arith.muli %select_n3A_320, %mul3A_321 : i32
      "tpu.region"() ({
        %run_scoped3A = tpu.sem_alloc : memref<!tpu.dma_semaphore, #tpu.memory_space<semaphore_mem>>
        %dma_start3A = tpu.memref_slice %arg11[%select_n3A_304, %mul3A_322] : memref<100x128xi32, #tpu.memory_space<vmem>> -> memref<1x32xi32, #tpu.memory_space<vmem>>
        %dma_start3A_443 = tpu.memref_squeeze %dma_start3A : memref<1x32xi32, #tpu.memory_space<vmem>> -> memref<32xi32, #tpu.memory_space<vmem>>
        %dma_start3A_444 = arith.constant 0 : i32
        %dma_start3A_445 = arith.constant 0 : i32
        %dma_start3A_446 = tpu.memref_slice %arg17[%dma_start3A_444, %dma_start3A_445] : memref<5008x128xf32, #tpu.memory_space<vmem_shared>> -> memref<5008x128xf32, #tpu.memory_space<vmem_shared>>
        tpu.enqueue_indirect_dma source(%arg14 : memref<32x128xf32, #tpu.memory_space<vmem>>) target(%dma_start3A_446 : memref<5008x128xf32, #tpu.memory_space<vmem_shared>>) offsets(%dma_start3A_443 : memref<32xi32, #tpu.memory_space<vmem>>) semaphore(%run_scoped3A : memref<!tpu.dma_semaphore, #tpu.memory_space<semaphore_mem>>) {add = true}
        %dma_wait3A_447 = tpu.memref_slice %arg11[%select_n3A_304, %mul3A_322] : memref<100x128xi32, #tpu.memory_space<vmem>> -> memref<1x32xi32, #tpu.memory_space<vmem>>
        %dma_wait3A_448 = tpu.memref_squeeze %dma_wait3A_447 : memref<1x32xi32, #tpu.memory_space<vmem>> -> memref<32xi32, #tpu.memory_space<vmem>>
        %dma_wait3A_449 = arith.constant 0 : i32
        %dma_wait3A_450 = arith.constant 0 : i32
        %dma_wait3A_451 = tpu.memref_slice %arg17[%dma_wait3A_449, %dma_wait3A_450] : memref<5008x128xf32, #tpu.memory_space<vmem_shared>> -> memref<5008x128xf32, #tpu.memory_space<vmem_shared>>
        tpu.wait_indirect_dma semaphore(%run_scoped3A : memref<!tpu.dma_semaphore, #tpu.memory_space<semaphore_mem>>) src(%arg14 : memref<32x128xf32, #tpu.memory_space<vmem>>) dst(%dma_wait3A_451 : memref<5008x128xf32, #tpu.memory_space<vmem_shared>>)
        tpu.yield
      }) : () -> ()
      %mul3A_323 = arith.constant 4 : i32
      %mul3A_324 = arith.muli %mul3A_323, %while3A_203 : i32
      %add3A_325 = arith.constant 2 : i32
      %add3A_326 = arith.addi %mul3A_324, %add3A_325 : i32
      %add3A_327 = arith.constant 4 : i32
      %add3A_328 = arith.addi %add3A_326, %add3A_327 : i32
      %sub3A_329 = arith.constant 1 : i32
      %sub3A_330 = arith.subi %add3A_328, %sub3A_329 : i32
      %lt3A_331 = arith.cmpi slt, %sub3A_330, %select_n3A_43 : i32
      %convert_element_type3A_332 = arith.extui %lt3A_331 : i1 to i32
      %cond3A_333 = arith.constant 0 : i32
      %cond3A_334 = arith.cmpi ne, %convert_element_type3A_332, %cond3A_333 : i32
      scf.if %cond3A_334 {
        %mul3A_443 = arith.constant 32 : i32
        %mul3A_444 = arith.muli %sub3A_330, %mul3A_443 : i32
        %dma_start3A = tpu.memref_slice %arg10[%mul3A_444] : memref<12800xi32, #tpu.memory_space<vmem>> -> memref<32xi32, #tpu.memory_space<vmem>>
        %dma_start3A_445 = arith.constant 0 : i32
        %dma_start3A_446 = arith.constant 0 : i32
        %dma_start3A_447 = tpu.memref_slice %arg2[%dma_start3A_445, %dma_start3A_446] : memref<10000x128xf32, #tpu.memory_space<hbm>> -> memref<10000x128xf32, #tpu.memory_space<hbm>>
        tpu.enqueue_indirect_dma source(%dma_start3A_447 : memref<10000x128xf32, #tpu.memory_space<hbm>>) target(%arg14 : memref<32x128xf32, #tpu.memory_space<vmem>>) offsets(%dma_start3A : memref<32xi32, #tpu.memory_space<vmem>>) semaphore(%arg19 : memref<!tpu.dma_semaphore, #tpu.memory_space<semaphore_mem>>)
      } else {
      }
      %mul3A_335 = arith.constant 32 : i32
      %mul3A_336 = arith.muli %add3A_326, %mul3A_335 : i32
      %dma_wait3A_337 = tpu.memref_slice %arg10[%mul3A_336] : memref<12800xi32, #tpu.memory_space<vmem>> -> memref<32xi32, #tpu.memory_space<vmem>>
      %dma_wait3A_338 = arith.constant 0 : i32
      %dma_wait3A_339 = arith.constant 0 : i32
      %dma_wait3A_340 = tpu.memref_slice %arg2[%dma_wait3A_338, %dma_wait3A_339] : memref<10000x128xf32, #tpu.memory_space<hbm>> -> memref<10000x128xf32, #tpu.memory_space<hbm>>
      tpu.wait_indirect_dma semaphore(%arg20 : memref<!tpu.dma_semaphore, #tpu.memory_space<semaphore_mem>>) src(%dma_wait3A_340 : memref<10000x128xf32, #tpu.memory_space<hbm>>) dst(%arg15 : memref<32x128xf32, #tpu.memory_space<vmem>>)
      %jit3A_341 = arith.constant 4 : i32
      %div3A_342 = arith.divsi %add3A_326, %jit3A_341 : i32
      %sign3A_343 = arith.constant 0 : i32
      %sign3A_344 = arith.cmpi sgt, %add3A_326, %sign3A_343 : i32
      %sign3A_345 = arith.extui %sign3A_344 : i1 to i32
      %sign3A_346 = arith.constant 0 : i32
      %sign3A_347 = arith.cmpi slt, %add3A_326, %sign3A_346 : i32
      %sign3A_348 = arith.extui %sign3A_347 : i1 to i32
      %sign3A_349 = arith.subi %sign3A_345, %sign3A_348 : i32
      %sign3A_350 = arith.constant 0 : i32
      %sign3A_351 = arith.cmpi sgt, %jit3A_341, %sign3A_350 : i32
      %sign3A_352 = arith.extui %sign3A_351 : i1 to i32
      %sign3A_353 = arith.constant 0 : i32
      %sign3A_354 = arith.cmpi slt, %jit3A_341, %sign3A_353 : i32
      %sign3A_355 = arith.extui %sign3A_354 : i1 to i32
      %sign3A_356 = arith.subi %sign3A_352, %sign3A_355 : i32
      %ne3A_357 = arith.cmpi ne, %sign3A_349, %sign3A_356 : i32
      %rem3A_358 = arith.remsi %add3A_326, %jit3A_341 : i32
      %ne3A_359 = arith.constant 0 : i32
      %ne3A_360 = arith.cmpi ne, %rem3A_358, %ne3A_359 : i32
      %and3A_361 = arith.andi %ne3A_357, %ne3A_360 : i1
      %sub3A_362 = arith.constant 1 : i32
      %sub3A_363 = arith.subi %div3A_342, %sub3A_362 : i32
      %select_n3A_364 = arith.select %and3A_361, %sub3A_363, %div3A_342 : i32
      %jit3A_365 = arith.constant 4 : i32
      %eq3A_366 = arith.constant 0 : i32
      %eq3A_367 = arith.cmpi eq, %jit3A_365, %eq3A_366 : i32
      %jit3A_368 = arith.constant 1 : i32
      %select_n3A_369 = arith.select %eq3A_367, %jit3A_368, %jit3A_365 : i32
      %rem3A_370 = arith.remsi %add3A_326, %select_n3A_369 : i32
      %ne3A_371 = arith.constant 0 : i32
      %ne3A_372 = arith.cmpi ne, %rem3A_370, %ne3A_371 : i32
      %lt3A_373 = arith.constant 0 : i32
      %lt3A_374 = arith.cmpi slt, %rem3A_370, %lt3A_373 : i32
      %lt3A_375 = arith.constant 0 : i32
      %lt3A_376 = arith.cmpi slt, %select_n3A_369, %lt3A_375 : i32
      %ne3A_377 = arith.xori %lt3A_374, %lt3A_376 : i1
      %and3A_378 = arith.andi %ne3A_377, %ne3A_372 : i1
      %add3A_379 = arith.addi %rem3A_370, %select_n3A_369 : i32
      %select_n3A_380 = arith.select %and3A_378, %add3A_379, %rem3A_370 : i32
      %mul3A_381 = arith.constant 32 : i32
      %mul3A_382 = arith.muli %select_n3A_380, %mul3A_381 : i32
      "tpu.region"() ({
        %run_scoped3A = tpu.sem_alloc : memref<!tpu.dma_semaphore, #tpu.memory_space<semaphore_mem>>
        %dma_start3A = tpu.memref_slice %arg11[%select_n3A_364, %mul3A_382] : memref<100x128xi32, #tpu.memory_space<vmem>> -> memref<1x32xi32, #tpu.memory_space<vmem>>
        %dma_start3A_443 = tpu.memref_squeeze %dma_start3A : memref<1x32xi32, #tpu.memory_space<vmem>> -> memref<32xi32, #tpu.memory_space<vmem>>
        %dma_start3A_444 = arith.constant 0 : i32
        %dma_start3A_445 = arith.constant 0 : i32
        %dma_start3A_446 = tpu.memref_slice %arg17[%dma_start3A_444, %dma_start3A_445] : memref<5008x128xf32, #tpu.memory_space<vmem_shared>> -> memref<5008x128xf32, #tpu.memory_space<vmem_shared>>
        tpu.enqueue_indirect_dma source(%arg15 : memref<32x128xf32, #tpu.memory_space<vmem>>) target(%dma_start3A_446 : memref<5008x128xf32, #tpu.memory_space<vmem_shared>>) offsets(%dma_start3A_443 : memref<32xi32, #tpu.memory_space<vmem>>) semaphore(%run_scoped3A : memref<!tpu.dma_semaphore, #tpu.memory_space<semaphore_mem>>) {add = true}
        %dma_wait3A_447 = tpu.memref_slice %arg11[%select_n3A_364, %mul3A_382] : memref<100x128xi32, #tpu.memory_space<vmem>> -> memref<1x32xi32, #tpu.memory_space<vmem>>
        %dma_wait3A_448 = tpu.memref_squeeze %dma_wait3A_447 : memref<1x32xi32, #tpu.memory_space<vmem>> -> memref<32xi32, #tpu.memory_space<vmem>>
        %dma_wait3A_449 = arith.constant 0 : i32
        %dma_wait3A_450 = arith.constant 0 : i32
        %dma_wait3A_451 = tpu.memref_slice %arg17[%dma_wait3A_449, %dma_wait3A_450] : memref<5008x128xf32, #tpu.memory_space<vmem_shared>> -> memref<5008x128xf32, #tpu.memory_space<vmem_shared>>
        tpu.wait_indirect_dma semaphore(%run_scoped3A : memref<!tpu.dma_semaphore, #tpu.memory_space<semaphore_mem>>) src(%arg15 : memref<32x128xf32, #tpu.memory_space<vmem>>) dst(%dma_wait3A_451 : memref<5008x128xf32, #tpu.memory_space<vmem_shared>>)
        tpu.yield
      }) : () -> ()
      %mul3A_383 = arith.constant 4 : i32
      %mul3A_384 = arith.muli %mul3A_383, %while3A_203 : i32
      %add3A_385 = arith.constant 3 : i32
      %add3A_386 = arith.addi %mul3A_384, %add3A_385 : i32
      %add3A_387 = arith.constant 4 : i32
      %add3A_388 = arith.addi %add3A_386, %add3A_387 : i32
      %sub3A_389 = arith.constant 1 : i32
      %sub3A_390 = arith.subi %add3A_388, %sub3A_389 : i32
      %lt3A_391 = arith.cmpi slt, %sub3A_390, %select_n3A_43 : i32
      %convert_element_type3A_392 = arith.extui %lt3A_391 : i1 to i32
      %cond3A_393 = arith.constant 0 : i32
      %cond3A_394 = arith.cmpi ne, %convert_element_type3A_392, %cond3A_393 : i32
      scf.if %cond3A_394 {
        %mul3A_443 = arith.constant 32 : i32
        %mul3A_444 = arith.muli %sub3A_390, %mul3A_443 : i32
        %dma_start3A = tpu.memref_slice %arg10[%mul3A_444] : memref<12800xi32, #tpu.memory_space<vmem>> -> memref<32xi32, #tpu.memory_space<vmem>>
        %dma_start3A_445 = arith.constant 0 : i32
        %dma_start3A_446 = arith.constant 0 : i32
        %dma_start3A_447 = tpu.memref_slice %arg2[%dma_start3A_445, %dma_start3A_446] : memref<10000x128xf32, #tpu.memory_space<hbm>> -> memref<10000x128xf32, #tpu.memory_space<hbm>>
        tpu.enqueue_indirect_dma source(%dma_start3A_447 : memref<10000x128xf32, #tpu.memory_space<hbm>>) target(%arg15 : memref<32x128xf32, #tpu.memory_space<vmem>>) offsets(%dma_start3A : memref<32xi32, #tpu.memory_space<vmem>>) semaphore(%arg20 : memref<!tpu.dma_semaphore, #tpu.memory_space<semaphore_mem>>)
      } else {
      }
      %mul3A_395 = arith.constant 32 : i32
      %mul3A_396 = arith.muli %add3A_386, %mul3A_395 : i32
      %dma_wait3A_397 = tpu.memref_slice %arg10[%mul3A_396] : memref<12800xi32, #tpu.memory_space<vmem>> -> memref<32xi32, #tpu.memory_space<vmem>>
      %dma_wait3A_398 = arith.constant 0 : i32
      %dma_wait3A_399 = arith.constant 0 : i32
      %dma_wait3A_400 = tpu.memref_slice %arg2[%dma_wait3A_398, %dma_wait3A_399] : memref<10000x128xf32, #tpu.memory_space<hbm>> -> memref<10000x128xf32, #tpu.memory_space<hbm>>
      tpu.wait_indirect_dma semaphore(%arg21 : memref<!tpu.dma_semaphore, #tpu.memory_space<semaphore_mem>>) src(%dma_wait3A_400 : memref<10000x128xf32, #tpu.memory_space<hbm>>) dst(%arg16 : memref<32x128xf32, #tpu.memory_space<vmem>>)
      %jit3A_401 = arith.constant 4 : i32
      %div3A_402 = arith.divsi %add3A_386, %jit3A_401 : i32
      %sign3A_403 = arith.constant 0 : i32
      %sign3A_404 = arith.cmpi sgt, %add3A_386, %sign3A_403 : i32
      %sign3A_405 = arith.extui %sign3A_404 : i1 to i32
      %sign3A_406 = arith.constant 0 : i32
      %sign3A_407 = arith.cmpi slt, %add3A_386, %sign3A_406 : i32
      %sign3A_408 = arith.extui %sign3A_407 : i1 to i32
      %sign3A_409 = arith.subi %sign3A_405, %sign3A_408 : i32
      %sign3A_410 = arith.constant 0 : i32
      %sign3A_411 = arith.cmpi sgt, %jit3A_401, %sign3A_410 : i32
      %sign3A_412 = arith.extui %sign3A_411 : i1 to i32
      %sign3A_413 = arith.constant 0 : i32
      %sign3A_414 = arith.cmpi slt, %jit3A_401, %sign3A_413 : i32
      %sign3A_415 = arith.extui %sign3A_414 : i1 to i32
      %sign3A_416 = arith.subi %sign3A_412, %sign3A_415 : i32
      %ne3A_417 = arith.cmpi ne, %sign3A_409, %sign3A_416 : i32
      %rem3A_418 = arith.remsi %add3A_386, %jit3A_401 : i32
      %ne3A_419 = arith.constant 0 : i32
      %ne3A_420 = arith.cmpi ne, %rem3A_418, %ne3A_419 : i32
      %and3A_421 = arith.andi %ne3A_417, %ne3A_420 : i1
      %sub3A_422 = arith.constant 1 : i32
      %sub3A_423 = arith.subi %div3A_402, %sub3A_422 : i32
      %select_n3A_424 = arith.select %and3A_421, %sub3A_423, %div3A_402 : i32
      %jit3A_425 = arith.constant 4 : i32
      %eq3A_426 = arith.constant 0 : i32
      %eq3A_427 = arith.cmpi eq, %jit3A_425, %eq3A_426 : i32
      %jit3A_428 = arith.constant 1 : i32
      %select_n3A_429 = arith.select %eq3A_427, %jit3A_428, %jit3A_425 : i32
      %rem3A_430 = arith.remsi %add3A_386, %select_n3A_429 : i32
      %ne3A_431 = arith.constant 0 : i32
      %ne3A_432 = arith.cmpi ne, %rem3A_430, %ne3A_431 : i32
      %lt3A_433 = arith.constant 0 : i32
      %lt3A_434 = arith.cmpi slt, %rem3A_430, %lt3A_433 : i32
      %lt3A_435 = arith.constant 0 : i32
      %lt3A_436 = arith.cmpi slt, %select_n3A_429, %lt3A_435 : i32
      %ne3A_437 = arith.xori %lt3A_434, %lt3A_436 : i1
      %and3A_438 = arith.andi %ne3A_437, %ne3A_432 : i1
      %add3A_439 = arith.addi %rem3A_430, %select_n3A_429 : i32
      %select_n3A_440 = arith.select %and3A_438, %add3A_439, %rem3A_430 : i32
      %mul3A_441 = arith.constant 32 : i32
      %mul3A_442 = arith.muli %select_n3A_440, %mul3A_441 : i32
      "tpu.region"() ({
        %run_scoped3A = tpu.sem_alloc : memref<!tpu.dma_semaphore, #tpu.memory_space<semaphore_mem>>
        %dma_start3A = tpu.memref_slice %arg11[%select_n3A_424, %mul3A_442] : memref<100x128xi32, #tpu.memory_space<vmem>> -> memref<1x32xi32, #tpu.memory_space<vmem>>
        %dma_start3A_443 = tpu.memref_squeeze %dma_start3A : memref<1x32xi32, #tpu.memory_space<vmem>> -> memref<32xi32, #tpu.memory_space<vmem>>
        %dma_start3A_444 = arith.constant 0 : i32
        %dma_start3A_445 = arith.constant 0 : i32
        %dma_start3A_446 = tpu.memref_slice %arg17[%dma_start3A_444, %dma_start3A_445] : memref<5008x128xf32, #tpu.memory_space<vmem_shared>> -> memref<5008x128xf32, #tpu.memory_space<vmem_shared>>
        tpu.enqueue_indirect_dma source(%arg16 : memref<32x128xf32, #tpu.memory_space<vmem>>) target(%dma_start3A_446 : memref<5008x128xf32, #tpu.memory_space<vmem_shared>>) offsets(%dma_start3A_443 : memref<32xi32, #tpu.memory_space<vmem>>) semaphore(%run_scoped3A : memref<!tpu.dma_semaphore, #tpu.memory_space<semaphore_mem>>) {add = true}
        %dma_wait3A_447 = tpu.memref_slice %arg11[%select_n3A_424, %mul3A_442] : memref<100x128xi32, #tpu.memory_space<vmem>> -> memref<1x32xi32, #tpu.memory_space<vmem>>
        %dma_wait3A_448 = tpu.memref_squeeze %dma_wait3A_447 : memref<1x32xi32, #tpu.memory_space<vmem>> -> memref<32xi32, #tpu.memory_space<vmem>>
        %dma_wait3A_449 = arith.constant 0 : i32
        %dma_wait3A_450 = arith.constant 0 : i32
        %dma_wait3A_451 = tpu.memref_slice %arg17[%dma_wait3A_449, %dma_wait3A_450] : memref<5008x128xf32, #tpu.memory_space<vmem_shared>> -> memref<5008x128xf32, #tpu.memory_space<vmem_shared>>
        tpu.wait_indirect_dma semaphore(%run_scoped3A : memref<!tpu.dma_semaphore, #tpu.memory_space<semaphore_mem>>) src(%arg16 : memref<32x128xf32, #tpu.memory_space<vmem>>) dst(%dma_wait3A_451 : memref<5008x128xf32, #tpu.memory_space<vmem_shared>>)
        tpu.yield
      }) : () -> ()
    }
    %while3A_90 = arith.constant 1 : i32
    scf.for %while3A_203 = %while3A_88 to %while3A_84 step %while3A_90  : i32 {
      %mul3A_204 = arith.constant 4 : i32
      %mul3A_205 = arith.muli %mul3A_204, %while3A_203 : i32
      %add3A_206 = arith.constant 0 : i32
      %add3A_207 = arith.addi %mul3A_205, %add3A_206 : i32
      %add3A_208 = arith.constant 4 : i32
      %add3A_209 = arith.addi %add3A_207, %add3A_208 : i32
      %sub3A_210 = arith.constant 1 : i32
      %sub3A_211 = arith.subi %add3A_209, %sub3A_210 : i32
      %lt3A_212 = arith.cmpi slt, %sub3A_211, %select_n3A_43 : i32
      %convert_element_type3A_213 = arith.extui %lt3A_212 : i1 to i32
      %cond3A_214 = arith.constant 0 : i32
      %cond3A_215 = arith.cmpi ne, %convert_element_type3A_213, %cond3A_214 : i32
      scf.if %cond3A_215 {
        %mul3A_443 = arith.constant 32 : i32
        %mul3A_444 = arith.muli %sub3A_211, %mul3A_443 : i32
        %dma_start3A = tpu.memref_slice %arg10[%mul3A_444] : memref<12800xi32, #tpu.memory_space<vmem>> -> memref<32xi32, #tpu.memory_space<vmem>>
        %dma_start3A_445 = arith.constant 0 : i32
        %dma_start3A_446 = arith.constant 0 : i32
        %dma_start3A_447 = tpu.memref_slice %arg2[%dma_start3A_445, %dma_start3A_446] : memref<10000x128xf32, #tpu.memory_space<hbm>> -> memref<10000x128xf32, #tpu.memory_space<hbm>>
        tpu.enqueue_indirect_dma source(%dma_start3A_447 : memref<10000x128xf32, #tpu.memory_space<hbm>>) target(%arg16 : memref<32x128xf32, #tpu.memory_space<vmem>>) offsets(%dma_start3A : memref<32xi32, #tpu.memory_space<vmem>>) semaphore(%arg21 : memref<!tpu.dma_semaphore, #tpu.memory_space<semaphore_mem>>)
      } else {
      }
      %mul3A_216 = arith.constant 32 : i32
      %mul3A_217 = arith.muli %add3A_207, %mul3A_216 : i32
      %dma_wait3A = tpu.memref_slice %arg10[%mul3A_217] : memref<12800xi32, #tpu.memory_space<vmem>> -> memref<32xi32, #tpu.memory_space<vmem>>
      %dma_wait3A_218 = arith.constant 0 : i32
      %dma_wait3A_219 = arith.constant 0 : i32
      %dma_wait3A_220 = tpu.memref_slice %arg2[%dma_wait3A_218, %dma_wait3A_219] : memref<10000x128xf32, #tpu.memory_space<hbm>> -> memref<10000x128xf32, #tpu.memory_space<hbm>>
      tpu.wait_indirect_dma semaphore(%arg18 : memref<!tpu.dma_semaphore, #tpu.memory_space<semaphore_mem>>) src(%dma_wait3A_220 : memref<10000x128xf32, #tpu.memory_space<hbm>>) dst(%arg13 : memref<32x128xf32, #tpu.memory_space<vmem>>)
      %jit3A_221 = arith.constant 4 : i32
      %div3A_222 = arith.divsi %add3A_207, %jit3A_221 : i32
      %sign3A_223 = arith.constant 0 : i32
      %sign3A_224 = arith.cmpi sgt, %add3A_207, %sign3A_223 : i32
      %sign3A_225 = arith.extui %sign3A_224 : i1 to i32
      %sign3A_226 = arith.constant 0 : i32
      %sign3A_227 = arith.cmpi slt, %add3A_207, %sign3A_226 : i32
      %sign3A_228 = arith.extui %sign3A_227 : i1 to i32
      %sign3A_229 = arith.subi %sign3A_225, %sign3A_228 : i32
      %sign3A_230 = arith.constant 0 : i32
      %sign3A_231 = arith.cmpi sgt, %jit3A_221, %sign3A_230 : i32
      %sign3A_232 = arith.extui %sign3A_231 : i1 to i32
      %sign3A_233 = arith.constant 0 : i32
      %sign3A_234 = arith.cmpi slt, %jit3A_221, %sign3A_233 : i32
      %sign3A_235 = arith.extui %sign3A_234 : i1 to i32
      %sign3A_236 = arith.subi %sign3A_232, %sign3A_235 : i32
      %ne3A_237 = arith.cmpi ne, %sign3A_229, %sign3A_236 : i32
      %rem3A_238 = arith.remsi %add3A_207, %jit3A_221 : i32
      %ne3A_239 = arith.constant 0 : i32
      %ne3A_240 = arith.cmpi ne, %rem3A_238, %ne3A_239 : i32
      %and3A_241 = arith.andi %ne3A_237, %ne3A_240 : i1
      %sub3A_242 = arith.constant 1 : i32
      %sub3A_243 = arith.subi %div3A_222, %sub3A_242 : i32
      %select_n3A_244 = arith.select %and3A_241, %sub3A_243, %div3A_222 : i32
      %jit3A_245 = arith.constant 4 : i32
      %eq3A_246 = arith.constant 0 : i32
      %eq3A_247 = arith.cmpi eq, %jit3A_245, %eq3A_246 : i32
      %jit3A_248 = arith.constant 1 : i32
      %select_n3A_249 = arith.select %eq3A_247, %jit3A_248, %jit3A_245 : i32
      %rem3A_250 = arith.remsi %add3A_207, %select_n3A_249 : i32
      %ne3A_251 = arith.constant 0 : i32
      %ne3A_252 = arith.cmpi ne, %rem3A_250, %ne3A_251 : i32
      %lt3A_253 = arith.constant 0 : i32
      %lt3A_254 = arith.cmpi slt, %rem3A_250, %lt3A_253 : i32
      %lt3A_255 = arith.constant 0 : i32
      %lt3A_256 = arith.cmpi slt, %select_n3A_249, %lt3A_255 : i32
      %ne3A_257 = arith.xori %lt3A_254, %lt3A_256 : i1
      %and3A_258 = arith.andi %ne3A_257, %ne3A_252 : i1
      %add3A_259 = arith.addi %rem3A_250, %select_n3A_249 : i32
      %select_n3A_260 = arith.select %and3A_258, %add3A_259, %rem3A_250 : i32
      %mul3A_261 = arith.constant 32 : i32
      %mul3A_262 = arith.muli %select_n3A_260, %mul3A_261 : i32
      "tpu.region"() ({
        %run_scoped3A = tpu.sem_alloc : memref<!tpu.dma_semaphore, #tpu.memory_space<semaphore_mem>>
        %dma_start3A = tpu.memref_slice %arg11[%select_n3A_244, %mul3A_262] : memref<100x128xi32, #tpu.memory_space<vmem>> -> memref<1x32xi32, #tpu.memory_space<vmem>>
        %dma_start3A_443 = tpu.memref_squeeze %dma_start3A : memref<1x32xi32, #tpu.memory_space<vmem>> -> memref<32xi32, #tpu.memory_space<vmem>>
        %dma_start3A_444 = arith.constant 0 : i32
        %dma_start3A_445 = arith.constant 0 : i32
        %dma_start3A_446 = tpu.memref_slice %arg17[%dma_start3A_444, %dma_start3A_445] : memref<5008x128xf32, #tpu.memory_space<vmem_shared>> -> memref<5008x128xf32, #tpu.memory_space<vmem_shared>>
        tpu.enqueue_indirect_dma source(%arg13 : memref<32x128xf32, #tpu.memory_space<vmem>>) target(%dma_start3A_446 : memref<5008x128xf32, #tpu.memory_space<vmem_shared>>) offsets(%dma_start3A_443 : memref<32xi32, #tpu.memory_space<vmem>>) semaphore(%run_scoped3A : memref<!tpu.dma_semaphore, #tpu.memory_space<semaphore_mem>>) {add = true}
        %dma_wait3A_447 = tpu.memref_slice %arg11[%select_n3A_244, %mul3A_262] : memref<100x128xi32, #tpu.memory_space<vmem>> -> memref<1x32xi32, #tpu.memory_space<vmem>>
        %dma_wait3A_448 = tpu.memref_squeeze %dma_wait3A_447 : memref<1x32xi32, #tpu.memory_space<vmem>> -> memref<32xi32, #tpu.memory_space<vmem>>
        %dma_wait3A_449 = arith.constant 0 : i32
        %dma_wait3A_450 = arith.constant 0 : i32
        %dma_wait3A_451 = tpu.memref_slice %arg17[%dma_wait3A_449, %dma_wait3A_450] : memref<5008x128xf32, #tpu.memory_space<vmem_shared>> -> memref<5008x128xf32, #tpu.memory_space<vmem_shared>>
        tpu.wait_indirect_dma semaphore(%run_scoped3A : memref<!tpu.dma_semaphore, #tpu.memory_space<semaphore_mem>>) src(%arg13 : memref<32x128xf32, #tpu.memory_space<vmem>>) dst(%dma_wait3A_451 : memref<5008x128xf32, #tpu.memory_space<vmem_shared>>)
        tpu.yield
      }) : () -> ()
      %mul3A_263 = arith.constant 4 : i32
      %mul3A_264 = arith.muli %mul3A_263, %while3A_203 : i32
      %add3A_265 = arith.constant 1 : i32
      %add3A_266 = arith.addi %mul3A_264, %add3A_265 : i32
      %add3A_267 = arith.constant 4 : i32
      %add3A_268 = arith.addi %add3A_266, %add3A_267 : i32
      %sub3A_269 = arith.constant 1 : i32
      %sub3A_270 = arith.subi %add3A_268, %sub3A_269 : i32
      %lt3A_271 = arith.cmpi slt, %sub3A_270, %select_n3A_43 : i32
      %convert_element_type3A_272 = arith.extui %lt3A_271 : i1 to i32
      %cond3A_273 = arith.constant 0 : i32
      %cond3A_274 = arith.cmpi ne, %convert_element_type3A_272, %cond3A_273 : i32
      scf.if %cond3A_274 {
        %mul3A_443 = arith.constant 32 : i32
        %mul3A_444 = arith.muli %sub3A_270, %mul3A_443 : i32
        %dma_start3A = tpu.memref_slice %arg10[%mul3A_444] : memref<12800xi32, #tpu.memory_space<vmem>> -> memref<32xi32, #tpu.memory_space<vmem>>
        %dma_start3A_445 = arith.constant 0 : i32
        %dma_start3A_446 = arith.constant 0 : i32
        %dma_start3A_447 = tpu.memref_slice %arg2[%dma_start3A_445, %dma_start3A_446] : memref<10000x128xf32, #tpu.memory_space<hbm>> -> memref<10000x128xf32, #tpu.memory_space<hbm>>
        tpu.enqueue_indirect_dma source(%dma_start3A_447 : memref<10000x128xf32, #tpu.memory_space<hbm>>) target(%arg13 : memref<32x128xf32, #tpu.memory_space<vmem>>) offsets(%dma_start3A : memref<32xi32, #tpu.memory_space<vmem>>) semaphore(%arg18 : memref<!tpu.dma_semaphore, #tpu.memory_space<semaphore_mem>>)
      } else {
      }
      %mul3A_275 = arith.constant 32 : i32
      %mul3A_276 = arith.muli %add3A_266, %mul3A_275 : i32
      %dma_wait3A_277 = tpu.memref_slice %arg10[%mul3A_276] : memref<12800xi32, #tpu.memory_space<vmem>> -> memref<32xi32, #tpu.memory_space<vmem>>
      %dma_wait3A_278 = arith.constant 0 : i32
      %dma_wait3A_279 = arith.constant 0 : i32
      %dma_wait3A_280 = tpu.memref_slice %arg2[%dma_wait3A_278, %dma_wait3A_279] : memref<10000x128xf32, #tpu.memory_space<hbm>> -> memref<10000x128xf32, #tpu.memory_space<hbm>>
      tpu.wait_indirect_dma semaphore(%arg19 : memref<!tpu.dma_semaphore, #tpu.memory_space<semaphore_mem>>) src(%dma_wait3A_280 : memref<10000x128xf32, #tpu.memory_space<hbm>>) dst(%arg14 : memref<32x128xf32, #tpu.memory_space<vmem>>)
      %jit3A_281 = arith.constant 4 : i32
      %div3A_282 = arith.divsi %add3A_266, %jit3A_281 : i32
      %sign3A_283 = arith.constant 0 : i32
      %sign3A_284 = arith.cmpi sgt, %add3A_266, %sign3A_283 : i32
      %sign3A_285 = arith.extui %sign3A_284 : i1 to i32
      %sign3A_286 = arith.constant 0 : i32
      %sign3A_287 = arith.cmpi slt, %add3A_266, %sign3A_286 : i32
      %sign3A_288 = arith.extui %sign3A_287 : i1 to i32
      %sign3A_289 = arith.subi %sign3A_285, %sign3A_288 : i32
      %sign3A_290 = arith.constant 0 : i32
      %sign3A_291 = arith.cmpi sgt, %jit3A_281, %sign3A_290 : i32
      %sign3A_292 = arith.extui %sign3A_291 : i1 to i32
      %sign3A_293 = arith.constant 0 : i32
      %sign3A_294 = arith.cmpi slt, %jit3A_281, %sign3A_293 : i32
      %sign3A_295 = arith.extui %sign3A_294 : i1 to i32
      %sign3A_296 = arith.subi %sign3A_292, %sign3A_295 : i32
      %ne3A_297 = arith.cmpi ne, %sign3A_289, %sign3A_296 : i32
      %rem3A_298 = arith.remsi %add3A_266, %jit3A_281 : i32
      %ne3A_299 = arith.constant 0 : i32
      %ne3A_300 = arith.cmpi ne, %rem3A_298, %ne3A_299 : i32
      %and3A_301 = arith.andi %ne3A_297, %ne3A_300 : i1
      %sub3A_302 = arith.constant 1 : i32
      %sub3A_303 = arith.subi %div3A_282, %sub3A_302 : i32
      %select_n3A_304 = arith.select %and3A_301, %sub3A_303, %div3A_282 : i32
      %jit3A_305 = arith.constant 4 : i32
      %eq3A_306 = arith.constant 0 : i32
      %eq3A_307 = arith.cmpi eq, %jit3A_305, %eq3A_306 : i32
      %jit3A_308 = arith.constant 1 : i32
      %select_n3A_309 = arith.select %eq3A_307, %jit3A_308, %jit3A_305 : i32
      %rem3A_310 = arith.remsi %add3A_266, %select_n3A_309 : i32
      %ne3A_311 = arith.constant 0 : i32
      %ne3A_312 = arith.cmpi ne, %rem3A_310, %ne3A_311 : i32
      %lt3A_313 = arith.constant 0 : i32
      %lt3A_314 = arith.cmpi slt, %rem3A_310, %lt3A_313 : i32
      %lt3A_315 = arith.constant 0 : i32
      %lt3A_316 = arith.cmpi slt, %select_n3A_309, %lt3A_315 : i32
      %ne3A_317 = arith.xori %lt3A_314, %lt3A_316 : i1
      %and3A_318 = arith.andi %ne3A_317, %ne3A_312 : i1
      %add3A_319 = arith.addi %rem3A_310, %select_n3A_309 : i32
      %select_n3A_320 = arith.select %and3A_318, %add3A_319, %rem3A_310 : i32
      %mul3A_321 = arith.constant 32 : i32
      %mul3A_322 = arith.muli %select_n3A_320, %mul3A_321 : i32
      "tpu.region"() ({
        %run_scoped3A = tpu.sem_alloc : memref<!tpu.dma_semaphore, #tpu.memory_space<semaphore_mem>>
        %dma_start3A = tpu.memref_slice %arg11[%select_n3A_304, %mul3A_322] : memref<100x128xi32, #tpu.memory_space<vmem>> -> memref<1x32xi32, #tpu.memory_space<vmem>>
        %dma_start3A_443 = tpu.memref_squeeze %dma_start3A : memref<1x32xi32, #tpu.memory_space<vmem>> -> memref<32xi32, #tpu.memory_space<vmem>>
        %dma_start3A_444 = arith.constant 0 : i32
        %dma_start3A_445 = arith.constant 0 : i32
        %dma_start3A_446 = tpu.memref_slice %arg17[%dma_start3A_444, %dma_start3A_445] : memref<5008x128xf32, #tpu.memory_space<vmem_shared>> -> memref<5008x128xf32, #tpu.memory_space<vmem_shared>>
        tpu.enqueue_indirect_dma source(%arg14 : memref<32x128xf32, #tpu.memory_space<vmem>>) target(%dma_start3A_446 : memref<5008x128xf32, #tpu.memory_space<vmem_shared>>) offsets(%dma_start3A_443 : memref<32xi32, #tpu.memory_space<vmem>>) semaphore(%run_scoped3A : memref<!tpu.dma_semaphore, #tpu.memory_space<semaphore_mem>>) {add = true}
        %dma_wait3A_447 = tpu.memref_slice %arg11[%select_n3A_304, %mul3A_322] : memref<100x128xi32, #tpu.memory_space<vmem>> -> memref<1x32xi32, #tpu.memory_space<vmem>>
        %dma_wait3A_448 = tpu.memref_squeeze %dma_wait3A_447 : memref<1x32xi32, #tpu.memory_space<vmem>> -> memref<32xi32, #tpu.memory_space<vmem>>
        %dma_wait3A_449 = arith.constant 0 : i32
        %dma_wait3A_450 = arith.constant 0 : i32
        %dma_wait3A_451 = tpu.memref_slice %arg17[%dma_wait3A_449, %dma_wait3A_450] : memref<5008x128xf32, #tpu.memory_space<vmem_shared>> -> memref<5008x128xf32, #tpu.memory_space<vmem_shared>>
        tpu.wait_indirect_dma semaphore(%run_scoped3A : memref<!tpu.dma_semaphore, #tpu.memory_space<semaphore_mem>>) src(%arg14 : memref<32x128xf32, #tpu.memory_space<vmem>>) dst(%dma_wait3A_451 : memref<5008x128xf32, #tpu.memory_space<vmem_shared>>)
        tpu.yield
      }) : () -> ()
      %mul3A_323 = arith.constant 4 : i32
      %mul3A_324 = arith.muli %mul3A_323, %while3A_203 : i32
      %add3A_325 = arith.constant 2 : i32
      %add3A_326 = arith.addi %mul3A_324, %add3A_325 : i32
      %add3A_327 = arith.constant 4 : i32
      %add3A_328 = arith.addi %add3A_326, %add3A_327 : i32
      %sub3A_329 = arith.constant 1 : i32
      %sub3A_330 = arith.subi %add3A_328, %sub3A_329 : i32
      %lt3A_331 = arith.cmpi slt, %sub3A_330, %select_n3A_43 : i32
      %convert_element_type3A_332 = arith.extui %lt3A_331 : i1 to i32
      %cond3A_333 = arith.constant 0 : i32
      %cond3A_334 = arith.cmpi ne, %convert_element_type3A_332, %cond3A_333 : i32
      scf.if %cond3A_334 {
        %mul3A_443 = arith.constant 32 : i32
        %mul3A_444 = arith.muli %sub3A_330, %mul3A_443 : i32
        %dma_start3A = tpu.memref_slice %arg10[%mul3A_444] : memref<12800xi32, #tpu.memory_space<vmem>> -> memref<32xi32, #tpu.memory_space<vmem>>
        %dma_start3A_445 = arith.constant 0 : i32
        %dma_start3A_446 = arith.constant 0 : i32
        %dma_start3A_447 = tpu.memref_slice %arg2[%dma_start3A_445, %dma_start3A_446] : memref<10000x128xf32, #tpu.memory_space<hbm>> -> memref<10000x128xf32, #tpu.memory_space<hbm>>
        tpu.enqueue_indirect_dma source(%dma_start3A_447 : memref<10000x128xf32, #tpu.memory_space<hbm>>) target(%arg14 : memref<32x128xf32, #tpu.memory_space<vmem>>) offsets(%dma_start3A : memref<32xi32, #tpu.memory_space<vmem>>) semaphore(%arg19 : memref<!tpu.dma_semaphore, #tpu.memory_space<semaphore_mem>>)
      } else {
      }
      %mul3A_335 = arith.constant 32 : i32
      %mul3A_336 = arith.muli %add3A_326, %mul3A_335 : i32
      %dma_wait3A_337 = tpu.memref_slice %arg10[%mul3A_336] : memref<12800xi32, #tpu.memory_space<vmem>> -> memref<32xi32, #tpu.memory_space<vmem>>
      %dma_wait3A_338 = arith.constant 0 : i32
      %dma_wait3A_339 = arith.constant 0 : i32
      %dma_wait3A_340 = tpu.memref_slice %arg2[%dma_wait3A_338, %dma_wait3A_339] : memref<10000x128xf32, #tpu.memory_space<hbm>> -> memref<10000x128xf32, #tpu.memory_space<hbm>>
      tpu.wait_indirect_dma semaphore(%arg20 : memref<!tpu.dma_semaphore, #tpu.memory_space<semaphore_mem>>) src(%dma_wait3A_340 : memref<10000x128xf32, #tpu.memory_space<hbm>>) dst(%arg15 : memref<32x128xf32, #tpu.memory_space<vmem>>)
      %jit3A_341 = arith.constant 4 : i32
      %div3A_342 = arith.divsi %add3A_326, %jit3A_341 : i32
      %sign3A_343 = arith.constant 0 : i32
      %sign3A_344 = arith.cmpi sgt, %add3A_326, %sign3A_343 : i32
      %sign3A_345 = arith.extui %sign3A_344 : i1 to i32
      %sign3A_346 = arith.constant 0 : i32
      %sign3A_347 = arith.cmpi slt, %add3A_326, %sign3A_346 : i32
      %sign3A_348 = arith.extui %sign3A_347 : i1 to i32
      %sign3A_349 = arith.subi %sign3A_345, %sign3A_348 : i32
      %sign3A_350 = arith.constant 0 : i32
      %sign3A_351 = arith.cmpi sgt, %jit3A_341, %sign3A_350 : i32
      %sign3A_352 = arith.extui %sign3A_351 : i1 to i32
      %sign3A_353 = arith.constant 0 : i32
      %sign3A_354 = arith.cmpi slt, %jit3A_341, %sign3A_353 : i32
      %sign3A_355 = arith.extui %sign3A_354 : i1 to i32
      %sign3A_356 = arith.subi %sign3A_352, %sign3A_355 : i32
      %ne3A_357 = arith.cmpi ne, %sign3A_349, %sign3A_356 : i32
      %rem3A_358 = arith.remsi %add3A_326, %jit3A_341 : i32
      %ne3A_359 = arith.constant 0 : i32
      %ne3A_360 = arith.cmpi ne, %rem3A_358, %ne3A_359 : i32
      %and3A_361 = arith.andi %ne3A_357, %ne3A_360 : i1
      %sub3A_362 = arith.constant 1 : i32
      %sub3A_363 = arith.subi %div3A_342, %sub3A_362 : i32
      %select_n3A_364 = arith.select %and3A_361, %sub3A_363, %div3A_342 : i32
      %jit3A_365 = arith.constant 4 : i32
      %eq3A_366 = arith.constant 0 : i32
      %eq3A_367 = arith.cmpi eq, %jit3A_365, %eq3A_366 : i32
      %jit3A_368 = arith.constant 1 : i32
      %select_n3A_369 = arith.select %eq3A_367, %jit3A_368, %jit3A_365 : i32
      %rem3A_370 = arith.remsi %add3A_326, %select_n3A_369 : i32
      %ne3A_371 = arith.constant 0 : i32
      %ne3A_372 = arith.cmpi ne, %rem3A_370, %ne3A_371 : i32
      %lt3A_373 = arith.constant 0 : i32
      %lt3A_374 = arith.cmpi slt, %rem3A_370, %lt3A_373 : i32
      %lt3A_375 = arith.constant 0 : i32
      %lt3A_376 = arith.cmpi slt, %select_n3A_369, %lt3A_375 : i32
      %ne3A_377 = arith.xori %lt3A_374, %lt3A_376 : i1
      %and3A_378 = arith.andi %ne3A_377, %ne3A_372 : i1
      %add3A_379 = arith.addi %rem3A_370, %select_n3A_369 : i32
      %select_n3A_380 = arith.select %and3A_378, %add3A_379, %rem3A_370 : i32
      %mul3A_381 = arith.constant 32 : i32
      %mul3A_382 = arith.muli %select_n3A_380, %mul3A_381 : i32
      "tpu.region"() ({
        %run_scoped3A = tpu.sem_alloc : memref<!tpu.dma_semaphore, #tpu.memory_space<semaphore_mem>>
        %dma_start3A = tpu.memref_slice %arg11[%select_n3A_364, %mul3A_382] : memref<100x128xi32, #tpu.memory_space<vmem>> -> memref<1x32xi32, #tpu.memory_space<vmem>>
        %dma_start3A_443 = tpu.memref_squeeze %dma_start3A : memref<1x32xi32, #tpu.memory_space<vmem>> -> memref<32xi32, #tpu.memory_space<vmem>>
        %dma_start3A_444 = arith.constant 0 : i32
        %dma_start3A_445 = arith.constant 0 : i32
        %dma_start3A_446 = tpu.memref_slice %arg17[%dma_start3A_444, %dma_start3A_445] : memref<5008x128xf32, #tpu.memory_space<vmem_shared>> -> memref<5008x128xf32, #tpu.memory_space<vmem_shared>>
        tpu.enqueue_indirect_dma source(%arg15 : memref<32x128xf32, #tpu.memory_space<vmem>>) target(%dma_start3A_446 : memref<5008x128xf32, #tpu.memory_space<vmem_shared>>) offsets(%dma_start3A_443 : memref<32xi32, #tpu.memory_space<vmem>>) semaphore(%run_scoped3A : memref<!tpu.dma_semaphore, #tpu.memory_space<semaphore_mem>>) {add = true}
        %dma_wait3A_447 = tpu.memref_slice %arg11[%select_n3A_364, %mul3A_382] : memref<100x128xi32, #tpu.memory_space<vmem>> -> memref<1x32xi32, #tpu.memory_space<vmem>>
        %dma_wait3A_448 = tpu.memref_squeeze %dma_wait3A_447 : memref<1x32xi32, #tpu.memory_space<vmem>> -> memref<32xi32, #tpu.memory_space<vmem>>
        %dma_wait3A_449 = arith.constant 0 : i32
        %dma_wait3A_450 = arith.constant 0 : i32
        %dma_wait3A_451 = tpu.memref_slice %arg17[%dma_wait3A_449, %dma_wait3A_450] : memref<5008x128xf32, #tpu.memory_space<vmem_shared>> -> memref<5008x128xf32, #tpu.memory_space<vmem_shared>>
        tpu.wait_indirect_dma semaphore(%run_scoped3A : memref<!tpu.dma_semaphore, #tpu.memory_space<semaphore_mem>>) src(%arg15 : memref<32x128xf32, #tpu.memory_space<vmem>>) dst(%dma_wait3A_451 : memref<5008x128xf32, #tpu.memory_space<vmem_shared>>)
        tpu.yield
      }) : () -> ()
      %mul3A_383 = arith.constant 4 : i32
      %mul3A_384 = arith.muli %mul3A_383, %while3A_203 : i32
      %add3A_385 = arith.constant 3 : i32
      %add3A_386 = arith.addi %mul3A_384, %add3A_385 : i32
      %add3A_387 = arith.constant 4 : i32
      %add3A_388 = arith.addi %add3A_386, %add3A_387 : i32
      %sub3A_389 = arith.constant 1 : i32
      %sub3A_390 = arith.subi %add3A_388, %sub3A_389 : i32
      %lt3A_391 = arith.cmpi slt, %sub3A_390, %select_n3A_43 : i32
      %convert_element_type3A_392 = arith.extui %lt3A_391 : i1 to i32
      %cond3A_393 = arith.constant 0 : i32
      %cond3A_394 = arith.cmpi ne, %convert_element_type3A_392, %cond3A_393 : i32
      scf.if %cond3A_394 {
        %mul3A_443 = arith.constant 32 : i32
        %mul3A_444 = arith.muli %sub3A_390, %mul3A_443 : i32
        %dma_start3A = tpu.memref_slice %arg10[%mul3A_444] : memref<12800xi32, #tpu.memory_space<vmem>> -> memref<32xi32, #tpu.memory_space<vmem>>
        %dma_start3A_445 = arith.constant 0 : i32
        %dma_start3A_446 = arith.constant 0 : i32
        %dma_start3A_447 = tpu.memref_slice %arg2[%dma_start3A_445, %dma_start3A_446] : memref<10000x128xf32, #tpu.memory_space<hbm>> -> memref<10000x128xf32, #tpu.memory_space<hbm>>
        tpu.enqueue_indirect_dma source(%dma_start3A_447 : memref<10000x128xf32, #tpu.memory_space<hbm>>) target(%arg15 : memref<32x128xf32, #tpu.memory_space<vmem>>) offsets(%dma_start3A : memref<32xi32, #tpu.memory_space<vmem>>) semaphore(%arg20 : memref<!tpu.dma_semaphore, #tpu.memory_space<semaphore_mem>>)
      } else {
      }
      %mul3A_395 = arith.constant 32 : i32
      %mul3A_396 = arith.muli %add3A_386, %mul3A_395 : i32
      %dma_wait3A_397 = tpu.memref_slice %arg10[%mul3A_396] : memref<12800xi32, #tpu.memory_space<vmem>> -> memref<32xi32, #tpu.memory_space<vmem>>
      %dma_wait3A_398 = arith.constant 0 : i32
      %dma_wait3A_399 = arith.constant 0 : i32
      %dma_wait3A_400 = tpu.memref_slice %arg2[%dma_wait3A_398, %dma_wait3A_399] : memref<10000x128xf32, #tpu.memory_space<hbm>> -> memref<10000x128xf32, #tpu.memory_space<hbm>>
      tpu.wait_indirect_dma semaphore(%arg21 : memref<!tpu.dma_semaphore, #tpu.memory_space<semaphore_mem>>) src(%dma_wait3A_400 : memref<10000x128xf32, #tpu.memory_space<hbm>>) dst(%arg16 : memref<32x128xf32, #tpu.memory_space<vmem>>)
      %jit3A_401 = arith.constant 4 : i32
      %div3A_402 = arith.divsi %add3A_386, %jit3A_401 : i32
      %sign3A_403 = arith.constant 0 : i32
      %sign3A_404 = arith.cmpi sgt, %add3A_386, %sign3A_403 : i32
      %sign3A_405 = arith.extui %sign3A_404 : i1 to i32
      %sign3A_406 = arith.constant 0 : i32
      %sign3A_407 = arith.cmpi slt, %add3A_386, %sign3A_406 : i32
      %sign3A_408 = arith.extui %sign3A_407 : i1 to i32
      %sign3A_409 = arith.subi %sign3A_405, %sign3A_408 : i32
      %sign3A_410 = arith.constant 0 : i32
      %sign3A_411 = arith.cmpi sgt, %jit3A_401, %sign3A_410 : i32
      %sign3A_412 = arith.extui %sign3A_411 : i1 to i32
      %sign3A_413 = arith.constant 0 : i32
      %sign3A_414 = arith.cmpi slt, %jit3A_401, %sign3A_413 : i32
      %sign3A_415 = arith.extui %sign3A_414 : i1 to i32
      %sign3A_416 = arith.subi %sign3A_412, %sign3A_415 : i32
      %ne3A_417 = arith.cmpi ne, %sign3A_409, %sign3A_416 : i32
      %rem3A_418 = arith.remsi %add3A_386, %jit3A_401 : i32
      %ne3A_419 = arith.constant 0 : i32
      %ne3A_420 = arith.cmpi ne, %rem3A_418, %ne3A_419 : i32
      %and3A_421 = arith.andi %ne3A_417, %ne3A_420 : i1
      %sub3A_422 = arith.constant 1 : i32
      %sub3A_423 = arith.subi %div3A_402, %sub3A_422 : i32
      %select_n3A_424 = arith.select %and3A_421, %sub3A_423, %div3A_402 : i32
      %jit3A_425 = arith.constant 4 : i32
      %eq3A_426 = arith.constant 0 : i32
      %eq3A_427 = arith.cmpi eq, %jit3A_425, %eq3A_426 : i32
      %jit3A_428 = arith.constant 1 : i32
      %select_n3A_429 = arith.select %eq3A_427, %jit3A_428, %jit3A_425 : i32
      %rem3A_430 = arith.remsi %add3A_386, %select_n3A_429 : i32
      %ne3A_431 = arith.constant 0 : i32
      %ne3A_432 = arith.cmpi ne, %rem3A_430, %ne3A_431 : i32
      %lt3A_433 = arith.constant 0 : i32
      %lt3A_434 = arith.cmpi slt, %rem3A_430, %lt3A_433 : i32
      %lt3A_435 = arith.constant 0 : i32
      %lt3A_436 = arith.cmpi slt, %select_n3A_429, %lt3A_435 : i32
      %ne3A_437 = arith.xori %lt3A_434, %lt3A_436 : i1
      %and3A_438 = arith.andi %ne3A_437, %ne3A_432 : i1
      %add3A_439 = arith.addi %rem3A_430, %select_n3A_429 : i32
      %select_n3A_440 = arith.select %and3A_438, %add3A_439, %rem3A_430 : i32
      %mul3A_441 = arith.constant 32 : i32
      %mul3A_442 = arith.muli %select_n3A_440, %mul3A_441 : i32
      "tpu.region"() ({
        %run_scoped3A = tpu.sem_alloc : memref<!tpu.dma_semaphore, #tpu.memory_space<semaphore_mem>>
        %dma_start3A = tpu.memref_slice %arg11[%select_n3A_424, %mul3A_442] : memref<100x128xi32, #tpu.memory_space<vmem>> -> memref<1x32xi32, #tpu.memory_space<vmem>>
        %dma_start3A_443 = tpu.memref_squeeze %dma_start3A : memref<1x32xi32, #tpu.memory_space<vmem>> -> memref<32xi32, #tpu.memory_space<vmem>>
        %dma_start3A_444 = arith.constant 0 : i32
        %dma_start3A_445 = arith.constant 0 : i32
        %dma_start3A_446 = tpu.memref_slice %arg17[%dma_start3A_444, %dma_start3A_445] : memref<5008x128xf32, #tpu.memory_space<vmem_shared>> -> memref<5008x128xf32, #tpu.memory_space<vmem_shared>>
        tpu.enqueue_indirect_dma source(%arg16 : memref<32x128xf32, #tpu.memory_space<vmem>>) target(%dma_start3A_446 : memref<5008x128xf32, #tpu.memory_space<vmem_shared>>) offsets(%dma_start3A_443 : memref<32xi32, #tpu.memory_space<vmem>>) semaphore(%run_scoped3A : memref<!tpu.dma_semaphore, #tpu.memory_space<semaphore_mem>>) {add = true}
        %dma_wait3A_447 = tpu.memref_slice %arg11[%select_n3A_424, %mul3A_442] : memref<100x128xi32, #tpu.memory_space<vmem>> -> memref<1x32xi32, #tpu.memory_space<vmem>>
        %dma_wait3A_448 = tpu.memref_squeeze %dma_wait3A_447 : memref<1x32xi32, #tpu.memory_space<vmem>> -> memref<32xi32, #tpu.memory_space<vmem>>
        %dma_wait3A_449 = arith.constant 0 : i32
        %dma_wait3A_450 = arith.constant 0 : i32
        %dma_wait3A_451 = tpu.memref_slice %arg17[%dma_wait3A_449, %dma_wait3A_450] : memref<5008x128xf32, #tpu.memory_space<vmem_shared>> -> memref<5008x128xf32, #tpu.memory_space<vmem_shared>>
        tpu.wait_indirect_dma semaphore(%run_scoped3A : memref<!tpu.dma_semaphore, #tpu.memory_space<semaphore_mem>>) src(%arg16 : memref<32x128xf32, #tpu.memory_space<vmem>>) dst(%dma_wait3A_451 : memref<5008x128xf32, #tpu.memory_space<vmem_shared>>)
        tpu.yield
      }) : () -> ()
    }
    %mul3A_91 = arith.constant 2 : i32
    %mul3A_92 = arith.muli %mul3A_91, %arg1 : i32
    %add3A_93 = arith.constant 1 : i32
    %add3A_94 = arith.addi %mul3A_92, %add3A_93 : i32
    %eq3A_95 = arith.constant 0 : i32
    %eq3A_96 = arith.cmpi eq, %arg0, %eq3A_95 : i32
    %convert_element_type3A_97 = arith.extui %eq3A_96 : i1 to i32
    %cond3A_98 = arith.constant 0 : i32
    %cond3A_99 = arith.cmpi ne, %convert_element_type3A_97, %cond3A_98 : i32
    scf.if %cond3A_99 {
      %mul3A_203 = arith.constant 12800 : i32
      %mul3A_204 = arith.muli %add3A_94, %mul3A_203 : i32
      "tpu.region"() ({
        %run_scoped3A = tpu.sem_alloc : memref<!tpu.dma_semaphore, #tpu.memory_space<semaphore_mem>>
        %dma_start3A = tpu.memref_slice %arg3[%mul3A_204] : memref<409600xi32, #tpu.memory_space<hbm>> -> memref<12800xi32, #tpu.memory_space<hbm>>
        %dma_start3A_205 = tpu.memref_slice %arg3[%mul3A_204] : memref<409600xi32, #tpu.memory_space<hbm>> -> memref<12800xi32, #tpu.memory_space<hbm>>
        tpu.enqueue_dma source(%dma_start3A_205 : memref<12800xi32, #tpu.memory_space<hbm>>) target(%arg10 : memref<12800xi32, #tpu.memory_space<vmem>>) target_semaphore(%run_scoped3A : memref<!tpu.dma_semaphore, #tpu.memory_space<semaphore_mem>>)
        %dma_wait3A = tpu.memref_slice %arg3[%mul3A_204] : memref<409600xi32, #tpu.memory_space<hbm>> -> memref<12800xi32, #tpu.memory_space<hbm>>
        %dma_wait3A_206 = tpu.memref_slice %arg3[%mul3A_204] : memref<409600xi32, #tpu.memory_space<hbm>> -> memref<12800xi32, #tpu.memory_space<hbm>>
        tpu.wait_dma2 semaphore(%run_scoped3A : memref<!tpu.dma_semaphore, #tpu.memory_space<semaphore_mem>>) src(%dma_wait3A_206 : memref<12800xi32, #tpu.memory_space<hbm>>) dst(%arg10 : memref<12800xi32, #tpu.memory_space<vmem>>)
        tpu.yield
      }) : () -> ()
      "tpu.region"() ({
        %run_scoped3A = tpu.sem_alloc : memref<!tpu.dma_semaphore, #tpu.memory_space<semaphore_mem>>
        %dma_start3A = arith.constant 0 : i32
        %dma_start3A_205 = arith.constant 0 : i32
        %dma_start3A_206 = tpu.memref_slice %arg5[%add3A_94, %dma_start3A, %dma_start3A_205] : memref<32x100x128xi32, #tpu.memory_space<hbm>> -> memref<1x100x128xi32, #tpu.memory_space<hbm>>
        %dma_start3A_207 = tpu.memref_squeeze %dma_start3A_206 : memref<1x100x128xi32, #tpu.memory_space<hbm>> -> memref<100x128xi32, #tpu.memory_space<hbm>>
        %dma_start3A_208 = arith.constant 0 : i32
        %dma_start3A_209 = arith.constant 0 : i32
        %dma_start3A_210 = tpu.memref_slice %arg5[%add3A_94, %dma_start3A_208, %dma_start3A_209] : memref<32x100x128xi32, #tpu.memory_space<hbm>> -> memref<1x100x128xi32, #tpu.memory_space<hbm>>
        %dma_start3A_211 = tpu.memref_squeeze %dma_start3A_210 : memref<1x100x128xi32, #tpu.memory_space<hbm>> -> memref<100x128xi32, #tpu.memory_space<hbm>>
        tpu.enqueue_dma source(%dma_start3A_211 : memref<100x128xi32, #tpu.memory_space<hbm>>) target(%arg11 : memref<100x128xi32, #tpu.memory_space<vmem>>) target_semaphore(%run_scoped3A : memref<!tpu.dma_semaphore, #tpu.memory_space<semaphore_mem>>)
        %dma_wait3A = arith.constant 0 : i32
        %dma_wait3A_212 = arith.constant 0 : i32
        %dma_wait3A_213 = tpu.memref_slice %arg5[%add3A_94, %dma_wait3A, %dma_wait3A_212] : memref<32x100x128xi32, #tpu.memory_space<hbm>> -> memref<1x100x128xi32, #tpu.memory_space<hbm>>
        %dma_wait3A_214 = tpu.memref_squeeze %dma_wait3A_213 : memref<1x100x128xi32, #tpu.memory_space<hbm>> -> memref<100x128xi32, #tpu.memory_space<hbm>>
        %dma_wait3A_215 = arith.constant 0 : i32
        %dma_wait3A_216 = arith.constant 0 : i32
        %dma_wait3A_217 = tpu.memref_slice %arg5[%add3A_94, %dma_wait3A_215, %dma_wait3A_216] : memref<32x100x128xi32, #tpu.memory_space<hbm>> -> memref<1x100x128xi32, #tpu.memory_space<hbm>>
        %dma_wait3A_218 = tpu.memref_squeeze %dma_wait3A_217 : memref<1x100x128xi32, #tpu.memory_space<hbm>> -> memref<100x128xi32, #tpu.memory_space<hbm>>
        tpu.wait_dma2 semaphore(%run_scoped3A : memref<!tpu.dma_semaphore, #tpu.memory_space<semaphore_mem>>) src(%dma_wait3A_218 : memref<100x128xi32, #tpu.memory_space<hbm>>) dst(%arg11 : memref<100x128xi32, #tpu.memory_space<vmem>>)
        tpu.yield
      }) : () -> ()
    } else {
    }
    %eq3A_100 = arith.constant 1 : i32
    %eq3A_101 = arith.cmpi eq, %arg0, %eq3A_100 : i32
    %convert_element_type3A_102 = arith.extui %eq3A_101 : i1 to i32
    %cond3A_103 = arith.constant 0 : i32
    %cond3A_104 = arith.cmpi ne, %convert_element_type3A_102, %cond3A_103 : i32
    scf.if %cond3A_104 {
      %mul3A_203 = arith.constant 12800 : i32
      %mul3A_204 = arith.muli %add3A_94, %mul3A_203 : i32
      "tpu.region"() ({
        %run_scoped3A = tpu.sem_alloc : memref<!tpu.dma_semaphore, #tpu.memory_space<semaphore_mem>>
        %dma_start3A = tpu.memref_slice %arg4[%mul3A_204] : memref<409600xi32, #tpu.memory_space<hbm>> -> memref<12800xi32, #tpu.memory_space<hbm>>
        %dma_start3A_205 = tpu.memref_slice %arg4[%mul3A_204] : memref<409600xi32, #tpu.memory_space<hbm>> -> memref<12800xi32, #tpu.memory_space<hbm>>
        tpu.enqueue_dma source(%dma_start3A_205 : memref<12800xi32, #tpu.memory_space<hbm>>) target(%arg10 : memref<12800xi32, #tpu.memory_space<vmem>>) target_semaphore(%run_scoped3A : memref<!tpu.dma_semaphore, #tpu.memory_space<semaphore_mem>>)
        %dma_wait3A = tpu.memref_slice %arg4[%mul3A_204] : memref<409600xi32, #tpu.memory_space<hbm>> -> memref<12800xi32, #tpu.memory_space<hbm>>
        %dma_wait3A_206 = tpu.memref_slice %arg4[%mul3A_204] : memref<409600xi32, #tpu.memory_space<hbm>> -> memref<12800xi32, #tpu.memory_space<hbm>>
        tpu.wait_dma2 semaphore(%run_scoped3A : memref<!tpu.dma_semaphore, #tpu.memory_space<semaphore_mem>>) src(%dma_wait3A_206 : memref<12800xi32, #tpu.memory_space<hbm>>) dst(%arg10 : memref<12800xi32, #tpu.memory_space<vmem>>)
        tpu.yield
      }) : () -> ()
      "tpu.region"() ({
        %run_scoped3A = tpu.sem_alloc : memref<!tpu.dma_semaphore, #tpu.memory_space<semaphore_mem>>
        %dma_start3A = arith.constant 0 : i32
        %dma_start3A_205 = arith.constant 0 : i32
        %dma_start3A_206 = tpu.memref_slice %arg6[%add3A_94, %dma_start3A, %dma_start3A_205] : memref<32x100x128xi32, #tpu.memory_space<hbm>> -> memref<1x100x128xi32, #tpu.memory_space<hbm>>
        %dma_start3A_207 = tpu.memref_squeeze %dma_start3A_206 : memref<1x100x128xi32, #tpu.memory_space<hbm>> -> memref<100x128xi32, #tpu.memory_space<hbm>>
        %dma_start3A_208 = arith.constant 0 : i32
        %dma_start3A_209 = arith.constant 0 : i32
        %dma_start3A_210 = tpu.memref_slice %arg6[%add3A_94, %dma_start3A_208, %dma_start3A_209] : memref<32x100x128xi32, #tpu.memory_space<hbm>> -> memref<1x100x128xi32, #tpu.memory_space<hbm>>
        %dma_start3A_211 = tpu.memref_squeeze %dma_start3A_210 : memref<1x100x128xi32, #tpu.memory_space<hbm>> -> memref<100x128xi32, #tpu.memory_space<hbm>>
        tpu.enqueue_dma source(%dma_start3A_211 : memref<100x128xi32, #tpu.memory_space<hbm>>) target(%arg11 : memref<100x128xi32, #tpu.memory_space<vmem>>) target_semaphore(%run_scoped3A : memref<!tpu.dma_semaphore, #tpu.memory_space<semaphore_mem>>)
        %dma_wait3A = arith.constant 0 : i32
        %dma_wait3A_212 = arith.constant 0 : i32
        %dma_wait3A_213 = tpu.memref_slice %arg6[%add3A_94, %dma_wait3A, %dma_wait3A_212] : memref<32x100x128xi32, #tpu.memory_space<hbm>> -> memref<1x100x128xi32, #tpu.memory_space<hbm>>
        %dma_wait3A_214 = tpu.memref_squeeze %dma_wait3A_213 : memref<1x100x128xi32, #tpu.memory_space<hbm>> -> memref<100x128xi32, #tpu.memory_space<hbm>>
        %dma_wait3A_215 = arith.constant 0 : i32
        %dma_wait3A_216 = arith.constant 0 : i32
        %dma_wait3A_217 = tpu.memref_slice %arg6[%add3A_94, %dma_wait3A_215, %dma_wait3A_216] : memref<32x100x128xi32, #tpu.memory_space<hbm>> -> memref<1x100x128xi32, #tpu.memory_space<hbm>>
        %dma_wait3A_218 = tpu.memref_squeeze %dma_wait3A_217 : memref<1x100x128xi32, #tpu.memory_space<hbm>> -> memref<100x128xi32, #tpu.memory_space<hbm>>
        tpu.wait_dma2 semaphore(%run_scoped3A : memref<!tpu.dma_semaphore, #tpu.memory_space<semaphore_mem>>) src(%dma_wait3A_218 : memref<100x128xi32, #tpu.memory_space<hbm>>) dst(%arg11 : memref<100x128xi32, #tpu.memory_space<vmem>>)
        tpu.yield
      }) : () -> ()
    } else {
    }
    %mul3A_105 = arith.constant 16 : i32
    %mul3A_106 = arith.muli %add3A_94, %mul3A_105 : i32
    "tpu.region"() ({
      %run_scoped3A = tpu.sem_alloc : memref<!tpu.dma_semaphore, #tpu.memory_space<semaphore_mem>>
      %dma_start3A = tpu.memref_slice %arg7[%mul3A_106] : memref<512xi32, #tpu.memory_space<hbm>> -> memref<16xi32, #tpu.memory_space<hbm>>
      %dma_start3A_203 = tpu.memref_slice %arg7[%mul3A_106] : memref<512xi32, #tpu.memory_space<hbm>> -> memref<16xi32, #tpu.memory_space<hbm>>
      tpu.enqueue_dma source(%dma_start3A_203 : memref<16xi32, #tpu.memory_space<hbm>>) target(%arg12 : memref<16xi32, #tpu.memory_space<vmem>>) target_semaphore(%run_scoped3A : memref<!tpu.dma_semaphore, #tpu.memory_space<semaphore_mem>>)
      %dma_wait3A = tpu.memref_slice %arg7[%mul3A_106] : memref<512xi32, #tpu.memory_space<hbm>> -> memref<16xi32, #tpu.memory_space<hbm>>
      %dma_wait3A_204 = tpu.memref_slice %arg7[%mul3A_106] : memref<512xi32, #tpu.memory_space<hbm>> -> memref<16xi32, #tpu.memory_space<hbm>>
      tpu.wait_dma2 semaphore(%run_scoped3A : memref<!tpu.dma_semaphore, #tpu.memory_space<semaphore_mem>>) src(%dma_wait3A_204 : memref<16xi32, #tpu.memory_space<hbm>>) dst(%arg12 : memref<16xi32, #tpu.memory_space<vmem>>)
      tpu.yield
    }) : () -> ()
    %iota3A_107 = tpu.iota {dimensions = array<i32: 0>} : vector<16xi32>
    %eq3A_108 = vector.broadcast %arg0 : i32 to vector<16xi32>
    %eq3A_109 = arith.cmpi eq, %iota3A_107, %eq3A_108 : vector<16xi32>
    %get3A_110 = arith.constant 0 : index
    %get3A_111 = tpu.vector_load %arg12[%get3A_110] {strides = array<i32>} : memref<16xi32, #tpu.memory_space<vmem>>, vector<16xi32>,
    %jit3A_112 = arith.constant 0 : i32
    %broadcast_in_dim3A_113 = vector.broadcast %jit3A_112 : i32 to vector<16xi32>
    %select_n3A_114 = arith.select %eq3A_109, %get3A_111, %broadcast_in_dim3A_113 : vector<16xi1>, vector<16xi32>
    %reduce_sum3A_115 = arith.constant true
    %reduce_sum3A_116 = vector.broadcast %reduce_sum3A_115 : i1 to vector<16xi1>
    %reduce_sum3A_117 = tpu.scan <sum>, %select_n3A_114 masked %reduce_sum3A_116 : vector<16xi32>, vector<16xi1> -> vector<16xi32>
    %reduce_sum3A_118 = vector.extract %reduce_sum3A_117[15] : i32 from vector<16xi32>
    %jit3A_119 = arith.constant 32 : i32
    %div3A_120 = arith.divsi %reduce_sum3A_118, %jit3A_119 : i32
    %sign3A_121 = arith.constant 0 : i32
    %sign3A_122 = arith.cmpi sgt, %reduce_sum3A_118, %sign3A_121 : i32
    %sign3A_123 = arith.extui %sign3A_122 : i1 to i32
    %sign3A_124 = arith.constant 0 : i32
    %sign3A_125 = arith.cmpi slt, %reduce_sum3A_118, %sign3A_124 : i32
    %sign3A_126 = arith.extui %sign3A_125 : i1 to i32
    %sign3A_127 = arith.subi %sign3A_123, %sign3A_126 : i32
    %sign3A_128 = arith.constant 0 : i32
    %sign3A_129 = arith.cmpi sgt, %jit3A_119, %sign3A_128 : i32
    %sign3A_130 = arith.extui %sign3A_129 : i1 to i32
    %sign3A_131 = arith.constant 0 : i32
    %sign3A_132 = arith.cmpi slt, %jit3A_119, %sign3A_131 : i32
    %sign3A_133 = arith.extui %sign3A_132 : i1 to i32
    %sign3A_134 = arith.subi %sign3A_130, %sign3A_133 : i32
    %ne3A_135 = arith.cmpi ne, %sign3A_127, %sign3A_134 : i32
    %rem3A_136 = arith.remsi %reduce_sum3A_118, %jit3A_119 : i32
    %ne3A_137 = arith.constant 0 : i32
    %ne3A_138 = arith.cmpi ne, %rem3A_136, %ne3A_137 : i32
    %and3A_139 = arith.andi %ne3A_135, %ne3A_138 : i1
    %sub3A_140 = arith.constant 1 : i32
    %sub3A_141 = arith.subi %div3A_120, %sub3A_140 : i32
    %select_n3A_142 = arith.select %and3A_139, %sub3A_141, %div3A_120 : i32
    %jit3A_143 = arith.constant 128 : i32
    %div3A_144 = arith.divsi %reduce_sum3A_118, %jit3A_143 : i32
    %sign3A_145 = arith.constant 0 : i32
    %sign3A_146 = arith.cmpi sgt, %reduce_sum3A_118, %sign3A_145 : i32
    %sign3A_147 = arith.extui %sign3A_146 : i1 to i32
    %sign3A_148 = arith.constant 0 : i32
    %sign3A_149 = arith.cmpi slt, %reduce_sum3A_118, %sign3A_148 : i32
    %sign3A_150 = arith.extui %sign3A_149 : i1 to i32
    %sign3A_151 = arith.subi %sign3A_147, %sign3A_150 : i32
    %sign3A_152 = arith.constant 0 : i32
    %sign3A_153 = arith.cmpi sgt, %jit3A_143, %sign3A_152 : i32
    %sign3A_154 = arith.extui %sign3A_153 : i1 to i32
    %sign3A_155 = arith.constant 0 : i32
    %sign3A_156 = arith.cmpi slt, %jit3A_143, %sign3A_155 : i32
    %sign3A_157 = arith.extui %sign3A_156 : i1 to i32
    %sign3A_158 = arith.subi %sign3A_154, %sign3A_157 : i32
    %ne3A_159 = arith.cmpi ne, %sign3A_151, %sign3A_158 : i32
    %rem3A_160 = arith.remsi %reduce_sum3A_118, %jit3A_143 : i32
    %ne3A_161 = arith.constant 0 : i32
    %ne3A_162 = arith.cmpi ne, %rem3A_160, %ne3A_161 : i32
    %and3A_163 = arith.andi %ne3A_159, %ne3A_162 : i1
    %sub3A_164 = arith.constant 1 : i32
    %sub3A_165 = arith.subi %div3A_144, %sub3A_164 : i32
    %select_n3A_166 = arith.select %and3A_163, %sub3A_165, %div3A_144 : i32
    %gt3A_167 = arith.constant 0 : i32
    %gt3A_168 = arith.cmpi sgt, %select_n3A_142, %gt3A_167 : i32
    %convert_element_type3A_169 = arith.extui %gt3A_168 : i1 to i32
    %cond3A_170 = arith.constant 0 : i32
    %cond3A_171 = arith.cmpi ne, %convert_element_type3A_169, %cond3A_170 : i32
    scf.if %cond3A_171 {
      %dma_start3A = arith.constant 0 : i32
      %dma_start3A_203 = tpu.memref_slice %arg10[%dma_start3A] : memref<12800xi32, #tpu.memory_space<vmem>> -> memref<32xi32, #tpu.memory_space<vmem>>
      %dma_start3A_204 = arith.constant 0 : i32
      %dma_start3A_205 = arith.constant 0 : i32
      %dma_start3A_206 = tpu.memref_slice %arg2[%dma_start3A_204, %dma_start3A_205] : memref<10000x128xf32, #tpu.memory_space<hbm>> -> memref<10000x128xf32, #tpu.memory_space<hbm>>
      tpu.enqueue_indirect_dma source(%dma_start3A_206 : memref<10000x128xf32, #tpu.memory_space<hbm>>) target(%arg13 : memref<32x128xf32, #tpu.memory_space<vmem>>) offsets(%dma_start3A_203 : memref<32xi32, #tpu.memory_space<vmem>>) semaphore(%arg18 : memref<!tpu.dma_semaphore, #tpu.memory_space<semaphore_mem>>)
    } else {
    }
    %gt3A_172 = arith.constant 1 : i32
    %gt3A_173 = arith.cmpi sgt, %select_n3A_142, %gt3A_172 : i32
    %convert_element_type3A_174 = arith.extui %gt3A_173 : i1 to i32
    %cond3A_175 = arith.constant 0 : i32
    %cond3A_176 = arith.cmpi ne, %convert_element_type3A_174, %cond3A_175 : i32
    scf.if %cond3A_176 {
      %dma_start3A = arith.constant 32 : i32
      %dma_start3A_203 = tpu.memref_slice %arg10[%dma_start3A] : memref<12800xi32, #tpu.memory_space<vmem>> -> memref<32xi32, #tpu.memory_space<vmem>>
      %dma_start3A_204 = arith.constant 0 : i32
      %dma_start3A_205 = arith.constant 0 : i32
      %dma_start3A_206 = tpu.memref_slice %arg2[%dma_start3A_204, %dma_start3A_205] : memref<10000x128xf32, #tpu.memory_space<hbm>> -> memref<10000x128xf32, #tpu.memory_space<hbm>>
      tpu.enqueue_indirect_dma source(%dma_start3A_206 : memref<10000x128xf32, #tpu.memory_space<hbm>>) target(%arg14 : memref<32x128xf32, #tpu.memory_space<vmem>>) offsets(%dma_start3A_203 : memref<32xi32, #tpu.memory_space<vmem>>) semaphore(%arg19 : memref<!tpu.dma_semaphore, #tpu.memory_space<semaphore_mem>>)
    } else {
    }
    %gt3A_177 = arith.constant 2 : i32
    %gt3A_178 = arith.cmpi sgt, %select_n3A_142, %gt3A_177 : i32
    %convert_element_type3A_179 = arith.extui %gt3A_178 : i1 to i32
    %cond3A_180 = arith.constant 0 : i32
    %cond3A_181 = arith.cmpi ne, %convert_element_type3A_179, %cond3A_180 : i32
    scf.if %cond3A_181 {
      %dma_start3A = arith.constant 64 : i32
      %dma_start3A_203 = tpu.memref_slice %arg10[%dma_start3A] : memref<12800xi32, #tpu.memory_space<vmem>> -> memref<32xi32, #tpu.memory_space<vmem>>
      %dma_start3A_204 = arith.constant 0 : i32
      %dma_start3A_205 = arith.constant 0 : i32
      %dma_start3A_206 = tpu.memref_slice %arg2[%dma_start3A_204, %dma_start3A_205] : memref<10000x128xf32, #tpu.memory_space<hbm>> -> memref<10000x128xf32, #tpu.memory_space<hbm>>
      tpu.enqueue_indirect_dma source(%dma_start3A_206 : memref<10000x128xf32, #tpu.memory_space<hbm>>) target(%arg15 : memref<32x128xf32, #tpu.memory_space<vmem>>) offsets(%dma_start3A_203 : memref<32xi32, #tpu.memory_space<vmem>>) semaphore(%arg20 : memref<!tpu.dma_semaphore, #tpu.memory_space<semaphore_mem>>)
    } else {
    }
    %while3A_182 = arith.constant 0 : i32
    %while3A_183 = arith.constant 0 : i32
    %while3A_184 = arith.subi %select_n3A_166, %while3A_183 : i32
    %while3A_185 = arith.addi %while3A_183, %while3A_184 : i32
    %while3A_186 = arith.constant 1 : i32
    %while3A_187 = arith.divsi %while3A_184, %while3A_186 : i32
    %while3A_188 = arith.muli %while3A_187, %while3A_186 : i32
    %while3A_189 = arith.addi %while3A_183, %while3A_188 : i32
    %while3A_190 = arith.constant 1 : i32
    scf.for %while3A_203 = %while3A_183 to %while3A_189 step %while3A_190  : i32 {
      %mul3A_204 = arith.constant 4 : i32
      %mul3A_205 = arith.muli %mul3A_204, %while3A_203 : i32
      %add3A_206 = arith.constant 0 : i32
      %add3A_207 = arith.addi %mul3A_205, %add3A_206 : i32
      %add3A_208 = arith.constant 4 : i32
      %add3A_209 = arith.addi %add3A_207, %add3A_208 : i32
      %sub3A_210 = arith.constant 1 : i32
      %sub3A_211 = arith.subi %add3A_209, %sub3A_210 : i32
      %lt3A_212 = arith.cmpi slt, %sub3A_211, %select_n3A_142 : i32
      %convert_element_type3A_213 = arith.extui %lt3A_212 : i1 to i32
      %cond3A_214 = arith.constant 0 : i32
      %cond3A_215 = arith.cmpi ne, %convert_element_type3A_213, %cond3A_214 : i32
      scf.if %cond3A_215 {
        %mul3A_443 = arith.constant 32 : i32
        %mul3A_444 = arith.muli %sub3A_211, %mul3A_443 : i32
        %dma_start3A = tpu.memref_slice %arg10[%mul3A_444] : memref<12800xi32, #tpu.memory_space<vmem>> -> memref<32xi32, #tpu.memory_space<vmem>>
        %dma_start3A_445 = arith.constant 0 : i32
        %dma_start3A_446 = arith.constant 0 : i32
        %dma_start3A_447 = tpu.memref_slice %arg2[%dma_start3A_445, %dma_start3A_446] : memref<10000x128xf32, #tpu.memory_space<hbm>> -> memref<10000x128xf32, #tpu.memory_space<hbm>>
        tpu.enqueue_indirect_dma source(%dma_start3A_447 : memref<10000x128xf32, #tpu.memory_space<hbm>>) target(%arg16 : memref<32x128xf32, #tpu.memory_space<vmem>>) offsets(%dma_start3A : memref<32xi32, #tpu.memory_space<vmem>>) semaphore(%arg21 : memref<!tpu.dma_semaphore, #tpu.memory_space<semaphore_mem>>)
      } else {
      }
      %mul3A_216 = arith.constant 32 : i32
      %mul3A_217 = arith.muli %add3A_207, %mul3A_216 : i32
      %dma_wait3A = tpu.memref_slice %arg10[%mul3A_217] : memref<12800xi32, #tpu.memory_space<vmem>> -> memref<32xi32, #tpu.memory_space<vmem>>
      %dma_wait3A_218 = arith.constant 0 : i32
      %dma_wait3A_219 = arith.constant 0 : i32
      %dma_wait3A_220 = tpu.memref_slice %arg2[%dma_wait3A_218, %dma_wait3A_219] : memref<10000x128xf32, #tpu.memory_space<hbm>> -> memref<10000x128xf32, #tpu.memory_space<hbm>>
      tpu.wait_indirect_dma semaphore(%arg18 : memref<!tpu.dma_semaphore, #tpu.memory_space<semaphore_mem>>) src(%dma_wait3A_220 : memref<10000x128xf32, #tpu.memory_space<hbm>>) dst(%arg13 : memref<32x128xf32, #tpu.memory_space<vmem>>)
      %jit3A_221 = arith.constant 4 : i32
      %div3A_222 = arith.divsi %add3A_207, %jit3A_221 : i32
      %sign3A_223 = arith.constant 0 : i32
      %sign3A_224 = arith.cmpi sgt, %add3A_207, %sign3A_223 : i32
      %sign3A_225 = arith.extui %sign3A_224 : i1 to i32
      %sign3A_226 = arith.constant 0 : i32
      %sign3A_227 = arith.cmpi slt, %add3A_207, %sign3A_226 : i32
      %sign3A_228 = arith.extui %sign3A_227 : i1 to i32
      %sign3A_229 = arith.subi %sign3A_225, %sign3A_228 : i32
      %sign3A_230 = arith.constant 0 : i32
      %sign3A_231 = arith.cmpi sgt, %jit3A_221, %sign3A_230 : i32
      %sign3A_232 = arith.extui %sign3A_231 : i1 to i32
      %sign3A_233 = arith.constant 0 : i32
      %sign3A_234 = arith.cmpi slt, %jit3A_221, %sign3A_233 : i32
      %sign3A_235 = arith.extui %sign3A_234 : i1 to i32
      %sign3A_236 = arith.subi %sign3A_232, %sign3A_235 : i32
      %ne3A_237 = arith.cmpi ne, %sign3A_229, %sign3A_236 : i32
      %rem3A_238 = arith.remsi %add3A_207, %jit3A_221 : i32
      %ne3A_239 = arith.constant 0 : i32
      %ne3A_240 = arith.cmpi ne, %rem3A_238, %ne3A_239 : i32
      %and3A_241 = arith.andi %ne3A_237, %ne3A_240 : i1
      %sub3A_242 = arith.constant 1 : i32
      %sub3A_243 = arith.subi %div3A_222, %sub3A_242 : i32
      %select_n3A_244 = arith.select %and3A_241, %sub3A_243, %div3A_222 : i32
      %jit3A_245 = arith.constant 4 : i32
      %eq3A_246 = arith.constant 0 : i32
      %eq3A_247 = arith.cmpi eq, %jit3A_245, %eq3A_246 : i32
      %jit3A_248 = arith.constant 1 : i32
      %select_n3A_249 = arith.select %eq3A_247, %jit3A_248, %jit3A_245 : i32
      %rem3A_250 = arith.remsi %add3A_207, %select_n3A_249 : i32
      %ne3A_251 = arith.constant 0 : i32
      %ne3A_252 = arith.cmpi ne, %rem3A_250, %ne3A_251 : i32
      %lt3A_253 = arith.constant 0 : i32
      %lt3A_254 = arith.cmpi slt, %rem3A_250, %lt3A_253 : i32
      %lt3A_255 = arith.constant 0 : i32
      %lt3A_256 = arith.cmpi slt, %select_n3A_249, %lt3A_255 : i32
      %ne3A_257 = arith.xori %lt3A_254, %lt3A_256 : i1
      %and3A_258 = arith.andi %ne3A_257, %ne3A_252 : i1
      %add3A_259 = arith.addi %rem3A_250, %select_n3A_249 : i32
      %select_n3A_260 = arith.select %and3A_258, %add3A_259, %rem3A_250 : i32
      %mul3A_261 = arith.constant 32 : i32
      %mul3A_262 = arith.muli %select_n3A_260, %mul3A_261 : i32
      "tpu.region"() ({
        %run_scoped3A = tpu.sem_alloc : memref<!tpu.dma_semaphore, #tpu.memory_space<semaphore_mem>>
        %dma_start3A = tpu.memref_slice %arg11[%select_n3A_244, %mul3A_262] : memref<100x128xi32, #tpu.memory_space<vmem>> -> memref<1x32xi32, #tpu.memory_space<vmem>>
        %dma_start3A_443 = tpu.memref_squeeze %dma_start3A : memref<1x32xi32, #tpu.memory_space<vmem>> -> memref<32xi32, #tpu.memory_space<vmem>>
        %dma_start3A_444 = arith.constant 0 : i32
        %dma_start3A_445 = arith.constant 0 : i32
        %dma_start3A_446 = tpu.memref_slice %arg17[%dma_start3A_444, %dma_start3A_445] : memref<5008x128xf32, #tpu.memory_space<vmem_shared>> -> memref<5008x128xf32, #tpu.memory_space<vmem_shared>>
        tpu.enqueue_indirect_dma source(%arg13 : memref<32x128xf32, #tpu.memory_space<vmem>>) target(%dma_start3A_446 : memref<5008x128xf32, #tpu.memory_space<vmem_shared>>) offsets(%dma_start3A_443 : memref<32xi32, #tpu.memory_space<vmem>>) semaphore(%run_scoped3A : memref<!tpu.dma_semaphore, #tpu.memory_space<semaphore_mem>>) {add = true}
        %dma_wait3A_447 = tpu.memref_slice %arg11[%select_n3A_244, %mul3A_262] : memref<100x128xi32, #tpu.memory_space<vmem>> -> memref<1x32xi32, #tpu.memory_space<vmem>>
        %dma_wait3A_448 = tpu.memref_squeeze %dma_wait3A_447 : memref<1x32xi32, #tpu.memory_space<vmem>> -> memref<32xi32, #tpu.memory_space<vmem>>
        %dma_wait3A_449 = arith.constant 0 : i32
        %dma_wait3A_450 = arith.constant 0 : i32
        %dma_wait3A_451 = tpu.memref_slice %arg17[%dma_wait3A_449, %dma_wait3A_450] : memref<5008x128xf32, #tpu.memory_space<vmem_shared>> -> memref<5008x128xf32, #tpu.memory_space<vmem_shared>>
        tpu.wait_indirect_dma semaphore(%run_scoped3A : memref<!tpu.dma_semaphore, #tpu.memory_space<semaphore_mem>>) src(%arg13 : memref<32x128xf32, #tpu.memory_space<vmem>>) dst(%dma_wait3A_451 : memref<5008x128xf32, #tpu.memory_space<vmem_shared>>)
        tpu.yield
      }) : () -> ()
      %mul3A_263 = arith.constant 4 : i32
      %mul3A_264 = arith.muli %mul3A_263, %while3A_203 : i32
      %add3A_265 = arith.constant 1 : i32
      %add3A_266 = arith.addi %mul3A_264, %add3A_265 : i32
      %add3A_267 = arith.constant 4 : i32
      %add3A_268 = arith.addi %add3A_266, %add3A_267 : i32
      %sub3A_269 = arith.constant 1 : i32
      %sub3A_270 = arith.subi %add3A_268, %sub3A_269 : i32
      %lt3A_271 = arith.cmpi slt, %sub3A_270, %select_n3A_142 : i32
      %convert_element_type3A_272 = arith.extui %lt3A_271 : i1 to i32
      %cond3A_273 = arith.constant 0 : i32
      %cond3A_274 = arith.cmpi ne, %convert_element_type3A_272, %cond3A_273 : i32
      scf.if %cond3A_274 {
        %mul3A_443 = arith.constant 32 : i32
        %mul3A_444 = arith.muli %sub3A_270, %mul3A_443 : i32
        %dma_start3A = tpu.memref_slice %arg10[%mul3A_444] : memref<12800xi32, #tpu.memory_space<vmem>> -> memref<32xi32, #tpu.memory_space<vmem>>
        %dma_start3A_445 = arith.constant 0 : i32
        %dma_start3A_446 = arith.constant 0 : i32
        %dma_start3A_447 = tpu.memref_slice %arg2[%dma_start3A_445, %dma_start3A_446] : memref<10000x128xf32, #tpu.memory_space<hbm>> -> memref<10000x128xf32, #tpu.memory_space<hbm>>
        tpu.enqueue_indirect_dma source(%dma_start3A_447 : memref<10000x128xf32, #tpu.memory_space<hbm>>) target(%arg13 : memref<32x128xf32, #tpu.memory_space<vmem>>) offsets(%dma_start3A : memref<32xi32, #tpu.memory_space<vmem>>) semaphore(%arg18 : memref<!tpu.dma_semaphore, #tpu.memory_space<semaphore_mem>>)
      } else {
      }
      %mul3A_275 = arith.constant 32 : i32
      %mul3A_276 = arith.muli %add3A_266, %mul3A_275 : i32
      %dma_wait3A_277 = tpu.memref_slice %arg10[%mul3A_276] : memref<12800xi32, #tpu.memory_space<vmem>> -> memref<32xi32, #tpu.memory_space<vmem>>
      %dma_wait3A_278 = arith.constant 0 : i32
      %dma_wait3A_279 = arith.constant 0 : i32
      %dma_wait3A_280 = tpu.memref_slice %arg2[%dma_wait3A_278, %dma_wait3A_279] : memref<10000x128xf32, #tpu.memory_space<hbm>> -> memref<10000x128xf32, #tpu.memory_space<hbm>>
      tpu.wait_indirect_dma semaphore(%arg19 : memref<!tpu.dma_semaphore, #tpu.memory_space<semaphore_mem>>) src(%dma_wait3A_280 : memref<10000x128xf32, #tpu.memory_space<hbm>>) dst(%arg14 : memref<32x128xf32, #tpu.memory_space<vmem>>)
      %jit3A_281 = arith.constant 4 : i32
      %div3A_282 = arith.divsi %add3A_266, %jit3A_281 : i32
      %sign3A_283 = arith.constant 0 : i32
      %sign3A_284 = arith.cmpi sgt, %add3A_266, %sign3A_283 : i32
      %sign3A_285 = arith.extui %sign3A_284 : i1 to i32
      %sign3A_286 = arith.constant 0 : i32
      %sign3A_287 = arith.cmpi slt, %add3A_266, %sign3A_286 : i32
      %sign3A_288 = arith.extui %sign3A_287 : i1 to i32
      %sign3A_289 = arith.subi %sign3A_285, %sign3A_288 : i32
      %sign3A_290 = arith.constant 0 : i32
      %sign3A_291 = arith.cmpi sgt, %jit3A_281, %sign3A_290 : i32
      %sign3A_292 = arith.extui %sign3A_291 : i1 to i32
      %sign3A_293 = arith.constant 0 : i32
      %sign3A_294 = arith.cmpi slt, %jit3A_281, %sign3A_293 : i32
      %sign3A_295 = arith.extui %sign3A_294 : i1 to i32
      %sign3A_296 = arith.subi %sign3A_292, %sign3A_295 : i32
      %ne3A_297 = arith.cmpi ne, %sign3A_289, %sign3A_296 : i32
      %rem3A_298 = arith.remsi %add3A_266, %jit3A_281 : i32
      %ne3A_299 = arith.constant 0 : i32
      %ne3A_300 = arith.cmpi ne, %rem3A_298, %ne3A_299 : i32
      %and3A_301 = arith.andi %ne3A_297, %ne3A_300 : i1
      %sub3A_302 = arith.constant 1 : i32
      %sub3A_303 = arith.subi %div3A_282, %sub3A_302 : i32
      %select_n3A_304 = arith.select %and3A_301, %sub3A_303, %div3A_282 : i32
      %jit3A_305 = arith.constant 4 : i32
      %eq3A_306 = arith.constant 0 : i32
      %eq3A_307 = arith.cmpi eq, %jit3A_305, %eq3A_306 : i32
      %jit3A_308 = arith.constant 1 : i32
      %select_n3A_309 = arith.select %eq3A_307, %jit3A_308, %jit3A_305 : i32
      %rem3A_310 = arith.remsi %add3A_266, %select_n3A_309 : i32
      %ne3A_311 = arith.constant 0 : i32
      %ne3A_312 = arith.cmpi ne, %rem3A_310, %ne3A_311 : i32
      %lt3A_313 = arith.constant 0 : i32
      %lt3A_314 = arith.cmpi slt, %rem3A_310, %lt3A_313 : i32
      %lt3A_315 = arith.constant 0 : i32
      %lt3A_316 = arith.cmpi slt, %select_n3A_309, %lt3A_315 : i32
      %ne3A_317 = arith.xori %lt3A_314, %lt3A_316 : i1
      %and3A_318 = arith.andi %ne3A_317, %ne3A_312 : i1
      %add3A_319 = arith.addi %rem3A_310, %select_n3A_309 : i32
      %select_n3A_320 = arith.select %and3A_318, %add3A_319, %rem3A_310 : i32
      %mul3A_321 = arith.constant 32 : i32
      %mul3A_322 = arith.muli %select_n3A_320, %mul3A_321 : i32
      "tpu.region"() ({
        %run_scoped3A = tpu.sem_alloc : memref<!tpu.dma_semaphore, #tpu.memory_space<semaphore_mem>>
        %dma_start3A = tpu.memref_slice %arg11[%select_n3A_304, %mul3A_322] : memref<100x128xi32, #tpu.memory_space<vmem>> -> memref<1x32xi32, #tpu.memory_space<vmem>>
        %dma_start3A_443 = tpu.memref_squeeze %dma_start3A : memref<1x32xi32, #tpu.memory_space<vmem>> -> memref<32xi32, #tpu.memory_space<vmem>>
        %dma_start3A_444 = arith.constant 0 : i32
        %dma_start3A_445 = arith.constant 0 : i32
        %dma_start3A_446 = tpu.memref_slice %arg17[%dma_start3A_444, %dma_start3A_445] : memref<5008x128xf32, #tpu.memory_space<vmem_shared>> -> memref<5008x128xf32, #tpu.memory_space<vmem_shared>>
        tpu.enqueue_indirect_dma source(%arg14 : memref<32x128xf32, #tpu.memory_space<vmem>>) target(%dma_start3A_446 : memref<5008x128xf32, #tpu.memory_space<vmem_shared>>) offsets(%dma_start3A_443 : memref<32xi32, #tpu.memory_space<vmem>>) semaphore(%run_scoped3A : memref<!tpu.dma_semaphore, #tpu.memory_space<semaphore_mem>>) {add = true}
        %dma_wait3A_447 = tpu.memref_slice %arg11[%select_n3A_304, %mul3A_322] : memref<100x128xi32, #tpu.memory_space<vmem>> -> memref<1x32xi32, #tpu.memory_space<vmem>>
        %dma_wait3A_448 = tpu.memref_squeeze %dma_wait3A_447 : memref<1x32xi32, #tpu.memory_space<vmem>> -> memref<32xi32, #tpu.memory_space<vmem>>
        %dma_wait3A_449 = arith.constant 0 : i32
        %dma_wait3A_450 = arith.constant 0 : i32
        %dma_wait3A_451 = tpu.memref_slice %arg17[%dma_wait3A_449, %dma_wait3A_450] : memref<5008x128xf32, #tpu.memory_space<vmem_shared>> -> memref<5008x128xf32, #tpu.memory_space<vmem_shared>>
        tpu.wait_indirect_dma semaphore(%run_scoped3A : memref<!tpu.dma_semaphore, #tpu.memory_space<semaphore_mem>>) src(%arg14 : memref<32x128xf32, #tpu.memory_space<vmem>>) dst(%dma_wait3A_451 : memref<5008x128xf32, #tpu.memory_space<vmem_shared>>)
        tpu.yield
      }) : () -> ()
      %mul3A_323 = arith.constant 4 : i32
      %mul3A_324 = arith.muli %mul3A_323, %while3A_203 : i32
      %add3A_325 = arith.constant 2 : i32
      %add3A_326 = arith.addi %mul3A_324, %add3A_325 : i32
      %add3A_327 = arith.constant 4 : i32
      %add3A_328 = arith.addi %add3A_326, %add3A_327 : i32
      %sub3A_329 = arith.constant 1 : i32
      %sub3A_330 = arith.subi %add3A_328, %sub3A_329 : i32
      %lt3A_331 = arith.cmpi slt, %sub3A_330, %select_n3A_142 : i32
      %convert_element_type3A_332 = arith.extui %lt3A_331 : i1 to i32
      %cond3A_333 = arith.constant 0 : i32
      %cond3A_334 = arith.cmpi ne, %convert_element_type3A_332, %cond3A_333 : i32
      scf.if %cond3A_334 {
        %mul3A_443 = arith.constant 32 : i32
        %mul3A_444 = arith.muli %sub3A_330, %mul3A_443 : i32
        %dma_start3A = tpu.memref_slice %arg10[%mul3A_444] : memref<12800xi32, #tpu.memory_space<vmem>> -> memref<32xi32, #tpu.memory_space<vmem>>
        %dma_start3A_445 = arith.constant 0 : i32
        %dma_start3A_446 = arith.constant 0 : i32
        %dma_start3A_447 = tpu.memref_slice %arg2[%dma_start3A_445, %dma_start3A_446] : memref<10000x128xf32, #tpu.memory_space<hbm>> -> memref<10000x128xf32, #tpu.memory_space<hbm>>
        tpu.enqueue_indirect_dma source(%dma_start3A_447 : memref<10000x128xf32, #tpu.memory_space<hbm>>) target(%arg14 : memref<32x128xf32, #tpu.memory_space<vmem>>) offsets(%dma_start3A : memref<32xi32, #tpu.memory_space<vmem>>) semaphore(%arg19 : memref<!tpu.dma_semaphore, #tpu.memory_space<semaphore_mem>>)
      } else {
      }
      %mul3A_335 = arith.constant 32 : i32
      %mul3A_336 = arith.muli %add3A_326, %mul3A_335 : i32
      %dma_wait3A_337 = tpu.memref_slice %arg10[%mul3A_336] : memref<12800xi32, #tpu.memory_space<vmem>> -> memref<32xi32, #tpu.memory_space<vmem>>
      %dma_wait3A_338 = arith.constant 0 : i32
      %dma_wait3A_339 = arith.constant 0 : i32
      %dma_wait3A_340 = tpu.memref_slice %arg2[%dma_wait3A_338, %dma_wait3A_339] : memref<10000x128xf32, #tpu.memory_space<hbm>> -> memref<10000x128xf32, #tpu.memory_space<hbm>>
      tpu.wait_indirect_dma semaphore(%arg20 : memref<!tpu.dma_semaphore, #tpu.memory_space<semaphore_mem>>) src(%dma_wait3A_340 : memref<10000x128xf32, #tpu.memory_space<hbm>>) dst(%arg15 : memref<32x128xf32, #tpu.memory_space<vmem>>)
      %jit3A_341 = arith.constant 4 : i32
      %div3A_342 = arith.divsi %add3A_326, %jit3A_341 : i32
      %sign3A_343 = arith.constant 0 : i32
      %sign3A_344 = arith.cmpi sgt, %add3A_326, %sign3A_343 : i32
      %sign3A_345 = arith.extui %sign3A_344 : i1 to i32
      %sign3A_346 = arith.constant 0 : i32
      %sign3A_347 = arith.cmpi slt, %add3A_326, %sign3A_346 : i32
      %sign3A_348 = arith.extui %sign3A_347 : i1 to i32
      %sign3A_349 = arith.subi %sign3A_345, %sign3A_348 : i32
      %sign3A_350 = arith.constant 0 : i32
      %sign3A_351 = arith.cmpi sgt, %jit3A_341, %sign3A_350 : i32
      %sign3A_352 = arith.extui %sign3A_351 : i1 to i32
      %sign3A_353 = arith.constant 0 : i32
      %sign3A_354 = arith.cmpi slt, %jit3A_341, %sign3A_353 : i32
      %sign3A_355 = arith.extui %sign3A_354 : i1 to i32
      %sign3A_356 = arith.subi %sign3A_352, %sign3A_355 : i32
      %ne3A_357 = arith.cmpi ne, %sign3A_349, %sign3A_356 : i32
      %rem3A_358 = arith.remsi %add3A_326, %jit3A_341 : i32
      %ne3A_359 = arith.constant 0 : i32
      %ne3A_360 = arith.cmpi ne, %rem3A_358, %ne3A_359 : i32
      %and3A_361 = arith.andi %ne3A_357, %ne3A_360 : i1
      %sub3A_362 = arith.constant 1 : i32
      %sub3A_363 = arith.subi %div3A_342, %sub3A_362 : i32
      %select_n3A_364 = arith.select %and3A_361, %sub3A_363, %div3A_342 : i32
      %jit3A_365 = arith.constant 4 : i32
      %eq3A_366 = arith.constant 0 : i32
      %eq3A_367 = arith.cmpi eq, %jit3A_365, %eq3A_366 : i32
      %jit3A_368 = arith.constant 1 : i32
      %select_n3A_369 = arith.select %eq3A_367, %jit3A_368, %jit3A_365 : i32
      %rem3A_370 = arith.remsi %add3A_326, %select_n3A_369 : i32
      %ne3A_371 = arith.constant 0 : i32
      %ne3A_372 = arith.cmpi ne, %rem3A_370, %ne3A_371 : i32
      %lt3A_373 = arith.constant 0 : i32
      %lt3A_374 = arith.cmpi slt, %rem3A_370, %lt3A_373 : i32
      %lt3A_375 = arith.constant 0 : i32
      %lt3A_376 = arith.cmpi slt, %select_n3A_369, %lt3A_375 : i32
      %ne3A_377 = arith.xori %lt3A_374, %lt3A_376 : i1
      %and3A_378 = arith.andi %ne3A_377, %ne3A_372 : i1
      %add3A_379 = arith.addi %rem3A_370, %select_n3A_369 : i32
      %select_n3A_380 = arith.select %and3A_378, %add3A_379, %rem3A_370 : i32
      %mul3A_381 = arith.constant 32 : i32
      %mul3A_382 = arith.muli %select_n3A_380, %mul3A_381 : i32
      "tpu.region"() ({
        %run_scoped3A = tpu.sem_alloc : memref<!tpu.dma_semaphore, #tpu.memory_space<semaphore_mem>>
        %dma_start3A = tpu.memref_slice %arg11[%select_n3A_364, %mul3A_382] : memref<100x128xi32, #tpu.memory_space<vmem>> -> memref<1x32xi32, #tpu.memory_space<vmem>>
        %dma_start3A_443 = tpu.memref_squeeze %dma_start3A : memref<1x32xi32, #tpu.memory_space<vmem>> -> memref<32xi32, #tpu.memory_space<vmem>>
        %dma_start3A_444 = arith.constant 0 : i32
        %dma_start3A_445 = arith.constant 0 : i32
        %dma_start3A_446 = tpu.memref_slice %arg17[%dma_start3A_444, %dma_start3A_445] : memref<5008x128xf32, #tpu.memory_space<vmem_shared>> -> memref<5008x128xf32, #tpu.memory_space<vmem_shared>>
        tpu.enqueue_indirect_dma source(%arg15 : memref<32x128xf32, #tpu.memory_space<vmem>>) target(%dma_start3A_446 : memref<5008x128xf32, #tpu.memory_space<vmem_shared>>) offsets(%dma_start3A_443 : memref<32xi32, #tpu.memory_space<vmem>>) semaphore(%run_scoped3A : memref<!tpu.dma_semaphore, #tpu.memory_space<semaphore_mem>>) {add = true}
        %dma_wait3A_447 = tpu.memref_slice %arg11[%select_n3A_364, %mul3A_382] : memref<100x128xi32, #tpu.memory_space<vmem>> -> memref<1x32xi32, #tpu.memory_space<vmem>>
        %dma_wait3A_448 = tpu.memref_squeeze %dma_wait3A_447 : memref<1x32xi32, #tpu.memory_space<vmem>> -> memref<32xi32, #tpu.memory_space<vmem>>
        %dma_wait3A_449 = arith.constant 0 : i32
        %dma_wait3A_450 = arith.constant 0 : i32
        %dma_wait3A_451 = tpu.memref_slice %arg17[%dma_wait3A_449, %dma_wait3A_450] : memref<5008x128xf32, #tpu.memory_space<vmem_shared>> -> memref<5008x128xf32, #tpu.memory_space<vmem_shared>>
        tpu.wait_indirect_dma semaphore(%run_scoped3A : memref<!tpu.dma_semaphore, #tpu.memory_space<semaphore_mem>>) src(%arg15 : memref<32x128xf32, #tpu.memory_space<vmem>>) dst(%dma_wait3A_451 : memref<5008x128xf32, #tpu.memory_space<vmem_shared>>)
        tpu.yield
      }) : () -> ()
      %mul3A_383 = arith.constant 4 : i32
      %mul3A_384 = arith.muli %mul3A_383, %while3A_203 : i32
      %add3A_385 = arith.constant 3 : i32
      %add3A_386 = arith.addi %mul3A_384, %add3A_385 : i32
      %add3A_387 = arith.constant 4 : i32
      %add3A_388 = arith.addi %add3A_386, %add3A_387 : i32
      %sub3A_389 = arith.constant 1 : i32
      %sub3A_390 = arith.subi %add3A_388, %sub3A_389 : i32
      %lt3A_391 = arith.cmpi slt, %sub3A_390, %select_n3A_142 : i32
      %convert_element_type3A_392 = arith.extui %lt3A_391 : i1 to i32
      %cond3A_393 = arith.constant 0 : i32
      %cond3A_394 = arith.cmpi ne, %convert_element_type3A_392, %cond3A_393 : i32
      scf.if %cond3A_394 {
        %mul3A_443 = arith.constant 32 : i32
        %mul3A_444 = arith.muli %sub3A_390, %mul3A_443 : i32
        %dma_start3A = tpu.memref_slice %arg10[%mul3A_444] : memref<12800xi32, #tpu.memory_space<vmem>> -> memref<32xi32, #tpu.memory_space<vmem>>
        %dma_start3A_445 = arith.constant 0 : i32
        %dma_start3A_446 = arith.constant 0 : i32
        %dma_start3A_447 = tpu.memref_slice %arg2[%dma_start3A_445, %dma_start3A_446] : memref<10000x128xf32, #tpu.memory_space<hbm>> -> memref<10000x128xf32, #tpu.memory_space<hbm>>
        tpu.enqueue_indirect_dma source(%dma_start3A_447 : memref<10000x128xf32, #tpu.memory_space<hbm>>) target(%arg15 : memref<32x128xf32, #tpu.memory_space<vmem>>) offsets(%dma_start3A : memref<32xi32, #tpu.memory_space<vmem>>) semaphore(%arg20 : memref<!tpu.dma_semaphore, #tpu.memory_space<semaphore_mem>>)
      } else {
      }
      %mul3A_395 = arith.constant 32 : i32
      %mul3A_396 = arith.muli %add3A_386, %mul3A_395 : i32
      %dma_wait3A_397 = tpu.memref_slice %arg10[%mul3A_396] : memref<12800xi32, #tpu.memory_space<vmem>> -> memref<32xi32, #tpu.memory_space<vmem>>
      %dma_wait3A_398 = arith.constant 0 : i32
      %dma_wait3A_399 = arith.constant 0 : i32
      %dma_wait3A_400 = tpu.memref_slice %arg2[%dma_wait3A_398, %dma_wait3A_399] : memref<10000x128xf32, #tpu.memory_space<hbm>> -> memref<10000x128xf32, #tpu.memory_space<hbm>>
      tpu.wait_indirect_dma semaphore(%arg21 : memref<!tpu.dma_semaphore, #tpu.memory_space<semaphore_mem>>) src(%dma_wait3A_400 : memref<10000x128xf32, #tpu.memory_space<hbm>>) dst(%arg16 : memref<32x128xf32, #tpu.memory_space<vmem>>)
      %jit3A_401 = arith.constant 4 : i32
      %div3A_402 = arith.divsi %add3A_386, %jit3A_401 : i32
      %sign3A_403 = arith.constant 0 : i32
      %sign3A_404 = arith.cmpi sgt, %add3A_386, %sign3A_403 : i32
      %sign3A_405 = arith.extui %sign3A_404 : i1 to i32
      %sign3A_406 = arith.constant 0 : i32
      %sign3A_407 = arith.cmpi slt, %add3A_386, %sign3A_406 : i32
      %sign3A_408 = arith.extui %sign3A_407 : i1 to i32
      %sign3A_409 = arith.subi %sign3A_405, %sign3A_408 : i32
      %sign3A_410 = arith.constant 0 : i32
      %sign3A_411 = arith.cmpi sgt, %jit3A_401, %sign3A_410 : i32
      %sign3A_412 = arith.extui %sign3A_411 : i1 to i32
      %sign3A_413 = arith.constant 0 : i32
      %sign3A_414 = arith.cmpi slt, %jit3A_401, %sign3A_413 : i32
      %sign3A_415 = arith.extui %sign3A_414 : i1 to i32
      %sign3A_416 = arith.subi %sign3A_412, %sign3A_415 : i32
      %ne3A_417 = arith.cmpi ne, %sign3A_409, %sign3A_416 : i32
      %rem3A_418 = arith.remsi %add3A_386, %jit3A_401 : i32
      %ne3A_419 = arith.constant 0 : i32
      %ne3A_420 = arith.cmpi ne, %rem3A_418, %ne3A_419 : i32
      %and3A_421 = arith.andi %ne3A_417, %ne3A_420 : i1
      %sub3A_422 = arith.constant 1 : i32
      %sub3A_423 = arith.subi %div3A_402, %sub3A_422 : i32
      %select_n3A_424 = arith.select %and3A_421, %sub3A_423, %div3A_402 : i32
      %jit3A_425 = arith.constant 4 : i32
      %eq3A_426 = arith.constant 0 : i32
      %eq3A_427 = arith.cmpi eq, %jit3A_425, %eq3A_426 : i32
      %jit3A_428 = arith.constant 1 : i32
      %select_n3A_429 = arith.select %eq3A_427, %jit3A_428, %jit3A_425 : i32
      %rem3A_430 = arith.remsi %add3A_386, %select_n3A_429 : i32
      %ne3A_431 = arith.constant 0 : i32
      %ne3A_432 = arith.cmpi ne, %rem3A_430, %ne3A_431 : i32
      %lt3A_433 = arith.constant 0 : i32
      %lt3A_434 = arith.cmpi slt, %rem3A_430, %lt3A_433 : i32
      %lt3A_435 = arith.constant 0 : i32
      %lt3A_436 = arith.cmpi slt, %select_n3A_429, %lt3A_435 : i32
      %ne3A_437 = arith.xori %lt3A_434, %lt3A_436 : i1
      %and3A_438 = arith.andi %ne3A_437, %ne3A_432 : i1
      %add3A_439 = arith.addi %rem3A_430, %select_n3A_429 : i32
      %select_n3A_440 = arith.select %and3A_438, %add3A_439, %rem3A_430 : i32
      %mul3A_441 = arith.constant 32 : i32
      %mul3A_442 = arith.muli %select_n3A_440, %mul3A_441 : i32
      "tpu.region"() ({
        %run_scoped3A = tpu.sem_alloc : memref<!tpu.dma_semaphore, #tpu.memory_space<semaphore_mem>>
        %dma_start3A = tpu.memref_slice %arg11[%select_n3A_424, %mul3A_442] : memref<100x128xi32, #tpu.memory_space<vmem>> -> memref<1x32xi32, #tpu.memory_space<vmem>>
        %dma_start3A_443 = tpu.memref_squeeze %dma_start3A : memref<1x32xi32, #tpu.memory_space<vmem>> -> memref<32xi32, #tpu.memory_space<vmem>>
        %dma_start3A_444 = arith.constant 0 : i32
        %dma_start3A_445 = arith.constant 0 : i32
        %dma_start3A_446 = tpu.memref_slice %arg17[%dma_start3A_444, %dma_start3A_445] : memref<5008x128xf32, #tpu.memory_space<vmem_shared>> -> memref<5008x128xf32, #tpu.memory_space<vmem_shared>>
        tpu.enqueue_indirect_dma source(%arg16 : memref<32x128xf32, #tpu.memory_space<vmem>>) target(%dma_start3A_446 : memref<5008x128xf32, #tpu.memory_space<vmem_shared>>) offsets(%dma_start3A_443 : memref<32xi32, #tpu.memory_space<vmem>>) semaphore(%run_scoped3A : memref<!tpu.dma_semaphore, #tpu.memory_space<semaphore_mem>>) {add = true}
        %dma_wait3A_447 = tpu.memref_slice %arg11[%select_n3A_424, %mul3A_442] : memref<100x128xi32, #tpu.memory_space<vmem>> -> memref<1x32xi32, #tpu.memory_space<vmem>>
        %dma_wait3A_448 = tpu.memref_squeeze %dma_wait3A_447 : memref<1x32xi32, #tpu.memory_space<vmem>> -> memref<32xi32, #tpu.memory_space<vmem>>
        %dma_wait3A_449 = arith.constant 0 : i32
        %dma_wait3A_450 = arith.constant 0 : i32
        %dma_wait3A_451 = tpu.memref_slice %arg17[%dma_wait3A_449, %dma_wait3A_450] : memref<5008x128xf32, #tpu.memory_space<vmem_shared>> -> memref<5008x128xf32, #tpu.memory_space<vmem_shared>>
        tpu.wait_indirect_dma semaphore(%run_scoped3A : memref<!tpu.dma_semaphore, #tpu.memory_space<semaphore_mem>>) src(%arg16 : memref<32x128xf32, #tpu.memory_space<vmem>>) dst(%dma_wait3A_451 : memref<5008x128xf32, #tpu.memory_space<vmem_shared>>)
        tpu.yield
      }) : () -> ()
    }
    %while3A_191 = arith.constant 1 : i32
    scf.for %while3A_203 = %while3A_189 to %while3A_185 step %while3A_191  : i32 {
      %mul3A_204 = arith.constant 4 : i32
      %mul3A_205 = arith.muli %mul3A_204, %while3A_203 : i32
      %add3A_206 = arith.constant 0 : i32
      %add3A_207 = arith.addi %mul3A_205, %add3A_206 : i32
      %add3A_208 = arith.constant 4 : i32
      %add3A_209 = arith.addi %add3A_207, %add3A_208 : i32
      %sub3A_210 = arith.constant 1 : i32
      %sub3A_211 = arith.subi %add3A_209, %sub3A_210 : i32
      %lt3A_212 = arith.cmpi slt, %sub3A_211, %select_n3A_142 : i32
      %convert_element_type3A_213 = arith.extui %lt3A_212 : i1 to i32
      %cond3A_214 = arith.constant 0 : i32
      %cond3A_215 = arith.cmpi ne, %convert_element_type3A_213, %cond3A_214 : i32
      scf.if %cond3A_215 {
        %mul3A_443 = arith.constant 32 : i32
        %mul3A_444 = arith.muli %sub3A_211, %mul3A_443 : i32
        %dma_start3A = tpu.memref_slice %arg10[%mul3A_444] : memref<12800xi32, #tpu.memory_space<vmem>> -> memref<32xi32, #tpu.memory_space<vmem>>
        %dma_start3A_445 = arith.constant 0 : i32
        %dma_start3A_446 = arith.constant 0 : i32
        %dma_start3A_447 = tpu.memref_slice %arg2[%dma_start3A_445, %dma_start3A_446] : memref<10000x128xf32, #tpu.memory_space<hbm>> -> memref<10000x128xf32, #tpu.memory_space<hbm>>
        tpu.enqueue_indirect_dma source(%dma_start3A_447 : memref<10000x128xf32, #tpu.memory_space<hbm>>) target(%arg16 : memref<32x128xf32, #tpu.memory_space<vmem>>) offsets(%dma_start3A : memref<32xi32, #tpu.memory_space<vmem>>) semaphore(%arg21 : memref<!tpu.dma_semaphore, #tpu.memory_space<semaphore_mem>>)
      } else {
      }
      %mul3A_216 = arith.constant 32 : i32
      %mul3A_217 = arith.muli %add3A_207, %mul3A_216 : i32
      %dma_wait3A = tpu.memref_slice %arg10[%mul3A_217] : memref<12800xi32, #tpu.memory_space<vmem>> -> memref<32xi32, #tpu.memory_space<vmem>>
      %dma_wait3A_218 = arith.constant 0 : i32
      %dma_wait3A_219 = arith.constant 0 : i32
      %dma_wait3A_220 = tpu.memref_slice %arg2[%dma_wait3A_218, %dma_wait3A_219] : memref<10000x128xf32, #tpu.memory_space<hbm>> -> memref<10000x128xf32, #tpu.memory_space<hbm>>
      tpu.wait_indirect_dma semaphore(%arg18 : memref<!tpu.dma_semaphore, #tpu.memory_space<semaphore_mem>>) src(%dma_wait3A_220 : memref<10000x128xf32, #tpu.memory_space<hbm>>) dst(%arg13 : memref<32x128xf32, #tpu.memory_space<vmem>>)
      %jit3A_221 = arith.constant 4 : i32
      %div3A_222 = arith.divsi %add3A_207, %jit3A_221 : i32
      %sign3A_223 = arith.constant 0 : i32
      %sign3A_224 = arith.cmpi sgt, %add3A_207, %sign3A_223 : i32
      %sign3A_225 = arith.extui %sign3A_224 : i1 to i32
      %sign3A_226 = arith.constant 0 : i32
      %sign3A_227 = arith.cmpi slt, %add3A_207, %sign3A_226 : i32
      %sign3A_228 = arith.extui %sign3A_227 : i1 to i32
      %sign3A_229 = arith.subi %sign3A_225, %sign3A_228 : i32
      %sign3A_230 = arith.constant 0 : i32
      %sign3A_231 = arith.cmpi sgt, %jit3A_221, %sign3A_230 : i32
      %sign3A_232 = arith.extui %sign3A_231 : i1 to i32
      %sign3A_233 = arith.constant 0 : i32
      %sign3A_234 = arith.cmpi slt, %jit3A_221, %sign3A_233 : i32
      %sign3A_235 = arith.extui %sign3A_234 : i1 to i32
      %sign3A_236 = arith.subi %sign3A_232, %sign3A_235 : i32
      %ne3A_237 = arith.cmpi ne, %sign3A_229, %sign3A_236 : i32
      %rem3A_238 = arith.remsi %add3A_207, %jit3A_221 : i32
      %ne3A_239 = arith.constant 0 : i32
      %ne3A_240 = arith.cmpi ne, %rem3A_238, %ne3A_239 : i32
      %and3A_241 = arith.andi %ne3A_237, %ne3A_240 : i1
      %sub3A_242 = arith.constant 1 : i32
      %sub3A_243 = arith.subi %div3A_222, %sub3A_242 : i32
      %select_n3A_244 = arith.select %and3A_241, %sub3A_243, %div3A_222 : i32
      %jit3A_245 = arith.constant 4 : i32
      %eq3A_246 = arith.constant 0 : i32
      %eq3A_247 = arith.cmpi eq, %jit3A_245, %eq3A_246 : i32
      %jit3A_248 = arith.constant 1 : i32
      %select_n3A_249 = arith.select %eq3A_247, %jit3A_248, %jit3A_245 : i32
      %rem3A_250 = arith.remsi %add3A_207, %select_n3A_249 : i32
      %ne3A_251 = arith.constant 0 : i32
      %ne3A_252 = arith.cmpi ne, %rem3A_250, %ne3A_251 : i32
      %lt3A_253 = arith.constant 0 : i32
      %lt3A_254 = arith.cmpi slt, %rem3A_250, %lt3A_253 : i32
      %lt3A_255 = arith.constant 0 : i32
      %lt3A_256 = arith.cmpi slt, %select_n3A_249, %lt3A_255 : i32
      %ne3A_257 = arith.xori %lt3A_254, %lt3A_256 : i1
      %and3A_258 = arith.andi %ne3A_257, %ne3A_252 : i1
      %add3A_259 = arith.addi %rem3A_250, %select_n3A_249 : i32
      %select_n3A_260 = arith.select %and3A_258, %add3A_259, %rem3A_250 : i32
      %mul3A_261 = arith.constant 32 : i32
      %mul3A_262 = arith.muli %select_n3A_260, %mul3A_261 : i32
      "tpu.region"() ({
        %run_scoped3A = tpu.sem_alloc : memref<!tpu.dma_semaphore, #tpu.memory_space<semaphore_mem>>
        %dma_start3A = tpu.memref_slice %arg11[%select_n3A_244, %mul3A_262] : memref<100x128xi32, #tpu.memory_space<vmem>> -> memref<1x32xi32, #tpu.memory_space<vmem>>
        %dma_start3A_443 = tpu.memref_squeeze %dma_start3A : memref<1x32xi32, #tpu.memory_space<vmem>> -> memref<32xi32, #tpu.memory_space<vmem>>
        %dma_start3A_444 = arith.constant 0 : i32
        %dma_start3A_445 = arith.constant 0 : i32
        %dma_start3A_446 = tpu.memref_slice %arg17[%dma_start3A_444, %dma_start3A_445] : memref<5008x128xf32, #tpu.memory_space<vmem_shared>> -> memref<5008x128xf32, #tpu.memory_space<vmem_shared>>
        tpu.enqueue_indirect_dma source(%arg13 : memref<32x128xf32, #tpu.memory_space<vmem>>) target(%dma_start3A_446 : memref<5008x128xf32, #tpu.memory_space<vmem_shared>>) offsets(%dma_start3A_443 : memref<32xi32, #tpu.memory_space<vmem>>) semaphore(%run_scoped3A : memref<!tpu.dma_semaphore, #tpu.memory_space<semaphore_mem>>) {add = true}
        %dma_wait3A_447 = tpu.memref_slice %arg11[%select_n3A_244, %mul3A_262] : memref<100x128xi32, #tpu.memory_space<vmem>> -> memref<1x32xi32, #tpu.memory_space<vmem>>
        %dma_wait3A_448 = tpu.memref_squeeze %dma_wait3A_447 : memref<1x32xi32, #tpu.memory_space<vmem>> -> memref<32xi32, #tpu.memory_space<vmem>>
        %dma_wait3A_449 = arith.constant 0 : i32
        %dma_wait3A_450 = arith.constant 0 : i32
        %dma_wait3A_451 = tpu.memref_slice %arg17[%dma_wait3A_449, %dma_wait3A_450] : memref<5008x128xf32, #tpu.memory_space<vmem_shared>> -> memref<5008x128xf32, #tpu.memory_space<vmem_shared>>
        tpu.wait_indirect_dma semaphore(%run_scoped3A : memref<!tpu.dma_semaphore, #tpu.memory_space<semaphore_mem>>) src(%arg13 : memref<32x128xf32, #tpu.memory_space<vmem>>) dst(%dma_wait3A_451 : memref<5008x128xf32, #tpu.memory_space<vmem_shared>>)
        tpu.yield
      }) : () -> ()
      %mul3A_263 = arith.constant 4 : i32
      %mul3A_264 = arith.muli %mul3A_263, %while3A_203 : i32
      %add3A_265 = arith.constant 1 : i32
      %add3A_266 = arith.addi %mul3A_264, %add3A_265 : i32
      %add3A_267 = arith.constant 4 : i32
      %add3A_268 = arith.addi %add3A_266, %add3A_267 : i32
      %sub3A_269 = arith.constant 1 : i32
      %sub3A_270 = arith.subi %add3A_268, %sub3A_269 : i32
      %lt3A_271 = arith.cmpi slt, %sub3A_270, %select_n3A_142 : i32
      %convert_element_type3A_272 = arith.extui %lt3A_271 : i1 to i32
      %cond3A_273 = arith.constant 0 : i32
      %cond3A_274 = arith.cmpi ne, %convert_element_type3A_272, %cond3A_273 : i32
      scf.if %cond3A_274 {
        %mul3A_443 = arith.constant 32 : i32
        %mul3A_444 = arith.muli %sub3A_270, %mul3A_443 : i32
        %dma_start3A = tpu.memref_slice %arg10[%mul3A_444] : memref<12800xi32, #tpu.memory_space<vmem>> -> memref<32xi32, #tpu.memory_space<vmem>>
        %dma_start3A_445 = arith.constant 0 : i32
        %dma_start3A_446 = arith.constant 0 : i32
        %dma_start3A_447 = tpu.memref_slice %arg2[%dma_start3A_445, %dma_start3A_446] : memref<10000x128xf32, #tpu.memory_space<hbm>> -> memref<10000x128xf32, #tpu.memory_space<hbm>>
        tpu.enqueue_indirect_dma source(%dma_start3A_447 : memref<10000x128xf32, #tpu.memory_space<hbm>>) target(%arg13 : memref<32x128xf32, #tpu.memory_space<vmem>>) offsets(%dma_start3A : memref<32xi32, #tpu.memory_space<vmem>>) semaphore(%arg18 : memref<!tpu.dma_semaphore, #tpu.memory_space<semaphore_mem>>)
      } else {
      }
      %mul3A_275 = arith.constant 32 : i32
      %mul3A_276 = arith.muli %add3A_266, %mul3A_275 : i32
      %dma_wait3A_277 = tpu.memref_slice %arg10[%mul3A_276] : memref<12800xi32, #tpu.memory_space<vmem>> -> memref<32xi32, #tpu.memory_space<vmem>>
      %dma_wait3A_278 = arith.constant 0 : i32
      %dma_wait3A_279 = arith.constant 0 : i32
      %dma_wait3A_280 = tpu.memref_slice %arg2[%dma_wait3A_278, %dma_wait3A_279] : memref<10000x128xf32, #tpu.memory_space<hbm>> -> memref<10000x128xf32, #tpu.memory_space<hbm>>
      tpu.wait_indirect_dma semaphore(%arg19 : memref<!tpu.dma_semaphore, #tpu.memory_space<semaphore_mem>>) src(%dma_wait3A_280 : memref<10000x128xf32, #tpu.memory_space<hbm>>) dst(%arg14 : memref<32x128xf32, #tpu.memory_space<vmem>>)
      %jit3A_281 = arith.constant 4 : i32
      %div3A_282 = arith.divsi %add3A_266, %jit3A_281 : i32
      %sign3A_283 = arith.constant 0 : i32
      %sign3A_284 = arith.cmpi sgt, %add3A_266, %sign3A_283 : i32
      %sign3A_285 = arith.extui %sign3A_284 : i1 to i32
      %sign3A_286 = arith.constant 0 : i32
      %sign3A_287 = arith.cmpi slt, %add3A_266, %sign3A_286 : i32
      %sign3A_288 = arith.extui %sign3A_287 : i1 to i32
      %sign3A_289 = arith.subi %sign3A_285, %sign3A_288 : i32
      %sign3A_290 = arith.constant 0 : i32
      %sign3A_291 = arith.cmpi sgt, %jit3A_281, %sign3A_290 : i32
      %sign3A_292 = arith.extui %sign3A_291 : i1 to i32
      %sign3A_293 = arith.constant 0 : i32
      %sign3A_294 = arith.cmpi slt, %jit3A_281, %sign3A_293 : i32
      %sign3A_295 = arith.extui %sign3A_294 : i1 to i32
      %sign3A_296 = arith.subi %sign3A_292, %sign3A_295 : i32
      %ne3A_297 = arith.cmpi ne, %sign3A_289, %sign3A_296 : i32
      %rem3A_298 = arith.remsi %add3A_266, %jit3A_281 : i32
      %ne3A_299 = arith.constant 0 : i32
      %ne3A_300 = arith.cmpi ne, %rem3A_298, %ne3A_299 : i32
      %and3A_301 = arith.andi %ne3A_297, %ne3A_300 : i1
      %sub3A_302 = arith.constant 1 : i32
      %sub3A_303 = arith.subi %div3A_282, %sub3A_302 : i32
      %select_n3A_304 = arith.select %and3A_301, %sub3A_303, %div3A_282 : i32
      %jit3A_305 = arith.constant 4 : i32
      %eq3A_306 = arith.constant 0 : i32
      %eq3A_307 = arith.cmpi eq, %jit3A_305, %eq3A_306 : i32
      %jit3A_308 = arith.constant 1 : i32
      %select_n3A_309 = arith.select %eq3A_307, %jit3A_308, %jit3A_305 : i32
      %rem3A_310 = arith.remsi %add3A_266, %select_n3A_309 : i32
      %ne3A_311 = arith.constant 0 : i32
      %ne3A_312 = arith.cmpi ne, %rem3A_310, %ne3A_311 : i32
      %lt3A_313 = arith.constant 0 : i32
      %lt3A_314 = arith.cmpi slt, %rem3A_310, %lt3A_313 : i32
      %lt3A_315 = arith.constant 0 : i32
      %lt3A_316 = arith.cmpi slt, %select_n3A_309, %lt3A_315 : i32
      %ne3A_317 = arith.xori %lt3A_314, %lt3A_316 : i1
      %and3A_318 = arith.andi %ne3A_317, %ne3A_312 : i1
      %add3A_319 = arith.addi %rem3A_310, %select_n3A_309 : i32
      %select_n3A_320 = arith.select %and3A_318, %add3A_319, %rem3A_310 : i32
      %mul3A_321 = arith.constant 32 : i32
      %mul3A_322 = arith.muli %select_n3A_320, %mul3A_321 : i32
      "tpu.region"() ({
        %run_scoped3A = tpu.sem_alloc : memref<!tpu.dma_semaphore, #tpu.memory_space<semaphore_mem>>
        %dma_start3A = tpu.memref_slice %arg11[%select_n3A_304, %mul3A_322] : memref<100x128xi32, #tpu.memory_space<vmem>> -> memref<1x32xi32, #tpu.memory_space<vmem>>
        %dma_start3A_443 = tpu.memref_squeeze %dma_start3A : memref<1x32xi32, #tpu.memory_space<vmem>> -> memref<32xi32, #tpu.memory_space<vmem>>
        %dma_start3A_444 = arith.constant 0 : i32
        %dma_start3A_445 = arith.constant 0 : i32
        %dma_start3A_446 = tpu.memref_slice %arg17[%dma_start3A_444, %dma_start3A_445] : memref<5008x128xf32, #tpu.memory_space<vmem_shared>> -> memref<5008x128xf32, #tpu.memory_space<vmem_shared>>
        tpu.enqueue_indirect_dma source(%arg14 : memref<32x128xf32, #tpu.memory_space<vmem>>) target(%dma_start3A_446 : memref<5008x128xf32, #tpu.memory_space<vmem_shared>>) offsets(%dma_start3A_443 : memref<32xi32, #tpu.memory_space<vmem>>) semaphore(%run_scoped3A : memref<!tpu.dma_semaphore, #tpu.memory_space<semaphore_mem>>) {add = true}
        %dma_wait3A_447 = tpu.memref_slice %arg11[%select_n3A_304, %mul3A_322] : memref<100x128xi32, #tpu.memory_space<vmem>> -> memref<1x32xi32, #tpu.memory_space<vmem>>
        %dma_wait3A_448 = tpu.memref_squeeze %dma_wait3A_447 : memref<1x32xi32, #tpu.memory_space<vmem>> -> memref<32xi32, #tpu.memory_space<vmem>>
        %dma_wait3A_449 = arith.constant 0 : i32
        %dma_wait3A_450 = arith.constant 0 : i32
        %dma_wait3A_451 = tpu.memref_slice %arg17[%dma_wait3A_449, %dma_wait3A_450] : memref<5008x128xf32, #tpu.memory_space<vmem_shared>> -> memref<5008x128xf32, #tpu.memory_space<vmem_shared>>
        tpu.wait_indirect_dma semaphore(%run_scoped3A : memref<!tpu.dma_semaphore, #tpu.memory_space<semaphore_mem>>) src(%arg14 : memref<32x128xf32, #tpu.memory_space<vmem>>) dst(%dma_wait3A_451 : memref<5008x128xf32, #tpu.memory_space<vmem_shared>>)
        tpu.yield
      }) : () -> ()
      %mul3A_323 = arith.constant 4 : i32
      %mul3A_324 = arith.muli %mul3A_323, %while3A_203 : i32
      %add3A_325 = arith.constant 2 : i32
      %add3A_326 = arith.addi %mul3A_324, %add3A_325 : i32
      %add3A_327 = arith.constant 4 : i32
      %add3A_328 = arith.addi %add3A_326, %add3A_327 : i32
      %sub3A_329 = arith.constant 1 : i32
      %sub3A_330 = arith.subi %add3A_328, %sub3A_329 : i32
      %lt3A_331 = arith.cmpi slt, %sub3A_330, %select_n3A_142 : i32
      %convert_element_type3A_332 = arith.extui %lt3A_331 : i1 to i32
      %cond3A_333 = arith.constant 0 : i32
      %cond3A_334 = arith.cmpi ne, %convert_element_type3A_332, %cond3A_333 : i32
      scf.if %cond3A_334 {
        %mul3A_443 = arith.constant 32 : i32
        %mul3A_444 = arith.muli %sub3A_330, %mul3A_443 : i32
        %dma_start3A = tpu.memref_slice %arg10[%mul3A_444] : memref<12800xi32, #tpu.memory_space<vmem>> -> memref<32xi32, #tpu.memory_space<vmem>>
        %dma_start3A_445 = arith.constant 0 : i32
        %dma_start3A_446 = arith.constant 0 : i32
        %dma_start3A_447 = tpu.memref_slice %arg2[%dma_start3A_445, %dma_start3A_446] : memref<10000x128xf32, #tpu.memory_space<hbm>> -> memref<10000x128xf32, #tpu.memory_space<hbm>>
        tpu.enqueue_indirect_dma source(%dma_start3A_447 : memref<10000x128xf32, #tpu.memory_space<hbm>>) target(%arg14 : memref<32x128xf32, #tpu.memory_space<vmem>>) offsets(%dma_start3A : memref<32xi32, #tpu.memory_space<vmem>>) semaphore(%arg19 : memref<!tpu.dma_semaphore, #tpu.memory_space<semaphore_mem>>)
      } else {
      }
      %mul3A_335 = arith.constant 32 : i32
      %mul3A_336 = arith.muli %add3A_326, %mul3A_335 : i32
      %dma_wait3A_337 = tpu.memref_slice %arg10[%mul3A_336] : memref<12800xi32, #tpu.memory_space<vmem>> -> memref<32xi32, #tpu.memory_space<vmem>>
      %dma_wait3A_338 = arith.constant 0 : i32
      %dma_wait3A_339 = arith.constant 0 : i32
      %dma_wait3A_340 = tpu.memref_slice %arg2[%dma_wait3A_338, %dma_wait3A_339] : memref<10000x128xf32, #tpu.memory_space<hbm>> -> memref<10000x128xf32, #tpu.memory_space<hbm>>
      tpu.wait_indirect_dma semaphore(%arg20 : memref<!tpu.dma_semaphore, #tpu.memory_space<semaphore_mem>>) src(%dma_wait3A_340 : memref<10000x128xf32, #tpu.memory_space<hbm>>) dst(%arg15 : memref<32x128xf32, #tpu.memory_space<vmem>>)
      %jit3A_341 = arith.constant 4 : i32
      %div3A_342 = arith.divsi %add3A_326, %jit3A_341 : i32
      %sign3A_343 = arith.constant 0 : i32
      %sign3A_344 = arith.cmpi sgt, %add3A_326, %sign3A_343 : i32
      %sign3A_345 = arith.extui %sign3A_344 : i1 to i32
      %sign3A_346 = arith.constant 0 : i32
      %sign3A_347 = arith.cmpi slt, %add3A_326, %sign3A_346 : i32
      %sign3A_348 = arith.extui %sign3A_347 : i1 to i32
      %sign3A_349 = arith.subi %sign3A_345, %sign3A_348 : i32
      %sign3A_350 = arith.constant 0 : i32
      %sign3A_351 = arith.cmpi sgt, %jit3A_341, %sign3A_350 : i32
      %sign3A_352 = arith.extui %sign3A_351 : i1 to i32
      %sign3A_353 = arith.constant 0 : i32
      %sign3A_354 = arith.cmpi slt, %jit3A_341, %sign3A_353 : i32
      %sign3A_355 = arith.extui %sign3A_354 : i1 to i32
      %sign3A_356 = arith.subi %sign3A_352, %sign3A_355 : i32
      %ne3A_357 = arith.cmpi ne, %sign3A_349, %sign3A_356 : i32
      %rem3A_358 = arith.remsi %add3A_326, %jit3A_341 : i32
      %ne3A_359 = arith.constant 0 : i32
      %ne3A_360 = arith.cmpi ne, %rem3A_358, %ne3A_359 : i32
      %and3A_361 = arith.andi %ne3A_357, %ne3A_360 : i1
      %sub3A_362 = arith.constant 1 : i32
      %sub3A_363 = arith.subi %div3A_342, %sub3A_362 : i32
      %select_n3A_364 = arith.select %and3A_361, %sub3A_363, %div3A_342 : i32
      %jit3A_365 = arith.constant 4 : i32
      %eq3A_366 = arith.constant 0 : i32
      %eq3A_367 = arith.cmpi eq, %jit3A_365, %eq3A_366 : i32
      %jit3A_368 = arith.constant 1 : i32
      %select_n3A_369 = arith.select %eq3A_367, %jit3A_368, %jit3A_365 : i32
      %rem3A_370 = arith.remsi %add3A_326, %select_n3A_369 : i32
      %ne3A_371 = arith.constant 0 : i32
      %ne3A_372 = arith.cmpi ne, %rem3A_370, %ne3A_371 : i32
      %lt3A_373 = arith.constant 0 : i32
      %lt3A_374 = arith.cmpi slt, %rem3A_370, %lt3A_373 : i32
      %lt3A_375 = arith.constant 0 : i32
      %lt3A_376 = arith.cmpi slt, %select_n3A_369, %lt3A_375 : i32
      %ne3A_377 = arith.xori %lt3A_374, %lt3A_376 : i1
      %and3A_378 = arith.andi %ne3A_377, %ne3A_372 : i1
      %add3A_379 = arith.addi %rem3A_370, %select_n3A_369 : i32
      %select_n3A_380 = arith.select %and3A_378, %add3A_379, %rem3A_370 : i32
      %mul3A_381 = arith.constant 32 : i32
      %mul3A_382 = arith.muli %select_n3A_380, %mul3A_381 : i32
      "tpu.region"() ({
        %run_scoped3A = tpu.sem_alloc : memref<!tpu.dma_semaphore, #tpu.memory_space<semaphore_mem>>
        %dma_start3A = tpu.memref_slice %arg11[%select_n3A_364, %mul3A_382] : memref<100x128xi32, #tpu.memory_space<vmem>> -> memref<1x32xi32, #tpu.memory_space<vmem>>
        %dma_start3A_443 = tpu.memref_squeeze %dma_start3A : memref<1x32xi32, #tpu.memory_space<vmem>> -> memref<32xi32, #tpu.memory_space<vmem>>
        %dma_start3A_444 = arith.constant 0 : i32
        %dma_start3A_445 = arith.constant 0 : i32
        %dma_start3A_446 = tpu.memref_slice %arg17[%dma_start3A_444, %dma_start3A_445] : memref<5008x128xf32, #tpu.memory_space<vmem_shared>> -> memref<5008x128xf32, #tpu.memory_space<vmem_shared>>
        tpu.enqueue_indirect_dma source(%arg15 : memref<32x128xf32, #tpu.memory_space<vmem>>) target(%dma_start3A_446 : memref<5008x128xf32, #tpu.memory_space<vmem_shared>>) offsets(%dma_start3A_443 : memref<32xi32, #tpu.memory_space<vmem>>) semaphore(%run_scoped3A : memref<!tpu.dma_semaphore, #tpu.memory_space<semaphore_mem>>) {add = true}
        %dma_wait3A_447 = tpu.memref_slice %arg11[%select_n3A_364, %mul3A_382] : memref<100x128xi32, #tpu.memory_space<vmem>> -> memref<1x32xi32, #tpu.memory_space<vmem>>
        %dma_wait3A_448 = tpu.memref_squeeze %dma_wait3A_447 : memref<1x32xi32, #tpu.memory_space<vmem>> -> memref<32xi32, #tpu.memory_space<vmem>>
        %dma_wait3A_449 = arith.constant 0 : i32
        %dma_wait3A_450 = arith.constant 0 : i32
        %dma_wait3A_451 = tpu.memref_slice %arg17[%dma_wait3A_449, %dma_wait3A_450] : memref<5008x128xf32, #tpu.memory_space<vmem_shared>> -> memref<5008x128xf32, #tpu.memory_space<vmem_shared>>
        tpu.wait_indirect_dma semaphore(%run_scoped3A : memref<!tpu.dma_semaphore, #tpu.memory_space<semaphore_mem>>) src(%arg15 : memref<32x128xf32, #tpu.memory_space<vmem>>) dst(%dma_wait3A_451 : memref<5008x128xf32, #tpu.memory_space<vmem_shared>>)
        tpu.yield
      }) : () -> ()
      %mul3A_383 = arith.constant 4 : i32
      %mul3A_384 = arith.muli %mul3A_383, %while3A_203 : i32
      %add3A_385 = arith.constant 3 : i32
      %add3A_386 = arith.addi %mul3A_384, %add3A_385 : i32
      %add3A_387 = arith.constant 4 : i32
      %add3A_388 = arith.addi %add3A_386, %add3A_387 : i32
      %sub3A_389 = arith.constant 1 : i32
      %sub3A_390 = arith.subi %add3A_388, %sub3A_389 : i32
      %lt3A_391 = arith.cmpi slt, %sub3A_390, %select_n3A_142 : i32
      %convert_element_type3A_392 = arith.extui %lt3A_391 : i1 to i32
      %cond3A_393 = arith.constant 0 : i32
      %cond3A_394 = arith.cmpi ne, %convert_element_type3A_392, %cond3A_393 : i32
      scf.if %cond3A_394 {
        %mul3A_443 = arith.constant 32 : i32
        %mul3A_444 = arith.muli %sub3A_390, %mul3A_443 : i32
        %dma_start3A = tpu.memref_slice %arg10[%mul3A_444] : memref<12800xi32, #tpu.memory_space<vmem>> -> memref<32xi32, #tpu.memory_space<vmem>>
        %dma_start3A_445 = arith.constant 0 : i32
        %dma_start3A_446 = arith.constant 0 : i32
        %dma_start3A_447 = tpu.memref_slice %arg2[%dma_start3A_445, %dma_start3A_446] : memref<10000x128xf32, #tpu.memory_space<hbm>> -> memref<10000x128xf32, #tpu.memory_space<hbm>>
        tpu.enqueue_indirect_dma source(%dma_start3A_447 : memref<10000x128xf32, #tpu.memory_space<hbm>>) target(%arg15 : memref<32x128xf32, #tpu.memory_space<vmem>>) offsets(%dma_start3A : memref<32xi32, #tpu.memory_space<vmem>>) semaphore(%arg20 : memref<!tpu.dma_semaphore, #tpu.memory_space<semaphore_mem>>)
      } else {
      }
      %mul3A_395 = arith.constant 32 : i32
      %mul3A_396 = arith.muli %add3A_386, %mul3A_395 : i32
      %dma_wait3A_397 = tpu.memref_slice %arg10[%mul3A_396] : memref<12800xi32, #tpu.memory_space<vmem>> -> memref<32xi32, #tpu.memory_space<vmem>>
      %dma_wait3A_398 = arith.constant 0 : i32
      %dma_wait3A_399 = arith.constant 0 : i32
      %dma_wait3A_400 = tpu.memref_slice %arg2[%dma_wait3A_398, %dma_wait3A_399] : memref<10000x128xf32, #tpu.memory_space<hbm>> -> memref<10000x128xf32, #tpu.memory_space<hbm>>
      tpu.wait_indirect_dma semaphore(%arg21 : memref<!tpu.dma_semaphore, #tpu.memory_space<semaphore_mem>>) src(%dma_wait3A_400 : memref<10000x128xf32, #tpu.memory_space<hbm>>) dst(%arg16 : memref<32x128xf32, #tpu.memory_space<vmem>>)
      %jit3A_401 = arith.constant 4 : i32
      %div3A_402 = arith.divsi %add3A_386, %jit3A_401 : i32
      %sign3A_403 = arith.constant 0 : i32
      %sign3A_404 = arith.cmpi sgt, %add3A_386, %sign3A_403 : i32
      %sign3A_405 = arith.extui %sign3A_404 : i1 to i32
      %sign3A_406 = arith.constant 0 : i32
      %sign3A_407 = arith.cmpi slt, %add3A_386, %sign3A_406 : i32
      %sign3A_408 = arith.extui %sign3A_407 : i1 to i32
      %sign3A_409 = arith.subi %sign3A_405, %sign3A_408 : i32
      %sign3A_410 = arith.constant 0 : i32
      %sign3A_411 = arith.cmpi sgt, %jit3A_401, %sign3A_410 : i32
      %sign3A_412 = arith.extui %sign3A_411 : i1 to i32
      %sign3A_413 = arith.constant 0 : i32
      %sign3A_414 = arith.cmpi slt, %jit3A_401, %sign3A_413 : i32
      %sign3A_415 = arith.extui %sign3A_414 : i1 to i32
      %sign3A_416 = arith.subi %sign3A_412, %sign3A_415 : i32
      %ne3A_417 = arith.cmpi ne, %sign3A_409, %sign3A_416 : i32
      %rem3A_418 = arith.remsi %add3A_386, %jit3A_401 : i32
      %ne3A_419 = arith.constant 0 : i32
      %ne3A_420 = arith.cmpi ne, %rem3A_418, %ne3A_419 : i32
      %and3A_421 = arith.andi %ne3A_417, %ne3A_420 : i1
      %sub3A_422 = arith.constant 1 : i32
      %sub3A_423 = arith.subi %div3A_402, %sub3A_422 : i32
      %select_n3A_424 = arith.select %and3A_421, %sub3A_423, %div3A_402 : i32
      %jit3A_425 = arith.constant 4 : i32
      %eq3A_426 = arith.constant 0 : i32
      %eq3A_427 = arith.cmpi eq, %jit3A_425, %eq3A_426 : i32
      %jit3A_428 = arith.constant 1 : i32
      %select_n3A_429 = arith.select %eq3A_427, %jit3A_428, %jit3A_425 : i32
      %rem3A_430 = arith.remsi %add3A_386, %select_n3A_429 : i32
      %ne3A_431 = arith.constant 0 : i32
      %ne3A_432 = arith.cmpi ne, %rem3A_430, %ne3A_431 : i32
      %lt3A_433 = arith.constant 0 : i32
      %lt3A_434 = arith.cmpi slt, %rem3A_430, %lt3A_433 : i32
      %lt3A_435 = arith.constant 0 : i32
      %lt3A_436 = arith.cmpi slt, %select_n3A_429, %lt3A_435 : i32
      %ne3A_437 = arith.xori %lt3A_434, %lt3A_436 : i1
      %and3A_438 = arith.andi %ne3A_437, %ne3A_432 : i1
      %add3A_439 = arith.addi %rem3A_430, %select_n3A_429 : i32
      %select_n3A_440 = arith.select %and3A_438, %add3A_439, %rem3A_430 : i32
      %mul3A_441 = arith.constant 32 : i32
      %mul3A_442 = arith.muli %select_n3A_440, %mul3A_441 : i32
      "tpu.region"() ({
        %run_scoped3A = tpu.sem_alloc : memref<!tpu.dma_semaphore, #tpu.memory_space<semaphore_mem>>
        %dma_start3A = tpu.memref_slice %arg11[%select_n3A_424, %mul3A_442] : memref<100x128xi32, #tpu.memory_space<vmem>> -> memref<1x32xi32, #tpu.memory_space<vmem>>
        %dma_start3A_443 = tpu.memref_squeeze %dma_start3A : memref<1x32xi32, #tpu.memory_space<vmem>> -> memref<32xi32, #tpu.memory_space<vmem>>
        %dma_start3A_444 = arith.constant 0 : i32
        %dma_start3A_445 = arith.constant 0 : i32
        %dma_start3A_446 = tpu.memref_slice %arg17[%dma_start3A_444, %dma_start3A_445] : memref<5008x128xf32, #tpu.memory_space<vmem_shared>> -> memref<5008x128xf32, #tpu.memory_space<vmem_shared>>
        tpu.enqueue_indirect_dma source(%arg16 : memref<32x128xf32, #tpu.memory_space<vmem>>) target(%dma_start3A_446 : memref<5008x128xf32, #tpu.memory_space<vmem_shared>>) offsets(%dma_start3A_443 : memref<32xi32, #tpu.memory_space<vmem>>) semaphore(%run_scoped3A : memref<!tpu.dma_semaphore, #tpu.memory_space<semaphore_mem>>) {add = true}
        %dma_wait3A_447 = tpu.memref_slice %arg11[%select_n3A_424, %mul3A_442] : memref<100x128xi32, #tpu.memory_space<vmem>> -> memref<1x32xi32, #tpu.memory_space<vmem>>
        %dma_wait3A_448 = tpu.memref_squeeze %dma_wait3A_447 : memref<1x32xi32, #tpu.memory_space<vmem>> -> memref<32xi32, #tpu.memory_space<vmem>>
        %dma_wait3A_449 = arith.constant 0 : i32
        %dma_wait3A_450 = arith.constant 0 : i32
        %dma_wait3A_451 = tpu.memref_slice %arg17[%dma_wait3A_449, %dma_wait3A_450] : memref<5008x128xf32, #tpu.memory_space<vmem_shared>> -> memref<5008x128xf32, #tpu.memory_space<vmem_shared>>
        tpu.wait_indirect_dma semaphore(%run_scoped3A : memref<!tpu.dma_semaphore, #tpu.memory_space<semaphore_mem>>) src(%arg16 : memref<32x128xf32, #tpu.memory_space<vmem>>) dst(%dma_wait3A_451 : memref<5008x128xf32, #tpu.memory_space<vmem_shared>>)
        tpu.yield
      }) : () -> ()
    }
    %barrier3A_192 = arith.constant 0 : index
    tpu.barrier barrier_id(%barrier3A_192)
    %lt3A_193 = arith.constant 15 : i32
    %lt3A_194 = arith.cmpi slt, %arg1, %lt3A_193 : i32
    %convert_element_type3A_195 = arith.extui %lt3A_194 : i1 to i32
    %cond3A_196 = arith.constant 0 : i32
    %cond3A_197 = arith.cmpi ne, %convert_element_type3A_195, %cond3A_196 : i32
    scf.if %cond3A_197 {
      %mul3A_203 = arith.constant 320 : i32
      %mul3A_204 = arith.muli %arg1, %mul3A_203 : i32
      %mul3A_205 = arith.constant 320 : i32
      %mul3A_206 = arith.muli %arg1, %mul3A_205 : i32
      "tpu.region"() ({
        %run_scoped3A = tpu.sem_alloc : memref<!tpu.dma_semaphore, #tpu.memory_space<semaphore_mem>>
        %dma_start3A = arith.constant 0 : i32
        %dma_start3A_207 = tpu.memref_slice %arg9[%arg0, %mul3A_206, %dma_start3A] : memref<2x5008x128xf32, #tpu.memory_space<hbm>> -> memref<1x320x128xf32, #tpu.memory_space<hbm>>
        %dma_start3A_208 = tpu.memref_squeeze %dma_start3A_207 : memref<1x320x128xf32, #tpu.memory_space<hbm>> -> memref<320x128xf32, #tpu.memory_space<hbm>>
        %dma_start3A_209 = arith.constant 0 : i32
        %dma_start3A_210 = tpu.memref_slice %arg17[%mul3A_204, %dma_start3A_209] : memref<5008x128xf32, #tpu.memory_space<vmem_shared>> -> memref<320x128xf32, #tpu.memory_space<vmem_shared>>
        tpu.enqueue_dma source(%dma_start3A_210 : memref<320x128xf32, #tpu.memory_space<vmem_shared>>) target(%dma_start3A_208 : memref<320x128xf32, #tpu.memory_space<hbm>>) target_semaphore(%run_scoped3A : memref<!tpu.dma_semaphore, #tpu.memory_space<semaphore_mem>>)
        %dma_wait3A = arith.constant 0 : i32
        %dma_wait3A_211 = tpu.memref_slice %arg9[%arg0, %mul3A_206, %dma_wait3A] : memref<2x5008x128xf32, #tpu.memory_space<hbm>> -> memref<1x320x128xf32, #tpu.memory_space<hbm>>
        %dma_wait3A_212 = tpu.memref_squeeze %dma_wait3A_211 : memref<1x320x128xf32, #tpu.memory_space<hbm>> -> memref<320x128xf32, #tpu.memory_space<hbm>>
        %dma_wait3A_213 = arith.constant 0 : i32
        %dma_wait3A_214 = tpu.memref_slice %arg17[%mul3A_204, %dma_wait3A_213] : memref<5008x128xf32, #tpu.memory_space<vmem_shared>> -> memref<320x128xf32, #tpu.memory_space<vmem_shared>>
        tpu.wait_dma2 semaphore(%run_scoped3A : memref<!tpu.dma_semaphore, #tpu.memory_space<semaphore_mem>>) src(%dma_wait3A_214 : memref<320x128xf32, #tpu.memory_space<vmem_shared>>) dst(%dma_wait3A_212 : memref<320x128xf32, #tpu.memory_space<hbm>>)
        tpu.yield
      }) : () -> ()
    } else {
    }
    %eq3A_198 = arith.constant 15 : i32
    %eq3A_199 = arith.cmpi eq, %arg1, %eq3A_198 : i32
    %convert_element_type3A_200 = arith.extui %eq3A_199 : i1 to i32
    %cond3A_201 = arith.constant 0 : i32
    %cond3A_202 = arith.cmpi ne, %convert_element_type3A_200, %cond3A_201 : i32
    scf.if %cond3A_202 {
      "tpu.region"() ({
        %run_scoped3A = tpu.sem_alloc : memref<!tpu.dma_semaphore, #tpu.memory_space<semaphore_mem>>
        %dma_start3A = arith.constant 4800 : i32
        %dma_start3A_203 = arith.constant 0 : i32
        %dma_start3A_204 = tpu.memref_slice %arg9[%arg0, %dma_start3A, %dma_start3A_203] : memref<2x5008x128xf32, #tpu.memory_space<hbm>> -> memref<1x208x128xf32, #tpu.memory_space<hbm>>
        %dma_start3A_205 = tpu.memref_squeeze %dma_start3A_204 : memref<1x208x128xf32, #tpu.memory_space<hbm>> -> memref<208x128xf32, #tpu.memory_space<hbm>>
        %dma_start3A_206 = arith.constant 4800 : i32
        %dma_start3A_207 = arith.constant 0 : i32
        %dma_start3A_208 = tpu.memref_slice %arg17[%dma_start3A_206, %dma_start3A_207] : memref<5008x128xf32, #tpu.memory_space<vmem_shared>> -> memref<208x128xf32, #tpu.memory_space<vmem_shared>>
        tpu.enqueue_dma source(%dma_start3A_208 : memref<208x128xf32, #tpu.memory_space<vmem_shared>>) target(%dma_start3A_205 : memref<208x128xf32, #tpu.memory_space<hbm>>) target_semaphore(%run_scoped3A : memref<!tpu.dma_semaphore, #tpu.memory_space<semaphore_mem>>)
        %dma_wait3A = arith.constant 4800 : i32
        %dma_wait3A_209 = arith.constant 0 : i32
        %dma_wait3A_210 = tpu.memref_slice %arg9[%arg0, %dma_wait3A, %dma_wait3A_209] : memref<2x5008x128xf32, #tpu.memory_space<hbm>> -> memref<1x208x128xf32, #tpu.memory_space<hbm>>
        %dma_wait3A_211 = tpu.memref_squeeze %dma_wait3A_210 : memref<1x208x128xf32, #tpu.memory_space<hbm>> -> memref<208x128xf32, #tpu.memory_space<hbm>>
        %dma_wait3A_212 = arith.constant 4800 : i32
        %dma_wait3A_213 = arith.constant 0 : i32
        %dma_wait3A_214 = tpu.memref_slice %arg17[%dma_wait3A_212, %dma_wait3A_213] : memref<5008x128xf32, #tpu.memory_space<vmem_shared>> -> memref<208x128xf32, #tpu.memory_space<vmem_shared>>
        tpu.wait_dma2 semaphore(%run_scoped3A : memref<!tpu.dma_semaphore, #tpu.memory_space<semaphore_mem>>) src(%dma_wait3A_214 : memref<208x128xf32, #tpu.memory_space<vmem_shared>>) dst(%dma_wait3A_211 : memref<208x128xf32, #tpu.memory_space<hbm>>)
        tpu.yield
      }) : () -> ()
    } else {
    }
    return
  }
}

#map = affine_map<(d0, d1) -> (0, 0)>
#map1 = affine_map<(d0, d1) -> (0)>
#map2 = affine_map<(d0, d1) -> (0, 0, 0)>
module attributes {stable_mosaic.version = 14 : i64} {
  func.func @_sc_scatter(%arg0: i32, %arg1: i32, %arg2: memref<10000x128xf32, #tpu.memory_space<hbm>>, %arg3: memref<409600xi32, #tpu.memory_space<hbm>>, %arg4: memref<409600xi32, #tpu.memory_space<hbm>>, %arg5: memref<32x100x128xi32, #tpu.memory_space<hbm>>, %arg6: memref<32x100x128xi32, #tpu.memory_space<hbm>>, %arg7: memref<512xi32, #tpu.memory_space<hbm>>, %arg8: memref<5008x128xf32, #tpu.memory_space<hbm>>, %arg9: memref<2x5008x128xf32, #tpu.memory_space<hbm>>, %arg10: memref<12800xi32, #tpu.memory_space<vmem>>, %arg11: memref<100x128xi32, #tpu.memory_space<vmem>>, %arg12: memref<16xi32, #tpu.memory_space<vmem>>, %arg13: memref<32x128xf32, #tpu.memory_space<vmem>>, %arg14: memref<32x128xf32, #tpu.memory_space<vmem>>, %arg15: memref<32x128xf32, #tpu.memory_space<vmem>>, %arg16: memref<32x128xf32, #tpu.memory_space<vmem>>, %arg17: memref<5008x128xf32, #tpu.memory_space<vmem_shared>>, %arg18: memref<!tpu.dma_semaphore, #tpu.memory_space<semaphore_mem>>, %arg19: memref<!tpu.dma_semaphore, #tpu.memory_space<semaphore_mem>>, %arg20: memref<!tpu.dma_semaphore, #tpu.memory_space<semaphore_mem>>, %arg21: memref<!tpu.dma_semaphore, #tpu.memory_space<semaphore_mem>>) attributes {dimension_semantics = [#tpu.dimension_semantics<core_parallel>, #tpu.dimension_semantics<subcore_parallel>], iteration_bounds = array<i64: 2, 16>, scalar_prefetch = 0 : i64, scratch_operands = 12 : i64, tpu.core_type = #tpu.core_type<sc_vector_subcore>, window_params = [{transform_indices = #map}, {transform_indices = #map1}, {transform_indices = #map1}, {transform_indices = #map2}, {transform_indices = #map2}, {transform_indices = #map1}, {transform_indices = #map}, {transform_indices = #map2}]} {
    %lt3A = arith.constant 15 : i32
    %lt3A_0 = arith.cmpi slt, %arg1, %lt3A : i32
    %convert_element_type3A = arith.extui %lt3A_0 : i1 to i32
    %cond3A = arith.constant 0 : i32
    %cond3A_1 = arith.cmpi ne, %convert_element_type3A, %cond3A : i32
    scf.if %cond3A_1 {
      %mul3A_203 = arith.constant 320 : i32
      %mul3A_204 = arith.muli %arg1, %mul3A_203 : i32
      %mul3A_205 = arith.constant 320 : i32
      %mul3A_206 = arith.muli %arg1, %mul3A_205 : i32
      "tpu.region"() ({
        %run_scoped3A = tpu.sem_alloc : memref<!tpu.dma_semaphore, #tpu.memory_space<semaphore_mem>>
        %dma_start3A = arith.constant 0 : i32
        %dma_start3A_207 = tpu.memref_slice %arg17[%mul3A_206, %dma_start3A] : memref<5008x128xf32, #tpu.memory_space<vmem_shared>> -> memref<320x128xf32, #tpu.memory_space<vmem_shared>>
        %dma_start3A_208 = arith.constant 0 : i32
        %dma_start3A_209 = tpu.memref_slice %arg8[%mul3A_204, %dma_start3A_208] : memref<5008x128xf32, #tpu.memory_space<hbm>> -> memref<320x128xf32, #tpu.memory_space<hbm>>
        tpu.enqueue_dma source(%dma_start3A_209 : memref<320x128xf32, #tpu.memory_space<hbm>>) target(%dma_start3A_207 : memref<320x128xf32, #tpu.memory_space<vmem_shared>>) target_semaphore(%run_scoped3A : memref<!tpu.dma_semaphore, #tpu.memory_space<semaphore_mem>>)
        %dma_wait3A = arith.constant 0 : i32
        %dma_wait3A_210 = tpu.memref_slice %arg17[%mul3A_206, %dma_wait3A] : memref<5008x128xf32, #tpu.memory_space<vmem_shared>> -> memref<320x128xf32, #tpu.memory_space<vmem_shared>>
        %dma_wait3A_211 = arith.constant 0 : i32
        %dma_wait3A_212 = tpu.memref_slice %arg8[%mul3A_204, %dma_wait3A_211] : memref<5008x128xf32, #tpu.memory_space<hbm>> -> memref<320x128xf32, #tpu.memory_space<hbm>>
        tpu.wait_dma2 semaphore(%run_scoped3A : memref<!tpu.dma_semaphore, #tpu.memory_space<semaphore_mem>>) src(%dma_wait3A_212 : memref<320x128xf32, #tpu.memory_space<hbm>>) dst(%dma_wait3A_210 : memref<320x128xf32, #tpu.memory_space<vmem_shared>>)
        tpu.yield
      }) : () -> ()
    } else {
    }
    %eq3A = arith.constant 15 : i32
    %eq3A_2 = arith.cmpi eq, %arg1, %eq3A : i32
    %convert_element_type3A_3 = arith.extui %eq3A_2 : i1 to i32
    %cond3A_4 = arith.constant 0 : i32
    %cond3A_5 = arith.cmpi ne, %convert_element_type3A_3, %cond3A_4 : i32
    scf.if %cond3A_5 {
      "tpu.region"() ({
        %run_scoped3A = tpu.sem_alloc : memref<!tpu.dma_semaphore, #tpu.memory_space<semaphore_mem>>
        %dma_start3A = arith.constant 4800 : i32
        %dma_start3A_203 = arith.constant 0 : i32
        %dma_start3A_204 = tpu.memref_slice %arg17[%dma_start3A, %dma_start3A_203] : memref<5008x128xf32, #tpu.memory_space<vmem_shared>> -> memref<208x128xf32, #tpu.memory_space<vmem_shared>>
        %dma_start3A_205 = arith.constant 4800 : i32
        %dma_start3A_206 = arith.constant 0 : i32
        %dma_start3A_207 = tpu.memref_slice %arg8[%dma_start3A_205, %dma_start3A_206] : memref<5008x128xf32, #tpu.memory_space<hbm>> -> memref<208x128xf32, #tpu.memory_space<hbm>>
        tpu.enqueue_dma source(%dma_start3A_207 : memref<208x128xf32, #tpu.memory_space<hbm>>) target(%dma_start3A_204 : memref<208x128xf32, #tpu.memory_space<vmem_shared>>) target_semaphore(%run_scoped3A : memref<!tpu.dma_semaphore, #tpu.memory_space<semaphore_mem>>)
        %dma_wait3A = arith.constant 4800 : i32
        %dma_wait3A_208 = arith.constant 0 : i32
        %dma_wait3A_209 = tpu.memref_slice %arg17[%dma_wait3A, %dma_wait3A_208] : memref<5008x128xf32, #tpu.memory_space<vmem_shared>> -> memref<208x128xf32, #tpu.memory_space<vmem_shared>>
        %dma_wait3A_210 = arith.constant 4800 : i32
        %dma_wait3A_211 = arith.constant 0 : i32
        %dma_wait3A_212 = tpu.memref_slice %arg8[%dma_wait3A_210, %dma_wait3A_211] : memref<5008x128xf32, #tpu.memory_space<hbm>> -> memref<208x128xf32, #tpu.memory_space<hbm>>
        tpu.wait_dma2 semaphore(%run_scoped3A : memref<!tpu.dma_semaphore, #tpu.memory_space<semaphore_mem>>) src(%dma_wait3A_212 : memref<208x128xf32, #tpu.memory_space<hbm>>) dst(%dma_wait3A_209 : memref<208x128xf32, #tpu.memory_space<vmem_shared>>)
        tpu.yield
      }) : () -> ()
    } else {
    }
    %barrier3A = arith.constant 0 : index
    tpu.barrier barrier_id(%barrier3A)
    %mul3A = arith.constant 2 : i32
    %mul3A_6 = arith.muli %mul3A, %arg1 : i32
    %add3A = arith.constant 0 : i32
    %add3A_7 = arith.addi %mul3A_6, %add3A : i32
    %eq3A_8 = arith.constant 0 : i32
    %eq3A_9 = arith.cmpi eq, %arg0, %eq3A_8 : i32
    %convert_element_type3A_10 = arith.extui %eq3A_9 : i1 to i32
    %cond3A_11 = arith.constant 0 : i32
    %cond3A_12 = arith.cmpi ne, %convert_element_type3A_10, %cond3A_11 : i32
    scf.if %cond3A_12 {
      %mul3A_203 = arith.constant 12800 : i32
      %mul3A_204 = arith.muli %add3A_7, %mul3A_203 : i32
      "tpu.region"() ({
        %run_scoped3A = tpu.sem_alloc : memref<!tpu.dma_semaphore, #tpu.memory_space<semaphore_mem>>
        %dma_start3A = tpu.memref_slice %arg3[%mul3A_204] : memref<409600xi32, #tpu.memory_space<hbm>> -> memref<12800xi32, #tpu.memory_space<hbm>>
        %dma_start3A_205 = tpu.memref_slice %arg3[%mul3A_204] : memref<409600xi32, #tpu.memory_space<hbm>> -> memref<12800xi32, #tpu.memory_space<hbm>>
        tpu.enqueue_dma source(%dma_start3A_205 : memref<12800xi32, #tpu.memory_space<hbm>>) target(%arg10 : memref<12800xi32, #tpu.memory_space<vmem>>) target_semaphore(%run_scoped3A : memref<!tpu.dma_semaphore, #tpu.memory_space<semaphore_mem>>)
        %dma_wait3A = tpu.memref_slice %arg3[%mul3A_204] : memref<409600xi32, #tpu.memory_space<hbm>> -> memref<12800xi32, #tpu.memory_space<hbm>>
        %dma_wait3A_206 = tpu.memref_slice %arg3[%mul3A_204] : memref<409600xi32, #tpu.memory_space<hbm>> -> memref<12800xi32, #tpu.memory_space<hbm>>
        tpu.wait_dma2 semaphore(%run_scoped3A : memref<!tpu.dma_semaphore, #tpu.memory_space<semaphore_mem>>) src(%dma_wait3A_206 : memref<12800xi32, #tpu.memory_space<hbm>>) dst(%arg10 : memref<12800xi32, #tpu.memory_space<vmem>>)
        tpu.yield
      }) : () -> ()
      "tpu.region"() ({
        %run_scoped3A = tpu.sem_alloc : memref<!tpu.dma_semaphore, #tpu.memory_space<semaphore_mem>>
        %dma_start3A = arith.constant 0 : i32
        %dma_start3A_205 = arith.constant 0 : i32
        %dma_start3A_206 = tpu.memref_slice %arg5[%add3A_7, %dma_start3A, %dma_start3A_205] : memref<32x100x128xi32, #tpu.memory_space<hbm>> -> memref<1x100x128xi32, #tpu.memory_space<hbm>>
        %dma_start3A_207 = tpu.memref_squeeze %dma_start3A_206 : memref<1x100x128xi32, #tpu.memory_space<hbm>> -> memref<100x128xi32, #tpu.memory_space<hbm>>
        %dma_start3A_208 = arith.constant 0 : i32
        %dma_start3A_209 = arith.constant 0 : i32
        %dma_start3A_210 = tpu.memref_slice %arg5[%add3A_7, %dma_start3A_208, %dma_start3A_209] : memref<32x100x128xi32, #tpu.memory_space<hbm>> -> memref<1x100x128xi32, #tpu.memory_space<hbm>>
        %dma_start3A_211 = tpu.memref_squeeze %dma_start3A_210 : memref<1x100x128xi32, #tpu.memory_space<hbm>> -> memref<100x128xi32, #tpu.memory_space<hbm>>
        tpu.enqueue_dma source(%dma_start3A_211 : memref<100x128xi32, #tpu.memory_space<hbm>>) target(%arg11 : memref<100x128xi32, #tpu.memory_space<vmem>>) target_semaphore(%run_scoped3A : memref<!tpu.dma_semaphore, #tpu.memory_space<semaphore_mem>>)
        %dma_wait3A = arith.constant 0 : i32
        %dma_wait3A_212 = arith.constant 0 : i32
        %dma_wait3A_213 = tpu.memref_slice %arg5[%add3A_7, %dma_wait3A, %dma_wait3A_212] : memref<32x100x128xi32, #tpu.memory_space<hbm>> -> memref<1x100x128xi32, #tpu.memory_space<hbm>>
        %dma_wait3A_214 = tpu.memref_squeeze %dma_wait3A_213 : memref<1x100x128xi32, #tpu.memory_space<hbm>> -> memref<100x128xi32, #tpu.memory_space<hbm>>
        %dma_wait3A_215 = arith.constant 0 : i32
        %dma_wait3A_216 = arith.constant 0 : i32
        %dma_wait3A_217 = tpu.memref_slice %arg5[%add3A_7, %dma_wait3A_215, %dma_wait3A_216] : memref<32x100x128xi32, #tpu.memory_space<hbm>> -> memref<1x100x128xi32, #tpu.memory_space<hbm>>
        %dma_wait3A_218 = tpu.memref_squeeze %dma_wait3A_217 : memref<1x100x128xi32, #tpu.memory_space<hbm>> -> memref<100x128xi32, #tpu.memory_space<hbm>>
        tpu.wait_dma2 semaphore(%run_scoped3A : memref<!tpu.dma_semaphore, #tpu.memory_space<semaphore_mem>>) src(%dma_wait3A_218 : memref<100x128xi32, #tpu.memory_space<hbm>>) dst(%arg11 : memref<100x128xi32, #tpu.memory_space<vmem>>)
        tpu.yield
      }) : () -> ()
    } else {
    }
    %eq3A_13 = arith.constant 1 : i32
    %eq3A_14 = arith.cmpi eq, %arg0, %eq3A_13 : i32
    %convert_element_type3A_15 = arith.extui %eq3A_14 : i1 to i32
    %cond3A_16 = arith.constant 0 : i32
    %cond3A_17 = arith.cmpi ne, %convert_element_type3A_15, %cond3A_16 : i32
    scf.if %cond3A_17 {
      %mul3A_203 = arith.constant 12800 : i32
      %mul3A_204 = arith.muli %add3A_7, %mul3A_203 : i32
      "tpu.region"() ({
        %run_scoped3A = tpu.sem_alloc : memref<!tpu.dma_semaphore, #tpu.memory_space<semaphore_mem>>
        %dma_start3A = tpu.memref_slice %arg4[%mul3A_204] : memref<409600xi32, #tpu.memory_space<hbm>> -> memref<12800xi32, #tpu.memory_space<hbm>>
        %dma_start3A_205 = tpu.memref_slice %arg4[%mul3A_204] : memref<409600xi32, #tpu.memory_space<hbm>> -> memref<12800xi32, #tpu.memory_space<hbm>>
        tpu.enqueue_dma source(%dma_start3A_205 : memref<12800xi32, #tpu.memory_space<hbm>>) target(%arg10 : memref<12800xi32, #tpu.memory_space<vmem>>) target_semaphore(%run_scoped3A : memref<!tpu.dma_semaphore, #tpu.memory_space<semaphore_mem>>)
        %dma_wait3A = tpu.memref_slice %arg4[%mul3A_204] : memref<409600xi32, #tpu.memory_space<hbm>> -> memref<12800xi32, #tpu.memory_space<hbm>>
        %dma_wait3A_206 = tpu.memref_slice %arg4[%mul3A_204] : memref<409600xi32, #tpu.memory_space<hbm>> -> memref<12800xi32, #tpu.memory_space<hbm>>
        tpu.wait_dma2 semaphore(%run_scoped3A : memref<!tpu.dma_semaphore, #tpu.memory_space<semaphore_mem>>) src(%dma_wait3A_206 : memref<12800xi32, #tpu.memory_space<hbm>>) dst(%arg10 : memref<12800xi32, #tpu.memory_space<vmem>>)
        tpu.yield
      }) : () -> ()
      "tpu.region"() ({
        %run_scoped3A = tpu.sem_alloc : memref<!tpu.dma_semaphore, #tpu.memory_space<semaphore_mem>>
        %dma_start3A = arith.constant 0 : i32
        %dma_start3A_205 = arith.constant 0 : i32
        %dma_start3A_206 = tpu.memref_slice %arg6[%add3A_7, %dma_start3A, %dma_start3A_205] : memref<32x100x128xi32, #tpu.memory_space<hbm>> -> memref<1x100x128xi32, #tpu.memory_space<hbm>>
        %dma_start3A_207 = tpu.memref_squeeze %dma_start3A_206 : memref<1x100x128xi32, #tpu.memory_space<hbm>> -> memref<100x128xi32, #tpu.memory_space<hbm>>
        %dma_start3A_208 = arith.constant 0 : i32
        %dma_start3A_209 = arith.constant 0 : i32
        %dma_start3A_210 = tpu.memref_slice %arg6[%add3A_7, %dma_start3A_208, %dma_start3A_209] : memref<32x100x128xi32, #tpu.memory_space<hbm>> -> memref<1x100x128xi32, #tpu.memory_space<hbm>>
        %dma_start3A_211 = tpu.memref_squeeze %dma_start3A_210 : memref<1x100x128xi32, #tpu.memory_space<hbm>> -> memref<100x128xi32, #tpu.memory_space<hbm>>
        tpu.enqueue_dma source(%dma_start3A_211 : memref<100x128xi32, #tpu.memory_space<hbm>>) target(%arg11 : memref<100x128xi32, #tpu.memory_space<vmem>>) target_semaphore(%run_scoped3A : memref<!tpu.dma_semaphore, #tpu.memory_space<semaphore_mem>>)
        %dma_wait3A = arith.constant 0 : i32
        %dma_wait3A_212 = arith.constant 0 : i32
        %dma_wait3A_213 = tpu.memref_slice %arg6[%add3A_7, %dma_wait3A, %dma_wait3A_212] : memref<32x100x128xi32, #tpu.memory_space<hbm>> -> memref<1x100x128xi32, #tpu.memory_space<hbm>>
        %dma_wait3A_214 = tpu.memref_squeeze %dma_wait3A_213 : memref<1x100x128xi32, #tpu.memory_space<hbm>> -> memref<100x128xi32, #tpu.memory_space<hbm>>
        %dma_wait3A_215 = arith.constant 0 : i32
        %dma_wait3A_216 = arith.constant 0 : i32
        %dma_wait3A_217 = tpu.memref_slice %arg6[%add3A_7, %dma_wait3A_215, %dma_wait3A_216] : memref<32x100x128xi32, #tpu.memory_space<hbm>> -> memref<1x100x128xi32, #tpu.memory_space<hbm>>
        %dma_wait3A_218 = tpu.memref_squeeze %dma_wait3A_217 : memref<1x100x128xi32, #tpu.memory_space<hbm>> -> memref<100x128xi32, #tpu.memory_space<hbm>>
        tpu.wait_dma2 semaphore(%run_scoped3A : memref<!tpu.dma_semaphore, #tpu.memory_space<semaphore_mem>>) src(%dma_wait3A_218 : memref<100x128xi32, #tpu.memory_space<hbm>>) dst(%arg11 : memref<100x128xi32, #tpu.memory_space<vmem>>)
        tpu.yield
      }) : () -> ()
    } else {
    }
    %mul3A_18 = arith.constant 16 : i32
    %mul3A_19 = arith.muli %add3A_7, %mul3A_18 : i32
    "tpu.region"() ({
      %run_scoped3A = tpu.sem_alloc : memref<!tpu.dma_semaphore, #tpu.memory_space<semaphore_mem>>
      %dma_start3A = tpu.memref_slice %arg7[%mul3A_19] : memref<512xi32, #tpu.memory_space<hbm>> -> memref<16xi32, #tpu.memory_space<hbm>>
      %dma_start3A_203 = tpu.memref_slice %arg7[%mul3A_19] : memref<512xi32, #tpu.memory_space<hbm>> -> memref<16xi32, #tpu.memory_space<hbm>>
      tpu.enqueue_dma source(%dma_start3A_203 : memref<16xi32, #tpu.memory_space<hbm>>) target(%arg12 : memref<16xi32, #tpu.memory_space<vmem>>) target_semaphore(%run_scoped3A : memref<!tpu.dma_semaphore, #tpu.memory_space<semaphore_mem>>)
      %dma_wait3A = tpu.memref_slice %arg7[%mul3A_19] : memref<512xi32, #tpu.memory_space<hbm>> -> memref<16xi32, #tpu.memory_space<hbm>>
      %dma_wait3A_204 = tpu.memref_slice %arg7[%mul3A_19] : memref<512xi32, #tpu.memory_space<hbm>> -> memref<16xi32, #tpu.memory_space<hbm>>
      tpu.wait_dma2 semaphore(%run_scoped3A : memref<!tpu.dma_semaphore, #tpu.memory_space<semaphore_mem>>) src(%dma_wait3A_204 : memref<16xi32, #tpu.memory_space<hbm>>) dst(%arg12 : memref<16xi32, #tpu.memory_space<vmem>>)
      tpu.yield
    }) : () -> ()
    %iota3A = tpu.iota {dimensions = array<i32: 0>} : vector<16xi32>
    %eq3A_20 = vector.broadcast %arg0 : i32 to vector<16xi32>
    %eq3A_21 = arith.cmpi eq, %iota3A, %eq3A_20 : vector<16xi32>
    %get3A = arith.constant 0 : index
    %get3A_22 = tpu.vector_load %arg12[%get3A] {strides = array<i32>} : memref<16xi32, #tpu.memory_space<vmem>>, vector<16xi32>,
    %jit3A = arith.constant 0 : i32
    %broadcast_in_dim3A = vector.broadcast %jit3A : i32 to vector<16xi32>
    %select_n3A = arith.select %eq3A_21, %get3A_22, %broadcast_in_dim3A : vector<16xi1>, vector<16xi32>
    %reduce_sum3A = arith.constant true
    %reduce_sum3A_23 = vector.broadcast %reduce_sum3A : i1 to vector<16xi1>
    %reduce_sum3A_24 = tpu.scan <sum>, %select_n3A masked %reduce_sum3A_23 : vector<16xi32>, vector<16xi1> -> vector<16xi32>
    %reduce_sum3A_25 = vector.extract %reduce_sum3A_24[15] : i32 from vector<16xi32>
    %jit3A_26 = arith.constant 32 : i32
    %div3A = arith.divsi %reduce_sum3A_25, %jit3A_26 : i32
    %sign3A = arith.constant 0 : i32
    %sign3A_27 = arith.cmpi sgt, %reduce_sum3A_25, %sign3A : i32
    %sign3A_28 = arith.extui %sign3A_27 : i1 to i32
    %sign3A_29 = arith.constant 0 : i32
    %sign3A_30 = arith.cmpi slt, %reduce_sum3A_25, %sign3A_29 : i32
    %sign3A_31 = arith.extui %sign3A_30 : i1 to i32
    %sign3A_32 = arith.subi %sign3A_28, %sign3A_31 : i32
    %sign3A_33 = arith.constant 0 : i32
    %sign3A_34 = arith.cmpi sgt, %jit3A_26, %sign3A_33 : i32
    %sign3A_35 = arith.extui %sign3A_34 : i1 to i32
    %sign3A_36 = arith.constant 0 : i32
    %sign3A_37 = arith.cmpi slt, %jit3A_26, %sign3A_36 : i32
    %sign3A_38 = arith.extui %sign3A_37 : i1 to i32
    %sign3A_39 = arith.subi %sign3A_35, %sign3A_38 : i32
    %ne3A = arith.cmpi ne, %sign3A_32, %sign3A_39 : i32
    %rem3A = arith.remsi %reduce_sum3A_25, %jit3A_26 : i32
    %ne3A_40 = arith.constant 0 : i32
    %ne3A_41 = arith.cmpi ne, %rem3A, %ne3A_40 : i32
    %and3A = arith.andi %ne3A, %ne3A_41 : i1
    %sub3A = arith.constant 1 : i32
    %sub3A_42 = arith.subi %div3A, %sub3A : i32
    %select_n3A_43 = arith.select %and3A, %sub3A_42, %div3A : i32
    %jit3A_44 = arith.constant 128 : i32
    %div3A_45 = arith.divsi %reduce_sum3A_25, %jit3A_44 : i32
    %sign3A_46 = arith.constant 0 : i32
    %sign3A_47 = arith.cmpi sgt, %reduce_sum3A_25, %sign3A_46 : i32
    %sign3A_48 = arith.extui %sign3A_47 : i1 to i32
    %sign3A_49 = arith.constant 0 : i32
    %sign3A_50 = arith.cmpi slt, %reduce_sum3A_25, %sign3A_49 : i32
    %sign3A_51 = arith.extui %sign3A_50 : i1 to i32
    %sign3A_52 = arith.subi %sign3A_48, %sign3A_51 : i32
    %sign3A_53 = arith.constant 0 : i32
    %sign3A_54 = arith.cmpi sgt, %jit3A_44, %sign3A_53 : i32
    %sign3A_55 = arith.extui %sign3A_54 : i1 to i32
    %sign3A_56 = arith.constant 0 : i32
    %sign3A_57 = arith.cmpi slt, %jit3A_44, %sign3A_56 : i32
    %sign3A_58 = arith.extui %sign3A_57 : i1 to i32
    %sign3A_59 = arith.subi %sign3A_55, %sign3A_58 : i32
    %ne3A_60 = arith.cmpi ne, %sign3A_52, %sign3A_59 : i32
    %rem3A_61 = arith.remsi %reduce_sum3A_25, %jit3A_44 : i32
    %ne3A_62 = arith.constant 0 : i32
    %ne3A_63 = arith.cmpi ne, %rem3A_61, %ne3A_62 : i32
    %and3A_64 = arith.andi %ne3A_60, %ne3A_63 : i1
    %sub3A_65 = arith.constant 1 : i32
    %sub3A_66 = arith.subi %div3A_45, %sub3A_65 : i32
    %select_n3A_67 = arith.select %and3A_64, %sub3A_66, %div3A_45 : i32
    %gt3A = arith.constant 0 : i32
    %gt3A_68 = arith.cmpi sgt, %select_n3A_43, %gt3A : i32
    %convert_element_type3A_69 = arith.extui %gt3A_68 : i1 to i32
    %cond3A_70 = arith.constant 0 : i32
    %cond3A_71 = arith.cmpi ne, %convert_element_type3A_69, %cond3A_70 : i32
    scf.if %cond3A_71 {
      %dma_start3A = arith.constant 0 : i32
      %dma_start3A_203 = tpu.memref_slice %arg10[%dma_start3A] : memref<12800xi32, #tpu.memory_space<vmem>> -> memref<32xi32, #tpu.memory_space<vmem>>
      %dma_start3A_204 = arith.constant 0 : i32
      %dma_start3A_205 = arith.constant 0 : i32
      %dma_start3A_206 = tpu.memref_slice %arg2[%dma_start3A_204, %dma_start3A_205] : memref<10000x128xf32, #tpu.memory_space<hbm>> -> memref<10000x128xf32, #tpu.memory_space<hbm>>
      tpu.enqueue_indirect_dma source(%dma_start3A_206 : memref<10000x128xf32, #tpu.memory_space<hbm>>) target(%arg13 : memref<32x128xf32, #tpu.memory_space<vmem>>) offsets(%dma_start3A_203 : memref<32xi32, #tpu.memory_space<vmem>>) semaphore(%arg18 : memref<!tpu.dma_semaphore, #tpu.memory_space<semaphore_mem>>)
    } else {
    }
    %gt3A_72 = arith.constant 1 : i32
    %gt3A_73 = arith.cmpi sgt, %select_n3A_43, %gt3A_72 : i32
    %convert_element_type3A_74 = arith.extui %gt3A_73 : i1 to i32
    %cond3A_75 = arith.constant 0 : i32
    %cond3A_76 = arith.cmpi ne, %convert_element_type3A_74, %cond3A_75 : i32
    scf.if %cond3A_76 {
      %dma_start3A = arith.constant 32 : i32
      %dma_start3A_203 = tpu.memref_slice %arg10[%dma_start3A] : memref<12800xi32, #tpu.memory_space<vmem>> -> memref<32xi32, #tpu.memory_space<vmem>>
      %dma_start3A_204 = arith.constant 0 : i32
      %dma_start3A_205 = arith.constant 0 : i32
      %dma_start3A_206 = tpu.memref_slice %arg2[%dma_start3A_204, %dma_start3A_205] : memref<10000x128xf32, #tpu.memory_space<hbm>> -> memref<10000x128xf32, #tpu.memory_space<hbm>>
      tpu.enqueue_indirect_dma source(%dma_start3A_206 : memref<10000x128xf32, #tpu.memory_space<hbm>>) target(%arg14 : memref<32x128xf32, #tpu.memory_space<vmem>>) offsets(%dma_start3A_203 : memref<32xi32, #tpu.memory_space<vmem>>) semaphore(%arg19 : memref<!tpu.dma_semaphore, #tpu.memory_space<semaphore_mem>>)
    } else {
    }
    %gt3A_77 = arith.constant 2 : i32
    %gt3A_78 = arith.cmpi sgt, %select_n3A_43, %gt3A_77 : i32
    %convert_element_type3A_79 = arith.extui %gt3A_78 : i1 to i32
    %cond3A_80 = arith.constant 0 : i32
    %cond3A_81 = arith.cmpi ne, %convert_element_type3A_79, %cond3A_80 : i32
    scf.if %cond3A_81 {
      %dma_start3A = arith.constant 64 : i32
      %dma_start3A_203 = tpu.memref_slice %arg10[%dma_start3A] : memref<12800xi32, #tpu.memory_space<vmem>> -> memref<32xi32, #tpu.memory_space<vmem>>
      %dma_start3A_204 = arith.constant 0 : i32
      %dma_start3A_205 = arith.constant 0 : i32
      %dma_start3A_206 = tpu.memref_slice %arg2[%dma_start3A_204, %dma_start3A_205] : memref<10000x128xf32, #tpu.memory_space<hbm>> -> memref<10000x128xf32, #tpu.memory_space<hbm>>
      tpu.enqueue_indirect_dma source(%dma_start3A_206 : memref<10000x128xf32, #tpu.memory_space<hbm>>) target(%arg15 : memref<32x128xf32, #tpu.memory_space<vmem>>) offsets(%dma_start3A_203 : memref<32xi32, #tpu.memory_space<vmem>>) semaphore(%arg20 : memref<!tpu.dma_semaphore, #tpu.memory_space<semaphore_mem>>)
    } else {
    }
    %while3A = arith.constant 0 : i32
    %while3A_82 = arith.constant 0 : i32
    %while3A_83 = arith.subi %select_n3A_67, %while3A_82 : i32
    %while3A_84 = arith.addi %while3A_82, %while3A_83 : i32
    %while3A_85 = arith.constant 1 : i32
    %while3A_86 = arith.divsi %while3A_83, %while3A_85 : i32
    %while3A_87 = arith.muli %while3A_86, %while3A_85 : i32
    %while3A_88 = arith.addi %while3A_82, %while3A_87 : i32
    %while3A_89 = arith.constant 1 : i32
    scf.for %while3A_203 = %while3A_82 to %while3A_88 step %while3A_89  : i32 {
      %mul3A_204 = arith.constant 4 : i32
      %mul3A_205 = arith.muli %mul3A_204, %while3A_203 : i32
      %add3A_206 = arith.constant 0 : i32
      %add3A_207 = arith.addi %mul3A_205, %add3A_206 : i32
      %add3A_208 = arith.constant 4 : i32
      %add3A_209 = arith.addi %add3A_207, %add3A_208 : i32
      %sub3A_210 = arith.constant 1 : i32
      %sub3A_211 = arith.subi %add3A_209, %sub3A_210 : i32
      %lt3A_212 = arith.cmpi slt, %sub3A_211, %select_n3A_43 : i32
      %convert_element_type3A_213 = arith.extui %lt3A_212 : i1 to i32
      %cond3A_214 = arith.constant 0 : i32
      %cond3A_215 = arith.cmpi ne, %convert_element_type3A_213, %cond3A_214 : i32
      scf.if %cond3A_215 {
        %mul3A_443 = arith.constant 32 : i32
        %mul3A_444 = arith.muli %sub3A_211, %mul3A_443 : i32
        %dma_start3A = tpu.memref_slice %arg10[%mul3A_444] : memref<12800xi32, #tpu.memory_space<vmem>> -> memref<32xi32, #tpu.memory_space<vmem>>
        %dma_start3A_445 = arith.constant 0 : i32
        %dma_start3A_446 = arith.constant 0 : i32
        %dma_start3A_447 = tpu.memref_slice %arg2[%dma_start3A_445, %dma_start3A_446] : memref<10000x128xf32, #tpu.memory_space<hbm>> -> memref<10000x128xf32, #tpu.memory_space<hbm>>
        tpu.enqueue_indirect_dma source(%dma_start3A_447 : memref<10000x128xf32, #tpu.memory_space<hbm>>) target(%arg16 : memref<32x128xf32, #tpu.memory_space<vmem>>) offsets(%dma_start3A : memref<32xi32, #tpu.memory_space<vmem>>) semaphore(%arg21 : memref<!tpu.dma_semaphore, #tpu.memory_space<semaphore_mem>>)
      } else {
      }
      %mul3A_216 = arith.constant 32 : i32
      %mul3A_217 = arith.muli %add3A_207, %mul3A_216 : i32
      %dma_wait3A = tpu.memref_slice %arg10[%mul3A_217] : memref<12800xi32, #tpu.memory_space<vmem>> -> memref<32xi32, #tpu.memory_space<vmem>>
      %dma_wait3A_218 = arith.constant 0 : i32
      %dma_wait3A_219 = arith.constant 0 : i32
      %dma_wait3A_220 = tpu.memref_slice %arg2[%dma_wait3A_218, %dma_wait3A_219] : memref<10000x128xf32, #tpu.memory_space<hbm>> -> memref<10000x128xf32, #tpu.memory_space<hbm>>
      tpu.wait_indirect_dma semaphore(%arg18 : memref<!tpu.dma_semaphore, #tpu.memory_space<semaphore_mem>>) src(%dma_wait3A_220 : memref<10000x128xf32, #tpu.memory_space<hbm>>) dst(%arg13 : memref<32x128xf32, #tpu.memory_space<vmem>>)
      %jit3A_221 = arith.constant 4 : i32
      %div3A_222 = arith.divsi %add3A_207, %jit3A_221 : i32
      %sign3A_223 = arith.constant 0 : i32
      %sign3A_224 = arith.cmpi sgt, %add3A_207, %sign3A_223 : i32
      %sign3A_225 = arith.extui %sign3A_224 : i1 to i32
      %sign3A_226 = arith.constant 0 : i32
      %sign3A_227 = arith.cmpi slt, %add3A_207, %sign3A_226 : i32
      %sign3A_228 = arith.extui %sign3A_227 : i1 to i32
      %sign3A_229 = arith.subi %sign3A_225, %sign3A_228 : i32
      %sign3A_230 = arith.constant 0 : i32
      %sign3A_231 = arith.cmpi sgt, %jit3A_221, %sign3A_230 : i32
      %sign3A_232 = arith.extui %sign3A_231 : i1 to i32
      %sign3A_233 = arith.constant 0 : i32
      %sign3A_234 = arith.cmpi slt, %jit3A_221, %sign3A_233 : i32
      %sign3A_235 = arith.extui %sign3A_234 : i1 to i32
      %sign3A_236 = arith.subi %sign3A_232, %sign3A_235 : i32
      %ne3A_237 = arith.cmpi ne, %sign3A_229, %sign3A_236 : i32
      %rem3A_238 = arith.remsi %add3A_207, %jit3A_221 : i32
      %ne3A_239 = arith.constant 0 : i32
      %ne3A_240 = arith.cmpi ne, %rem3A_238, %ne3A_239 : i32
      %and3A_241 = arith.andi %ne3A_237, %ne3A_240 : i1
      %sub3A_242 = arith.constant 1 : i32
      %sub3A_243 = arith.subi %div3A_222, %sub3A_242 : i32
      %select_n3A_244 = arith.select %and3A_241, %sub3A_243, %div3A_222 : i32
      %jit3A_245 = arith.constant 4 : i32
      %eq3A_246 = arith.constant 0 : i32
      %eq3A_247 = arith.cmpi eq, %jit3A_245, %eq3A_246 : i32
      %jit3A_248 = arith.constant 1 : i32
      %select_n3A_249 = arith.select %eq3A_247, %jit3A_248, %jit3A_245 : i32
      %rem3A_250 = arith.remsi %add3A_207, %select_n3A_249 : i32
      %ne3A_251 = arith.constant 0 : i32
      %ne3A_252 = arith.cmpi ne, %rem3A_250, %ne3A_251 : i32
      %lt3A_253 = arith.constant 0 : i32
      %lt3A_254 = arith.cmpi slt, %rem3A_250, %lt3A_253 : i32
      %lt3A_255 = arith.constant 0 : i32
      %lt3A_256 = arith.cmpi slt, %select_n3A_249, %lt3A_255 : i32
      %ne3A_257 = arith.xori %lt3A_254, %lt3A_256 : i1
      %and3A_258 = arith.andi %ne3A_257, %ne3A_252 : i1
      %add3A_259 = arith.addi %rem3A_250, %select_n3A_249 : i32
      %select_n3A_260 = arith.select %and3A_258, %add3A_259, %rem3A_250 : i32
      %mul3A_261 = arith.constant 32 : i32
      %mul3A_262 = arith.muli %select_n3A_260, %mul3A_261 : i32
      "tpu.region"() ({
        %run_scoped3A = tpu.sem_alloc : memref<!tpu.dma_semaphore, #tpu.memory_space<semaphore_mem>>
        %dma_start3A = tpu.memref_slice %arg11[%select_n3A_244, %mul3A_262] : memref<100x128xi32, #tpu.memory_space<vmem>> -> memref<1x32xi32, #tpu.memory_space<vmem>>
        %dma_start3A_443 = tpu.memref_squeeze %dma_start3A : memref<1x32xi32, #tpu.memory_space<vmem>> -> memref<32xi32, #tpu.memory_space<vmem>>
        %dma_start3A_444 = arith.constant 0 : i32
        %dma_start3A_445 = arith.constant 0 : i32
        %dma_start3A_446 = tpu.memref_slice %arg17[%dma_start3A_444, %dma_start3A_445] : memref<5008x128xf32, #tpu.memory_space<vmem_shared>> -> memref<5008x128xf32, #tpu.memory_space<vmem_shared>>
        tpu.enqueue_indirect_dma source(%arg13 : memref<32x128xf32, #tpu.memory_space<vmem>>) target(%dma_start3A_446 : memref<5008x128xf32, #tpu.memory_space<vmem_shared>>) offsets(%dma_start3A_443 : memref<32xi32, #tpu.memory_space<vmem>>) semaphore(%run_scoped3A : memref<!tpu.dma_semaphore, #tpu.memory_space<semaphore_mem>>) {add = true}
        %dma_wait3A_447 = tpu.memref_slice %arg11[%select_n3A_244, %mul3A_262] : memref<100x128xi32, #tpu.memory_space<vmem>> -> memref<1x32xi32, #tpu.memory_space<vmem>>
        %dma_wait3A_448 = tpu.memref_squeeze %dma_wait3A_447 : memref<1x32xi32, #tpu.memory_space<vmem>> -> memref<32xi32, #tpu.memory_space<vmem>>
        %dma_wait3A_449 = arith.constant 0 : i32
        %dma_wait3A_450 = arith.constant 0 : i32
        %dma_wait3A_451 = tpu.memref_slice %arg17[%dma_wait3A_449, %dma_wait3A_450] : memref<5008x128xf32, #tpu.memory_space<vmem_shared>> -> memref<5008x128xf32, #tpu.memory_space<vmem_shared>>
        tpu.wait_indirect_dma semaphore(%run_scoped3A : memref<!tpu.dma_semaphore, #tpu.memory_space<semaphore_mem>>) src(%arg13 : memref<32x128xf32, #tpu.memory_space<vmem>>) dst(%dma_wait3A_451 : memref<5008x128xf32, #tpu.memory_space<vmem_shared>>)
        tpu.yield
      }) : () -> ()
      %mul3A_263 = arith.constant 4 : i32
      %mul3A_264 = arith.muli %mul3A_263, %while3A_203 : i32
      %add3A_265 = arith.constant 1 : i32
      %add3A_266 = arith.addi %mul3A_264, %add3A_265 : i32
      %add3A_267 = arith.constant 4 : i32
      %add3A_268 = arith.addi %add3A_266, %add3A_267 : i32
      %sub3A_269 = arith.constant 1 : i32
      %sub3A_270 = arith.subi %add3A_268, %sub3A_269 : i32
      %lt3A_271 = arith.cmpi slt, %sub3A_270, %select_n3A_43 : i32
      %convert_element_type3A_272 = arith.extui %lt3A_271 : i1 to i32
      %cond3A_273 = arith.constant 0 : i32
      %cond3A_274 = arith.cmpi ne, %convert_element_type3A_272, %cond3A_273 : i32
      scf.if %cond3A_274 {
        %mul3A_443 = arith.constant 32 : i32
        %mul3A_444 = arith.muli %sub3A_270, %mul3A_443 : i32
        %dma_start3A = tpu.memref_slice %arg10[%mul3A_444] : memref<12800xi32, #tpu.memory_space<vmem>> -> memref<32xi32, #tpu.memory_space<vmem>>
        %dma_start3A_445 = arith.constant 0 : i32
        %dma_start3A_446 = arith.constant 0 : i32
        %dma_start3A_447 = tpu.memref_slice %arg2[%dma_start3A_445, %dma_start3A_446] : memref<10000x128xf32, #tpu.memory_space<hbm>> -> memref<10000x128xf32, #tpu.memory_space<hbm>>
        tpu.enqueue_indirect_dma source(%dma_start3A_447 : memref<10000x128xf32, #tpu.memory_space<hbm>>) target(%arg13 : memref<32x128xf32, #tpu.memory_space<vmem>>) offsets(%dma_start3A : memref<32xi32, #tpu.memory_space<vmem>>) semaphore(%arg18 : memref<!tpu.dma_semaphore, #tpu.memory_space<semaphore_mem>>)
      } else {
      }
      %mul3A_275 = arith.constant 32 : i32
      %mul3A_276 = arith.muli %add3A_266, %mul3A_275 : i32
      %dma_wait3A_277 = tpu.memref_slice %arg10[%mul3A_276] : memref<12800xi32, #tpu.memory_space<vmem>> -> memref<32xi32, #tpu.memory_space<vmem>>
      %dma_wait3A_278 = arith.constant 0 : i32
      %dma_wait3A_279 = arith.constant 0 : i32
      %dma_wait3A_280 = tpu.memref_slice %arg2[%dma_wait3A_278, %dma_wait3A_279] : memref<10000x128xf32, #tpu.memory_space<hbm>> -> memref<10000x128xf32, #tpu.memory_space<hbm>>
      tpu.wait_indirect_dma semaphore(%arg19 : memref<!tpu.dma_semaphore, #tpu.memory_space<semaphore_mem>>) src(%dma_wait3A_280 : memref<10000x128xf32, #tpu.memory_space<hbm>>) dst(%arg14 : memref<32x128xf32, #tpu.memory_space<vmem>>)
      %jit3A_281 = arith.constant 4 : i32
      %div3A_282 = arith.divsi %add3A_266, %jit3A_281 : i32
      %sign3A_283 = arith.constant 0 : i32
      %sign3A_284 = arith.cmpi sgt, %add3A_266, %sign3A_283 : i32
      %sign3A_285 = arith.extui %sign3A_284 : i1 to i32
      %sign3A_286 = arith.constant 0 : i32
      %sign3A_287 = arith.cmpi slt, %add3A_266, %sign3A_286 : i32
      %sign3A_288 = arith.extui %sign3A_287 : i1 to i32
      %sign3A_289 = arith.subi %sign3A_285, %sign3A_288 : i32
      %sign3A_290 = arith.constant 0 : i32
      %sign3A_291 = arith.cmpi sgt, %jit3A_281, %sign3A_290 : i32
      %sign3A_292 = arith.extui %sign3A_291 : i1 to i32
      %sign3A_293 = arith.constant 0 : i32
      %sign3A_294 = arith.cmpi slt, %jit3A_281, %sign3A_293 : i32
      %sign3A_295 = arith.extui %sign3A_294 : i1 to i32
      %sign3A_296 = arith.subi %sign3A_292, %sign3A_295 : i32
      %ne3A_297 = arith.cmpi ne, %sign3A_289, %sign3A_296 : i32
      %rem3A_298 = arith.remsi %add3A_266, %jit3A_281 : i32
      %ne3A_299 = arith.constant 0 : i32
      %ne3A_300 = arith.cmpi ne, %rem3A_298, %ne3A_299 : i32
      %and3A_301 = arith.andi %ne3A_297, %ne3A_300 : i1
      %sub3A_302 = arith.constant 1 : i32
      %sub3A_303 = arith.subi %div3A_282, %sub3A_302 : i32
      %select_n3A_304 = arith.select %and3A_301, %sub3A_303, %div3A_282 : i32
      %jit3A_305 = arith.constant 4 : i32
      %eq3A_306 = arith.constant 0 : i32
      %eq3A_307 = arith.cmpi eq, %jit3A_305, %eq3A_306 : i32
      %jit3A_308 = arith.constant 1 : i32
      %select_n3A_309 = arith.select %eq3A_307, %jit3A_308, %jit3A_305 : i32
      %rem3A_310 = arith.remsi %add3A_266, %select_n3A_309 : i32
      %ne3A_311 = arith.constant 0 : i32
      %ne3A_312 = arith.cmpi ne, %rem3A_310, %ne3A_311 : i32
      %lt3A_313 = arith.constant 0 : i32
      %lt3A_314 = arith.cmpi slt, %rem3A_310, %lt3A_313 : i32
      %lt3A_315 = arith.constant 0 : i32
      %lt3A_316 = arith.cmpi slt, %select_n3A_309, %lt3A_315 : i32
      %ne3A_317 = arith.xori %lt3A_314, %lt3A_316 : i1
      %and3A_318 = arith.andi %ne3A_317, %ne3A_312 : i1
      %add3A_319 = arith.addi %rem3A_310, %select_n3A_309 : i32
      %select_n3A_320 = arith.select %and3A_318, %add3A_319, %rem3A_310 : i32
      %mul3A_321 = arith.constant 32 : i32
      %mul3A_322 = arith.muli %select_n3A_320, %mul3A_321 : i32
      "tpu.region"() ({
        %run_scoped3A = tpu.sem_alloc : memref<!tpu.dma_semaphore, #tpu.memory_space<semaphore_mem>>
        %dma_start3A = tpu.memref_slice %arg11[%select_n3A_304, %mul3A_322] : memref<100x128xi32, #tpu.memory_space<vmem>> -> memref<1x32xi32, #tpu.memory_space<vmem>>
        %dma_start3A_443 = tpu.memref_squeeze %dma_start3A : memref<1x32xi32, #tpu.memory_space<vmem>> -> memref<32xi32, #tpu.memory_space<vmem>>
        %dma_start3A_444 = arith.constant 0 : i32
        %dma_start3A_445 = arith.constant 0 : i32
        %dma_start3A_446 = tpu.memref_slice %arg17[%dma_start3A_444, %dma_start3A_445] : memref<5008x128xf32, #tpu.memory_space<vmem_shared>> -> memref<5008x128xf32, #tpu.memory_space<vmem_shared>>
        tpu.enqueue_indirect_dma source(%arg14 : memref<32x128xf32, #tpu.memory_space<vmem>>) target(%dma_start3A_446 : memref<5008x128xf32, #tpu.memory_space<vmem_shared>>) offsets(%dma_start3A_443 : memref<32xi32, #tpu.memory_space<vmem>>) semaphore(%run_scoped3A : memref<!tpu.dma_semaphore, #tpu.memory_space<semaphore_mem>>) {add = true}
        %dma_wait3A_447 = tpu.memref_slice %arg11[%select_n3A_304, %mul3A_322] : memref<100x128xi32, #tpu.memory_space<vmem>> -> memref<1x32xi32, #tpu.memory_space<vmem>>
        %dma_wait3A_448 = tpu.memref_squeeze %dma_wait3A_447 : memref<1x32xi32, #tpu.memory_space<vmem>> -> memref<32xi32, #tpu.memory_space<vmem>>
        %dma_wait3A_449 = arith.constant 0 : i32
        %dma_wait3A_450 = arith.constant 0 : i32
        %dma_wait3A_451 = tpu.memref_slice %arg17[%dma_wait3A_449, %dma_wait3A_450] : memref<5008x128xf32, #tpu.memory_space<vmem_shared>> -> memref<5008x128xf32, #tpu.memory_space<vmem_shared>>
        tpu.wait_indirect_dma semaphore(%run_scoped3A : memref<!tpu.dma_semaphore, #tpu.memory_space<semaphore_mem>>) src(%arg14 : memref<32x128xf32, #tpu.memory_space<vmem>>) dst(%dma_wait3A_451 : memref<5008x128xf32, #tpu.memory_space<vmem_shared>>)
        tpu.yield
      }) : () -> ()
      %mul3A_323 = arith.constant 4 : i32
      %mul3A_324 = arith.muli %mul3A_323, %while3A_203 : i32
      %add3A_325 = arith.constant 2 : i32
      %add3A_326 = arith.addi %mul3A_324, %add3A_325 : i32
      %add3A_327 = arith.constant 4 : i32
      %add3A_328 = arith.addi %add3A_326, %add3A_327 : i32
      %sub3A_329 = arith.constant 1 : i32
      %sub3A_330 = arith.subi %add3A_328, %sub3A_329 : i32
      %lt3A_331 = arith.cmpi slt, %sub3A_330, %select_n3A_43 : i32
      %convert_element_type3A_332 = arith.extui %lt3A_331 : i1 to i32
      %cond3A_333 = arith.constant 0 : i32
      %cond3A_334 = arith.cmpi ne, %convert_element_type3A_332, %cond3A_333 : i32
      scf.if %cond3A_334 {
        %mul3A_443 = arith.constant 32 : i32
        %mul3A_444 = arith.muli %sub3A_330, %mul3A_443 : i32
        %dma_start3A = tpu.memref_slice %arg10[%mul3A_444] : memref<12800xi32, #tpu.memory_space<vmem>> -> memref<32xi32, #tpu.memory_space<vmem>>
        %dma_start3A_445 = arith.constant 0 : i32
        %dma_start3A_446 = arith.constant 0 : i32
        %dma_start3A_447 = tpu.memref_slice %arg2[%dma_start3A_445, %dma_start3A_446] : memref<10000x128xf32, #tpu.memory_space<hbm>> -> memref<10000x128xf32, #tpu.memory_space<hbm>>
        tpu.enqueue_indirect_dma source(%dma_start3A_447 : memref<10000x128xf32, #tpu.memory_space<hbm>>) target(%arg14 : memref<32x128xf32, #tpu.memory_space<vmem>>) offsets(%dma_start3A : memref<32xi32, #tpu.memory_space<vmem>>) semaphore(%arg19 : memref<!tpu.dma_semaphore, #tpu.memory_space<semaphore_mem>>)
      } else {
      }
      %mul3A_335 = arith.constant 32 : i32
      %mul3A_336 = arith.muli %add3A_326, %mul3A_335 : i32
      %dma_wait3A_337 = tpu.memref_slice %arg10[%mul3A_336] : memref<12800xi32, #tpu.memory_space<vmem>> -> memref<32xi32, #tpu.memory_space<vmem>>
      %dma_wait3A_338 = arith.constant 0 : i32
      %dma_wait3A_339 = arith.constant 0 : i32
      %dma_wait3A_340 = tpu.memref_slice %arg2[%dma_wait3A_338, %dma_wait3A_339] : memref<10000x128xf32, #tpu.memory_space<hbm>> -> memref<10000x128xf32, #tpu.memory_space<hbm>>
      tpu.wait_indirect_dma semaphore(%arg20 : memref<!tpu.dma_semaphore, #tpu.memory_space<semaphore_mem>>) src(%dma_wait3A_340 : memref<10000x128xf32, #tpu.memory_space<hbm>>) dst(%arg15 : memref<32x128xf32, #tpu.memory_space<vmem>>)
      %jit3A_341 = arith.constant 4 : i32
      %div3A_342 = arith.divsi %add3A_326, %jit3A_341 : i32
      %sign3A_343 = arith.constant 0 : i32
      %sign3A_344 = arith.cmpi sgt, %add3A_326, %sign3A_343 : i32
      %sign3A_345 = arith.extui %sign3A_344 : i1 to i32
      %sign3A_346 = arith.constant 0 : i32
      %sign3A_347 = arith.cmpi slt, %add3A_326, %sign3A_346 : i32
      %sign3A_348 = arith.extui %sign3A_347 : i1 to i32
      %sign3A_349 = arith.subi %sign3A_345, %sign3A_348 : i32
      %sign3A_350 = arith.constant 0 : i32
      %sign3A_351 = arith.cmpi sgt, %jit3A_341, %sign3A_350 : i32
      %sign3A_352 = arith.extui %sign3A_351 : i1 to i32
      %sign3A_353 = arith.constant 0 : i32
      %sign3A_354 = arith.cmpi slt, %jit3A_341, %sign3A_353 : i32
      %sign3A_355 = arith.extui %sign3A_354 : i1 to i32
      %sign3A_356 = arith.subi %sign3A_352, %sign3A_355 : i32
      %ne3A_357 = arith.cmpi ne, %sign3A_349, %sign3A_356 : i32
      %rem3A_358 = arith.remsi %add3A_326, %jit3A_341 : i32
      %ne3A_359 = arith.constant 0 : i32
      %ne3A_360 = arith.cmpi ne, %rem3A_358, %ne3A_359 : i32
      %and3A_361 = arith.andi %ne3A_357, %ne3A_360 : i1
      %sub3A_362 = arith.constant 1 : i32
      %sub3A_363 = arith.subi %div3A_342, %sub3A_362 : i32
      %select_n3A_364 = arith.select %and3A_361, %sub3A_363, %div3A_342 : i32
      %jit3A_365 = arith.constant 4 : i32
      %eq3A_366 = arith.constant 0 : i32
      %eq3A_367 = arith.cmpi eq, %jit3A_365, %eq3A_366 : i32
      %jit3A_368 = arith.constant 1 : i32
      %select_n3A_369 = arith.select %eq3A_367, %jit3A_368, %jit3A_365 : i32
      %rem3A_370 = arith.remsi %add3A_326, %select_n3A_369 : i32
      %ne3A_371 = arith.constant 0 : i32
      %ne3A_372 = arith.cmpi ne, %rem3A_370, %ne3A_371 : i32
      %lt3A_373 = arith.constant 0 : i32
      %lt3A_374 = arith.cmpi slt, %rem3A_370, %lt3A_373 : i32
      %lt3A_375 = arith.constant 0 : i32
      %lt3A_376 = arith.cmpi slt, %select_n3A_369, %lt3A_375 : i32
      %ne3A_377 = arith.xori %lt3A_374, %lt3A_376 : i1
      %and3A_378 = arith.andi %ne3A_377, %ne3A_372 : i1
      %add3A_379 = arith.addi %rem3A_370, %select_n3A_369 : i32
      %select_n3A_380 = arith.select %and3A_378, %add3A_379, %rem3A_370 : i32
      %mul3A_381 = arith.constant 32 : i32
      %mul3A_382 = arith.muli %select_n3A_380, %mul3A_381 : i32
      "tpu.region"() ({
        %run_scoped3A = tpu.sem_alloc : memref<!tpu.dma_semaphore, #tpu.memory_space<semaphore_mem>>
        %dma_start3A = tpu.memref_slice %arg11[%select_n3A_364, %mul3A_382] : memref<100x128xi32, #tpu.memory_space<vmem>> -> memref<1x32xi32, #tpu.memory_space<vmem>>
        %dma_start3A_443 = tpu.memref_squeeze %dma_start3A : memref<1x32xi32, #tpu.memory_space<vmem>> -> memref<32xi32, #tpu.memory_space<vmem>>
        %dma_start3A_444 = arith.constant 0 : i32
        %dma_start3A_445 = arith.constant 0 : i32
        %dma_start3A_446 = tpu.memref_slice %arg17[%dma_start3A_444, %dma_start3A_445] : memref<5008x128xf32, #tpu.memory_space<vmem_shared>> -> memref<5008x128xf32, #tpu.memory_space<vmem_shared>>
        tpu.enqueue_indirect_dma source(%arg15 : memref<32x128xf32, #tpu.memory_space<vmem>>) target(%dma_start3A_446 : memref<5008x128xf32, #tpu.memory_space<vmem_shared>>) offsets(%dma_start3A_443 : memref<32xi32, #tpu.memory_space<vmem>>) semaphore(%run_scoped3A : memref<!tpu.dma_semaphore, #tpu.memory_space<semaphore_mem>>) {add = true}
        %dma_wait3A_447 = tpu.memref_slice %arg11[%select_n3A_364, %mul3A_382] : memref<100x128xi32, #tpu.memory_space<vmem>> -> memref<1x32xi32, #tpu.memory_space<vmem>>
        %dma_wait3A_448 = tpu.memref_squeeze %dma_wait3A_447 : memref<1x32xi32, #tpu.memory_space<vmem>> -> memref<32xi32, #tpu.memory_space<vmem>>
        %dma_wait3A_449 = arith.constant 0 : i32
        %dma_wait3A_450 = arith.constant 0 : i32
        %dma_wait3A_451 = tpu.memref_slice %arg17[%dma_wait3A_449, %dma_wait3A_450] : memref<5008x128xf32, #tpu.memory_space<vmem_shared>> -> memref<5008x128xf32, #tpu.memory_space<vmem_shared>>
        tpu.wait_indirect_dma semaphore(%run_scoped3A : memref<!tpu.dma_semaphore, #tpu.memory_space<semaphore_mem>>) src(%arg15 : memref<32x128xf32, #tpu.memory_space<vmem>>) dst(%dma_wait3A_451 : memref<5008x128xf32, #tpu.memory_space<vmem_shared>>)
        tpu.yield
      }) : () -> ()
      %mul3A_383 = arith.constant 4 : i32
      %mul3A_384 = arith.muli %mul3A_383, %while3A_203 : i32
      %add3A_385 = arith.constant 3 : i32
      %add3A_386 = arith.addi %mul3A_384, %add3A_385 : i32
      %add3A_387 = arith.constant 4 : i32
      %add3A_388 = arith.addi %add3A_386, %add3A_387 : i32
      %sub3A_389 = arith.constant 1 : i32
      %sub3A_390 = arith.subi %add3A_388, %sub3A_389 : i32
      %lt3A_391 = arith.cmpi slt, %sub3A_390, %select_n3A_43 : i32
      %convert_element_type3A_392 = arith.extui %lt3A_391 : i1 to i32
      %cond3A_393 = arith.constant 0 : i32
      %cond3A_394 = arith.cmpi ne, %convert_element_type3A_392, %cond3A_393 : i32
      scf.if %cond3A_394 {
        %mul3A_443 = arith.constant 32 : i32
        %mul3A_444 = arith.muli %sub3A_390, %mul3A_443 : i32
        %dma_start3A = tpu.memref_slice %arg10[%mul3A_444] : memref<12800xi32, #tpu.memory_space<vmem>> -> memref<32xi32, #tpu.memory_space<vmem>>
        %dma_start3A_445 = arith.constant 0 : i32
        %dma_start3A_446 = arith.constant 0 : i32
        %dma_start3A_447 = tpu.memref_slice %arg2[%dma_start3A_445, %dma_start3A_446] : memref<10000x128xf32, #tpu.memory_space<hbm>> -> memref<10000x128xf32, #tpu.memory_space<hbm>>
        tpu.enqueue_indirect_dma source(%dma_start3A_447 : memref<10000x128xf32, #tpu.memory_space<hbm>>) target(%arg15 : memref<32x128xf32, #tpu.memory_space<vmem>>) offsets(%dma_start3A : memref<32xi32, #tpu.memory_space<vmem>>) semaphore(%arg20 : memref<!tpu.dma_semaphore, #tpu.memory_space<semaphore_mem>>)
      } else {
      }
      %mul3A_395 = arith.constant 32 : i32
      %mul3A_396 = arith.muli %add3A_386, %mul3A_395 : i32
      %dma_wait3A_397 = tpu.memref_slice %arg10[%mul3A_396] : memref<12800xi32, #tpu.memory_space<vmem>> -> memref<32xi32, #tpu.memory_space<vmem>>
      %dma_wait3A_398 = arith.constant 0 : i32
      %dma_wait3A_399 = arith.constant 0 : i32
      %dma_wait3A_400 = tpu.memref_slice %arg2[%dma_wait3A_398, %dma_wait3A_399] : memref<10000x128xf32, #tpu.memory_space<hbm>> -> memref<10000x128xf32, #tpu.memory_space<hbm>>
      tpu.wait_indirect_dma semaphore(%arg21 : memref<!tpu.dma_semaphore, #tpu.memory_space<semaphore_mem>>) src(%dma_wait3A_400 : memref<10000x128xf32, #tpu.memory_space<hbm>>) dst(%arg16 : memref<32x128xf32, #tpu.memory_space<vmem>>)
      %jit3A_401 = arith.constant 4 : i32
      %div3A_402 = arith.divsi %add3A_386, %jit3A_401 : i32
      %sign3A_403 = arith.constant 0 : i32
      %sign3A_404 = arith.cmpi sgt, %add3A_386, %sign3A_403 : i32
      %sign3A_405 = arith.extui %sign3A_404 : i1 to i32
      %sign3A_406 = arith.constant 0 : i32
      %sign3A_407 = arith.cmpi slt, %add3A_386, %sign3A_406 : i32
      %sign3A_408 = arith.extui %sign3A_407 : i1 to i32
      %sign3A_409 = arith.subi %sign3A_405, %sign3A_408 : i32
      %sign3A_410 = arith.constant 0 : i32
      %sign3A_411 = arith.cmpi sgt, %jit3A_401, %sign3A_410 : i32
      %sign3A_412 = arith.extui %sign3A_411 : i1 to i32
      %sign3A_413 = arith.constant 0 : i32
      %sign3A_414 = arith.cmpi slt, %jit3A_401, %sign3A_413 : i32
      %sign3A_415 = arith.extui %sign3A_414 : i1 to i32
      %sign3A_416 = arith.subi %sign3A_412, %sign3A_415 : i32
      %ne3A_417 = arith.cmpi ne, %sign3A_409, %sign3A_416 : i32
      %rem3A_418 = arith.remsi %add3A_386, %jit3A_401 : i32
      %ne3A_419 = arith.constant 0 : i32
      %ne3A_420 = arith.cmpi ne, %rem3A_418, %ne3A_419 : i32
      %and3A_421 = arith.andi %ne3A_417, %ne3A_420 : i1
      %sub3A_422 = arith.constant 1 : i32
      %sub3A_423 = arith.subi %div3A_402, %sub3A_422 : i32
      %select_n3A_424 = arith.select %and3A_421, %sub3A_423, %div3A_402 : i32
      %jit3A_425 = arith.constant 4 : i32
      %eq3A_426 = arith.constant 0 : i32
      %eq3A_427 = arith.cmpi eq, %jit3A_425, %eq3A_426 : i32
      %jit3A_428 = arith.constant 1 : i32
      %select_n3A_429 = arith.select %eq3A_427, %jit3A_428, %jit3A_425 : i32
      %rem3A_430 = arith.remsi %add3A_386, %select_n3A_429 : i32
      %ne3A_431 = arith.constant 0 : i32
      %ne3A_432 = arith.cmpi ne, %rem3A_430, %ne3A_431 : i32
      %lt3A_433 = arith.constant 0 : i32
      %lt3A_434 = arith.cmpi slt, %rem3A_430, %lt3A_433 : i32
      %lt3A_435 = arith.constant 0 : i32
      %lt3A_436 = arith.cmpi slt, %select_n3A_429, %lt3A_435 : i32
      %ne3A_437 = arith.xori %lt3A_434, %lt3A_436 : i1
      %and3A_438 = arith.andi %ne3A_437, %ne3A_432 : i1
      %add3A_439 = arith.addi %rem3A_430, %select_n3A_429 : i32
      %select_n3A_440 = arith.select %and3A_438, %add3A_439, %rem3A_430 : i32
      %mul3A_441 = arith.constant 32 : i32
      %mul3A_442 = arith.muli %select_n3A_440, %mul3A_441 : i32
      "tpu.region"() ({
        %run_scoped3A = tpu.sem_alloc : memref<!tpu.dma_semaphore, #tpu.memory_space<semaphore_mem>>
        %dma_start3A = tpu.memref_slice %arg11[%select_n3A_424, %mul3A_442] : memref<100x128xi32, #tpu.memory_space<vmem>> -> memref<1x32xi32, #tpu.memory_space<vmem>>
        %dma_start3A_443 = tpu.memref_squeeze %dma_start3A : memref<1x32xi32, #tpu.memory_space<vmem>> -> memref<32xi32, #tpu.memory_space<vmem>>
        %dma_start3A_444 = arith.constant 0 : i32
        %dma_start3A_445 = arith.constant 0 : i32
        %dma_start3A_446 = tpu.memref_slice %arg17[%dma_start3A_444, %dma_start3A_445] : memref<5008x128xf32, #tpu.memory_space<vmem_shared>> -> memref<5008x128xf32, #tpu.memory_space<vmem_shared>>
        tpu.enqueue_indirect_dma source(%arg16 : memref<32x128xf32, #tpu.memory_space<vmem>>) target(%dma_start3A_446 : memref<5008x128xf32, #tpu.memory_space<vmem_shared>>) offsets(%dma_start3A_443 : memref<32xi32, #tpu.memory_space<vmem>>) semaphore(%run_scoped3A : memref<!tpu.dma_semaphore, #tpu.memory_space<semaphore_mem>>) {add = true}
        %dma_wait3A_447 = tpu.memref_slice %arg11[%select_n3A_424, %mul3A_442] : memref<100x128xi32, #tpu.memory_space<vmem>> -> memref<1x32xi32, #tpu.memory_space<vmem>>
        %dma_wait3A_448 = tpu.memref_squeeze %dma_wait3A_447 : memref<1x32xi32, #tpu.memory_space<vmem>> -> memref<32xi32, #tpu.memory_space<vmem>>
        %dma_wait3A_449 = arith.constant 0 : i32
        %dma_wait3A_450 = arith.constant 0 : i32
        %dma_wait3A_451 = tpu.memref_slice %arg17[%dma_wait3A_449, %dma_wait3A_450] : memref<5008x128xf32, #tpu.memory_space<vmem_shared>> -> memref<5008x128xf32, #tpu.memory_space<vmem_shared>>
        tpu.wait_indirect_dma semaphore(%run_scoped3A : memref<!tpu.dma_semaphore, #tpu.memory_space<semaphore_mem>>) src(%arg16 : memref<32x128xf32, #tpu.memory_space<vmem>>) dst(%dma_wait3A_451 : memref<5008x128xf32, #tpu.memory_space<vmem_shared>>)
        tpu.yield
      }) : () -> ()
    }
    %while3A_90 = arith.constant 1 : i32
    scf.for %while3A_203 = %while3A_88 to %while3A_84 step %while3A_90  : i32 {
      %mul3A_204 = arith.constant 4 : i32
      %mul3A_205 = arith.muli %mul3A_204, %while3A_203 : i32
      %add3A_206 = arith.constant 0 : i32
      %add3A_207 = arith.addi %mul3A_205, %add3A_206 : i32
      %add3A_208 = arith.constant 4 : i32
      %add3A_209 = arith.addi %add3A_207, %add3A_208 : i32
      %sub3A_210 = arith.constant 1 : i32
      %sub3A_211 = arith.subi %add3A_209, %sub3A_210 : i32
      %lt3A_212 = arith.cmpi slt, %sub3A_211, %select_n3A_43 : i32
      %convert_element_type3A_213 = arith.extui %lt3A_212 : i1 to i32
      %cond3A_214 = arith.constant 0 : i32
      %cond3A_215 = arith.cmpi ne, %convert_element_type3A_213, %cond3A_214 : i32
      scf.if %cond3A_215 {
        %mul3A_443 = arith.constant 32 : i32
        %mul3A_444 = arith.muli %sub3A_211, %mul3A_443 : i32
        %dma_start3A = tpu.memref_slice %arg10[%mul3A_444] : memref<12800xi32, #tpu.memory_space<vmem>> -> memref<32xi32, #tpu.memory_space<vmem>>
        %dma_start3A_445 = arith.constant 0 : i32
        %dma_start3A_446 = arith.constant 0 : i32
        %dma_start3A_447 = tpu.memref_slice %arg2[%dma_start3A_445, %dma_start3A_446] : memref<10000x128xf32, #tpu.memory_space<hbm>> -> memref<10000x128xf32, #tpu.memory_space<hbm>>
        tpu.enqueue_indirect_dma source(%dma_start3A_447 : memref<10000x128xf32, #tpu.memory_space<hbm>>) target(%arg16 : memref<32x128xf32, #tpu.memory_space<vmem>>) offsets(%dma_start3A : memref<32xi32, #tpu.memory_space<vmem>>) semaphore(%arg21 : memref<!tpu.dma_semaphore, #tpu.memory_space<semaphore_mem>>)
      } else {
      }
      %mul3A_216 = arith.constant 32 : i32
      %mul3A_217 = arith.muli %add3A_207, %mul3A_216 : i32
      %dma_wait3A = tpu.memref_slice %arg10[%mul3A_217] : memref<12800xi32, #tpu.memory_space<vmem>> -> memref<32xi32, #tpu.memory_space<vmem>>
      %dma_wait3A_218 = arith.constant 0 : i32
      %dma_wait3A_219 = arith.constant 0 : i32
      %dma_wait3A_220 = tpu.memref_slice %arg2[%dma_wait3A_218, %dma_wait3A_219] : memref<10000x128xf32, #tpu.memory_space<hbm>> -> memref<10000x128xf32, #tpu.memory_space<hbm>>
      tpu.wait_indirect_dma semaphore(%arg18 : memref<!tpu.dma_semaphore, #tpu.memory_space<semaphore_mem>>) src(%dma_wait3A_220 : memref<10000x128xf32, #tpu.memory_space<hbm>>) dst(%arg13 : memref<32x128xf32, #tpu.memory_space<vmem>>)
      %jit3A_221 = arith.constant 4 : i32
      %div3A_222 = arith.divsi %add3A_207, %jit3A_221 : i32
      %sign3A_223 = arith.constant 0 : i32
      %sign3A_224 = arith.cmpi sgt, %add3A_207, %sign3A_223 : i32
      %sign3A_225 = arith.extui %sign3A_224 : i1 to i32
      %sign3A_226 = arith.constant 0 : i32
      %sign3A_227 = arith.cmpi slt, %add3A_207, %sign3A_226 : i32
      %sign3A_228 = arith.extui %sign3A_227 : i1 to i32
      %sign3A_229 = arith.subi %sign3A_225, %sign3A_228 : i32
      %sign3A_230 = arith.constant 0 : i32
      %sign3A_231 = arith.cmpi sgt, %jit3A_221, %sign3A_230 : i32
      %sign3A_232 = arith.extui %sign3A_231 : i1 to i32
      %sign3A_233 = arith.constant 0 : i32
      %sign3A_234 = arith.cmpi slt, %jit3A_221, %sign3A_233 : i32
      %sign3A_235 = arith.extui %sign3A_234 : i1 to i32
      %sign3A_236 = arith.subi %sign3A_232, %sign3A_235 : i32
      %ne3A_237 = arith.cmpi ne, %sign3A_229, %sign3A_236 : i32
      %rem3A_238 = arith.remsi %add3A_207, %jit3A_221 : i32
      %ne3A_239 = arith.constant 0 : i32
      %ne3A_240 = arith.cmpi ne, %rem3A_238, %ne3A_239 : i32
      %and3A_241 = arith.andi %ne3A_237, %ne3A_240 : i1
      %sub3A_242 = arith.constant 1 : i32
      %sub3A_243 = arith.subi %div3A_222, %sub3A_242 : i32
      %select_n3A_244 = arith.select %and3A_241, %sub3A_243, %div3A_222 : i32
      %jit3A_245 = arith.constant 4 : i32
      %eq3A_246 = arith.constant 0 : i32
      %eq3A_247 = arith.cmpi eq, %jit3A_245, %eq3A_246 : i32
      %jit3A_248 = arith.constant 1 : i32
      %select_n3A_249 = arith.select %eq3A_247, %jit3A_248, %jit3A_245 : i32
      %rem3A_250 = arith.remsi %add3A_207, %select_n3A_249 : i32
      %ne3A_251 = arith.constant 0 : i32
      %ne3A_252 = arith.cmpi ne, %rem3A_250, %ne3A_251 : i32
      %lt3A_253 = arith.constant 0 : i32
      %lt3A_254 = arith.cmpi slt, %rem3A_250, %lt3A_253 : i32
      %lt3A_255 = arith.constant 0 : i32
      %lt3A_256 = arith.cmpi slt, %select_n3A_249, %lt3A_255 : i32
      %ne3A_257 = arith.xori %lt3A_254, %lt3A_256 : i1
      %and3A_258 = arith.andi %ne3A_257, %ne3A_252 : i1
      %add3A_259 = arith.addi %rem3A_250, %select_n3A_249 : i32
      %select_n3A_260 = arith.select %and3A_258, %add3A_259, %rem3A_250 : i32
      %mul3A_261 = arith.constant 32 : i32
      %mul3A_262 = arith.muli %select_n3A_260, %mul3A_261 : i32
      "tpu.region"() ({
        %run_scoped3A = tpu.sem_alloc : memref<!tpu.dma_semaphore, #tpu.memory_space<semaphore_mem>>
        %dma_start3A = tpu.memref_slice %arg11[%select_n3A_244, %mul3A_262] : memref<100x128xi32, #tpu.memory_space<vmem>> -> memref<1x32xi32, #tpu.memory_space<vmem>>
        %dma_start3A_443 = tpu.memref_squeeze %dma_start3A : memref<1x32xi32, #tpu.memory_space<vmem>> -> memref<32xi32, #tpu.memory_space<vmem>>
        %dma_start3A_444 = arith.constant 0 : i32
        %dma_start3A_445 = arith.constant 0 : i32
        %dma_start3A_446 = tpu.memref_slice %arg17[%dma_start3A_444, %dma_start3A_445] : memref<5008x128xf32, #tpu.memory_space<vmem_shared>> -> memref<5008x128xf32, #tpu.memory_space<vmem_shared>>
        tpu.enqueue_indirect_dma source(%arg13 : memref<32x128xf32, #tpu.memory_space<vmem>>) target(%dma_start3A_446 : memref<5008x128xf32, #tpu.memory_space<vmem_shared>>) offsets(%dma_start3A_443 : memref<32xi32, #tpu.memory_space<vmem>>) semaphore(%run_scoped3A : memref<!tpu.dma_semaphore, #tpu.memory_space<semaphore_mem>>) {add = true}
        %dma_wait3A_447 = tpu.memref_slice %arg11[%select_n3A_244, %mul3A_262] : memref<100x128xi32, #tpu.memory_space<vmem>> -> memref<1x32xi32, #tpu.memory_space<vmem>>
        %dma_wait3A_448 = tpu.memref_squeeze %dma_wait3A_447 : memref<1x32xi32, #tpu.memory_space<vmem>> -> memref<32xi32, #tpu.memory_space<vmem>>
        %dma_wait3A_449 = arith.constant 0 : i32
        %dma_wait3A_450 = arith.constant 0 : i32
        %dma_wait3A_451 = tpu.memref_slice %arg17[%dma_wait3A_449, %dma_wait3A_450] : memref<5008x128xf32, #tpu.memory_space<vmem_shared>> -> memref<5008x128xf32, #tpu.memory_space<vmem_shared>>
        tpu.wait_indirect_dma semaphore(%run_scoped3A : memref<!tpu.dma_semaphore, #tpu.memory_space<semaphore_mem>>) src(%arg13 : memref<32x128xf32, #tpu.memory_space<vmem>>) dst(%dma_wait3A_451 : memref<5008x128xf32, #tpu.memory_space<vmem_shared>>)
        tpu.yield
      }) : () -> ()
      %mul3A_263 = arith.constant 4 : i32
      %mul3A_264 = arith.muli %mul3A_263, %while3A_203 : i32
      %add3A_265 = arith.constant 1 : i32
      %add3A_266 = arith.addi %mul3A_264, %add3A_265 : i32
      %add3A_267 = arith.constant 4 : i32
      %add3A_268 = arith.addi %add3A_266, %add3A_267 : i32
      %sub3A_269 = arith.constant 1 : i32
      %sub3A_270 = arith.subi %add3A_268, %sub3A_269 : i32
      %lt3A_271 = arith.cmpi slt, %sub3A_270, %select_n3A_43 : i32
      %convert_element_type3A_272 = arith.extui %lt3A_271 : i1 to i32
      %cond3A_273 = arith.constant 0 : i32
      %cond3A_274 = arith.cmpi ne, %convert_element_type3A_272, %cond3A_273 : i32
      scf.if %cond3A_274 {
        %mul3A_443 = arith.constant 32 : i32
        %mul3A_444 = arith.muli %sub3A_270, %mul3A_443 : i32
        %dma_start3A = tpu.memref_slice %arg10[%mul3A_444] : memref<12800xi32, #tpu.memory_space<vmem>> -> memref<32xi32, #tpu.memory_space<vmem>>
        %dma_start3A_445 = arith.constant 0 : i32
        %dma_start3A_446 = arith.constant 0 : i32
        %dma_start3A_447 = tpu.memref_slice %arg2[%dma_start3A_445, %dma_start3A_446] : memref<10000x128xf32, #tpu.memory_space<hbm>> -> memref<10000x128xf32, #tpu.memory_space<hbm>>
        tpu.enqueue_indirect_dma source(%dma_start3A_447 : memref<10000x128xf32, #tpu.memory_space<hbm>>) target(%arg13 : memref<32x128xf32, #tpu.memory_space<vmem>>) offsets(%dma_start3A : memref<32xi32, #tpu.memory_space<vmem>>) semaphore(%arg18 : memref<!tpu.dma_semaphore, #tpu.memory_space<semaphore_mem>>)
      } else {
      }
      %mul3A_275 = arith.constant 32 : i32
      %mul3A_276 = arith.muli %add3A_266, %mul3A_275 : i32
      %dma_wait3A_277 = tpu.memref_slice %arg10[%mul3A_276] : memref<12800xi32, #tpu.memory_space<vmem>> -> memref<32xi32, #tpu.memory_space<vmem>>
      %dma_wait3A_278 = arith.constant 0 : i32
      %dma_wait3A_279 = arith.constant 0 : i32
      %dma_wait3A_280 = tpu.memref_slice %arg2[%dma_wait3A_278, %dma_wait3A_279] : memref<10000x128xf32, #tpu.memory_space<hbm>> -> memref<10000x128xf32, #tpu.memory_space<hbm>>
      tpu.wait_indirect_dma semaphore(%arg19 : memref<!tpu.dma_semaphore, #tpu.memory_space<semaphore_mem>>) src(%dma_wait3A_280 : memref<10000x128xf32, #tpu.memory_space<hbm>>) dst(%arg14 : memref<32x128xf32, #tpu.memory_space<vmem>>)
      %jit3A_281 = arith.constant 4 : i32
      %div3A_282 = arith.divsi %add3A_266, %jit3A_281 : i32
      %sign3A_283 = arith.constant 0 : i32
      %sign3A_284 = arith.cmpi sgt, %add3A_266, %sign3A_283 : i32
      %sign3A_285 = arith.extui %sign3A_284 : i1 to i32
      %sign3A_286 = arith.constant 0 : i32
      %sign3A_287 = arith.cmpi slt, %add3A_266, %sign3A_286 : i32
      %sign3A_288 = arith.extui %sign3A_287 : i1 to i32
      %sign3A_289 = arith.subi %sign3A_285, %sign3A_288 : i32
      %sign3A_290 = arith.constant 0 : i32
      %sign3A_291 = arith.cmpi sgt, %jit3A_281, %sign3A_290 : i32
      %sign3A_292 = arith.extui %sign3A_291 : i1 to i32
      %sign3A_293 = arith.constant 0 : i32
      %sign3A_294 = arith.cmpi slt, %jit3A_281, %sign3A_293 : i32
      %sign3A_295 = arith.extui %sign3A_294 : i1 to i32
      %sign3A_296 = arith.subi %sign3A_292, %sign3A_295 : i32
      %ne3A_297 = arith.cmpi ne, %sign3A_289, %sign3A_296 : i32
      %rem3A_298 = arith.remsi %add3A_266, %jit3A_281 : i32
      %ne3A_299 = arith.constant 0 : i32
      %ne3A_300 = arith.cmpi ne, %rem3A_298, %ne3A_299 : i32
      %and3A_301 = arith.andi %ne3A_297, %ne3A_300 : i1
      %sub3A_302 = arith.constant 1 : i32
      %sub3A_303 = arith.subi %div3A_282, %sub3A_302 : i32
      %select_n3A_304 = arith.select %and3A_301, %sub3A_303, %div3A_282 : i32
      %jit3A_305 = arith.constant 4 : i32
      %eq3A_306 = arith.constant 0 : i32
      %eq3A_307 = arith.cmpi eq, %jit3A_305, %eq3A_306 : i32
      %jit3A_308 = arith.constant 1 : i32
      %select_n3A_309 = arith.select %eq3A_307, %jit3A_308, %jit3A_305 : i32
      %rem3A_310 = arith.remsi %add3A_266, %select_n3A_309 : i32
      %ne3A_311 = arith.constant 0 : i32
      %ne3A_312 = arith.cmpi ne, %rem3A_310, %ne3A_311 : i32
      %lt3A_313 = arith.constant 0 : i32
      %lt3A_314 = arith.cmpi slt, %rem3A_310, %lt3A_313 : i32
      %lt3A_315 = arith.constant 0 : i32
      %lt3A_316 = arith.cmpi slt, %select_n3A_309, %lt3A_315 : i32
      %ne3A_317 = arith.xori %lt3A_314, %lt3A_316 : i1
      %and3A_318 = arith.andi %ne3A_317, %ne3A_312 : i1
      %add3A_319 = arith.addi %rem3A_310, %select_n3A_309 : i32
      %select_n3A_320 = arith.select %and3A_318, %add3A_319, %rem3A_310 : i32
      %mul3A_321 = arith.constant 32 : i32
      %mul3A_322 = arith.muli %select_n3A_320, %mul3A_321 : i32
      "tpu.region"() ({
        %run_scoped3A = tpu.sem_alloc : memref<!tpu.dma_semaphore, #tpu.memory_space<semaphore_mem>>
        %dma_start3A = tpu.memref_slice %arg11[%select_n3A_304, %mul3A_322] : memref<100x128xi32, #tpu.memory_space<vmem>> -> memref<1x32xi32, #tpu.memory_space<vmem>>
        %dma_start3A_443 = tpu.memref_squeeze %dma_start3A : memref<1x32xi32, #tpu.memory_space<vmem>> -> memref<32xi32, #tpu.memory_space<vmem>>
        %dma_start3A_444 = arith.constant 0 : i32
        %dma_start3A_445 = arith.constant 0 : i32
        %dma_start3A_446 = tpu.memref_slice %arg17[%dma_start3A_444, %dma_start3A_445] : memref<5008x128xf32, #tpu.memory_space<vmem_shared>> -> memref<5008x128xf32, #tpu.memory_space<vmem_shared>>
        tpu.enqueue_indirect_dma source(%arg14 : memref<32x128xf32, #tpu.memory_space<vmem>>) target(%dma_start3A_446 : memref<5008x128xf32, #tpu.memory_space<vmem_shared>>) offsets(%dma_start3A_443 : memref<32xi32, #tpu.memory_space<vmem>>) semaphore(%run_scoped3A : memref<!tpu.dma_semaphore, #tpu.memory_space<semaphore_mem>>) {add = true}
        %dma_wait3A_447 = tpu.memref_slice %arg11[%select_n3A_304, %mul3A_322] : memref<100x128xi32, #tpu.memory_space<vmem>> -> memref<1x32xi32, #tpu.memory_space<vmem>>
        %dma_wait3A_448 = tpu.memref_squeeze %dma_wait3A_447 : memref<1x32xi32, #tpu.memory_space<vmem>> -> memref<32xi32, #tpu.memory_space<vmem>>
        %dma_wait3A_449 = arith.constant 0 : i32
        %dma_wait3A_450 = arith.constant 0 : i32
        %dma_wait3A_451 = tpu.memref_slice %arg17[%dma_wait3A_449, %dma_wait3A_450] : memref<5008x128xf32, #tpu.memory_space<vmem_shared>> -> memref<5008x128xf32, #tpu.memory_space<vmem_shared>>
        tpu.wait_indirect_dma semaphore(%run_scoped3A : memref<!tpu.dma_semaphore, #tpu.memory_space<semaphore_mem>>) src(%arg14 : memref<32x128xf32, #tpu.memory_space<vmem>>) dst(%dma_wait3A_451 : memref<5008x128xf32, #tpu.memory_space<vmem_shared>>)
        tpu.yield
      }) : () -> ()
      %mul3A_323 = arith.constant 4 : i32
      %mul3A_324 = arith.muli %mul3A_323, %while3A_203 : i32
      %add3A_325 = arith.constant 2 : i32
      %add3A_326 = arith.addi %mul3A_324, %add3A_325 : i32
      %add3A_327 = arith.constant 4 : i32
      %add3A_328 = arith.addi %add3A_326, %add3A_327 : i32
      %sub3A_329 = arith.constant 1 : i32
      %sub3A_330 = arith.subi %add3A_328, %sub3A_329 : i32
      %lt3A_331 = arith.cmpi slt, %sub3A_330, %select_n3A_43 : i32
      %convert_element_type3A_332 = arith.extui %lt3A_331 : i1 to i32
      %cond3A_333 = arith.constant 0 : i32
      %cond3A_334 = arith.cmpi ne, %convert_element_type3A_332, %cond3A_333 : i32
      scf.if %cond3A_334 {
        %mul3A_443 = arith.constant 32 : i32
        %mul3A_444 = arith.muli %sub3A_330, %mul3A_443 : i32
        %dma_start3A = tpu.memref_slice %arg10[%mul3A_444] : memref<12800xi32, #tpu.memory_space<vmem>> -> memref<32xi32, #tpu.memory_space<vmem>>
        %dma_start3A_445 = arith.constant 0 : i32
        %dma_start3A_446 = arith.constant 0 : i32
        %dma_start3A_447 = tpu.memref_slice %arg2[%dma_start3A_445, %dma_start3A_446] : memref<10000x128xf32, #tpu.memory_space<hbm>> -> memref<10000x128xf32, #tpu.memory_space<hbm>>
        tpu.enqueue_indirect_dma source(%dma_start3A_447 : memref<10000x128xf32, #tpu.memory_space<hbm>>) target(%arg14 : memref<32x128xf32, #tpu.memory_space<vmem>>) offsets(%dma_start3A : memref<32xi32, #tpu.memory_space<vmem>>) semaphore(%arg19 : memref<!tpu.dma_semaphore, #tpu.memory_space<semaphore_mem>>)
      } else {
      }
      %mul3A_335 = arith.constant 32 : i32
      %mul3A_336 = arith.muli %add3A_326, %mul3A_335 : i32
      %dma_wait3A_337 = tpu.memref_slice %arg10[%mul3A_336] : memref<12800xi32, #tpu.memory_space<vmem>> -> memref<32xi32, #tpu.memory_space<vmem>>
      %dma_wait3A_338 = arith.constant 0 : i32
      %dma_wait3A_339 = arith.constant 0 : i32
      %dma_wait3A_340 = tpu.memref_slice %arg2[%dma_wait3A_338, %dma_wait3A_339] : memref<10000x128xf32, #tpu.memory_space<hbm>> -> memref<10000x128xf32, #tpu.memory_space<hbm>>
      tpu.wait_indirect_dma semaphore(%arg20 : memref<!tpu.dma_semaphore, #tpu.memory_space<semaphore_mem>>) src(%dma_wait3A_340 : memref<10000x128xf32, #tpu.memory_space<hbm>>) dst(%arg15 : memref<32x128xf32, #tpu.memory_space<vmem>>)
      %jit3A_341 = arith.constant 4 : i32
      %div3A_342 = arith.divsi %add3A_326, %jit3A_341 : i32
      %sign3A_343 = arith.constant 0 : i32
      %sign3A_344 = arith.cmpi sgt, %add3A_326, %sign3A_343 : i32
      %sign3A_345 = arith.extui %sign3A_344 : i1 to i32
      %sign3A_346 = arith.constant 0 : i32
      %sign3A_347 = arith.cmpi slt, %add3A_326, %sign3A_346 : i32
      %sign3A_348 = arith.extui %sign3A_347 : i1 to i32
      %sign3A_349 = arith.subi %sign3A_345, %sign3A_348 : i32
      %sign3A_350 = arith.constant 0 : i32
      %sign3A_351 = arith.cmpi sgt, %jit3A_341, %sign3A_350 : i32
      %sign3A_352 = arith.extui %sign3A_351 : i1 to i32
      %sign3A_353 = arith.constant 0 : i32
      %sign3A_354 = arith.cmpi slt, %jit3A_341, %sign3A_353 : i32
      %sign3A_355 = arith.extui %sign3A_354 : i1 to i32
      %sign3A_356 = arith.subi %sign3A_352, %sign3A_355 : i32
      %ne3A_357 = arith.cmpi ne, %sign3A_349, %sign3A_356 : i32
      %rem3A_358 = arith.remsi %add3A_326, %jit3A_341 : i32
      %ne3A_359 = arith.constant 0 : i32
      %ne3A_360 = arith.cmpi ne, %rem3A_358, %ne3A_359 : i32
      %and3A_361 = arith.andi %ne3A_357, %ne3A_360 : i1
      %sub3A_362 = arith.constant 1 : i32
      %sub3A_363 = arith.subi %div3A_342, %sub3A_362 : i32
      %select_n3A_364 = arith.select %and3A_361, %sub3A_363, %div3A_342 : i32
      %jit3A_365 = arith.constant 4 : i32
      %eq3A_366 = arith.constant 0 : i32
      %eq3A_367 = arith.cmpi eq, %jit3A_365, %eq3A_366 : i32
      %jit3A_368 = arith.constant 1 : i32
      %select_n3A_369 = arith.select %eq3A_367, %jit3A_368, %jit3A_365 : i32
      %rem3A_370 = arith.remsi %add3A_326, %select_n3A_369 : i32
      %ne3A_371 = arith.constant 0 : i32
      %ne3A_372 = arith.cmpi ne, %rem3A_370, %ne3A_371 : i32
      %lt3A_373 = arith.constant 0 : i32
      %lt3A_374 = arith.cmpi slt, %rem3A_370, %lt3A_373 : i32
      %lt3A_375 = arith.constant 0 : i32
      %lt3A_376 = arith.cmpi slt, %select_n3A_369, %lt3A_375 : i32
      %ne3A_377 = arith.xori %lt3A_374, %lt3A_376 : i1
      %and3A_378 = arith.andi %ne3A_377, %ne3A_372 : i1
      %add3A_379 = arith.addi %rem3A_370, %select_n3A_369 : i32
      %select_n3A_380 = arith.select %and3A_378, %add3A_379, %rem3A_370 : i32
      %mul3A_381 = arith.constant 32 : i32
      %mul3A_382 = arith.muli %select_n3A_380, %mul3A_381 : i32
      "tpu.region"() ({
        %run_scoped3A = tpu.sem_alloc : memref<!tpu.dma_semaphore, #tpu.memory_space<semaphore_mem>>
        %dma_start3A = tpu.memref_slice %arg11[%select_n3A_364, %mul3A_382] : memref<100x128xi32, #tpu.memory_space<vmem>> -> memref<1x32xi32, #tpu.memory_space<vmem>>
        %dma_start3A_443 = tpu.memref_squeeze %dma_start3A : memref<1x32xi32, #tpu.memory_space<vmem>> -> memref<32xi32, #tpu.memory_space<vmem>>
        %dma_start3A_444 = arith.constant 0 : i32
        %dma_start3A_445 = arith.constant 0 : i32
        %dma_start3A_446 = tpu.memref_slice %arg17[%dma_start3A_444, %dma_start3A_445] : memref<5008x128xf32, #tpu.memory_space<vmem_shared>> -> memref<5008x128xf32, #tpu.memory_space<vmem_shared>>
        tpu.enqueue_indirect_dma source(%arg15 : memref<32x128xf32, #tpu.memory_space<vmem>>) target(%dma_start3A_446 : memref<5008x128xf32, #tpu.memory_space<vmem_shared>>) offsets(%dma_start3A_443 : memref<32xi32, #tpu.memory_space<vmem>>) semaphore(%run_scoped3A : memref<!tpu.dma_semaphore, #tpu.memory_space<semaphore_mem>>) {add = true}
        %dma_wait3A_447 = tpu.memref_slice %arg11[%select_n3A_364, %mul3A_382] : memref<100x128xi32, #tpu.memory_space<vmem>> -> memref<1x32xi32, #tpu.memory_space<vmem>>
        %dma_wait3A_448 = tpu.memref_squeeze %dma_wait3A_447 : memref<1x32xi32, #tpu.memory_space<vmem>> -> memref<32xi32, #tpu.memory_space<vmem>>
        %dma_wait3A_449 = arith.constant 0 : i32
        %dma_wait3A_450 = arith.constant 0 : i32
        %dma_wait3A_451 = tpu.memref_slice %arg17[%dma_wait3A_449, %dma_wait3A_450] : memref<5008x128xf32, #tpu.memory_space<vmem_shared>> -> memref<5008x128xf32, #tpu.memory_space<vmem_shared>>
        tpu.wait_indirect_dma semaphore(%run_scoped3A : memref<!tpu.dma_semaphore, #tpu.memory_space<semaphore_mem>>) src(%arg15 : memref<32x128xf32, #tpu.memory_space<vmem>>) dst(%dma_wait3A_451 : memref<5008x128xf32, #tpu.memory_space<vmem_shared>>)
        tpu.yield
      }) : () -> ()
      %mul3A_383 = arith.constant 4 : i32
      %mul3A_384 = arith.muli %mul3A_383, %while3A_203 : i32
      %add3A_385 = arith.constant 3 : i32
      %add3A_386 = arith.addi %mul3A_384, %add3A_385 : i32
      %add3A_387 = arith.constant 4 : i32
      %add3A_388 = arith.addi %add3A_386, %add3A_387 : i32
      %sub3A_389 = arith.constant 1 : i32
      %sub3A_390 = arith.subi %add3A_388, %sub3A_389 : i32
      %lt3A_391 = arith.cmpi slt, %sub3A_390, %select_n3A_43 : i32
      %convert_element_type3A_392 = arith.extui %lt3A_391 : i1 to i32
      %cond3A_393 = arith.constant 0 : i32
      %cond3A_394 = arith.cmpi ne, %convert_element_type3A_392, %cond3A_393 : i32
      scf.if %cond3A_394 {
        %mul3A_443 = arith.constant 32 : i32
        %mul3A_444 = arith.muli %sub3A_390, %mul3A_443 : i32
        %dma_start3A = tpu.memref_slice %arg10[%mul3A_444] : memref<12800xi32, #tpu.memory_space<vmem>> -> memref<32xi32, #tpu.memory_space<vmem>>
        %dma_start3A_445 = arith.constant 0 : i32
        %dma_start3A_446 = arith.constant 0 : i32
        %dma_start3A_447 = tpu.memref_slice %arg2[%dma_start3A_445, %dma_start3A_446] : memref<10000x128xf32, #tpu.memory_space<hbm>> -> memref<10000x128xf32, #tpu.memory_space<hbm>>
        tpu.enqueue_indirect_dma source(%dma_start3A_447 : memref<10000x128xf32, #tpu.memory_space<hbm>>) target(%arg15 : memref<32x128xf32, #tpu.memory_space<vmem>>) offsets(%dma_start3A : memref<32xi32, #tpu.memory_space<vmem>>) semaphore(%arg20 : memref<!tpu.dma_semaphore, #tpu.memory_space<semaphore_mem>>)
      } else {
      }
      %mul3A_395 = arith.constant 32 : i32
      %mul3A_396 = arith.muli %add3A_386, %mul3A_395 : i32
      %dma_wait3A_397 = tpu.memref_slice %arg10[%mul3A_396] : memref<12800xi32, #tpu.memory_space<vmem>> -> memref<32xi32, #tpu.memory_space<vmem>>
      %dma_wait3A_398 = arith.constant 0 : i32
      %dma_wait3A_399 = arith.constant 0 : i32
      %dma_wait3A_400 = tpu.memref_slice %arg2[%dma_wait3A_398, %dma_wait3A_399] : memref<10000x128xf32, #tpu.memory_space<hbm>> -> memref<10000x128xf32, #tpu.memory_space<hbm>>
      tpu.wait_indirect_dma semaphore(%arg21 : memref<!tpu.dma_semaphore, #tpu.memory_space<semaphore_mem>>) src(%dma_wait3A_400 : memref<10000x128xf32, #tpu.memory_space<hbm>>) dst(%arg16 : memref<32x128xf32, #tpu.memory_space<vmem>>)
      %jit3A_401 = arith.constant 4 : i32
      %div3A_402 = arith.divsi %add3A_386, %jit3A_401 : i32
      %sign3A_403 = arith.constant 0 : i32
      %sign3A_404 = arith.cmpi sgt, %add3A_386, %sign3A_403 : i32
      %sign3A_405 = arith.extui %sign3A_404 : i1 to i32
      %sign3A_406 = arith.constant 0 : i32
      %sign3A_407 = arith.cmpi slt, %add3A_386, %sign3A_406 : i32
      %sign3A_408 = arith.extui %sign3A_407 : i1 to i32
      %sign3A_409 = arith.subi %sign3A_405, %sign3A_408 : i32
      %sign3A_410 = arith.constant 0 : i32
      %sign3A_411 = arith.cmpi sgt, %jit3A_401, %sign3A_410 : i32
      %sign3A_412 = arith.extui %sign3A_411 : i1 to i32
      %sign3A_413 = arith.constant 0 : i32
      %sign3A_414 = arith.cmpi slt, %jit3A_401, %sign3A_413 : i32
      %sign3A_415 = arith.extui %sign3A_414 : i1 to i32
      %sign3A_416 = arith.subi %sign3A_412, %sign3A_415 : i32
      %ne3A_417 = arith.cmpi ne, %sign3A_409, %sign3A_416 : i32
      %rem3A_418 = arith.remsi %add3A_386, %jit3A_401 : i32
      %ne3A_419 = arith.constant 0 : i32
      %ne3A_420 = arith.cmpi ne, %rem3A_418, %ne3A_419 : i32
      %and3A_421 = arith.andi %ne3A_417, %ne3A_420 : i1
      %sub3A_422 = arith.constant 1 : i32
      %sub3A_423 = arith.subi %div3A_402, %sub3A_422 : i32
      %select_n3A_424 = arith.select %and3A_421, %sub3A_423, %div3A_402 : i32
      %jit3A_425 = arith.constant 4 : i32
      %eq3A_426 = arith.constant 0 : i32
      %eq3A_427 = arith.cmpi eq, %jit3A_425, %eq3A_426 : i32
      %jit3A_428 = arith.constant 1 : i32
      %select_n3A_429 = arith.select %eq3A_427, %jit3A_428, %jit3A_425 : i32
      %rem3A_430 = arith.remsi %add3A_386, %select_n3A_429 : i32
      %ne3A_431 = arith.constant 0 : i32
      %ne3A_432 = arith.cmpi ne, %rem3A_430, %ne3A_431 : i32
      %lt3A_433 = arith.constant 0 : i32
      %lt3A_434 = arith.cmpi slt, %rem3A_430, %lt3A_433 : i32
      %lt3A_435 = arith.constant 0 : i32
      %lt3A_436 = arith.cmpi slt, %select_n3A_429, %lt3A_435 : i32
      %ne3A_437 = arith.xori %lt3A_434, %lt3A_436 : i1
      %and3A_438 = arith.andi %ne3A_437, %ne3A_432 : i1
      %add3A_439 = arith.addi %rem3A_430, %select_n3A_429 : i32
      %select_n3A_440 = arith.select %and3A_438, %add3A_439, %rem3A_430 : i32
      %mul3A_441 = arith.constant 32 : i32
      %mul3A_442 = arith.muli %select_n3A_440, %mul3A_441 : i32
      "tpu.region"() ({
        %run_scoped3A = tpu.sem_alloc : memref<!tpu.dma_semaphore, #tpu.memory_space<semaphore_mem>>
        %dma_start3A = tpu.memref_slice %arg11[%select_n3A_424, %mul3A_442] : memref<100x128xi32, #tpu.memory_space<vmem>> -> memref<1x32xi32, #tpu.memory_space<vmem>>
        %dma_start3A_443 = tpu.memref_squeeze %dma_start3A : memref<1x32xi32, #tpu.memory_space<vmem>> -> memref<32xi32, #tpu.memory_space<vmem>>
        %dma_start3A_444 = arith.constant 0 : i32
        %dma_start3A_445 = arith.constant 0 : i32
        %dma_start3A_446 = tpu.memref_slice %arg17[%dma_start3A_444, %dma_start3A_445] : memref<5008x128xf32, #tpu.memory_space<vmem_shared>> -> memref<5008x128xf32, #tpu.memory_space<vmem_shared>>
        tpu.enqueue_indirect_dma source(%arg16 : memref<32x128xf32, #tpu.memory_space<vmem>>) target(%dma_start3A_446 : memref<5008x128xf32, #tpu.memory_space<vmem_shared>>) offsets(%dma_start3A_443 : memref<32xi32, #tpu.memory_space<vmem>>) semaphore(%run_scoped3A : memref<!tpu.dma_semaphore, #tpu.memory_space<semaphore_mem>>) {add = true}
        %dma_wait3A_447 = tpu.memref_slice %arg11[%select_n3A_424, %mul3A_442] : memref<100x128xi32, #tpu.memory_space<vmem>> -> memref<1x32xi32, #tpu.memory_space<vmem>>
        %dma_wait3A_448 = tpu.memref_squeeze %dma_wait3A_447 : memref<1x32xi32, #tpu.memory_space<vmem>> -> memref<32xi32, #tpu.memory_space<vmem>>
        %dma_wait3A_449 = arith.constant 0 : i32
        %dma_wait3A_450 = arith.constant 0 : i32
        %dma_wait3A_451 = tpu.memref_slice %arg17[%dma_wait3A_449, %dma_wait3A_450] : memref<5008x128xf32, #tpu.memory_space<vmem_shared>> -> memref<5008x128xf32, #tpu.memory_space<vmem_shared>>
        tpu.wait_indirect_dma semaphore(%run_scoped3A : memref<!tpu.dma_semaphore, #tpu.memory_space<semaphore_mem>>) src(%arg16 : memref<32x128xf32, #tpu.memory_space<vmem>>) dst(%dma_wait3A_451 : memref<5008x128xf32, #tpu.memory_space<vmem_shared>>)
        tpu.yield
      }) : () -> ()
    }
    %mul3A_91 = arith.constant 2 : i32
    %mul3A_92 = arith.muli %mul3A_91, %arg1 : i32
    %add3A_93 = arith.constant 1 : i32
    %add3A_94 = arith.addi %mul3A_92, %add3A_93 : i32
    %eq3A_95 = arith.constant 0 : i32
    %eq3A_96 = arith.cmpi eq, %arg0, %eq3A_95 : i32
    %convert_element_type3A_97 = arith.extui %eq3A_96 : i1 to i32
    %cond3A_98 = arith.constant 0 : i32
    %cond3A_99 = arith.cmpi ne, %convert_element_type3A_97, %cond3A_98 : i32
    scf.if %cond3A_99 {
      %mul3A_203 = arith.constant 12800 : i32
      %mul3A_204 = arith.muli %add3A_94, %mul3A_203 : i32
      "tpu.region"() ({
        %run_scoped3A = tpu.sem_alloc : memref<!tpu.dma_semaphore, #tpu.memory_space<semaphore_mem>>
        %dma_start3A = tpu.memref_slice %arg3[%mul3A_204] : memref<409600xi32, #tpu.memory_space<hbm>> -> memref<12800xi32, #tpu.memory_space<hbm>>
        %dma_start3A_205 = tpu.memref_slice %arg3[%mul3A_204] : memref<409600xi32, #tpu.memory_space<hbm>> -> memref<12800xi32, #tpu.memory_space<hbm>>
        tpu.enqueue_dma source(%dma_start3A_205 : memref<12800xi32, #tpu.memory_space<hbm>>) target(%arg10 : memref<12800xi32, #tpu.memory_space<vmem>>) target_semaphore(%run_scoped3A : memref<!tpu.dma_semaphore, #tpu.memory_space<semaphore_mem>>)
        %dma_wait3A = tpu.memref_slice %arg3[%mul3A_204] : memref<409600xi32, #tpu.memory_space<hbm>> -> memref<12800xi32, #tpu.memory_space<hbm>>
        %dma_wait3A_206 = tpu.memref_slice %arg3[%mul3A_204] : memref<409600xi32, #tpu.memory_space<hbm>> -> memref<12800xi32, #tpu.memory_space<hbm>>
        tpu.wait_dma2 semaphore(%run_scoped3A : memref<!tpu.dma_semaphore, #tpu.memory_space<semaphore_mem>>) src(%dma_wait3A_206 : memref<12800xi32, #tpu.memory_space<hbm>>) dst(%arg10 : memref<12800xi32, #tpu.memory_space<vmem>>)
        tpu.yield
      }) : () -> ()
      "tpu.region"() ({
        %run_scoped3A = tpu.sem_alloc : memref<!tpu.dma_semaphore, #tpu.memory_space<semaphore_mem>>
        %dma_start3A = arith.constant 0 : i32
        %dma_start3A_205 = arith.constant 0 : i32
        %dma_start3A_206 = tpu.memref_slice %arg5[%add3A_94, %dma_start3A, %dma_start3A_205] : memref<32x100x128xi32, #tpu.memory_space<hbm>> -> memref<1x100x128xi32, #tpu.memory_space<hbm>>
        %dma_start3A_207 = tpu.memref_squeeze %dma_start3A_206 : memref<1x100x128xi32, #tpu.memory_space<hbm>> -> memref<100x128xi32, #tpu.memory_space<hbm>>
        %dma_start3A_208 = arith.constant 0 : i32
        %dma_start3A_209 = arith.constant 0 : i32
        %dma_start3A_210 = tpu.memref_slice %arg5[%add3A_94, %dma_start3A_208, %dma_start3A_209] : memref<32x100x128xi32, #tpu.memory_space<hbm>> -> memref<1x100x128xi32, #tpu.memory_space<hbm>>
        %dma_start3A_211 = tpu.memref_squeeze %dma_start3A_210 : memref<1x100x128xi32, #tpu.memory_space<hbm>> -> memref<100x128xi32, #tpu.memory_space<hbm>>
        tpu.enqueue_dma source(%dma_start3A_211 : memref<100x128xi32, #tpu.memory_space<hbm>>) target(%arg11 : memref<100x128xi32, #tpu.memory_space<vmem>>) target_semaphore(%run_scoped3A : memref<!tpu.dma_semaphore, #tpu.memory_space<semaphore_mem>>)
        %dma_wait3A = arith.constant 0 : i32
        %dma_wait3A_212 = arith.constant 0 : i32
        %dma_wait3A_213 = tpu.memref_slice %arg5[%add3A_94, %dma_wait3A, %dma_wait3A_212] : memref<32x100x128xi32, #tpu.memory_space<hbm>> -> memref<1x100x128xi32, #tpu.memory_space<hbm>>
        %dma_wait3A_214 = tpu.memref_squeeze %dma_wait3A_213 : memref<1x100x128xi32, #tpu.memory_space<hbm>> -> memref<100x128xi32, #tpu.memory_space<hbm>>
        %dma_wait3A_215 = arith.constant 0 : i32
        %dma_wait3A_216 = arith.constant 0 : i32
        %dma_wait3A_217 = tpu.memref_slice %arg5[%add3A_94, %dma_wait3A_215, %dma_wait3A_216] : memref<32x100x128xi32, #tpu.memory_space<hbm>> -> memref<1x100x128xi32, #tpu.memory_space<hbm>>
        %dma_wait3A_218 = tpu.memref_squeeze %dma_wait3A_217 : memref<1x100x128xi32, #tpu.memory_space<hbm>> -> memref<100x128xi32, #tpu.memory_space<hbm>>
        tpu.wait_dma2 semaphore(%run_scoped3A : memref<!tpu.dma_semaphore, #tpu.memory_space<semaphore_mem>>) src(%dma_wait3A_218 : memref<100x128xi32, #tpu.memory_space<hbm>>) dst(%arg11 : memref<100x128xi32, #tpu.memory_space<vmem>>)
        tpu.yield
      }) : () -> ()
    } else {
    }
    %eq3A_100 = arith.constant 1 : i32
    %eq3A_101 = arith.cmpi eq, %arg0, %eq3A_100 : i32
    %convert_element_type3A_102 = arith.extui %eq3A_101 : i1 to i32
    %cond3A_103 = arith.constant 0 : i32
    %cond3A_104 = arith.cmpi ne, %convert_element_type3A_102, %cond3A_103 : i32
    scf.if %cond3A_104 {
      %mul3A_203 = arith.constant 12800 : i32
      %mul3A_204 = arith.muli %add3A_94, %mul3A_203 : i32
      "tpu.region"() ({
        %run_scoped3A = tpu.sem_alloc : memref<!tpu.dma_semaphore, #tpu.memory_space<semaphore_mem>>
        %dma_start3A = tpu.memref_slice %arg4[%mul3A_204] : memref<409600xi32, #tpu.memory_space<hbm>> -> memref<12800xi32, #tpu.memory_space<hbm>>
        %dma_start3A_205 = tpu.memref_slice %arg4[%mul3A_204] : memref<409600xi32, #tpu.memory_space<hbm>> -> memref<12800xi32, #tpu.memory_space<hbm>>
        tpu.enqueue_dma source(%dma_start3A_205 : memref<12800xi32, #tpu.memory_space<hbm>>) target(%arg10 : memref<12800xi32, #tpu.memory_space<vmem>>) target_semaphore(%run_scoped3A : memref<!tpu.dma_semaphore, #tpu.memory_space<semaphore_mem>>)
        %dma_wait3A = tpu.memref_slice %arg4[%mul3A_204] : memref<409600xi32, #tpu.memory_space<hbm>> -> memref<12800xi32, #tpu.memory_space<hbm>>
        %dma_wait3A_206 = tpu.memref_slice %arg4[%mul3A_204] : memref<409600xi32, #tpu.memory_space<hbm>> -> memref<12800xi32, #tpu.memory_space<hbm>>
        tpu.wait_dma2 semaphore(%run_scoped3A : memref<!tpu.dma_semaphore, #tpu.memory_space<semaphore_mem>>) src(%dma_wait3A_206 : memref<12800xi32, #tpu.memory_space<hbm>>) dst(%arg10 : memref<12800xi32, #tpu.memory_space<vmem>>)
        tpu.yield
      }) : () -> ()
      "tpu.region"() ({
        %run_scoped3A = tpu.sem_alloc : memref<!tpu.dma_semaphore, #tpu.memory_space<semaphore_mem>>
        %dma_start3A = arith.constant 0 : i32
        %dma_start3A_205 = arith.constant 0 : i32
        %dma_start3A_206 = tpu.memref_slice %arg6[%add3A_94, %dma_start3A, %dma_start3A_205] : memref<32x100x128xi32, #tpu.memory_space<hbm>> -> memref<1x100x128xi32, #tpu.memory_space<hbm>>
        %dma_start3A_207 = tpu.memref_squeeze %dma_start3A_206 : memref<1x100x128xi32, #tpu.memory_space<hbm>> -> memref<100x128xi32, #tpu.memory_space<hbm>>
        %dma_start3A_208 = arith.constant 0 : i32
        %dma_start3A_209 = arith.constant 0 : i32
        %dma_start3A_210 = tpu.memref_slice %arg6[%add3A_94, %dma_start3A_208, %dma_start3A_209] : memref<32x100x128xi32, #tpu.memory_space<hbm>> -> memref<1x100x128xi32, #tpu.memory_space<hbm>>
        %dma_start3A_211 = tpu.memref_squeeze %dma_start3A_210 : memref<1x100x128xi32, #tpu.memory_space<hbm>> -> memref<100x128xi32, #tpu.memory_space<hbm>>
        tpu.enqueue_dma source(%dma_start3A_211 : memref<100x128xi32, #tpu.memory_space<hbm>>) target(%arg11 : memref<100x128xi32, #tpu.memory_space<vmem>>) target_semaphore(%run_scoped3A : memref<!tpu.dma_semaphore, #tpu.memory_space<semaphore_mem>>)
        %dma_wait3A = arith.constant 0 : i32
        %dma_wait3A_212 = arith.constant 0 : i32
        %dma_wait3A_213 = tpu.memref_slice %arg6[%add3A_94, %dma_wait3A, %dma_wait3A_212] : memref<32x100x128xi32, #tpu.memory_space<hbm>> -> memref<1x100x128xi32, #tpu.memory_space<hbm>>
        %dma_wait3A_214 = tpu.memref_squeeze %dma_wait3A_213 : memref<1x100x128xi32, #tpu.memory_space<hbm>> -> memref<100x128xi32, #tpu.memory_space<hbm>>
        %dma_wait3A_215 = arith.constant 0 : i32
        %dma_wait3A_216 = arith.constant 0 : i32
        %dma_wait3A_217 = tpu.memref_slice %arg6[%add3A_94, %dma_wait3A_215, %dma_wait3A_216] : memref<32x100x128xi32, #tpu.memory_space<hbm>> -> memref<1x100x128xi32, #tpu.memory_space<hbm>>
        %dma_wait3A_218 = tpu.memref_squeeze %dma_wait3A_217 : memref<1x100x128xi32, #tpu.memory_space<hbm>> -> memref<100x128xi32, #tpu.memory_space<hbm>>
        tpu.wait_dma2 semaphore(%run_scoped3A : memref<!tpu.dma_semaphore, #tpu.memory_space<semaphore_mem>>) src(%dma_wait3A_218 : memref<100x128xi32, #tpu.memory_space<hbm>>) dst(%arg11 : memref<100x128xi32, #tpu.memory_space<vmem>>)
        tpu.yield
      }) : () -> ()
    } else {
    }
    %mul3A_105 = arith.constant 16 : i32
    %mul3A_106 = arith.muli %add3A_94, %mul3A_105 : i32
    "tpu.region"() ({
      %run_scoped3A = tpu.sem_alloc : memref<!tpu.dma_semaphore, #tpu.memory_space<semaphore_mem>>
      %dma_start3A = tpu.memref_slice %arg7[%mul3A_106] : memref<512xi32, #tpu.memory_space<hbm>> -> memref<16xi32, #tpu.memory_space<hbm>>
      %dma_start3A_203 = tpu.memref_slice %arg7[%mul3A_106] : memref<512xi32, #tpu.memory_space<hbm>> -> memref<16xi32, #tpu.memory_space<hbm>>
      tpu.enqueue_dma source(%dma_start3A_203 : memref<16xi32, #tpu.memory_space<hbm>>) target(%arg12 : memref<16xi32, #tpu.memory_space<vmem>>) target_semaphore(%run_scoped3A : memref<!tpu.dma_semaphore, #tpu.memory_space<semaphore_mem>>)
      %dma_wait3A = tpu.memref_slice %arg7[%mul3A_106] : memref<512xi32, #tpu.memory_space<hbm>> -> memref<16xi32, #tpu.memory_space<hbm>>
      %dma_wait3A_204 = tpu.memref_slice %arg7[%mul3A_106] : memref<512xi32, #tpu.memory_space<hbm>> -> memref<16xi32, #tpu.memory_space<hbm>>
      tpu.wait_dma2 semaphore(%run_scoped3A : memref<!tpu.dma_semaphore, #tpu.memory_space<semaphore_mem>>) src(%dma_wait3A_204 : memref<16xi32, #tpu.memory_space<hbm>>) dst(%arg12 : memref<16xi32, #tpu.memory_space<vmem>>)
      tpu.yield
    }) : () -> ()
    %iota3A_107 = tpu.iota {dimensions = array<i32: 0>} : vector<16xi32>
    %eq3A_108 = vector.broadcast %arg0 : i32 to vector<16xi32>
    %eq3A_109 = arith.cmpi eq, %iota3A_107, %eq3A_108 : vector<16xi32>
    %get3A_110 = arith.constant 0 : index
    %get3A_111 = tpu.vector_load %arg12[%get3A_110] {strides = array<i32>} : memref<16xi32, #tpu.memory_space<vmem>>, vector<16xi32>,
    %jit3A_112 = arith.constant 0 : i32
    %broadcast_in_dim3A_113 = vector.broadcast %jit3A_112 : i32 to vector<16xi32>
    %select_n3A_114 = arith.select %eq3A_109, %get3A_111, %broadcast_in_dim3A_113 : vector<16xi1>, vector<16xi32>
    %reduce_sum3A_115 = arith.constant true
    %reduce_sum3A_116 = vector.broadcast %reduce_sum3A_115 : i1 to vector<16xi1>
    %reduce_sum3A_117 = tpu.scan <sum>, %select_n3A_114 masked %reduce_sum3A_116 : vector<16xi32>, vector<16xi1> -> vector<16xi32>
    %reduce_sum3A_118 = vector.extract %reduce_sum3A_117[15] : i32 from vector<16xi32>
    %jit3A_119 = arith.constant 32 : i32
    %div3A_120 = arith.divsi %reduce_sum3A_118, %jit3A_119 : i32
    %sign3A_121 = arith.constant 0 : i32
    %sign3A_122 = arith.cmpi sgt, %reduce_sum3A_118, %sign3A_121 : i32
    %sign3A_123 = arith.extui %sign3A_122 : i1 to i32
    %sign3A_124 = arith.constant 0 : i32
    %sign3A_125 = arith.cmpi slt, %reduce_sum3A_118, %sign3A_124 : i32
    %sign3A_126 = arith.extui %sign3A_125 : i1 to i32
    %sign3A_127 = arith.subi %sign3A_123, %sign3A_126 : i32
    %sign3A_128 = arith.constant 0 : i32
    %sign3A_129 = arith.cmpi sgt, %jit3A_119, %sign3A_128 : i32
    %sign3A_130 = arith.extui %sign3A_129 : i1 to i32
    %sign3A_131 = arith.constant 0 : i32
    %sign3A_132 = arith.cmpi slt, %jit3A_119, %sign3A_131 : i32
    %sign3A_133 = arith.extui %sign3A_132 : i1 to i32
    %sign3A_134 = arith.subi %sign3A_130, %sign3A_133 : i32
    %ne3A_135 = arith.cmpi ne, %sign3A_127, %sign3A_134 : i32
    %rem3A_136 = arith.remsi %reduce_sum3A_118, %jit3A_119 : i32
    %ne3A_137 = arith.constant 0 : i32
    %ne3A_138 = arith.cmpi ne, %rem3A_136, %ne3A_137 : i32
    %and3A_139 = arith.andi %ne3A_135, %ne3A_138 : i1
    %sub3A_140 = arith.constant 1 : i32
    %sub3A_141 = arith.subi %div3A_120, %sub3A_140 : i32
    %select_n3A_142 = arith.select %and3A_139, %sub3A_141, %div3A_120 : i32
    %jit3A_143 = arith.constant 128 : i32
    %div3A_144 = arith.divsi %reduce_sum3A_118, %jit3A_143 : i32
    %sign3A_145 = arith.constant 0 : i32
    %sign3A_146 = arith.cmpi sgt, %reduce_sum3A_118, %sign3A_145 : i32
    %sign3A_147 = arith.extui %sign3A_146 : i1 to i32
    %sign3A_148 = arith.constant 0 : i32
    %sign3A_149 = arith.cmpi slt, %reduce_sum3A_118, %sign3A_148 : i32
    %sign3A_150 = arith.extui %sign3A_149 : i1 to i32
    %sign3A_151 = arith.subi %sign3A_147, %sign3A_150 : i32
    %sign3A_152 = arith.constant 0 : i32
    %sign3A_153 = arith.cmpi sgt, %jit3A_143, %sign3A_152 : i32
    %sign3A_154 = arith.extui %sign3A_153 : i1 to i32
    %sign3A_155 = arith.constant 0 : i32
    %sign3A_156 = arith.cmpi slt, %jit3A_143, %sign3A_155 : i32
    %sign3A_157 = arith.extui %sign3A_156 : i1 to i32
    %sign3A_158 = arith.subi %sign3A_154, %sign3A_157 : i32
    %ne3A_159 = arith.cmpi ne, %sign3A_151, %sign3A_158 : i32
    %rem3A_160 = arith.remsi %reduce_sum3A_118, %jit3A_143 : i32
    %ne3A_161 = arith.constant 0 : i32
    %ne3A_162 = arith.cmpi ne, %rem3A_160, %ne3A_161 : i32
    %and3A_163 = arith.andi %ne3A_159, %ne3A_162 : i1
    %sub3A_164 = arith.constant 1 : i32
    %sub3A_165 = arith.subi %div3A_144, %sub3A_164 : i32
    %select_n3A_166 = arith.select %and3A_163, %sub3A_165, %div3A_144 : i32
    %gt3A_167 = arith.constant 0 : i32
    %gt3A_168 = arith.cmpi sgt, %select_n3A_142, %gt3A_167 : i32
    %convert_element_type3A_169 = arith.extui %gt3A_168 : i1 to i32
    %cond3A_170 = arith.constant 0 : i32
    %cond3A_171 = arith.cmpi ne, %convert_element_type3A_169, %cond3A_170 : i32
    scf.if %cond3A_171 {
      %dma_start3A = arith.constant 0 : i32
      %dma_start3A_203 = tpu.memref_slice %arg10[%dma_start3A] : memref<12800xi32, #tpu.memory_space<vmem>> -> memref<32xi32, #tpu.memory_space<vmem>>
      %dma_start3A_204 = arith.constant 0 : i32
      %dma_start3A_205 = arith.constant 0 : i32
      %dma_start3A_206 = tpu.memref_slice %arg2[%dma_start3A_204, %dma_start3A_205] : memref<10000x128xf32, #tpu.memory_space<hbm>> -> memref<10000x128xf32, #tpu.memory_space<hbm>>
      tpu.enqueue_indirect_dma source(%dma_start3A_206 : memref<10000x128xf32, #tpu.memory_space<hbm>>) target(%arg13 : memref<32x128xf32, #tpu.memory_space<vmem>>) offsets(%dma_start3A_203 : memref<32xi32, #tpu.memory_space<vmem>>) semaphore(%arg18 : memref<!tpu.dma_semaphore, #tpu.memory_space<semaphore_mem>>)
    } else {
    }
    %gt3A_172 = arith.constant 1 : i32
    %gt3A_173 = arith.cmpi sgt, %select_n3A_142, %gt3A_172 : i32
    %convert_element_type3A_174 = arith.extui %gt3A_173 : i1 to i32
    %cond3A_175 = arith.constant 0 : i32
    %cond3A_176 = arith.cmpi ne, %convert_element_type3A_174, %cond3A_175 : i32
    scf.if %cond3A_176 {
      %dma_start3A = arith.constant 32 : i32
      %dma_start3A_203 = tpu.memref_slice %arg10[%dma_start3A] : memref<12800xi32, #tpu.memory_space<vmem>> -> memref<32xi32, #tpu.memory_space<vmem>>
      %dma_start3A_204 = arith.constant 0 : i32
      %dma_start3A_205 = arith.constant 0 : i32
      %dma_start3A_206 = tpu.memref_slice %arg2[%dma_start3A_204, %dma_start3A_205] : memref<10000x128xf32, #tpu.memory_space<hbm>> -> memref<10000x128xf32, #tpu.memory_space<hbm>>
      tpu.enqueue_indirect_dma source(%dma_start3A_206 : memref<10000x128xf32, #tpu.memory_space<hbm>>) target(%arg14 : memref<32x128xf32, #tpu.memory_space<vmem>>) offsets(%dma_start3A_203 : memref<32xi32, #tpu.memory_space<vmem>>) semaphore(%arg19 : memref<!tpu.dma_semaphore, #tpu.memory_space<semaphore_mem>>)
    } else {
    }
    %gt3A_177 = arith.constant 2 : i32
    %gt3A_178 = arith.cmpi sgt, %select_n3A_142, %gt3A_177 : i32
    %convert_element_type3A_179 = arith.extui %gt3A_178 : i1 to i32
    %cond3A_180 = arith.constant 0 : i32
    %cond3A_181 = arith.cmpi ne, %convert_element_type3A_179, %cond3A_180 : i32
    scf.if %cond3A_181 {
      %dma_start3A = arith.constant 64 : i32
      %dma_start3A_203 = tpu.memref_slice %arg10[%dma_start3A] : memref<12800xi32, #tpu.memory_space<vmem>> -> memref<32xi32, #tpu.memory_space<vmem>>
      %dma_start3A_204 = arith.constant 0 : i32
      %dma_start3A_205 = arith.constant 0 : i32
      %dma_start3A_206 = tpu.memref_slice %arg2[%dma_start3A_204, %dma_start3A_205] : memref<10000x128xf32, #tpu.memory_space<hbm>> -> memref<10000x128xf32, #tpu.memory_space<hbm>>
      tpu.enqueue_indirect_dma source(%dma_start3A_206 : memref<10000x128xf32, #tpu.memory_space<hbm>>) target(%arg15 : memref<32x128xf32, #tpu.memory_space<vmem>>) offsets(%dma_start3A_203 : memref<32xi32, #tpu.memory_space<vmem>>) semaphore(%arg20 : memref<!tpu.dma_semaphore, #tpu.memory_space<semaphore_mem>>)
    } else {
    }
    %while3A_182 = arith.constant 0 : i32
    %while3A_183 = arith.constant 0 : i32
    %while3A_184 = arith.subi %select_n3A_166, %while3A_183 : i32
    %while3A_185 = arith.addi %while3A_183, %while3A_184 : i32
    %while3A_186 = arith.constant 1 : i32
    %while3A_187 = arith.divsi %while3A_184, %while3A_186 : i32
    %while3A_188 = arith.muli %while3A_187, %while3A_186 : i32
    %while3A_189 = arith.addi %while3A_183, %while3A_188 : i32
    %while3A_190 = arith.constant 1 : i32
    scf.for %while3A_203 = %while3A_183 to %while3A_189 step %while3A_190  : i32 {
      %mul3A_204 = arith.constant 4 : i32
      %mul3A_205 = arith.muli %mul3A_204, %while3A_203 : i32
      %add3A_206 = arith.constant 0 : i32
      %add3A_207 = arith.addi %mul3A_205, %add3A_206 : i32
      %add3A_208 = arith.constant 4 : i32
      %add3A_209 = arith.addi %add3A_207, %add3A_208 : i32
      %sub3A_210 = arith.constant 1 : i32
      %sub3A_211 = arith.subi %add3A_209, %sub3A_210 : i32
      %lt3A_212 = arith.cmpi slt, %sub3A_211, %select_n3A_142 : i32
      %convert_element_type3A_213 = arith.extui %lt3A_212 : i1 to i32
      %cond3A_214 = arith.constant 0 : i32
      %cond3A_215 = arith.cmpi ne, %convert_element_type3A_213, %cond3A_214 : i32
      scf.if %cond3A_215 {
        %mul3A_443 = arith.constant 32 : i32
        %mul3A_444 = arith.muli %sub3A_211, %mul3A_443 : i32
        %dma_start3A = tpu.memref_slice %arg10[%mul3A_444] : memref<12800xi32, #tpu.memory_space<vmem>> -> memref<32xi32, #tpu.memory_space<vmem>>
        %dma_start3A_445 = arith.constant 0 : i32
        %dma_start3A_446 = arith.constant 0 : i32
        %dma_start3A_447 = tpu.memref_slice %arg2[%dma_start3A_445, %dma_start3A_446] : memref<10000x128xf32, #tpu.memory_space<hbm>> -> memref<10000x128xf32, #tpu.memory_space<hbm>>
        tpu.enqueue_indirect_dma source(%dma_start3A_447 : memref<10000x128xf32, #tpu.memory_space<hbm>>) target(%arg16 : memref<32x128xf32, #tpu.memory_space<vmem>>) offsets(%dma_start3A : memref<32xi32, #tpu.memory_space<vmem>>) semaphore(%arg21 : memref<!tpu.dma_semaphore, #tpu.memory_space<semaphore_mem>>)
      } else {
      }
      %mul3A_216 = arith.constant 32 : i32
      %mul3A_217 = arith.muli %add3A_207, %mul3A_216 : i32
      %dma_wait3A = tpu.memref_slice %arg10[%mul3A_217] : memref<12800xi32, #tpu.memory_space<vmem>> -> memref<32xi32, #tpu.memory_space<vmem>>
      %dma_wait3A_218 = arith.constant 0 : i32
      %dma_wait3A_219 = arith.constant 0 : i32
      %dma_wait3A_220 = tpu.memref_slice %arg2[%dma_wait3A_218, %dma_wait3A_219] : memref<10000x128xf32, #tpu.memory_space<hbm>> -> memref<10000x128xf32, #tpu.memory_space<hbm>>
      tpu.wait_indirect_dma semaphore(%arg18 : memref<!tpu.dma_semaphore, #tpu.memory_space<semaphore_mem>>) src(%dma_wait3A_220 : memref<10000x128xf32, #tpu.memory_space<hbm>>) dst(%arg13 : memref<32x128xf32, #tpu.memory_space<vmem>>)
      %jit3A_221 = arith.constant 4 : i32
      %div3A_222 = arith.divsi %add3A_207, %jit3A_221 : i32
      %sign3A_223 = arith.constant 0 : i32
      %sign3A_224 = arith.cmpi sgt, %add3A_207, %sign3A_223 : i32
      %sign3A_225 = arith.extui %sign3A_224 : i1 to i32
      %sign3A_226 = arith.constant 0 : i32
      %sign3A_227 = arith.cmpi slt, %add3A_207, %sign3A_226 : i32
      %sign3A_228 = arith.extui %sign3A_227 : i1 to i32
      %sign3A_229 = arith.subi %sign3A_225, %sign3A_228 : i32
      %sign3A_230 = arith.constant 0 : i32
      %sign3A_231 = arith.cmpi sgt, %jit3A_221, %sign3A_230 : i32
      %sign3A_232 = arith.extui %sign3A_231 : i1 to i32
      %sign3A_233 = arith.constant 0 : i32
      %sign3A_234 = arith.cmpi slt, %jit3A_221, %sign3A_233 : i32
      %sign3A_235 = arith.extui %sign3A_234 : i1 to i32
      %sign3A_236 = arith.subi %sign3A_232, %sign3A_235 : i32
      %ne3A_237 = arith.cmpi ne, %sign3A_229, %sign3A_236 : i32
      %rem3A_238 = arith.remsi %add3A_207, %jit3A_221 : i32
      %ne3A_239 = arith.constant 0 : i32
      %ne3A_240 = arith.cmpi ne, %rem3A_238, %ne3A_239 : i32
      %and3A_241 = arith.andi %ne3A_237, %ne3A_240 : i1
      %sub3A_242 = arith.constant 1 : i32
      %sub3A_243 = arith.subi %div3A_222, %sub3A_242 : i32
      %select_n3A_244 = arith.select %and3A_241, %sub3A_243, %div3A_222 : i32
      %jit3A_245 = arith.constant 4 : i32
      %eq3A_246 = arith.constant 0 : i32
      %eq3A_247 = arith.cmpi eq, %jit3A_245, %eq3A_246 : i32
      %jit3A_248 = arith.constant 1 : i32
      %select_n3A_249 = arith.select %eq3A_247, %jit3A_248, %jit3A_245 : i32
      %rem3A_250 = arith.remsi %add3A_207, %select_n3A_249 : i32
      %ne3A_251 = arith.constant 0 : i32
      %ne3A_252 = arith.cmpi ne, %rem3A_250, %ne3A_251 : i32
      %lt3A_253 = arith.constant 0 : i32
      %lt3A_254 = arith.cmpi slt, %rem3A_250, %lt3A_253 : i32
      %lt3A_255 = arith.constant 0 : i32
      %lt3A_256 = arith.cmpi slt, %select_n3A_249, %lt3A_255 : i32
      %ne3A_257 = arith.xori %lt3A_254, %lt3A_256 : i1
      %and3A_258 = arith.andi %ne3A_257, %ne3A_252 : i1
      %add3A_259 = arith.addi %rem3A_250, %select_n3A_249 : i32
      %select_n3A_260 = arith.select %and3A_258, %add3A_259, %rem3A_250 : i32
      %mul3A_261 = arith.constant 32 : i32
      %mul3A_262 = arith.muli %select_n3A_260, %mul3A_261 : i32
      "tpu.region"() ({
        %run_scoped3A = tpu.sem_alloc : memref<!tpu.dma_semaphore, #tpu.memory_space<semaphore_mem>>
        %dma_start3A = tpu.memref_slice %arg11[%select_n3A_244, %mul3A_262] : memref<100x128xi32, #tpu.memory_space<vmem>> -> memref<1x32xi32, #tpu.memory_space<vmem>>
        %dma_start3A_443 = tpu.memref_squeeze %dma_start3A : memref<1x32xi32, #tpu.memory_space<vmem>> -> memref<32xi32, #tpu.memory_space<vmem>>
        %dma_start3A_444 = arith.constant 0 : i32
        %dma_start3A_445 = arith.constant 0 : i32
        %dma_start3A_446 = tpu.memref_slice %arg17[%dma_start3A_444, %dma_start3A_445] : memref<5008x128xf32, #tpu.memory_space<vmem_shared>> -> memref<5008x128xf32, #tpu.memory_space<vmem_shared>>
        tpu.enqueue_indirect_dma source(%arg13 : memref<32x128xf32, #tpu.memory_space<vmem>>) target(%dma_start3A_446 : memref<5008x128xf32, #tpu.memory_space<vmem_shared>>) offsets(%dma_start3A_443 : memref<32xi32, #tpu.memory_space<vmem>>) semaphore(%run_scoped3A : memref<!tpu.dma_semaphore, #tpu.memory_space<semaphore_mem>>) {add = true}
        %dma_wait3A_447 = tpu.memref_slice %arg11[%select_n3A_244, %mul3A_262] : memref<100x128xi32, #tpu.memory_space<vmem>> -> memref<1x32xi32, #tpu.memory_space<vmem>>
        %dma_wait3A_448 = tpu.memref_squeeze %dma_wait3A_447 : memref<1x32xi32, #tpu.memory_space<vmem>> -> memref<32xi32, #tpu.memory_space<vmem>>
        %dma_wait3A_449 = arith.constant 0 : i32
        %dma_wait3A_450 = arith.constant 0 : i32
        %dma_wait3A_451 = tpu.memref_slice %arg17[%dma_wait3A_449, %dma_wait3A_450] : memref<5008x128xf32, #tpu.memory_space<vmem_shared>> -> memref<5008x128xf32, #tpu.memory_space<vmem_shared>>
        tpu.wait_indirect_dma semaphore(%run_scoped3A : memref<!tpu.dma_semaphore, #tpu.memory_space<semaphore_mem>>) src(%arg13 : memref<32x128xf32, #tpu.memory_space<vmem>>) dst(%dma_wait3A_451 : memref<5008x128xf32, #tpu.memory_space<vmem_shared>>)
        tpu.yield
      }) : () -> ()
      %mul3A_263 = arith.constant 4 : i32
      %mul3A_264 = arith.muli %mul3A_263, %while3A_203 : i32
      %add3A_265 = arith.constant 1 : i32
      %add3A_266 = arith.addi %mul3A_264, %add3A_265 : i32
      %add3A_267 = arith.constant 4 : i32
      %add3A_268 = arith.addi %add3A_266, %add3A_267 : i32
      %sub3A_269 = arith.constant 1 : i32
      %sub3A_270 = arith.subi %add3A_268, %sub3A_269 : i32
      %lt3A_271 = arith.cmpi slt, %sub3A_270, %select_n3A_142 : i32
      %convert_element_type3A_272 = arith.extui %lt3A_271 : i1 to i32
      %cond3A_273 = arith.constant 0 : i32
      %cond3A_274 = arith.cmpi ne, %convert_element_type3A_272, %cond3A_273 : i32
      scf.if %cond3A_274 {
        %mul3A_443 = arith.constant 32 : i32
        %mul3A_444 = arith.muli %sub3A_270, %mul3A_443 : i32
        %dma_start3A = tpu.memref_slice %arg10[%mul3A_444] : memref<12800xi32, #tpu.memory_space<vmem>> -> memref<32xi32, #tpu.memory_space<vmem>>
        %dma_start3A_445 = arith.constant 0 : i32
        %dma_start3A_446 = arith.constant 0 : i32
        %dma_start3A_447 = tpu.memref_slice %arg2[%dma_start3A_445, %dma_start3A_446] : memref<10000x128xf32, #tpu.memory_space<hbm>> -> memref<10000x128xf32, #tpu.memory_space<hbm>>
        tpu.enqueue_indirect_dma source(%dma_start3A_447 : memref<10000x128xf32, #tpu.memory_space<hbm>>) target(%arg13 : memref<32x128xf32, #tpu.memory_space<vmem>>) offsets(%dma_start3A : memref<32xi32, #tpu.memory_space<vmem>>) semaphore(%arg18 : memref<!tpu.dma_semaphore, #tpu.memory_space<semaphore_mem>>)
      } else {
      }
      %mul3A_275 = arith.constant 32 : i32
      %mul3A_276 = arith.muli %add3A_266, %mul3A_275 : i32
      %dma_wait3A_277 = tpu.memref_slice %arg10[%mul3A_276] : memref<12800xi32, #tpu.memory_space<vmem>> -> memref<32xi32, #tpu.memory_space<vmem>>
      %dma_wait3A_278 = arith.constant 0 : i32
      %dma_wait3A_279 = arith.constant 0 : i32
      %dma_wait3A_280 = tpu.memref_slice %arg2[%dma_wait3A_278, %dma_wait3A_279] : memref<10000x128xf32, #tpu.memory_space<hbm>> -> memref<10000x128xf32, #tpu.memory_space<hbm>>
      tpu.wait_indirect_dma semaphore(%arg19 : memref<!tpu.dma_semaphore, #tpu.memory_space<semaphore_mem>>) src(%dma_wait3A_280 : memref<10000x128xf32, #tpu.memory_space<hbm>>) dst(%arg14 : memref<32x128xf32, #tpu.memory_space<vmem>>)
      %jit3A_281 = arith.constant 4 : i32
      %div3A_282 = arith.divsi %add3A_266, %jit3A_281 : i32
      %sign3A_283 = arith.constant 0 : i32
      %sign3A_284 = arith.cmpi sgt, %add3A_266, %sign3A_283 : i32
      %sign3A_285 = arith.extui %sign3A_284 : i1 to i32
      %sign3A_286 = arith.constant 0 : i32
      %sign3A_287 = arith.cmpi slt, %add3A_266, %sign3A_286 : i32
      %sign3A_288 = arith.extui %sign3A_287 : i1 to i32
      %sign3A_289 = arith.subi %sign3A_285, %sign3A_288 : i32
      %sign3A_290 = arith.constant 0 : i32
      %sign3A_291 = arith.cmpi sgt, %jit3A_281, %sign3A_290 : i32
      %sign3A_292 = arith.extui %sign3A_291 : i1 to i32
      %sign3A_293 = arith.constant 0 : i32
      %sign3A_294 = arith.cmpi slt, %jit3A_281, %sign3A_293 : i32
      %sign3A_295 = arith.extui %sign3A_294 : i1 to i32
      %sign3A_296 = arith.subi %sign3A_292, %sign3A_295 : i32
      %ne3A_297 = arith.cmpi ne, %sign3A_289, %sign3A_296 : i32
      %rem3A_298 = arith.remsi %add3A_266, %jit3A_281 : i32
      %ne3A_299 = arith.constant 0 : i32
      %ne3A_300 = arith.cmpi ne, %rem3A_298, %ne3A_299 : i32
      %and3A_301 = arith.andi %ne3A_297, %ne3A_300 : i1
      %sub3A_302 = arith.constant 1 : i32
      %sub3A_303 = arith.subi %div3A_282, %sub3A_302 : i32
      %select_n3A_304 = arith.select %and3A_301, %sub3A_303, %div3A_282 : i32
      %jit3A_305 = arith.constant 4 : i32
      %eq3A_306 = arith.constant 0 : i32
      %eq3A_307 = arith.cmpi eq, %jit3A_305, %eq3A_306 : i32
      %jit3A_308 = arith.constant 1 : i32
      %select_n3A_309 = arith.select %eq3A_307, %jit3A_308, %jit3A_305 : i32
      %rem3A_310 = arith.remsi %add3A_266, %select_n3A_309 : i32
      %ne3A_311 = arith.constant 0 : i32
      %ne3A_312 = arith.cmpi ne, %rem3A_310, %ne3A_311 : i32
      %lt3A_313 = arith.constant 0 : i32
      %lt3A_314 = arith.cmpi slt, %rem3A_310, %lt3A_313 : i32
      %lt3A_315 = arith.constant 0 : i32
      %lt3A_316 = arith.cmpi slt, %select_n3A_309, %lt3A_315 : i32
      %ne3A_317 = arith.xori %lt3A_314, %lt3A_316 : i1
      %and3A_318 = arith.andi %ne3A_317, %ne3A_312 : i1
      %add3A_319 = arith.addi %rem3A_310, %select_n3A_309 : i32
      %select_n3A_320 = arith.select %and3A_318, %add3A_319, %rem3A_310 : i32
      %mul3A_321 = arith.constant 32 : i32
      %mul3A_322 = arith.muli %select_n3A_320, %mul3A_321 : i32
      "tpu.region"() ({
        %run_scoped3A = tpu.sem_alloc : memref<!tpu.dma_semaphore, #tpu.memory_space<semaphore_mem>>
        %dma_start3A = tpu.memref_slice %arg11[%select_n3A_304, %mul3A_322] : memref<100x128xi32, #tpu.memory_space<vmem>> -> memref<1x32xi32, #tpu.memory_space<vmem>>
        %dma_start3A_443 = tpu.memref_squeeze %dma_start3A : memref<1x32xi32, #tpu.memory_space<vmem>> -> memref<32xi32, #tpu.memory_space<vmem>>
        %dma_start3A_444 = arith.constant 0 : i32
        %dma_start3A_445 = arith.constant 0 : i32
        %dma_start3A_446 = tpu.memref_slice %arg17[%dma_start3A_444, %dma_start3A_445] : memref<5008x128xf32, #tpu.memory_space<vmem_shared>> -> memref<5008x128xf32, #tpu.memory_space<vmem_shared>>
        tpu.enqueue_indirect_dma source(%arg14 : memref<32x128xf32, #tpu.memory_space<vmem>>) target(%dma_start3A_446 : memref<5008x128xf32, #tpu.memory_space<vmem_shared>>) offsets(%dma_start3A_443 : memref<32xi32, #tpu.memory_space<vmem>>) semaphore(%run_scoped3A : memref<!tpu.dma_semaphore, #tpu.memory_space<semaphore_mem>>) {add = true}
        %dma_wait3A_447 = tpu.memref_slice %arg11[%select_n3A_304, %mul3A_322] : memref<100x128xi32, #tpu.memory_space<vmem>> -> memref<1x32xi32, #tpu.memory_space<vmem>>
        %dma_wait3A_448 = tpu.memref_squeeze %dma_wait3A_447 : memref<1x32xi32, #tpu.memory_space<vmem>> -> memref<32xi32, #tpu.memory_space<vmem>>
        %dma_wait3A_449 = arith.constant 0 : i32
        %dma_wait3A_450 = arith.constant 0 : i32
        %dma_wait3A_451 = tpu.memref_slice %arg17[%dma_wait3A_449, %dma_wait3A_450] : memref<5008x128xf32, #tpu.memory_space<vmem_shared>> -> memref<5008x128xf32, #tpu.memory_space<vmem_shared>>
        tpu.wait_indirect_dma semaphore(%run_scoped3A : memref<!tpu.dma_semaphore, #tpu.memory_space<semaphore_mem>>) src(%arg14 : memref<32x128xf32, #tpu.memory_space<vmem>>) dst(%dma_wait3A_451 : memref<5008x128xf32, #tpu.memory_space<vmem_shared>>)
        tpu.yield
      }) : () -> ()
      %mul3A_323 = arith.constant 4 : i32
      %mul3A_324 = arith.muli %mul3A_323, %while3A_203 : i32
      %add3A_325 = arith.constant 2 : i32
      %add3A_326 = arith.addi %mul3A_324, %add3A_325 : i32
      %add3A_327 = arith.constant 4 : i32
      %add3A_328 = arith.addi %add3A_326, %add3A_327 : i32
      %sub3A_329 = arith.constant 1 : i32
      %sub3A_330 = arith.subi %add3A_328, %sub3A_329 : i32
      %lt3A_331 = arith.cmpi slt, %sub3A_330, %select_n3A_142 : i32
      %convert_element_type3A_332 = arith.extui %lt3A_331 : i1 to i32
      %cond3A_333 = arith.constant 0 : i32
      %cond3A_334 = arith.cmpi ne, %convert_element_type3A_332, %cond3A_333 : i32
      scf.if %cond3A_334 {
        %mul3A_443 = arith.constant 32 : i32
        %mul3A_444 = arith.muli %sub3A_330, %mul3A_443 : i32
        %dma_start3A = tpu.memref_slice %arg10[%mul3A_444] : memref<12800xi32, #tpu.memory_space<vmem>> -> memref<32xi32, #tpu.memory_space<vmem>>
        %dma_start3A_445 = arith.constant 0 : i32
        %dma_start3A_446 = arith.constant 0 : i32
        %dma_start3A_447 = tpu.memref_slice %arg2[%dma_start3A_445, %dma_start3A_446] : memref<10000x128xf32, #tpu.memory_space<hbm>> -> memref<10000x128xf32, #tpu.memory_space<hbm>>
        tpu.enqueue_indirect_dma source(%dma_start3A_447 : memref<10000x128xf32, #tpu.memory_space<hbm>>) target(%arg14 : memref<32x128xf32, #tpu.memory_space<vmem>>) offsets(%dma_start3A : memref<32xi32, #tpu.memory_space<vmem>>) semaphore(%arg19 : memref<!tpu.dma_semaphore, #tpu.memory_space<semaphore_mem>>)
      } else {
      }
      %mul3A_335 = arith.constant 32 : i32
      %mul3A_336 = arith.muli %add3A_326, %mul3A_335 : i32
      %dma_wait3A_337 = tpu.memref_slice %arg10[%mul3A_336] : memref<12800xi32, #tpu.memory_space<vmem>> -> memref<32xi32, #tpu.memory_space<vmem>>
      %dma_wait3A_338 = arith.constant 0 : i32
      %dma_wait3A_339 = arith.constant 0 : i32
      %dma_wait3A_340 = tpu.memref_slice %arg2[%dma_wait3A_338, %dma_wait3A_339] : memref<10000x128xf32, #tpu.memory_space<hbm>> -> memref<10000x128xf32, #tpu.memory_space<hbm>>
      tpu.wait_indirect_dma semaphore(%arg20 : memref<!tpu.dma_semaphore, #tpu.memory_space<semaphore_mem>>) src(%dma_wait3A_340 : memref<10000x128xf32, #tpu.memory_space<hbm>>) dst(%arg15 : memref<32x128xf32, #tpu.memory_space<vmem>>)
      %jit3A_341 = arith.constant 4 : i32
      %div3A_342 = arith.divsi %add3A_326, %jit3A_341 : i32
      %sign3A_343 = arith.constant 0 : i32
      %sign3A_344 = arith.cmpi sgt, %add3A_326, %sign3A_343 : i32
      %sign3A_345 = arith.extui %sign3A_344 : i1 to i32
      %sign3A_346 = arith.constant 0 : i32
      %sign3A_347 = arith.cmpi slt, %add3A_326, %sign3A_346 : i32
      %sign3A_348 = arith.extui %sign3A_347 : i1 to i32
      %sign3A_349 = arith.subi %sign3A_345, %sign3A_348 : i32
      %sign3A_350 = arith.constant 0 : i32
      %sign3A_351 = arith.cmpi sgt, %jit3A_341, %sign3A_350 : i32
      %sign3A_352 = arith.extui %sign3A_351 : i1 to i32
      %sign3A_353 = arith.constant 0 : i32
      %sign3A_354 = arith.cmpi slt, %jit3A_341, %sign3A_353 : i32
      %sign3A_355 = arith.extui %sign3A_354 : i1 to i32
      %sign3A_356 = arith.subi %sign3A_352, %sign3A_355 : i32
      %ne3A_357 = arith.cmpi ne, %sign3A_349, %sign3A_356 : i32
      %rem3A_358 = arith.remsi %add3A_326, %jit3A_341 : i32
      %ne3A_359 = arith.constant 0 : i32
      %ne3A_360 = arith.cmpi ne, %rem3A_358, %ne3A_359 : i32
      %and3A_361 = arith.andi %ne3A_357, %ne3A_360 : i1
      %sub3A_362 = arith.constant 1 : i32
      %sub3A_363 = arith.subi %div3A_342, %sub3A_362 : i32
      %select_n3A_364 = arith.select %and3A_361, %sub3A_363, %div3A_342 : i32
      %jit3A_365 = arith.constant 4 : i32
      %eq3A_366 = arith.constant 0 : i32
      %eq3A_367 = arith.cmpi eq, %jit3A_365, %eq3A_366 : i32
      %jit3A_368 = arith.constant 1 : i32
      %select_n3A_369 = arith.select %eq3A_367, %jit3A_368, %jit3A_365 : i32
      %rem3A_370 = arith.remsi %add3A_326, %select_n3A_369 : i32
      %ne3A_371 = arith.constant 0 : i32
      %ne3A_372 = arith.cmpi ne, %rem3A_370, %ne3A_371 : i32
      %lt3A_373 = arith.constant 0 : i32
      %lt3A_374 = arith.cmpi slt, %rem3A_370, %lt3A_373 : i32
      %lt3A_375 = arith.constant 0 : i32
      %lt3A_376 = arith.cmpi slt, %select_n3A_369, %lt3A_375 : i32
      %ne3A_377 = arith.xori %lt3A_374, %lt3A_376 : i1
      %and3A_378 = arith.andi %ne3A_377, %ne3A_372 : i1
      %add3A_379 = arith.addi %rem3A_370, %select_n3A_369 : i32
      %select_n3A_380 = arith.select %and3A_378, %add3A_379, %rem3A_370 : i32
      %mul3A_381 = arith.constant 32 : i32
      %mul3A_382 = arith.muli %select_n3A_380, %mul3A_381 : i32
      "tpu.region"() ({
        %run_scoped3A = tpu.sem_alloc : memref<!tpu.dma_semaphore, #tpu.memory_space<semaphore_mem>>
        %dma_start3A = tpu.memref_slice %arg11[%select_n3A_364, %mul3A_382] : memref<100x128xi32, #tpu.memory_space<vmem>> -> memref<1x32xi32, #tpu.memory_space<vmem>>
        %dma_start3A_443 = tpu.memref_squeeze %dma_start3A : memref<1x32xi32, #tpu.memory_space<vmem>> -> memref<32xi32, #tpu.memory_space<vmem>>
        %dma_start3A_444 = arith.constant 0 : i32
        %dma_start3A_445 = arith.constant 0 : i32
        %dma_start3A_446 = tpu.memref_slice %arg17[%dma_start3A_444, %dma_start3A_445] : memref<5008x128xf32, #tpu.memory_space<vmem_shared>> -> memref<5008x128xf32, #tpu.memory_space<vmem_shared>>
        tpu.enqueue_indirect_dma source(%arg15 : memref<32x128xf32, #tpu.memory_space<vmem>>) target(%dma_start3A_446 : memref<5008x128xf32, #tpu.memory_space<vmem_shared>>) offsets(%dma_start3A_443 : memref<32xi32, #tpu.memory_space<vmem>>) semaphore(%run_scoped3A : memref<!tpu.dma_semaphore, #tpu.memory_space<semaphore_mem>>) {add = true}
        %dma_wait3A_447 = tpu.memref_slice %arg11[%select_n3A_364, %mul3A_382] : memref<100x128xi32, #tpu.memory_space<vmem>> -> memref<1x32xi32, #tpu.memory_space<vmem>>
        %dma_wait3A_448 = tpu.memref_squeeze %dma_wait3A_447 : memref<1x32xi32, #tpu.memory_space<vmem>> -> memref<32xi32, #tpu.memory_space<vmem>>
        %dma_wait3A_449 = arith.constant 0 : i32
        %dma_wait3A_450 = arith.constant 0 : i32
        %dma_wait3A_451 = tpu.memref_slice %arg17[%dma_wait3A_449, %dma_wait3A_450] : memref<5008x128xf32, #tpu.memory_space<vmem_shared>> -> memref<5008x128xf32, #tpu.memory_space<vmem_shared>>
        tpu.wait_indirect_dma semaphore(%run_scoped3A : memref<!tpu.dma_semaphore, #tpu.memory_space<semaphore_mem>>) src(%arg15 : memref<32x128xf32, #tpu.memory_space<vmem>>) dst(%dma_wait3A_451 : memref<5008x128xf32, #tpu.memory_space<vmem_shared>>)
        tpu.yield
      }) : () -> ()
      %mul3A_383 = arith.constant 4 : i32
      %mul3A_384 = arith.muli %mul3A_383, %while3A_203 : i32
      %add3A_385 = arith.constant 3 : i32
      %add3A_386 = arith.addi %mul3A_384, %add3A_385 : i32
      %add3A_387 = arith.constant 4 : i32
      %add3A_388 = arith.addi %add3A_386, %add3A_387 : i32
      %sub3A_389 = arith.constant 1 : i32
      %sub3A_390 = arith.subi %add3A_388, %sub3A_389 : i32
      %lt3A_391 = arith.cmpi slt, %sub3A_390, %select_n3A_142 : i32
      %convert_element_type3A_392 = arith.extui %lt3A_391 : i1 to i32
      %cond3A_393 = arith.constant 0 : i32
      %cond3A_394 = arith.cmpi ne, %convert_element_type3A_392, %cond3A_393 : i32
      scf.if %cond3A_394 {
        %mul3A_443 = arith.constant 32 : i32
        %mul3A_444 = arith.muli %sub3A_390, %mul3A_443 : i32
        %dma_start3A = tpu.memref_slice %arg10[%mul3A_444] : memref<12800xi32, #tpu.memory_space<vmem>> -> memref<32xi32, #tpu.memory_space<vmem>>
        %dma_start3A_445 = arith.constant 0 : i32
        %dma_start3A_446 = arith.constant 0 : i32
        %dma_start3A_447 = tpu.memref_slice %arg2[%dma_start3A_445, %dma_start3A_446] : memref<10000x128xf32, #tpu.memory_space<hbm>> -> memref<10000x128xf32, #tpu.memory_space<hbm>>
        tpu.enqueue_indirect_dma source(%dma_start3A_447 : memref<10000x128xf32, #tpu.memory_space<hbm>>) target(%arg15 : memref<32x128xf32, #tpu.memory_space<vmem>>) offsets(%dma_start3A : memref<32xi32, #tpu.memory_space<vmem>>) semaphore(%arg20 : memref<!tpu.dma_semaphore, #tpu.memory_space<semaphore_mem>>)
      } else {
      }
      %mul3A_395 = arith.constant 32 : i32
      %mul3A_396 = arith.muli %add3A_386, %mul3A_395 : i32
      %dma_wait3A_397 = tpu.memref_slice %arg10[%mul3A_396] : memref<12800xi32, #tpu.memory_space<vmem>> -> memref<32xi32, #tpu.memory_space<vmem>>
      %dma_wait3A_398 = arith.constant 0 : i32
      %dma_wait3A_399 = arith.constant 0 : i32
      %dma_wait3A_400 = tpu.memref_slice %arg2[%dma_wait3A_398, %dma_wait3A_399] : memref<10000x128xf32, #tpu.memory_space<hbm>> -> memref<10000x128xf32, #tpu.memory_space<hbm>>
      tpu.wait_indirect_dma semaphore(%arg21 : memref<!tpu.dma_semaphore, #tpu.memory_space<semaphore_mem>>) src(%dma_wait3A_400 : memref<10000x128xf32, #tpu.memory_space<hbm>>) dst(%arg16 : memref<32x128xf32, #tpu.memory_space<vmem>>)
      %jit3A_401 = arith.constant 4 : i32
      %div3A_402 = arith.divsi %add3A_386, %jit3A_401 : i32
      %sign3A_403 = arith.constant 0 : i32
      %sign3A_404 = arith.cmpi sgt, %add3A_386, %sign3A_403 : i32
      %sign3A_405 = arith.extui %sign3A_404 : i1 to i32
      %sign3A_406 = arith.constant 0 : i32
      %sign3A_407 = arith.cmpi slt, %add3A_386, %sign3A_406 : i32
      %sign3A_408 = arith.extui %sign3A_407 : i1 to i32
      %sign3A_409 = arith.subi %sign3A_405, %sign3A_408 : i32
      %sign3A_410 = arith.constant 0 : i32
      %sign3A_411 = arith.cmpi sgt, %jit3A_401, %sign3A_410 : i32
      %sign3A_412 = arith.extui %sign3A_411 : i1 to i32
      %sign3A_413 = arith.constant 0 : i32
      %sign3A_414 = arith.cmpi slt, %jit3A_401, %sign3A_413 : i32
      %sign3A_415 = arith.extui %sign3A_414 : i1 to i32
      %sign3A_416 = arith.subi %sign3A_412, %sign3A_415 : i32
      %ne3A_417 = arith.cmpi ne, %sign3A_409, %sign3A_416 : i32
      %rem3A_418 = arith.remsi %add3A_386, %jit3A_401 : i32
      %ne3A_419 = arith.constant 0 : i32
      %ne3A_420 = arith.cmpi ne, %rem3A_418, %ne3A_419 : i32
      %and3A_421 = arith.andi %ne3A_417, %ne3A_420 : i1
      %sub3A_422 = arith.constant 1 : i32
      %sub3A_423 = arith.subi %div3A_402, %sub3A_422 : i32
      %select_n3A_424 = arith.select %and3A_421, %sub3A_423, %div3A_402 : i32
      %jit3A_425 = arith.constant 4 : i32
      %eq3A_426 = arith.constant 0 : i32
      %eq3A_427 = arith.cmpi eq, %jit3A_425, %eq3A_426 : i32
      %jit3A_428 = arith.constant 1 : i32
      %select_n3A_429 = arith.select %eq3A_427, %jit3A_428, %jit3A_425 : i32
      %rem3A_430 = arith.remsi %add3A_386, %select_n3A_429 : i32
      %ne3A_431 = arith.constant 0 : i32
      %ne3A_432 = arith.cmpi ne, %rem3A_430, %ne3A_431 : i32
      %lt3A_433 = arith.constant 0 : i32
      %lt3A_434 = arith.cmpi slt, %rem3A_430, %lt3A_433 : i32
      %lt3A_435 = arith.constant 0 : i32
      %lt3A_436 = arith.cmpi slt, %select_n3A_429, %lt3A_435 : i32
      %ne3A_437 = arith.xori %lt3A_434, %lt3A_436 : i1
      %and3A_438 = arith.andi %ne3A_437, %ne3A_432 : i1
      %add3A_439 = arith.addi %rem3A_430, %select_n3A_429 : i32
      %select_n3A_440 = arith.select %and3A_438, %add3A_439, %rem3A_430 : i32
      %mul3A_441 = arith.constant 32 : i32
      %mul3A_442 = arith.muli %select_n3A_440, %mul3A_441 : i32
      "tpu.region"() ({
        %run_scoped3A = tpu.sem_alloc : memref<!tpu.dma_semaphore, #tpu.memory_space<semaphore_mem>>
        %dma_start3A = tpu.memref_slice %arg11[%select_n3A_424, %mul3A_442] : memref<100x128xi32, #tpu.memory_space<vmem>> -> memref<1x32xi32, #tpu.memory_space<vmem>>
        %dma_start3A_443 = tpu.memref_squeeze %dma_start3A : memref<1x32xi32, #tpu.memory_space<vmem>> -> memref<32xi32, #tpu.memory_space<vmem>>
        %dma_start3A_444 = arith.constant 0 : i32
        %dma_start3A_445 = arith.constant 0 : i32
        %dma_start3A_446 = tpu.memref_slice %arg17[%dma_start3A_444, %dma_start3A_445] : memref<5008x128xf32, #tpu.memory_space<vmem_shared>> -> memref<5008x128xf32, #tpu.memory_space<vmem_shared>>
        tpu.enqueue_indirect_dma source(%arg16 : memref<32x128xf32, #tpu.memory_space<vmem>>) target(%dma_start3A_446 : memref<5008x128xf32, #tpu.memory_space<vmem_shared>>) offsets(%dma_start3A_443 : memref<32xi32, #tpu.memory_space<vmem>>) semaphore(%run_scoped3A : memref<!tpu.dma_semaphore, #tpu.memory_space<semaphore_mem>>) {add = true}
        %dma_wait3A_447 = tpu.memref_slice %arg11[%select_n3A_424, %mul3A_442] : memref<100x128xi32, #tpu.memory_space<vmem>> -> memref<1x32xi32, #tpu.memory_space<vmem>>
        %dma_wait3A_448 = tpu.memref_squeeze %dma_wait3A_447 : memref<1x32xi32, #tpu.memory_space<vmem>> -> memref<32xi32, #tpu.memory_space<vmem>>
        %dma_wait3A_449 = arith.constant 0 : i32
        %dma_wait3A_450 = arith.constant 0 : i32
        %dma_wait3A_451 = tpu.memref_slice %arg17[%dma_wait3A_449, %dma_wait3A_450] : memref<5008x128xf32, #tpu.memory_space<vmem_shared>> -> memref<5008x128xf32, #tpu.memory_space<vmem_shared>>
        tpu.wait_indirect_dma semaphore(%run_scoped3A : memref<!tpu.dma_semaphore, #tpu.memory_space<semaphore_mem>>) src(%arg16 : memref<32x128xf32, #tpu.memory_space<vmem>>) dst(%dma_wait3A_451 : memref<5008x128xf32, #tpu.memory_space<vmem_shared>>)
        tpu.yield
      }) : () -> ()
    }
    %while3A_191 = arith.constant 1 : i32
    scf.for %while3A_203 = %while3A_189 to %while3A_185 step %while3A_191  : i32 {
      %mul3A_204 = arith.constant 4 : i32
      %mul3A_205 = arith.muli %mul3A_204, %while3A_203 : i32
      %add3A_206 = arith.constant 0 : i32
      %add3A_207 = arith.addi %mul3A_205, %add3A_206 : i32
      %add3A_208 = arith.constant 4 : i32
      %add3A_209 = arith.addi %add3A_207, %add3A_208 : i32
      %sub3A_210 = arith.constant 1 : i32
      %sub3A_211 = arith.subi %add3A_209, %sub3A_210 : i32
      %lt3A_212 = arith.cmpi slt, %sub3A_211, %select_n3A_142 : i32
      %convert_element_type3A_213 = arith.extui %lt3A_212 : i1 to i32
      %cond3A_214 = arith.constant 0 : i32
      %cond3A_215 = arith.cmpi ne, %convert_element_type3A_213, %cond3A_214 : i32
      scf.if %cond3A_215 {
        %mul3A_443 = arith.constant 32 : i32
        %mul3A_444 = arith.muli %sub3A_211, %mul3A_443 : i32
        %dma_start3A = tpu.memref_slice %arg10[%mul3A_444] : memref<12800xi32, #tpu.memory_space<vmem>> -> memref<32xi32, #tpu.memory_space<vmem>>
        %dma_start3A_445 = arith.constant 0 : i32
        %dma_start3A_446 = arith.constant 0 : i32
        %dma_start3A_447 = tpu.memref_slice %arg2[%dma_start3A_445, %dma_start3A_446] : memref<10000x128xf32, #tpu.memory_space<hbm>> -> memref<10000x128xf32, #tpu.memory_space<hbm>>
        tpu.enqueue_indirect_dma source(%dma_start3A_447 : memref<10000x128xf32, #tpu.memory_space<hbm>>) target(%arg16 : memref<32x128xf32, #tpu.memory_space<vmem>>) offsets(%dma_start3A : memref<32xi32, #tpu.memory_space<vmem>>) semaphore(%arg21 : memref<!tpu.dma_semaphore, #tpu.memory_space<semaphore_mem>>)
      } else {
      }
      %mul3A_216 = arith.constant 32 : i32
      %mul3A_217 = arith.muli %add3A_207, %mul3A_216 : i32
      %dma_wait3A = tpu.memref_slice %arg10[%mul3A_217] : memref<12800xi32, #tpu.memory_space<vmem>> -> memref<32xi32, #tpu.memory_space<vmem>>
      %dma_wait3A_218 = arith.constant 0 : i32
      %dma_wait3A_219 = arith.constant 0 : i32
      %dma_wait3A_220 = tpu.memref_slice %arg2[%dma_wait3A_218, %dma_wait3A_219] : memref<10000x128xf32, #tpu.memory_space<hbm>> -> memref<10000x128xf32, #tpu.memory_space<hbm>>
      tpu.wait_indirect_dma semaphore(%arg18 : memref<!tpu.dma_semaphore, #tpu.memory_space<semaphore_mem>>) src(%dma_wait3A_220 : memref<10000x128xf32, #tpu.memory_space<hbm>>) dst(%arg13 : memref<32x128xf32, #tpu.memory_space<vmem>>)
      %jit3A_221 = arith.constant 4 : i32
      %div3A_222 = arith.divsi %add3A_207, %jit3A_221 : i32
      %sign3A_223 = arith.constant 0 : i32
      %sign3A_224 = arith.cmpi sgt, %add3A_207, %sign3A_223 : i32
      %sign3A_225 = arith.extui %sign3A_224 : i1 to i32
      %sign3A_226 = arith.constant 0 : i32
      %sign3A_227 = arith.cmpi slt, %add3A_207, %sign3A_226 : i32
      %sign3A_228 = arith.extui %sign3A_227 : i1 to i32
      %sign3A_229 = arith.subi %sign3A_225, %sign3A_228 : i32
      %sign3A_230 = arith.constant 0 : i32
      %sign3A_231 = arith.cmpi sgt, %jit3A_221, %sign3A_230 : i32
      %sign3A_232 = arith.extui %sign3A_231 : i1 to i32
      %sign3A_233 = arith.constant 0 : i32
      %sign3A_234 = arith.cmpi slt, %jit3A_221, %sign3A_233 : i32
      %sign3A_235 = arith.extui %sign3A_234 : i1 to i32
      %sign3A_236 = arith.subi %sign3A_232, %sign3A_235 : i32
      %ne3A_237 = arith.cmpi ne, %sign3A_229, %sign3A_236 : i32
      %rem3A_238 = arith.remsi %add3A_207, %jit3A_221 : i32
      %ne3A_239 = arith.constant 0 : i32
      %ne3A_240 = arith.cmpi ne, %rem3A_238, %ne3A_239 : i32
      %and3A_241 = arith.andi %ne3A_237, %ne3A_240 : i1
      %sub3A_242 = arith.constant 1 : i32
      %sub3A_243 = arith.subi %div3A_222, %sub3A_242 : i32
      %select_n3A_244 = arith.select %and3A_241, %sub3A_243, %div3A_222 : i32
      %jit3A_245 = arith.constant 4 : i32
      %eq3A_246 = arith.constant 0 : i32
      %eq3A_247 = arith.cmpi eq, %jit3A_245, %eq3A_246 : i32
      %jit3A_248 = arith.constant 1 : i32
      %select_n3A_249 = arith.select %eq3A_247, %jit3A_248, %jit3A_245 : i32
      %rem3A_250 = arith.remsi %add3A_207, %select_n3A_249 : i32
      %ne3A_251 = arith.constant 0 : i32
      %ne3A_252 = arith.cmpi ne, %rem3A_250, %ne3A_251 : i32
      %lt3A_253 = arith.constant 0 : i32
      %lt3A_254 = arith.cmpi slt, %rem3A_250, %lt3A_253 : i32
      %lt3A_255 = arith.constant 0 : i32
      %lt3A_256 = arith.cmpi slt, %select_n3A_249, %lt3A_255 : i32
      %ne3A_257 = arith.xori %lt3A_254, %lt3A_256 : i1
      %and3A_258 = arith.andi %ne3A_257, %ne3A_252 : i1
      %add3A_259 = arith.addi %rem3A_250, %select_n3A_249 : i32
      %select_n3A_260 = arith.select %and3A_258, %add3A_259, %rem3A_250 : i32
      %mul3A_261 = arith.constant 32 : i32
      %mul3A_262 = arith.muli %select_n3A_260, %mul3A_261 : i32
      "tpu.region"() ({
        %run_scoped3A = tpu.sem_alloc : memref<!tpu.dma_semaphore, #tpu.memory_space<semaphore_mem>>
        %dma_start3A = tpu.memref_slice %arg11[%select_n3A_244, %mul3A_262] : memref<100x128xi32, #tpu.memory_space<vmem>> -> memref<1x32xi32, #tpu.memory_space<vmem>>
        %dma_start3A_443 = tpu.memref_squeeze %dma_start3A : memref<1x32xi32, #tpu.memory_space<vmem>> -> memref<32xi32, #tpu.memory_space<vmem>>
        %dma_start3A_444 = arith.constant 0 : i32
        %dma_start3A_445 = arith.constant 0 : i32
        %dma_start3A_446 = tpu.memref_slice %arg17[%dma_start3A_444, %dma_start3A_445] : memref<5008x128xf32, #tpu.memory_space<vmem_shared>> -> memref<5008x128xf32, #tpu.memory_space<vmem_shared>>
        tpu.enqueue_indirect_dma source(%arg13 : memref<32x128xf32, #tpu.memory_space<vmem>>) target(%dma_start3A_446 : memref<5008x128xf32, #tpu.memory_space<vmem_shared>>) offsets(%dma_start3A_443 : memref<32xi32, #tpu.memory_space<vmem>>) semaphore(%run_scoped3A : memref<!tpu.dma_semaphore, #tpu.memory_space<semaphore_mem>>) {add = true}
        %dma_wait3A_447 = tpu.memref_slice %arg11[%select_n3A_244, %mul3A_262] : memref<100x128xi32, #tpu.memory_space<vmem>> -> memref<1x32xi32, #tpu.memory_space<vmem>>
        %dma_wait3A_448 = tpu.memref_squeeze %dma_wait3A_447 : memref<1x32xi32, #tpu.memory_space<vmem>> -> memref<32xi32, #tpu.memory_space<vmem>>
        %dma_wait3A_449 = arith.constant 0 : i32
        %dma_wait3A_450 = arith.constant 0 : i32
        %dma_wait3A_451 = tpu.memref_slice %arg17[%dma_wait3A_449, %dma_wait3A_450] : memref<5008x128xf32, #tpu.memory_space<vmem_shared>> -> memref<5008x128xf32, #tpu.memory_space<vmem_shared>>
        tpu.wait_indirect_dma semaphore(%run_scoped3A : memref<!tpu.dma_semaphore, #tpu.memory_space<semaphore_mem>>) src(%arg13 : memref<32x128xf32, #tpu.memory_space<vmem>>) dst(%dma_wait3A_451 : memref<5008x128xf32, #tpu.memory_space<vmem_shared>>)
        tpu.yield
      }) : () -> ()
      %mul3A_263 = arith.constant 4 : i32
      %mul3A_264 = arith.muli %mul3A_263, %while3A_203 : i32
      %add3A_265 = arith.constant 1 : i32
      %add3A_266 = arith.addi %mul3A_264, %add3A_265 : i32
      %add3A_267 = arith.constant 4 : i32
      %add3A_268 = arith.addi %add3A_266, %add3A_267 : i32
      %sub3A_269 = arith.constant 1 : i32
      %sub3A_270 = arith.subi %add3A_268, %sub3A_269 : i32
      %lt3A_271 = arith.cmpi slt, %sub3A_270, %select_n3A_142 : i32
      %convert_element_type3A_272 = arith.extui %lt3A_271 : i1 to i32
      %cond3A_273 = arith.constant 0 : i32
      %cond3A_274 = arith.cmpi ne, %convert_element_type3A_272, %cond3A_273 : i32
      scf.if %cond3A_274 {
        %mul3A_443 = arith.constant 32 : i32
        %mul3A_444 = arith.muli %sub3A_270, %mul3A_443 : i32
        %dma_start3A = tpu.memref_slice %arg10[%mul3A_444] : memref<12800xi32, #tpu.memory_space<vmem>> -> memref<32xi32, #tpu.memory_space<vmem>>
        %dma_start3A_445 = arith.constant 0 : i32
        %dma_start3A_446 = arith.constant 0 : i32
        %dma_start3A_447 = tpu.memref_slice %arg2[%dma_start3A_445, %dma_start3A_446] : memref<10000x128xf32, #tpu.memory_space<hbm>> -> memref<10000x128xf32, #tpu.memory_space<hbm>>
        tpu.enqueue_indirect_dma source(%dma_start3A_447 : memref<10000x128xf32, #tpu.memory_space<hbm>>) target(%arg13 : memref<32x128xf32, #tpu.memory_space<vmem>>) offsets(%dma_start3A : memref<32xi32, #tpu.memory_space<vmem>>) semaphore(%arg18 : memref<!tpu.dma_semaphore, #tpu.memory_space<semaphore_mem>>)
      } else {
      }
      %mul3A_275 = arith.constant 32 : i32
      %mul3A_276 = arith.muli %add3A_266, %mul3A_275 : i32
      %dma_wait3A_277 = tpu.memref_slice %arg10[%mul3A_276] : memref<12800xi32, #tpu.memory_space<vmem>> -> memref<32xi32, #tpu.memory_space<vmem>>
      %dma_wait3A_278 = arith.constant 0 : i32
      %dma_wait3A_279 = arith.constant 0 : i32
      %dma_wait3A_280 = tpu.memref_slice %arg2[%dma_wait3A_278, %dma_wait3A_279] : memref<10000x128xf32, #tpu.memory_space<hbm>> -> memref<10000x128xf32, #tpu.memory_space<hbm>>
      tpu.wait_indirect_dma semaphore(%arg19 : memref<!tpu.dma_semaphore, #tpu.memory_space<semaphore_mem>>) src(%dma_wait3A_280 : memref<10000x128xf32, #tpu.memory_space<hbm>>) dst(%arg14 : memref<32x128xf32, #tpu.memory_space<vmem>>)
      %jit3A_281 = arith.constant 4 : i32
      %div3A_282 = arith.divsi %add3A_266, %jit3A_281 : i32
      %sign3A_283 = arith.constant 0 : i32
      %sign3A_284 = arith.cmpi sgt, %add3A_266, %sign3A_283 : i32
      %sign3A_285 = arith.extui %sign3A_284 : i1 to i32
      %sign3A_286 = arith.constant 0 : i32
      %sign3A_287 = arith.cmpi slt, %add3A_266, %sign3A_286 : i32
      %sign3A_288 = arith.extui %sign3A_287 : i1 to i32
      %sign3A_289 = arith.subi %sign3A_285, %sign3A_288 : i32
      %sign3A_290 = arith.constant 0 : i32
      %sign3A_291 = arith.cmpi sgt, %jit3A_281, %sign3A_290 : i32
      %sign3A_292 = arith.extui %sign3A_291 : i1 to i32
      %sign3A_293 = arith.constant 0 : i32
      %sign3A_294 = arith.cmpi slt, %jit3A_281, %sign3A_293 : i32
      %sign3A_295 = arith.extui %sign3A_294 : i1 to i32
      %sign3A_296 = arith.subi %sign3A_292, %sign3A_295 : i32
      %ne3A_297 = arith.cmpi ne, %sign3A_289, %sign3A_296 : i32
      %rem3A_298 = arith.remsi %add3A_266, %jit3A_281 : i32
      %ne3A_299 = arith.constant 0 : i32
      %ne3A_300 = arith.cmpi ne, %rem3A_298, %ne3A_299 : i32
      %and3A_301 = arith.andi %ne3A_297, %ne3A_300 : i1
      %sub3A_302 = arith.constant 1 : i32
      %sub3A_303 = arith.subi %div3A_282, %sub3A_302 : i32
      %select_n3A_304 = arith.select %and3A_301, %sub3A_303, %div3A_282 : i32
      %jit3A_305 = arith.constant 4 : i32
      %eq3A_306 = arith.constant 0 : i32
      %eq3A_307 = arith.cmpi eq, %jit3A_305, %eq3A_306 : i32
      %jit3A_308 = arith.constant 1 : i32
      %select_n3A_309 = arith.select %eq3A_307, %jit3A_308, %jit3A_305 : i32
      %rem3A_310 = arith.remsi %add3A_266, %select_n3A_309 : i32
      %ne3A_311 = arith.constant 0 : i32
      %ne3A_312 = arith.cmpi ne, %rem3A_310, %ne3A_311 : i32
      %lt3A_313 = arith.constant 0 : i32
      %lt3A_314 = arith.cmpi slt, %rem3A_310, %lt3A_313 : i32
      %lt3A_315 = arith.constant 0 : i32
      %lt3A_316 = arith.cmpi slt, %select_n3A_309, %lt3A_315 : i32
      %ne3A_317 = arith.xori %lt3A_314, %lt3A_316 : i1
      %and3A_318 = arith.andi %ne3A_317, %ne3A_312 : i1
      %add3A_319 = arith.addi %rem3A_310, %select_n3A_309 : i32
      %select_n3A_320 = arith.select %and3A_318, %add3A_319, %rem3A_310 : i32
      %mul3A_321 = arith.constant 32 : i32
      %mul3A_322 = arith.muli %select_n3A_320, %mul3A_321 : i32
      "tpu.region"() ({
        %run_scoped3A = tpu.sem_alloc : memref<!tpu.dma_semaphore, #tpu.memory_space<semaphore_mem>>
        %dma_start3A = tpu.memref_slice %arg11[%select_n3A_304, %mul3A_322] : memref<100x128xi32, #tpu.memory_space<vmem>> -> memref<1x32xi32, #tpu.memory_space<vmem>>
        %dma_start3A_443 = tpu.memref_squeeze %dma_start3A : memref<1x32xi32, #tpu.memory_space<vmem>> -> memref<32xi32, #tpu.memory_space<vmem>>
        %dma_start3A_444 = arith.constant 0 : i32
        %dma_start3A_445 = arith.constant 0 : i32
        %dma_start3A_446 = tpu.memref_slice %arg17[%dma_start3A_444, %dma_start3A_445] : memref<5008x128xf32, #tpu.memory_space<vmem_shared>> -> memref<5008x128xf32, #tpu.memory_space<vmem_shared>>
        tpu.enqueue_indirect_dma source(%arg14 : memref<32x128xf32, #tpu.memory_space<vmem>>) target(%dma_start3A_446 : memref<5008x128xf32, #tpu.memory_space<vmem_shared>>) offsets(%dma_start3A_443 : memref<32xi32, #tpu.memory_space<vmem>>) semaphore(%run_scoped3A : memref<!tpu.dma_semaphore, #tpu.memory_space<semaphore_mem>>) {add = true}
        %dma_wait3A_447 = tpu.memref_slice %arg11[%select_n3A_304, %mul3A_322] : memref<100x128xi32, #tpu.memory_space<vmem>> -> memref<1x32xi32, #tpu.memory_space<vmem>>
        %dma_wait3A_448 = tpu.memref_squeeze %dma_wait3A_447 : memref<1x32xi32, #tpu.memory_space<vmem>> -> memref<32xi32, #tpu.memory_space<vmem>>
        %dma_wait3A_449 = arith.constant 0 : i32
        %dma_wait3A_450 = arith.constant 0 : i32
        %dma_wait3A_451 = tpu.memref_slice %arg17[%dma_wait3A_449, %dma_wait3A_450] : memref<5008x128xf32, #tpu.memory_space<vmem_shared>> -> memref<5008x128xf32, #tpu.memory_space<vmem_shared>>
        tpu.wait_indirect_dma semaphore(%run_scoped3A : memref<!tpu.dma_semaphore, #tpu.memory_space<semaphore_mem>>) src(%arg14 : memref<32x128xf32, #tpu.memory_space<vmem>>) dst(%dma_wait3A_451 : memref<5008x128xf32, #tpu.memory_space<vmem_shared>>)
        tpu.yield
      }) : () -> ()
      %mul3A_323 = arith.constant 4 : i32
      %mul3A_324 = arith.muli %mul3A_323, %while3A_203 : i32
      %add3A_325 = arith.constant 2 : i32
      %add3A_326 = arith.addi %mul3A_324, %add3A_325 : i32
      %add3A_327 = arith.constant 4 : i32
      %add3A_328 = arith.addi %add3A_326, %add3A_327 : i32
      %sub3A_329 = arith.constant 1 : i32
      %sub3A_330 = arith.subi %add3A_328, %sub3A_329 : i32
      %lt3A_331 = arith.cmpi slt, %sub3A_330, %select_n3A_142 : i32
      %convert_element_type3A_332 = arith.extui %lt3A_331 : i1 to i32
      %cond3A_333 = arith.constant 0 : i32
      %cond3A_334 = arith.cmpi ne, %convert_element_type3A_332, %cond3A_333 : i32
      scf.if %cond3A_334 {
        %mul3A_443 = arith.constant 32 : i32
        %mul3A_444 = arith.muli %sub3A_330, %mul3A_443 : i32
        %dma_start3A = tpu.memref_slice %arg10[%mul3A_444] : memref<12800xi32, #tpu.memory_space<vmem>> -> memref<32xi32, #tpu.memory_space<vmem>>
        %dma_start3A_445 = arith.constant 0 : i32
        %dma_start3A_446 = arith.constant 0 : i32
        %dma_start3A_447 = tpu.memref_slice %arg2[%dma_start3A_445, %dma_start3A_446] : memref<10000x128xf32, #tpu.memory_space<hbm>> -> memref<10000x128xf32, #tpu.memory_space<hbm>>
        tpu.enqueue_indirect_dma source(%dma_start3A_447 : memref<10000x128xf32, #tpu.memory_space<hbm>>) target(%arg14 : memref<32x128xf32, #tpu.memory_space<vmem>>) offsets(%dma_start3A : memref<32xi32, #tpu.memory_space<vmem>>) semaphore(%arg19 : memref<!tpu.dma_semaphore, #tpu.memory_space<semaphore_mem>>)
      } else {
      }
      %mul3A_335 = arith.constant 32 : i32
      %mul3A_336 = arith.muli %add3A_326, %mul3A_335 : i32
      %dma_wait3A_337 = tpu.memref_slice %arg10[%mul3A_336] : memref<12800xi32, #tpu.memory_space<vmem>> -> memref<32xi32, #tpu.memory_space<vmem>>
      %dma_wait3A_338 = arith.constant 0 : i32
      %dma_wait3A_339 = arith.constant 0 : i32
      %dma_wait3A_340 = tpu.memref_slice %arg2[%dma_wait3A_338, %dma_wait3A_339] : memref<10000x128xf32, #tpu.memory_space<hbm>> -> memref<10000x128xf32, #tpu.memory_space<hbm>>
      tpu.wait_indirect_dma semaphore(%arg20 : memref<!tpu.dma_semaphore, #tpu.memory_space<semaphore_mem>>) src(%dma_wait3A_340 : memref<10000x128xf32, #tpu.memory_space<hbm>>) dst(%arg15 : memref<32x128xf32, #tpu.memory_space<vmem>>)
      %jit3A_341 = arith.constant 4 : i32
      %div3A_342 = arith.divsi %add3A_326, %jit3A_341 : i32
      %sign3A_343 = arith.constant 0 : i32
      %sign3A_344 = arith.cmpi sgt, %add3A_326, %sign3A_343 : i32
      %sign3A_345 = arith.extui %sign3A_344 : i1 to i32
      %sign3A_346 = arith.constant 0 : i32
      %sign3A_347 = arith.cmpi slt, %add3A_326, %sign3A_346 : i32
      %sign3A_348 = arith.extui %sign3A_347 : i1 to i32
      %sign3A_349 = arith.subi %sign3A_345, %sign3A_348 : i32
      %sign3A_350 = arith.constant 0 : i32
      %sign3A_351 = arith.cmpi sgt, %jit3A_341, %sign3A_350 : i32
      %sign3A_352 = arith.extui %sign3A_351 : i1 to i32
      %sign3A_353 = arith.constant 0 : i32
      %sign3A_354 = arith.cmpi slt, %jit3A_341, %sign3A_353 : i32
      %sign3A_355 = arith.extui %sign3A_354 : i1 to i32
      %sign3A_356 = arith.subi %sign3A_352, %sign3A_355 : i32
      %ne3A_357 = arith.cmpi ne, %sign3A_349, %sign3A_356 : i32
      %rem3A_358 = arith.remsi %add3A_326, %jit3A_341 : i32
      %ne3A_359 = arith.constant 0 : i32
      %ne3A_360 = arith.cmpi ne, %rem3A_358, %ne3A_359 : i32
      %and3A_361 = arith.andi %ne3A_357, %ne3A_360 : i1
      %sub3A_362 = arith.constant 1 : i32
      %sub3A_363 = arith.subi %div3A_342, %sub3A_362 : i32
      %select_n3A_364 = arith.select %and3A_361, %sub3A_363, %div3A_342 : i32
      %jit3A_365 = arith.constant 4 : i32
      %eq3A_366 = arith.constant 0 : i32
      %eq3A_367 = arith.cmpi eq, %jit3A_365, %eq3A_366 : i32
      %jit3A_368 = arith.constant 1 : i32
      %select_n3A_369 = arith.select %eq3A_367, %jit3A_368, %jit3A_365 : i32
      %rem3A_370 = arith.remsi %add3A_326, %select_n3A_369 : i32
      %ne3A_371 = arith.constant 0 : i32
      %ne3A_372 = arith.cmpi ne, %rem3A_370, %ne3A_371 : i32
      %lt3A_373 = arith.constant 0 : i32
      %lt3A_374 = arith.cmpi slt, %rem3A_370, %lt3A_373 : i32
      %lt3A_375 = arith.constant 0 : i32
      %lt3A_376 = arith.cmpi slt, %select_n3A_369, %lt3A_375 : i32
      %ne3A_377 = arith.xori %lt3A_374, %lt3A_376 : i1
      %and3A_378 = arith.andi %ne3A_377, %ne3A_372 : i1
      %add3A_379 = arith.addi %rem3A_370, %select_n3A_369 : i32
      %select_n3A_380 = arith.select %and3A_378, %add3A_379, %rem3A_370 : i32
      %mul3A_381 = arith.constant 32 : i32
      %mul3A_382 = arith.muli %select_n3A_380, %mul3A_381 : i32
      "tpu.region"() ({
        %run_scoped3A = tpu.sem_alloc : memref<!tpu.dma_semaphore, #tpu.memory_space<semaphore_mem>>
        %dma_start3A = tpu.memref_slice %arg11[%select_n3A_364, %mul3A_382] : memref<100x128xi32, #tpu.memory_space<vmem>> -> memref<1x32xi32, #tpu.memory_space<vmem>>
        %dma_start3A_443 = tpu.memref_squeeze %dma_start3A : memref<1x32xi32, #tpu.memory_space<vmem>> -> memref<32xi32, #tpu.memory_space<vmem>>
        %dma_start3A_444 = arith.constant 0 : i32
        %dma_start3A_445 = arith.constant 0 : i32
        %dma_start3A_446 = tpu.memref_slice %arg17[%dma_start3A_444, %dma_start3A_445] : memref<5008x128xf32, #tpu.memory_space<vmem_shared>> -> memref<5008x128xf32, #tpu.memory_space<vmem_shared>>
        tpu.enqueue_indirect_dma source(%arg15 : memref<32x128xf32, #tpu.memory_space<vmem>>) target(%dma_start3A_446 : memref<5008x128xf32, #tpu.memory_space<vmem_shared>>) offsets(%dma_start3A_443 : memref<32xi32, #tpu.memory_space<vmem>>) semaphore(%run_scoped3A : memref<!tpu.dma_semaphore, #tpu.memory_space<semaphore_mem>>) {add = true}
        %dma_wait3A_447 = tpu.memref_slice %arg11[%select_n3A_364, %mul3A_382] : memref<100x128xi32, #tpu.memory_space<vmem>> -> memref<1x32xi32, #tpu.memory_space<vmem>>
        %dma_wait3A_448 = tpu.memref_squeeze %dma_wait3A_447 : memref<1x32xi32, #tpu.memory_space<vmem>> -> memref<32xi32, #tpu.memory_space<vmem>>
        %dma_wait3A_449 = arith.constant 0 : i32
        %dma_wait3A_450 = arith.constant 0 : i32
        %dma_wait3A_451 = tpu.memref_slice %arg17[%dma_wait3A_449, %dma_wait3A_450] : memref<5008x128xf32, #tpu.memory_space<vmem_shared>> -> memref<5008x128xf32, #tpu.memory_space<vmem_shared>>
        tpu.wait_indirect_dma semaphore(%run_scoped3A : memref<!tpu.dma_semaphore, #tpu.memory_space<semaphore_mem>>) src(%arg15 : memref<32x128xf32, #tpu.memory_space<vmem>>) dst(%dma_wait3A_451 : memref<5008x128xf32, #tpu.memory_space<vmem_shared>>)
        tpu.yield
      }) : () -> ()
      %mul3A_383 = arith.constant 4 : i32
      %mul3A_384 = arith.muli %mul3A_383, %while3A_203 : i32
      %add3A_385 = arith.constant 3 : i32
      %add3A_386 = arith.addi %mul3A_384, %add3A_385 : i32
      %add3A_387 = arith.constant 4 : i32
      %add3A_388 = arith.addi %add3A_386, %add3A_387 : i32
      %sub3A_389 = arith.constant 1 : i32
      %sub3A_390 = arith.subi %add3A_388, %sub3A_389 : i32
      %lt3A_391 = arith.cmpi slt, %sub3A_390, %select_n3A_142 : i32
      %convert_element_type3A_392 = arith.extui %lt3A_391 : i1 to i32
      %cond3A_393 = arith.constant 0 : i32
      %cond3A_394 = arith.cmpi ne, %convert_element_type3A_392, %cond3A_393 : i32
      scf.if %cond3A_394 {
        %mul3A_443 = arith.constant 32 : i32
        %mul3A_444 = arith.muli %sub3A_390, %mul3A_443 : i32
        %dma_start3A = tpu.memref_slice %arg10[%mul3A_444] : memref<12800xi32, #tpu.memory_space<vmem>> -> memref<32xi32, #tpu.memory_space<vmem>>
        %dma_start3A_445 = arith.constant 0 : i32
        %dma_start3A_446 = arith.constant 0 : i32
        %dma_start3A_447 = tpu.memref_slice %arg2[%dma_start3A_445, %dma_start3A_446] : memref<10000x128xf32, #tpu.memory_space<hbm>> -> memref<10000x128xf32, #tpu.memory_space<hbm>>
        tpu.enqueue_indirect_dma source(%dma_start3A_447 : memref<10000x128xf32, #tpu.memory_space<hbm>>) target(%arg15 : memref<32x128xf32, #tpu.memory_space<vmem>>) offsets(%dma_start3A : memref<32xi32, #tpu.memory_space<vmem>>) semaphore(%arg20 : memref<!tpu.dma_semaphore, #tpu.memory_space<semaphore_mem>>)
      } else {
      }
      %mul3A_395 = arith.constant 32 : i32
      %mul3A_396 = arith.muli %add3A_386, %mul3A_395 : i32
      %dma_wait3A_397 = tpu.memref_slice %arg10[%mul3A_396] : memref<12800xi32, #tpu.memory_space<vmem>> -> memref<32xi32, #tpu.memory_space<vmem>>
      %dma_wait3A_398 = arith.constant 0 : i32
      %dma_wait3A_399 = arith.constant 0 : i32
      %dma_wait3A_400 = tpu.memref_slice %arg2[%dma_wait3A_398, %dma_wait3A_399] : memref<10000x128xf32, #tpu.memory_space<hbm>> -> memref<10000x128xf32, #tpu.memory_space<hbm>>
      tpu.wait_indirect_dma semaphore(%arg21 : memref<!tpu.dma_semaphore, #tpu.memory_space<semaphore_mem>>) src(%dma_wait3A_400 : memref<10000x128xf32, #tpu.memory_space<hbm>>) dst(%arg16 : memref<32x128xf32, #tpu.memory_space<vmem>>)
      %jit3A_401 = arith.constant 4 : i32
      %div3A_402 = arith.divsi %add3A_386, %jit3A_401 : i32
      %sign3A_403 = arith.constant 0 : i32
      %sign3A_404 = arith.cmpi sgt, %add3A_386, %sign3A_403 : i32
      %sign3A_405 = arith.extui %sign3A_404 : i1 to i32
      %sign3A_406 = arith.constant 0 : i32
      %sign3A_407 = arith.cmpi slt, %add3A_386, %sign3A_406 : i32
      %sign3A_408 = arith.extui %sign3A_407 : i1 to i32
      %sign3A_409 = arith.subi %sign3A_405, %sign3A_408 : i32
      %sign3A_410 = arith.constant 0 : i32
      %sign3A_411 = arith.cmpi sgt, %jit3A_401, %sign3A_410 : i32
      %sign3A_412 = arith.extui %sign3A_411 : i1 to i32
      %sign3A_413 = arith.constant 0 : i32
      %sign3A_414 = arith.cmpi slt, %jit3A_401, %sign3A_413 : i32
      %sign3A_415 = arith.extui %sign3A_414 : i1 to i32
      %sign3A_416 = arith.subi %sign3A_412, %sign3A_415 : i32
      %ne3A_417 = arith.cmpi ne, %sign3A_409, %sign3A_416 : i32
      %rem3A_418 = arith.remsi %add3A_386, %jit3A_401 : i32
      %ne3A_419 = arith.constant 0 : i32
      %ne3A_420 = arith.cmpi ne, %rem3A_418, %ne3A_419 : i32
      %and3A_421 = arith.andi %ne3A_417, %ne3A_420 : i1
      %sub3A_422 = arith.constant 1 : i32
      %sub3A_423 = arith.subi %div3A_402, %sub3A_422 : i32
      %select_n3A_424 = arith.select %and3A_421, %sub3A_423, %div3A_402 : i32
      %jit3A_425 = arith.constant 4 : i32
      %eq3A_426 = arith.constant 0 : i32
      %eq3A_427 = arith.cmpi eq, %jit3A_425, %eq3A_426 : i32
      %jit3A_428 = arith.constant 1 : i32
      %select_n3A_429 = arith.select %eq3A_427, %jit3A_428, %jit3A_425 : i32
      %rem3A_430 = arith.remsi %add3A_386, %select_n3A_429 : i32
      %ne3A_431 = arith.constant 0 : i32
      %ne3A_432 = arith.cmpi ne, %rem3A_430, %ne3A_431 : i32
      %lt3A_433 = arith.constant 0 : i32
      %lt3A_434 = arith.cmpi slt, %rem3A_430, %lt3A_433 : i32
      %lt3A_435 = arith.constant 0 : i32
      %lt3A_436 = arith.cmpi slt, %select_n3A_429, %lt3A_435 : i32
      %ne3A_437 = arith.xori %lt3A_434, %lt3A_436 : i1
      %and3A_438 = arith.andi %ne3A_437, %ne3A_432 : i1
      %add3A_439 = arith.addi %rem3A_430, %select_n3A_429 : i32
      %select_n3A_440 = arith.select %and3A_438, %add3A_439, %rem3A_430 : i32
      %mul3A_441 = arith.constant 32 : i32
      %mul3A_442 = arith.muli %select_n3A_440, %mul3A_441 : i32
      "tpu.region"() ({
        %run_scoped3A = tpu.sem_alloc : memref<!tpu.dma_semaphore, #tpu.memory_space<semaphore_mem>>
        %dma_start3A = tpu.memref_slice %arg11[%select_n3A_424, %mul3A_442] : memref<100x128xi32, #tpu.memory_space<vmem>> -> memref<1x32xi32, #tpu.memory_space<vmem>>
        %dma_start3A_443 = tpu.memref_squeeze %dma_start3A : memref<1x32xi32, #tpu.memory_space<vmem>> -> memref<32xi32, #tpu.memory_space<vmem>>
        %dma_start3A_444 = arith.constant 0 : i32
        %dma_start3A_445 = arith.constant 0 : i32
        %dma_start3A_446 = tpu.memref_slice %arg17[%dma_start3A_444, %dma_start3A_445] : memref<5008x128xf32, #tpu.memory_space<vmem_shared>> -> memref<5008x128xf32, #tpu.memory_space<vmem_shared>>
        tpu.enqueue_indirect_dma source(%arg16 : memref<32x128xf32, #tpu.memory_space<vmem>>) target(%dma_start3A_446 : memref<5008x128xf32, #tpu.memory_space<vmem_shared>>) offsets(%dma_start3A_443 : memref<32xi32, #tpu.memory_space<vmem>>) semaphore(%run_scoped3A : memref<!tpu.dma_semaphore, #tpu.memory_space<semaphore_mem>>) {add = true}
        %dma_wait3A_447 = tpu.memref_slice %arg11[%select_n3A_424, %mul3A_442] : memref<100x128xi32, #tpu.memory_space<vmem>> -> memref<1x32xi32, #tpu.memory_space<vmem>>
        %dma_wait3A_448 = tpu.memref_squeeze %dma_wait3A_447 : memref<1x32xi32, #tpu.memory_space<vmem>> -> memref<32xi32, #tpu.memory_space<vmem>>
        %dma_wait3A_449 = arith.constant 0 : i32
        %dma_wait3A_450 = arith.constant 0 : i32
        %dma_wait3A_451 = tpu.memref_slice %arg17[%dma_wait3A_449, %dma_wait3A_450] : memref<5008x128xf32, #tpu.memory_space<vmem_shared>> -> memref<5008x128xf32, #tpu.memory_space<vmem_shared>>
        tpu.wait_indirect_dma semaphore(%run_scoped3A : memref<!tpu.dma_semaphore, #tpu.memory_space<semaphore_mem>>) src(%arg16 : memref<32x128xf32, #tpu.memory_space<vmem>>) dst(%dma_wait3A_451 : memref<5008x128xf32, #tpu.memory_space<vmem_shared>>)
        tpu.yield
      }) : () -> ()
    }
    %barrier3A_192 = arith.constant 0 : index
    tpu.barrier barrier_id(%barrier3A_192)
    %lt3A_193 = arith.constant 15 : i32
    %lt3A_194 = arith.cmpi slt, %arg1, %lt3A_193 : i32
    %convert_element_type3A_195 = arith.extui %lt3A_194 : i1 to i32
    %cond3A_196 = arith.constant 0 : i32
    %cond3A_197 = arith.cmpi ne, %convert_element_type3A_195, %cond3A_196 : i32
    scf.if %cond3A_197 {
      %mul3A_203 = arith.constant 320 : i32
      %mul3A_204 = arith.muli %arg1, %mul3A_203 : i32
      %mul3A_205 = arith.constant 320 : i32
      %mul3A_206 = arith.muli %arg1, %mul3A_205 : i32
      "tpu.region"() ({
        %run_scoped3A = tpu.sem_alloc : memref<!tpu.dma_semaphore, #tpu.memory_space<semaphore_mem>>
        %dma_start3A = arith.constant 0 : i32
        %dma_start3A_207 = tpu.memref_slice %arg9[%arg0, %mul3A_206, %dma_start3A] : memref<2x5008x128xf32, #tpu.memory_space<hbm>> -> memref<1x320x128xf32, #tpu.memory_space<hbm>>
        %dma_start3A_208 = tpu.memref_squeeze %dma_start3A_207 : memref<1x320x128xf32, #tpu.memory_space<hbm>> -> memref<320x128xf32, #tpu.memory_space<hbm>>
        %dma_start3A_209 = arith.constant 0 : i32
        %dma_start3A_210 = tpu.memref_slice %arg17[%mul3A_204, %dma_start3A_209] : memref<5008x128xf32, #tpu.memory_space<vmem_shared>> -> memref<320x128xf32, #tpu.memory_space<vmem_shared>>
        tpu.enqueue_dma source(%dma_start3A_210 : memref<320x128xf32, #tpu.memory_space<vmem_shared>>) target(%dma_start3A_208 : memref<320x128xf32, #tpu.memory_space<hbm>>) target_semaphore(%run_scoped3A : memref<!tpu.dma_semaphore, #tpu.memory_space<semaphore_mem>>)
        %dma_wait3A = arith.constant 0 : i32
        %dma_wait3A_211 = tpu.memref_slice %arg9[%arg0, %mul3A_206, %dma_wait3A] : memref<2x5008x128xf32, #tpu.memory_space<hbm>> -> memref<1x320x128xf32, #tpu.memory_space<hbm>>
        %dma_wait3A_212 = tpu.memref_squeeze %dma_wait3A_211 : memref<1x320x128xf32, #tpu.memory_space<hbm>> -> memref<320x128xf32, #tpu.memory_space<hbm>>
        %dma_wait3A_213 = arith.constant 0 : i32
        %dma_wait3A_214 = tpu.memref_slice %arg17[%mul3A_204, %dma_wait3A_213] : memref<5008x128xf32, #tpu.memory_space<vmem_shared>> -> memref<320x128xf32, #tpu.memory_space<vmem_shared>>
        tpu.wait_dma2 semaphore(%run_scoped3A : memref<!tpu.dma_semaphore, #tpu.memory_space<semaphore_mem>>) src(%dma_wait3A_214 : memref<320x128xf32, #tpu.memory_space<vmem_shared>>) dst(%dma_wait3A_212 : memref<320x128xf32, #tpu.memory_space<hbm>>)
        tpu.yield
      }) : () -> ()
    } else {
    }
    %eq3A_198 = arith.constant 15 : i32
    %eq3A_199 = arith.cmpi eq, %arg1, %eq3A_198 : i32
    %convert_element_type3A_200 = arith.extui %eq3A_199 : i1 to i32
    %cond3A_201 = arith.constant 0 : i32
    %cond3A_202 = arith.cmpi ne, %convert_element_type3A_200, %cond3A_201 : i32
    scf.if %cond3A_202 {
      "tpu.region"() ({
        %run_scoped3A = tpu.sem_alloc : memref<!tpu.dma_semaphore, #tpu.memory_space<semaphore_mem>>
        %dma_start3A = arith.constant 4800 : i32
        %dma_start3A_203 = arith.constant 0 : i32
        %dma_start3A_204 = tpu.memref_slice %arg9[%arg0, %dma_start3A, %dma_start3A_203] : memref<2x5008x128xf32, #tpu.memory_space<hbm>> -> memref<1x208x128xf32, #tpu.memory_space<hbm>>
        %dma_start3A_205 = tpu.memref_squeeze %dma_start3A_204 : memref<1x208x128xf32, #tpu.memory_space<hbm>> -> memref<208x128xf32, #tpu.memory_space<hbm>>
        %dma_start3A_206 = arith.constant 4800 : i32
        %dma_start3A_207 = arith.constant 0 : i32
        %dma_start3A_208 = tpu.memref_slice %arg17[%dma_start3A_206, %dma_start3A_207] : memref<5008x128xf32, #tpu.memory_space<vmem_shared>> -> memref<208x128xf32, #tpu.memory_space<vmem_shared>>
        tpu.enqueue_dma source(%dma_start3A_208 : memref<208x128xf32, #tpu.memory_space<vmem_shared>>) target(%dma_start3A_205 : memref<208x128xf32, #tpu.memory_space<hbm>>) target_semaphore(%run_scoped3A : memref<!tpu.dma_semaphore, #tpu.memory_space<semaphore_mem>>)
        %dma_wait3A = arith.constant 4800 : i32
        %dma_wait3A_209 = arith.constant 0 : i32
        %dma_wait3A_210 = tpu.memref_slice %arg9[%arg0, %dma_wait3A, %dma_wait3A_209] : memref<2x5008x128xf32, #tpu.memory_space<hbm>> -> memref<1x208x128xf32, #tpu.memory_space<hbm>>
        %dma_wait3A_211 = tpu.memref_squeeze %dma_wait3A_210 : memref<1x208x128xf32, #tpu.memory_space<hbm>> -> memref<208x128xf32, #tpu.memory_space<hbm>>
        %dma_wait3A_212 = arith.constant 4800 : i32
        %dma_wait3A_213 = arith.constant 0 : i32
        %dma_wait3A_214 = tpu.memref_slice %arg17[%dma_wait3A_212, %dma_wait3A_213] : memref<5008x128xf32, #tpu.memory_space<vmem_shared>> -> memref<208x128xf32, #tpu.memory_space<vmem_shared>>
        tpu.wait_dma2 semaphore(%run_scoped3A : memref<!tpu.dma_semaphore, #tpu.memory_space<semaphore_mem>>) src(%dma_wait3A_214 : memref<208x128xf32, #tpu.memory_space<vmem_shared>>) dst(%dma_wait3A_211 : memref<208x128xf32, #tpu.memory_space<hbm>>)
        tpu.yield
      }) : () -> ()
    } else {
    }
    return
  }
}

#map = affine_map<(d0, d1) -> (0, 0, 0)>
#map1 = affine_map<(d0, d1) -> (0)>
module attributes {stable_mosaic.version = 14 : i64} {
  func.func @_sc_prepass(%arg0: i32, %arg1: i32, %arg2: memref<32x160x128xi32, #tpu.memory_space<hbm>>, %arg3: memref<32x160x128xi32, #tpu.memory_space<hbm>>, %arg4: memref<409600xi32, #tpu.memory_space<hbm>>, %arg5: memref<409600xi32, #tpu.memory_space<hbm>>, %arg6: memref<409600xi32, #tpu.memory_space<hbm>>, %arg7: memref<409600xi32, #tpu.memory_space<hbm>>, %arg8: memref<512xi32, #tpu.memory_space<hbm>>, %arg9: memref<160x128xi32, #tpu.memory_space<vmem>>, %arg10: memref<160x128xi32, #tpu.memory_space<vmem>>, %arg11: memref<12800xi32, #tpu.memory_space<vmem>>, %arg12: memref<12800xi32, #tpu.memory_space<vmem>>, %arg13: memref<12800xi32, #tpu.memory_space<vmem>>, %arg14: memref<12800xi32, #tpu.memory_space<vmem>>, %arg15: memref<16xi32, #tpu.memory_space<vmem>>) attributes {dimension_semantics = [#tpu.dimension_semantics<core_parallel>, #tpu.dimension_semantics<subcore_parallel>], iteration_bounds = array<i64: 2, 16>, scalar_prefetch = 0 : i64, scratch_operands = 7 : i64, tpu.core_type = #tpu.core_type<sc_vector_subcore>, window_params = [{transform_indices = #map}, {transform_indices = #map}, {transform_indices = #map1}, {transform_indices = #map1}, {transform_indices = #map1}, {transform_indices = #map1}, {transform_indices = #map1}]} {
    %mul3A = arith.constant 16 : i32
    %mul3A_0 = arith.muli %arg0, %mul3A : i32
    %add3A = arith.addi %mul3A_0, %arg1 : i32
    "tpu.region"() ({
      %run_scoped3A = tpu.sem_alloc : memref<!tpu.dma_semaphore, #tpu.memory_space<semaphore_mem>>
      %dma_start3A = arith.constant 0 : i32
      %dma_start3A_214 = arith.constant 0 : i32
      %dma_start3A_215 = tpu.memref_slice %arg2[%add3A, %dma_start3A, %dma_start3A_214] : memref<32x160x128xi32, #tpu.memory_space<hbm>> -> memref<1x160x128xi32, #tpu.memory_space<hbm>>
      %dma_start3A_216 = tpu.memref_squeeze %dma_start3A_215 : memref<1x160x128xi32, #tpu.memory_space<hbm>> -> memref<160x128xi32, #tpu.memory_space<hbm>>
      %dma_start3A_217 = arith.constant 0 : i32
      %dma_start3A_218 = arith.constant 0 : i32
      %dma_start3A_219 = tpu.memref_slice %arg2[%add3A, %dma_start3A_217, %dma_start3A_218] : memref<32x160x128xi32, #tpu.memory_space<hbm>> -> memref<1x160x128xi32, #tpu.memory_space<hbm>>
      %dma_start3A_220 = tpu.memref_squeeze %dma_start3A_219 : memref<1x160x128xi32, #tpu.memory_space<hbm>> -> memref<160x128xi32, #tpu.memory_space<hbm>>
      tpu.enqueue_dma source(%dma_start3A_220 : memref<160x128xi32, #tpu.memory_space<hbm>>) target(%arg9 : memref<160x128xi32, #tpu.memory_space<vmem>>) target_semaphore(%run_scoped3A : memref<!tpu.dma_semaphore, #tpu.memory_space<semaphore_mem>>)
      %dma_wait3A = arith.constant 0 : i32
      %dma_wait3A_221 = arith.constant 0 : i32
      %dma_wait3A_222 = tpu.memref_slice %arg2[%add3A, %dma_wait3A, %dma_wait3A_221] : memref<32x160x128xi32, #tpu.memory_space<hbm>> -> memref<1x160x128xi32, #tpu.memory_space<hbm>>
      %dma_wait3A_223 = tpu.memref_squeeze %dma_wait3A_222 : memref<1x160x128xi32, #tpu.memory_space<hbm>> -> memref<160x128xi32, #tpu.memory_space<hbm>>
      %dma_wait3A_224 = arith.constant 0 : i32
      %dma_wait3A_225 = arith.constant 0 : i32
      %dma_wait3A_226 = tpu.memref_slice %arg2[%add3A, %dma_wait3A_224, %dma_wait3A_225] : memref<32x160x128xi32, #tpu.memory_space<hbm>> -> memref<1x160x128xi32, #tpu.memory_space<hbm>>
      %dma_wait3A_227 = tpu.memref_squeeze %dma_wait3A_226 : memref<1x160x128xi32, #tpu.memory_space<hbm>> -> memref<160x128xi32, #tpu.memory_space<hbm>>
      tpu.wait_dma2 semaphore(%run_scoped3A : memref<!tpu.dma_semaphore, #tpu.memory_space<semaphore_mem>>) src(%dma_wait3A_227 : memref<160x128xi32, #tpu.memory_space<hbm>>) dst(%arg9 : memref<160x128xi32, #tpu.memory_space<vmem>>)
      tpu.yield
    }) : () -> ()
    "tpu.region"() ({
      %run_scoped3A = tpu.sem_alloc : memref<!tpu.dma_semaphore, #tpu.memory_space<semaphore_mem>>
      %dma_start3A = arith.constant 0 : i32
      %dma_start3A_214 = arith.constant 0 : i32
      %dma_start3A_215 = tpu.memref_slice %arg3[%add3A, %dma_start3A, %dma_start3A_214] : memref<32x160x128xi32, #tpu.memory_space<hbm>> -> memref<1x160x128xi32, #tpu.memory_space<hbm>>
      %dma_start3A_216 = tpu.memref_squeeze %dma_start3A_215 : memref<1x160x128xi32, #tpu.memory_space<hbm>> -> memref<160x128xi32, #tpu.memory_space<hbm>>
      %dma_start3A_217 = arith.constant 0 : i32
      %dma_start3A_218 = arith.constant 0 : i32
      %dma_start3A_219 = tpu.memref_slice %arg3[%add3A, %dma_start3A_217, %dma_start3A_218] : memref<32x160x128xi32, #tpu.memory_space<hbm>> -> memref<1x160x128xi32, #tpu.memory_space<hbm>>
      %dma_start3A_220 = tpu.memref_squeeze %dma_start3A_219 : memref<1x160x128xi32, #tpu.memory_space<hbm>> -> memref<160x128xi32, #tpu.memory_space<hbm>>
      tpu.enqueue_dma source(%dma_start3A_220 : memref<160x128xi32, #tpu.memory_space<hbm>>) target(%arg10 : memref<160x128xi32, #tpu.memory_space<vmem>>) target_semaphore(%run_scoped3A : memref<!tpu.dma_semaphore, #tpu.memory_space<semaphore_mem>>)
      %dma_wait3A = arith.constant 0 : i32
      %dma_wait3A_221 = arith.constant 0 : i32
      %dma_wait3A_222 = tpu.memref_slice %arg3[%add3A, %dma_wait3A, %dma_wait3A_221] : memref<32x160x128xi32, #tpu.memory_space<hbm>> -> memref<1x160x128xi32, #tpu.memory_space<hbm>>
      %dma_wait3A_223 = tpu.memref_squeeze %dma_wait3A_222 : memref<1x160x128xi32, #tpu.memory_space<hbm>> -> memref<160x128xi32, #tpu.memory_space<hbm>>
      %dma_wait3A_224 = arith.constant 0 : i32
      %dma_wait3A_225 = arith.constant 0 : i32
      %dma_wait3A_226 = tpu.memref_slice %arg3[%add3A, %dma_wait3A_224, %dma_wait3A_225] : memref<32x160x128xi32, #tpu.memory_space<hbm>> -> memref<1x160x128xi32, #tpu.memory_space<hbm>>
      %dma_wait3A_227 = tpu.memref_squeeze %dma_wait3A_226 : memref<1x160x128xi32, #tpu.memory_space<hbm>> -> memref<160x128xi32, #tpu.memory_space<hbm>>
      tpu.wait_dma2 semaphore(%run_scoped3A : memref<!tpu.dma_semaphore, #tpu.memory_space<semaphore_mem>>) src(%dma_wait3A_227 : memref<160x128xi32, #tpu.memory_space<hbm>>) dst(%arg10 : memref<160x128xi32, #tpu.memory_space<vmem>>)
      tpu.yield
    }) : () -> ()
    %scan3A = arith.constant 0 : i32
    %scan3A_1 = arith.constant 0 : i32
    %scan3A_2 = arith.constant 0 : i32
    %scan3A_3 = arith.constant 1280 : i32
    %scan3A_4 = arith.addi %scan3A_2, %scan3A_3 : i32
    %scan3A_5 = arith.constant 1 : i32
    %scan3A_6:2 = scf.for %scan3A_214 = %scan3A_2 to %scan3A_4 step %scan3A_5 iter_args(%scan3A_215 = %scan3A, %scan3A_216 = %scan3A_1) -> (i32, i32)  : i32 {
      %jit3A_217 = arith.constant 8 : i32
      %div3A_218 = arith.divsi %scan3A_214, %jit3A_217 : i32
      %sign3A_219 = arith.constant 0 : i32
      %sign3A_220 = arith.cmpi sgt, %scan3A_214, %sign3A_219 : i32
      %sign3A_221 = arith.extui %sign3A_220 : i1 to i32
      %sign3A_222 = arith.constant 0 : i32
      %sign3A_223 = arith.cmpi slt, %scan3A_214, %sign3A_222 : i32
      %sign3A_224 = arith.extui %sign3A_223 : i1 to i32
      %sign3A_225 = arith.subi %sign3A_221, %sign3A_224 : i32
      %sign3A_226 = arith.constant 0 : i32
      %sign3A_227 = arith.cmpi sgt, %jit3A_217, %sign3A_226 : i32
      %sign3A_228 = arith.extui %sign3A_227 : i1 to i32
      %sign3A_229 = arith.constant 0 : i32
      %sign3A_230 = arith.cmpi slt, %jit3A_217, %sign3A_229 : i32
      %sign3A_231 = arith.extui %sign3A_230 : i1 to i32
      %sign3A_232 = arith.subi %sign3A_228, %sign3A_231 : i32
      %ne3A_233 = arith.cmpi ne, %sign3A_225, %sign3A_232 : i32
      %rem3A_234 = arith.remsi %scan3A_214, %jit3A_217 : i32
      %ne3A_235 = arith.constant 0 : i32
      %ne3A_236 = arith.cmpi ne, %rem3A_234, %ne3A_235 : i32
      %and3A_237 = arith.andi %ne3A_233, %ne3A_236 : i1
      %sub3A_238 = arith.constant 1 : i32
      %sub3A_239 = arith.subi %div3A_218, %sub3A_238 : i32
      %select_n3A_240 = arith.select %and3A_237, %sub3A_239, %div3A_218 : i32
      %jit3A_241 = arith.constant 8 : i32
      %eq3A_242 = arith.constant 0 : i32
      %eq3A_243 = arith.cmpi eq, %jit3A_241, %eq3A_242 : i32
      %jit3A_244 = arith.constant 1 : i32
      %select_n3A_245 = arith.select %eq3A_243, %jit3A_244, %jit3A_241 : i32
      %rem3A_246 = arith.remsi %scan3A_214, %select_n3A_245 : i32
      %ne3A_247 = arith.constant 0 : i32
      %ne3A_248 = arith.cmpi ne, %rem3A_246, %ne3A_247 : i32
      %lt3A = arith.constant 0 : i32
      %lt3A_249 = arith.cmpi slt, %rem3A_246, %lt3A : i32
      %lt3A_250 = arith.constant 0 : i32
      %lt3A_251 = arith.cmpi slt, %select_n3A_245, %lt3A_250 : i32
      %ne3A_252 = arith.xori %lt3A_249, %lt3A_251 : i1
      %and3A_253 = arith.andi %ne3A_252, %ne3A_248 : i1
      %add3A_254 = arith.addi %rem3A_246, %select_n3A_245 : i32
      %select_n3A_255 = arith.select %and3A_253, %add3A_254, %rem3A_246 : i32
      %mul3A_256 = arith.constant 16 : i32
      %mul3A_257 = arith.muli %select_n3A_255, %mul3A_256 : i32
      %get3A = arith.index_cast %select_n3A_240 : i32 to index
      %get3A_258 = arith.index_cast %mul3A_257 : i32 to index
      %get3A_259 = tpu.vector_load %arg10[%get3A, %get3A_258] {strides = array<i32>} : memref<160x128xi32, #tpu.memory_space<vmem>>, vector<16xi32>,
      %get3A_260 = arith.index_cast %select_n3A_240 : i32 to index
      %get3A_261 = arith.index_cast %mul3A_257 : i32 to index
      %get3A_262 = tpu.vector_load %arg9[%get3A_260, %get3A_261] {strides = array<i32>} : memref<160x128xi32, #tpu.memory_space<vmem>>, vector<16xi32>,
      %ge3A = arith.constant 0 : i32
      %ge3A_263 = vector.broadcast %ge3A : i32 to vector<16xi32>
      %ge3A_264 = arith.cmpi sge, %get3A_259, %ge3A_263 : vector<16xi32>
      %lt3A_265 = arith.constant 5000 : i32
      %lt3A_266 = vector.broadcast %lt3A_265 : i32 to vector<16xi32>
      %lt3A_267 = arith.cmpi slt, %get3A_259, %lt3A_266 : vector<16xi32>
      %and3A_268 = arith.andi %ge3A_264, %lt3A_267 : vector<16xi1>
      %ge3A_269 = arith.constant 5000 : i32
      %ge3A_270 = vector.broadcast %ge3A_269 : i32 to vector<16xi32>
      %ge3A_271 = arith.cmpi sge, %get3A_259, %ge3A_270 : vector<16xi32>
      %convert_element_type3A = arith.extui %and3A_268 : vector<16xi1> to vector<16xi32>
      %convert_element_type3A_272 = arith.extui %ge3A_271 : vector<16xi1> to vector<16xi32>
      %broadcast_in_dim3A_273 = arith.constant true
      %broadcast_in_dim3A_274 = vector.broadcast %broadcast_in_dim3A_273 : i1 to vector<16xi1>
      %masked_cumsum3A = tpu.scan <sum>, %convert_element_type3A masked %broadcast_in_dim3A_274 : vector<16xi32>, vector<16xi1> -> vector<16xi32>
      %broadcast_in_dim3A_275 = arith.constant true
      %broadcast_in_dim3A_276 = vector.broadcast %broadcast_in_dim3A_275 : i1 to vector<16xi1>
      %masked_cumsum3A_277 = tpu.scan <sum>, %convert_element_type3A_272 masked %broadcast_in_dim3A_276 : vector<16xi32>, vector<16xi1> -> vector<16xi32>
      %add3A_278 = vector.broadcast %scan3A_215 : i32 to vector<16xi32>
      %add3A_279 = arith.addi %add3A_278, %masked_cumsum3A : vector<16xi32>
      %sub3A_280 = arith.constant 1 : i32
      %sub3A_281 = vector.broadcast %sub3A_280 : i32 to vector<16xi32>
      %sub3A_282 = arith.subi %add3A_279, %sub3A_281 : vector<16xi32>
      %jit3A_283 = arith.constant 12799 : i32
      %broadcast_in_dim3A_284 = vector.broadcast %jit3A_283 : i32 to vector<16xi32>
      %select_n3A_285 = arith.select %and3A_268, %sub3A_282, %broadcast_in_dim3A_284 : vector<16xi1>, vector<16xi32>
      %add3A_286 = vector.broadcast %scan3A_216 : i32 to vector<16xi32>
      %add3A_287 = arith.addi %add3A_286, %masked_cumsum3A_277 : vector<16xi32>
      %sub3A_288 = arith.constant 1 : i32
      %sub3A_289 = vector.broadcast %sub3A_288 : i32 to vector<16xi32>
      %sub3A_290 = arith.subi %add3A_287, %sub3A_289 : vector<16xi32>
      %jit3A_291 = arith.constant 12799 : i32
      %broadcast_in_dim3A_292 = vector.broadcast %jit3A_291 : i32 to vector<16xi32>
      %select_n3A_293 = arith.select %ge3A_271, %sub3A_290, %broadcast_in_dim3A_292 : vector<16xi1>, vector<16xi32>
      tpu.vector_store_idx %arg11[%select_n3A_285], %get3A_262 : memref<12800xi32, #tpu.memory_space<vmem>>[vector<16xi32>], vector<16xi32>,
      tpu.vector_store_idx %arg12[%select_n3A_285], %get3A_259 : memref<12800xi32, #tpu.memory_space<vmem>>[vector<16xi32>], vector<16xi32>,
      tpu.vector_store_idx %arg13[%select_n3A_293], %get3A_262 : memref<12800xi32, #tpu.memory_space<vmem>>[vector<16xi32>], vector<16xi32>,
      %sub3A_294 = arith.constant 5000 : i32
      %sub3A_295 = vector.broadcast %sub3A_294 : i32 to vector<16xi32>
      %sub3A_296 = arith.subi %get3A_259, %sub3A_295 : vector<16xi32>
      tpu.vector_store_idx %arg14[%select_n3A_293], %sub3A_296 : memref<12800xi32, #tpu.memory_space<vmem>>[vector<16xi32>], vector<16xi32>,
      %reduce_sum3A = arith.constant true
      %reduce_sum3A_297 = vector.broadcast %reduce_sum3A : i1 to vector<16xi1>
      %reduce_sum3A_298 = tpu.scan <sum>, %convert_element_type3A masked %reduce_sum3A_297 : vector<16xi32>, vector<16xi1> -> vector<16xi32>
      %reduce_sum3A_299 = vector.extract %reduce_sum3A_298[15] : i32 from vector<16xi32>
      %add3A_300 = arith.addi %scan3A_215, %reduce_sum3A_299 : i32
      %min3A = arith.constant 12544 : i32
      %min3A_301 = arith.minsi %add3A_300, %min3A : i32
      %reduce_sum3A_302 = arith.constant true
      %reduce_sum3A_303 = vector.broadcast %reduce_sum3A_302 : i1 to vector<16xi1>
      %reduce_sum3A_304 = tpu.scan <sum>, %convert_element_type3A_272 masked %reduce_sum3A_303 : vector<16xi32>, vector<16xi1> -> vector<16xi32>
      %reduce_sum3A_305 = vector.extract %reduce_sum3A_304[15] : i32 from vector<16xi32>
      %add3A_306 = arith.addi %scan3A_216, %reduce_sum3A_305 : i32
      %min3A_307 = arith.constant 12544 : i32
      %min3A_308 = arith.minsi %add3A_306, %min3A_307 : i32
      scf.yield %min3A_301, %min3A_308 : i32, i32
    }
    %scan3A_7 = arith.constant 1280 : i32
    %broadcast_in_dim3A = arith.constant 0 : i32
    %broadcast_in_dim3A_8 = vector.broadcast %broadcast_in_dim3A : i32 to vector<16xi32>
    %add3A_9 = arith.constant 5000 : i32
    %add3A_10 = vector.broadcast %add3A_9 : i32 to vector<16xi32>
    %add3A_11 = arith.addi %broadcast_in_dim3A_8, %add3A_10 : vector<16xi32>
    %add3A_12 = arith.constant 0 : i32
    %add3A_13 = arith.addi %scan3A_6#0, %add3A_12 : i32
    %swap3A = arith.index_cast %add3A_13 : i32 to index
    %swap3A_14 = tpu.vector_load %arg11[%swap3A] {strides = array<i32>} : memref<12800xi32, #tpu.memory_space<vmem>>, vector<16xi32>,
    tpu.vector_store %arg11[%swap3A], %broadcast_in_dim3A_8 {strides = array<i32>} : memref<12800xi32, #tpu.memory_space<vmem>>, vector<16xi32>,
    %add3A_15 = arith.constant 0 : i32
    %add3A_16 = arith.addi %scan3A_6#0, %add3A_15 : i32
    %swap3A_17 = arith.index_cast %add3A_16 : i32 to index
    %swap3A_18 = tpu.vector_load %arg12[%swap3A_17] {strides = array<i32>} : memref<12800xi32, #tpu.memory_space<vmem>>, vector<16xi32>,
    tpu.vector_store %arg12[%swap3A_17], %add3A_11 {strides = array<i32>} : memref<12800xi32, #tpu.memory_space<vmem>>, vector<16xi32>,
    %add3A_19 = arith.constant 0 : i32
    %add3A_20 = arith.addi %scan3A_6#1, %add3A_19 : i32
    %swap3A_21 = arith.index_cast %add3A_20 : i32 to index
    %swap3A_22 = tpu.vector_load %arg13[%swap3A_21] {strides = array<i32>} : memref<12800xi32, #tpu.memory_space<vmem>>, vector<16xi32>,
    tpu.vector_store %arg13[%swap3A_21], %broadcast_in_dim3A_8 {strides = array<i32>} : memref<12800xi32, #tpu.memory_space<vmem>>, vector<16xi32>,
    %add3A_23 = arith.constant 0 : i32
    %add3A_24 = arith.addi %scan3A_6#1, %add3A_23 : i32
    %swap3A_25 = arith.index_cast %add3A_24 : i32 to index
    %swap3A_26 = tpu.vector_load %arg14[%swap3A_25] {strides = array<i32>} : memref<12800xi32, #tpu.memory_space<vmem>>, vector<16xi32>,
    tpu.vector_store %arg14[%swap3A_25], %add3A_11 {strides = array<i32>} : memref<12800xi32, #tpu.memory_space<vmem>>, vector<16xi32>,
    %add3A_27 = arith.constant 16 : i32
    %add3A_28 = arith.addi %scan3A_6#0, %add3A_27 : i32
    %swap3A_29 = arith.index_cast %add3A_28 : i32 to index
    %swap3A_30 = tpu.vector_load %arg11[%swap3A_29] {strides = array<i32>} : memref<12800xi32, #tpu.memory_space<vmem>>, vector<16xi32>,
    tpu.vector_store %arg11[%swap3A_29], %broadcast_in_dim3A_8 {strides = array<i32>} : memref<12800xi32, #tpu.memory_space<vmem>>, vector<16xi32>,
    %add3A_31 = arith.constant 16 : i32
    %add3A_32 = arith.addi %scan3A_6#0, %add3A_31 : i32
    %swap3A_33 = arith.index_cast %add3A_32 : i32 to index
    %swap3A_34 = tpu.vector_load %arg12[%swap3A_33] {strides = array<i32>} : memref<12800xi32, #tpu.memory_space<vmem>>, vector<16xi32>,
    tpu.vector_store %arg12[%swap3A_33], %add3A_11 {strides = array<i32>} : memref<12800xi32, #tpu.memory_space<vmem>>, vector<16xi32>,
    %add3A_35 = arith.constant 16 : i32
    %add3A_36 = arith.addi %scan3A_6#1, %add3A_35 : i32
    %swap3A_37 = arith.index_cast %add3A_36 : i32 to index
    %swap3A_38 = tpu.vector_load %arg13[%swap3A_37] {strides = array<i32>} : memref<12800xi32, #tpu.memory_space<vmem>>, vector<16xi32>,
    tpu.vector_store %arg13[%swap3A_37], %broadcast_in_dim3A_8 {strides = array<i32>} : memref<12800xi32, #tpu.memory_space<vmem>>, vector<16xi32>,
    %add3A_39 = arith.constant 16 : i32
    %add3A_40 = arith.addi %scan3A_6#1, %add3A_39 : i32
    %swap3A_41 = arith.index_cast %add3A_40 : i32 to index
    %swap3A_42 = tpu.vector_load %arg14[%swap3A_41] {strides = array<i32>} : memref<12800xi32, #tpu.memory_space<vmem>>, vector<16xi32>,
    tpu.vector_store %arg14[%swap3A_41], %add3A_11 {strides = array<i32>} : memref<12800xi32, #tpu.memory_space<vmem>>, vector<16xi32>,
    %add3A_43 = arith.constant 32 : i32
    %add3A_44 = arith.addi %scan3A_6#0, %add3A_43 : i32
    %swap3A_45 = arith.index_cast %add3A_44 : i32 to index
    %swap3A_46 = tpu.vector_load %arg11[%swap3A_45] {strides = array<i32>} : memref<12800xi32, #tpu.memory_space<vmem>>, vector<16xi32>,
    tpu.vector_store %arg11[%swap3A_45], %broadcast_in_dim3A_8 {strides = array<i32>} : memref<12800xi32, #tpu.memory_space<vmem>>, vector<16xi32>,
    %add3A_47 = arith.constant 32 : i32
    %add3A_48 = arith.addi %scan3A_6#0, %add3A_47 : i32
    %swap3A_49 = arith.index_cast %add3A_48 : i32 to index
    %swap3A_50 = tpu.vector_load %arg12[%swap3A_49] {strides = array<i32>} : memref<12800xi32, #tpu.memory_space<vmem>>, vector<16xi32>,
    tpu.vector_store %arg12[%swap3A_49], %add3A_11 {strides = array<i32>} : memref<12800xi32, #tpu.memory_space<vmem>>, vector<16xi32>,
    %add3A_51 = arith.constant 32 : i32
    %add3A_52 = arith.addi %scan3A_6#1, %add3A_51 : i32
    %swap3A_53 = arith.index_cast %add3A_52 : i32 to index
    %swap3A_54 = tpu.vector_load %arg13[%swap3A_53] {strides = array<i32>} : memref<12800xi32, #tpu.memory_space<vmem>>, vector<16xi32>,
    tpu.vector_store %arg13[%swap3A_53], %broadcast_in_dim3A_8 {strides = array<i32>} : memref<12800xi32, #tpu.memory_space<vmem>>, vector<16xi32>,
    %add3A_55 = arith.constant 32 : i32
    %add3A_56 = arith.addi %scan3A_6#1, %add3A_55 : i32
    %swap3A_57 = arith.index_cast %add3A_56 : i32 to index
    %swap3A_58 = tpu.vector_load %arg14[%swap3A_57] {strides = array<i32>} : memref<12800xi32, #tpu.memory_space<vmem>>, vector<16xi32>,
    tpu.vector_store %arg14[%swap3A_57], %add3A_11 {strides = array<i32>} : memref<12800xi32, #tpu.memory_space<vmem>>, vector<16xi32>,
    %add3A_59 = arith.constant 48 : i32
    %add3A_60 = arith.addi %scan3A_6#0, %add3A_59 : i32
    %swap3A_61 = arith.index_cast %add3A_60 : i32 to index
    %swap3A_62 = tpu.vector_load %arg11[%swap3A_61] {strides = array<i32>} : memref<12800xi32, #tpu.memory_space<vmem>>, vector<16xi32>,
    tpu.vector_store %arg11[%swap3A_61], %broadcast_in_dim3A_8 {strides = array<i32>} : memref<12800xi32, #tpu.memory_space<vmem>>, vector<16xi32>,
    %add3A_63 = arith.constant 48 : i32
    %add3A_64 = arith.addi %scan3A_6#0, %add3A_63 : i32
    %swap3A_65 = arith.index_cast %add3A_64 : i32 to index
    %swap3A_66 = tpu.vector_load %arg12[%swap3A_65] {strides = array<i32>} : memref<12800xi32, #tpu.memory_space<vmem>>, vector<16xi32>,
    tpu.vector_store %arg12[%swap3A_65], %add3A_11 {strides = array<i32>} : memref<12800xi32, #tpu.memory_space<vmem>>, vector<16xi32>,
    %add3A_67 = arith.constant 48 : i32
    %add3A_68 = arith.addi %scan3A_6#1, %add3A_67 : i32
    %swap3A_69 = arith.index_cast %add3A_68 : i32 to index
    %swap3A_70 = tpu.vector_load %arg13[%swap3A_69] {strides = array<i32>} : memref<12800xi32, #tpu.memory_space<vmem>>, vector<16xi32>,
    tpu.vector_store %arg13[%swap3A_69], %broadcast_in_dim3A_8 {strides = array<i32>} : memref<12800xi32, #tpu.memory_space<vmem>>, vector<16xi32>,
    %add3A_71 = arith.constant 48 : i32
    %add3A_72 = arith.addi %scan3A_6#1, %add3A_71 : i32
    %swap3A_73 = arith.index_cast %add3A_72 : i32 to index
    %swap3A_74 = tpu.vector_load %arg14[%swap3A_73] {strides = array<i32>} : memref<12800xi32, #tpu.memory_space<vmem>>, vector<16xi32>,
    tpu.vector_store %arg14[%swap3A_73], %add3A_11 {strides = array<i32>} : memref<12800xi32, #tpu.memory_space<vmem>>, vector<16xi32>,
    %add3A_75 = arith.constant 64 : i32
    %add3A_76 = arith.addi %scan3A_6#0, %add3A_75 : i32
    %swap3A_77 = arith.index_cast %add3A_76 : i32 to index
    %swap3A_78 = tpu.vector_load %arg11[%swap3A_77] {strides = array<i32>} : memref<12800xi32, #tpu.memory_space<vmem>>, vector<16xi32>,
    tpu.vector_store %arg11[%swap3A_77], %broadcast_in_dim3A_8 {strides = array<i32>} : memref<12800xi32, #tpu.memory_space<vmem>>, vector<16xi32>,
    %add3A_79 = arith.constant 64 : i32
    %add3A_80 = arith.addi %scan3A_6#0, %add3A_79 : i32
    %swap3A_81 = arith.index_cast %add3A_80 : i32 to index
    %swap3A_82 = tpu.vector_load %arg12[%swap3A_81] {strides = array<i32>} : memref<12800xi32, #tpu.memory_space<vmem>>, vector<16xi32>,
    tpu.vector_store %arg12[%swap3A_81], %add3A_11 {strides = array<i32>} : memref<12800xi32, #tpu.memory_space<vmem>>, vector<16xi32>,
    %add3A_83 = arith.constant 64 : i32
    %add3A_84 = arith.addi %scan3A_6#1, %add3A_83 : i32
    %swap3A_85 = arith.index_cast %add3A_84 : i32 to index
    %swap3A_86 = tpu.vector_load %arg13[%swap3A_85] {strides = array<i32>} : memref<12800xi32, #tpu.memory_space<vmem>>, vector<16xi32>,
    tpu.vector_store %arg13[%swap3A_85], %broadcast_in_dim3A_8 {strides = array<i32>} : memref<12800xi32, #tpu.memory_space<vmem>>, vector<16xi32>,
    %add3A_87 = arith.constant 64 : i32
    %add3A_88 = arith.addi %scan3A_6#1, %add3A_87 : i32
    %swap3A_89 = arith.index_cast %add3A_88 : i32 to index
    %swap3A_90 = tpu.vector_load %arg14[%swap3A_89] {strides = array<i32>} : memref<12800xi32, #tpu.memory_space<vmem>>, vector<16xi32>,
    tpu.vector_store %arg14[%swap3A_89], %add3A_11 {strides = array<i32>} : memref<12800xi32, #tpu.memory_space<vmem>>, vector<16xi32>,
    %add3A_91 = arith.constant 80 : i32
    %add3A_92 = arith.addi %scan3A_6#0, %add3A_91 : i32
    %swap3A_93 = arith.index_cast %add3A_92 : i32 to index
    %swap3A_94 = tpu.vector_load %arg11[%swap3A_93] {strides = array<i32>} : memref<12800xi32, #tpu.memory_space<vmem>>, vector<16xi32>,
    tpu.vector_store %arg11[%swap3A_93], %broadcast_in_dim3A_8 {strides = array<i32>} : memref<12800xi32, #tpu.memory_space<vmem>>, vector<16xi32>,
    %add3A_95 = arith.constant 80 : i32
    %add3A_96 = arith.addi %scan3A_6#0, %add3A_95 : i32
    %swap3A_97 = arith.index_cast %add3A_96 : i32 to index
    %swap3A_98 = tpu.vector_load %arg12[%swap3A_97] {strides = array<i32>} : memref<12800xi32, #tpu.memory_space<vmem>>, vector<16xi32>,
    tpu.vector_store %arg12[%swap3A_97], %add3A_11 {strides = array<i32>} : memref<12800xi32, #tpu.memory_space<vmem>>, vector<16xi32>,
    %add3A_99 = arith.constant 80 : i32
    %add3A_100 = arith.addi %scan3A_6#1, %add3A_99 : i32
    %swap3A_101 = arith.index_cast %add3A_100 : i32 to index
    %swap3A_102 = tpu.vector_load %arg13[%swap3A_101] {strides = array<i32>} : memref<12800xi32, #tpu.memory_space<vmem>>, vector<16xi32>,
    tpu.vector_store %arg13[%swap3A_101], %broadcast_in_dim3A_8 {strides = array<i32>} : memref<12800xi32, #tpu.memory_space<vmem>>, vector<16xi32>,
    %add3A_103 = arith.constant 80 : i32
    %add3A_104 = arith.addi %scan3A_6#1, %add3A_103 : i32
    %swap3A_105 = arith.index_cast %add3A_104 : i32 to index
    %swap3A_106 = tpu.vector_load %arg14[%swap3A_105] {strides = array<i32>} : memref<12800xi32, #tpu.memory_space<vmem>>, vector<16xi32>,
    tpu.vector_store %arg14[%swap3A_105], %add3A_11 {strides = array<i32>} : memref<12800xi32, #tpu.memory_space<vmem>>, vector<16xi32>,
    %add3A_107 = arith.constant 96 : i32
    %add3A_108 = arith.addi %scan3A_6#0, %add3A_107 : i32
    %swap3A_109 = arith.index_cast %add3A_108 : i32 to index
    %swap3A_110 = tpu.vector_load %arg11[%swap3A_109] {strides = array<i32>} : memref<12800xi32, #tpu.memory_space<vmem>>, vector<16xi32>,
    tpu.vector_store %arg11[%swap3A_109], %broadcast_in_dim3A_8 {strides = array<i32>} : memref<12800xi32, #tpu.memory_space<vmem>>, vector<16xi32>,
    %add3A_111 = arith.constant 96 : i32
    %add3A_112 = arith.addi %scan3A_6#0, %add3A_111 : i32
    %swap3A_113 = arith.index_cast %add3A_112 : i32 to index
    %swap3A_114 = tpu.vector_load %arg12[%swap3A_113] {strides = array<i32>} : memref<12800xi32, #tpu.memory_space<vmem>>, vector<16xi32>,
    tpu.vector_store %arg12[%swap3A_113], %add3A_11 {strides = array<i32>} : memref<12800xi32, #tpu.memory_space<vmem>>, vector<16xi32>,
    %add3A_115 = arith.constant 96 : i32
    %add3A_116 = arith.addi %scan3A_6#1, %add3A_115 : i32
    %swap3A_117 = arith.index_cast %add3A_116 : i32 to index
    %swap3A_118 = tpu.vector_load %arg13[%swap3A_117] {strides = array<i32>} : memref<12800xi32, #tpu.memory_space<vmem>>, vector<16xi32>,
    tpu.vector_store %arg13[%swap3A_117], %broadcast_in_dim3A_8 {strides = array<i32>} : memref<12800xi32, #tpu.memory_space<vmem>>, vector<16xi32>,
    %add3A_119 = arith.constant 96 : i32
    %add3A_120 = arith.addi %scan3A_6#1, %add3A_119 : i32
    %swap3A_121 = arith.index_cast %add3A_120 : i32 to index
    %swap3A_122 = tpu.vector_load %arg14[%swap3A_121] {strides = array<i32>} : memref<12800xi32, #tpu.memory_space<vmem>>, vector<16xi32>,
    tpu.vector_store %arg14[%swap3A_121], %add3A_11 {strides = array<i32>} : memref<12800xi32, #tpu.memory_space<vmem>>, vector<16xi32>,
    %add3A_123 = arith.constant 112 : i32
    %add3A_124 = arith.addi %scan3A_6#0, %add3A_123 : i32
    %swap3A_125 = arith.index_cast %add3A_124 : i32 to index
    %swap3A_126 = tpu.vector_load %arg11[%swap3A_125] {strides = array<i32>} : memref<12800xi32, #tpu.memory_space<vmem>>, vector<16xi32>,
    tpu.vector_store %arg11[%swap3A_125], %broadcast_in_dim3A_8 {strides = array<i32>} : memref<12800xi32, #tpu.memory_space<vmem>>, vector<16xi32>,
    %add3A_127 = arith.constant 112 : i32
    %add3A_128 = arith.addi %scan3A_6#0, %add3A_127 : i32
    %swap3A_129 = arith.index_cast %add3A_128 : i32 to index
    %swap3A_130 = tpu.vector_load %arg12[%swap3A_129] {strides = array<i32>} : memref<12800xi32, #tpu.memory_space<vmem>>, vector<16xi32>,
    tpu.vector_store %arg12[%swap3A_129], %add3A_11 {strides = array<i32>} : memref<12800xi32, #tpu.memory_space<vmem>>, vector<16xi32>,
    %add3A_131 = arith.constant 112 : i32
    %add3A_132 = arith.addi %scan3A_6#1, %add3A_131 : i32
    %swap3A_133 = arith.index_cast %add3A_132 : i32 to index
    %swap3A_134 = tpu.vector_load %arg13[%swap3A_133] {strides = array<i32>} : memref<12800xi32, #tpu.memory_space<vmem>>, vector<16xi32>,
    tpu.vector_store %arg13[%swap3A_133], %broadcast_in_dim3A_8 {strides = array<i32>} : memref<12800xi32, #tpu.memory_space<vmem>>, vector<16xi32>,
    %add3A_135 = arith.constant 112 : i32
    %add3A_136 = arith.addi %scan3A_6#1, %add3A_135 : i32
    %swap3A_137 = arith.index_cast %add3A_136 : i32 to index
    %swap3A_138 = tpu.vector_load %arg14[%swap3A_137] {strides = array<i32>} : memref<12800xi32, #tpu.memory_space<vmem>>, vector<16xi32>,
    tpu.vector_store %arg14[%swap3A_137], %add3A_11 {strides = array<i32>} : memref<12800xi32, #tpu.memory_space<vmem>>, vector<16xi32>,
    %add3A_139 = arith.constant 128 : i32
    %add3A_140 = arith.addi %scan3A_6#0, %add3A_139 : i32
    %sub3A = arith.constant 1 : i32
    %sub3A_141 = arith.subi %add3A_140, %sub3A : i32
    %jit3A = arith.constant 128 : i32
    %div3A = arith.divsi %sub3A_141, %jit3A : i32
    %sign3A = arith.constant 0 : i32
    %sign3A_142 = arith.cmpi sgt, %sub3A_141, %sign3A : i32
    %sign3A_143 = arith.extui %sign3A_142 : i1 to i32
    %sign3A_144 = arith.constant 0 : i32
    %sign3A_145 = arith.cmpi slt, %sub3A_141, %sign3A_144 : i32
    %sign3A_146 = arith.extui %sign3A_145 : i1 to i32
    %sign3A_147 = arith.subi %sign3A_143, %sign3A_146 : i32
    %sign3A_148 = arith.constant 0 : i32
    %sign3A_149 = arith.cmpi sgt, %jit3A, %sign3A_148 : i32
    %sign3A_150 = arith.extui %sign3A_149 : i1 to i32
    %sign3A_151 = arith.constant 0 : i32
    %sign3A_152 = arith.cmpi slt, %jit3A, %sign3A_151 : i32
    %sign3A_153 = arith.extui %sign3A_152 : i1 to i32
    %sign3A_154 = arith.subi %sign3A_150, %sign3A_153 : i32
    %ne3A = arith.cmpi ne, %sign3A_147, %sign3A_154 : i32
    %rem3A = arith.remsi %sub3A_141, %jit3A : i32
    %ne3A_155 = arith.constant 0 : i32
    %ne3A_156 = arith.cmpi ne, %rem3A, %ne3A_155 : i32
    %and3A = arith.andi %ne3A, %ne3A_156 : i1
    %sub3A_157 = arith.constant 1 : i32
    %sub3A_158 = arith.subi %div3A, %sub3A_157 : i32
    %select_n3A = arith.select %and3A, %sub3A_158, %div3A : i32
    %mul3A_159 = arith.constant 128 : i32
    %mul3A_160 = arith.muli %select_n3A, %mul3A_159 : i32
    %add3A_161 = arith.constant 128 : i32
    %add3A_162 = arith.addi %scan3A_6#1, %add3A_161 : i32
    %sub3A_163 = arith.constant 1 : i32
    %sub3A_164 = arith.subi %add3A_162, %sub3A_163 : i32
    %jit3A_165 = arith.constant 128 : i32
    %div3A_166 = arith.divsi %sub3A_164, %jit3A_165 : i32
    %sign3A_167 = arith.constant 0 : i32
    %sign3A_168 = arith.cmpi sgt, %sub3A_164, %sign3A_167 : i32
    %sign3A_169 = arith.extui %sign3A_168 : i1 to i32
    %sign3A_170 = arith.constant 0 : i32
    %sign3A_171 = arith.cmpi slt, %sub3A_164, %sign3A_170 : i32
    %sign3A_172 = arith.extui %sign3A_171 : i1 to i32
    %sign3A_173 = arith.subi %sign3A_169, %sign3A_172 : i32
    %sign3A_174 = arith.constant 0 : i32
    %sign3A_175 = arith.cmpi sgt, %jit3A_165, %sign3A_174 : i32
    %sign3A_176 = arith.extui %sign3A_175 : i1 to i32
    %sign3A_177 = arith.constant 0 : i32
    %sign3A_178 = arith.cmpi slt, %jit3A_165, %sign3A_177 : i32
    %sign3A_179 = arith.extui %sign3A_178 : i1 to i32
    %sign3A_180 = arith.subi %sign3A_176, %sign3A_179 : i32
    %ne3A_181 = arith.cmpi ne, %sign3A_173, %sign3A_180 : i32
    %rem3A_182 = arith.remsi %sub3A_164, %jit3A_165 : i32
    %ne3A_183 = arith.constant 0 : i32
    %ne3A_184 = arith.cmpi ne, %rem3A_182, %ne3A_183 : i32
    %and3A_185 = arith.andi %ne3A_181, %ne3A_184 : i1
    %sub3A_186 = arith.constant 1 : i32
    %sub3A_187 = arith.subi %div3A_166, %sub3A_186 : i32
    %select_n3A_188 = arith.select %and3A_185, %sub3A_187, %div3A_166 : i32
    %mul3A_189 = arith.constant 128 : i32
    %mul3A_190 = arith.muli %select_n3A_188, %mul3A_189 : i32
    %iota3A = tpu.iota {dimensions = array<i32: 0>} : vector<16xi32>
    %eq3A = arith.constant 0 : i32
    %eq3A_191 = vector.broadcast %eq3A : i32 to vector<16xi32>
    %eq3A_192 = arith.cmpi eq, %iota3A, %eq3A_191 : vector<16xi32>
    %eq3A_193 = arith.constant 1 : i32
    %eq3A_194 = vector.broadcast %eq3A_193 : i32 to vector<16xi32>
    %eq3A_195 = arith.cmpi eq, %iota3A, %eq3A_194 : vector<16xi32>
    %jit3A_196 = arith.constant 0 : i32
    %broadcast_in_dim3A_197 = vector.broadcast %mul3A_190 : i32 to vector<16xi32>
    %broadcast_in_dim3A_198 = vector.broadcast %jit3A_196 : i32 to vector<16xi32>
    %select_n3A_199 = arith.select %eq3A_195, %broadcast_in_dim3A_197, %broadcast_in_dim3A_198 : vector<16xi1>, vector<16xi32>
    %broadcast_in_dim3A_200 = vector.broadcast %mul3A_160 : i32 to vector<16xi32>
    %select_n3A_201 = arith.select %eq3A_192, %broadcast_in_dim3A_200, %select_n3A_199 : vector<16xi1>, vector<16xi32>
    %swap3A_202 = arith.constant 0 : index
    %swap3A_203 = tpu.vector_load %arg15[%swap3A_202] {strides = array<i32>} : memref<16xi32, #tpu.memory_space<vmem>>, vector<16xi32>,
    tpu.vector_store %arg15[%swap3A_202], %select_n3A_201 {strides = array<i32>} : memref<16xi32, #tpu.memory_space<vmem>>, vector<16xi32>,
    %mul3A_204 = arith.constant 12800 : i32
    %mul3A_205 = arith.muli %add3A, %mul3A_204 : i32
    "tpu.region"() ({
      %run_scoped3A = tpu.sem_alloc : memref<!tpu.dma_semaphore, #tpu.memory_space<semaphore_mem>>
      %dma_start3A = tpu.memref_slice %arg4[%mul3A_205] : memref<409600xi32, #tpu.memory_space<hbm>> -> memref<12800xi32, #tpu.memory_space<hbm>>
      %dma_start3A_214 = tpu.memref_slice %arg4[%mul3A_205] : memref<409600xi32, #tpu.memory_space<hbm>> -> memref<12800xi32, #tpu.memory_space<hbm>>
      tpu.enqueue_dma source(%arg11 : memref<12800xi32, #tpu.memory_space<vmem>>) target(%dma_start3A_214 : memref<12800xi32, #tpu.memory_space<hbm>>) target_semaphore(%run_scoped3A : memref<!tpu.dma_semaphore, #tpu.memory_space<semaphore_mem>>)
      %dma_wait3A = tpu.memref_slice %arg4[%mul3A_205] : memref<409600xi32, #tpu.memory_space<hbm>> -> memref<12800xi32, #tpu.memory_space<hbm>>
      %dma_wait3A_215 = tpu.memref_slice %arg4[%mul3A_205] : memref<409600xi32, #tpu.memory_space<hbm>> -> memref<12800xi32, #tpu.memory_space<hbm>>
      tpu.wait_dma2 semaphore(%run_scoped3A : memref<!tpu.dma_semaphore, #tpu.memory_space<semaphore_mem>>) src(%arg11 : memref<12800xi32, #tpu.memory_space<vmem>>) dst(%dma_wait3A_215 : memref<12800xi32, #tpu.memory_space<hbm>>)
      tpu.yield
    }) : () -> ()
    %mul3A_206 = arith.constant 12800 : i32
    %mul3A_207 = arith.muli %add3A, %mul3A_206 : i32
    "tpu.region"() ({
      %run_scoped3A = tpu.sem_alloc : memref<!tpu.dma_semaphore, #tpu.memory_space<semaphore_mem>>
      %dma_start3A = tpu.memref_slice %arg5[%mul3A_207] : memref<409600xi32, #tpu.memory_space<hbm>> -> memref<12800xi32, #tpu.memory_space<hbm>>
      %dma_start3A_214 = tpu.memref_slice %arg5[%mul3A_207] : memref<409600xi32, #tpu.memory_space<hbm>> -> memref<12800xi32, #tpu.memory_space<hbm>>
      tpu.enqueue_dma source(%arg12 : memref<12800xi32, #tpu.memory_space<vmem>>) target(%dma_start3A_214 : memref<12800xi32, #tpu.memory_space<hbm>>) target_semaphore(%run_scoped3A : memref<!tpu.dma_semaphore, #tpu.memory_space<semaphore_mem>>)
      %dma_wait3A = tpu.memref_slice %arg5[%mul3A_207] : memref<409600xi32, #tpu.memory_space<hbm>> -> memref<12800xi32, #tpu.memory_space<hbm>>
      %dma_wait3A_215 = tpu.memref_slice %arg5[%mul3A_207] : memref<409600xi32, #tpu.memory_space<hbm>> -> memref<12800xi32, #tpu.memory_space<hbm>>
      tpu.wait_dma2 semaphore(%run_scoped3A : memref<!tpu.dma_semaphore, #tpu.memory_space<semaphore_mem>>) src(%arg12 : memref<12800xi32, #tpu.memory_space<vmem>>) dst(%dma_wait3A_215 : memref<12800xi32, #tpu.memory_space<hbm>>)
      tpu.yield
    }) : () -> ()
    %mul3A_208 = arith.constant 12800 : i32
    %mul3A_209 = arith.muli %add3A, %mul3A_208 : i32
    "tpu.region"() ({
      %run_scoped3A = tpu.sem_alloc : memref<!tpu.dma_semaphore, #tpu.memory_space<semaphore_mem>>
      %dma_start3A = tpu.memref_slice %arg6[%mul3A_209] : memref<409600xi32, #tpu.memory_space<hbm>> -> memref<12800xi32, #tpu.memory_space<hbm>>
      %dma_start3A_214 = tpu.memref_slice %arg6[%mul3A_209] : memref<409600xi32, #tpu.memory_space<hbm>> -> memref<12800xi32, #tpu.memory_space<hbm>>
      tpu.enqueue_dma source(%arg13 : memref<12800xi32, #tpu.memory_space<vmem>>) target(%dma_start3A_214 : memref<12800xi32, #tpu.memory_space<hbm>>) target_semaphore(%run_scoped3A : memref<!tpu.dma_semaphore, #tpu.memory_space<semaphore_mem>>)
      %dma_wait3A = tpu.memref_slice %arg6[%mul3A_209] : memref<409600xi32, #tpu.memory_space<hbm>> -> memref<12800xi32, #tpu.memory_space<hbm>>
      %dma_wait3A_215 = tpu.memref_slice %arg6[%mul3A_209] : memref<409600xi32, #tpu.memory_space<hbm>> -> memref<12800xi32, #tpu.memory_space<hbm>>
      tpu.wait_dma2 semaphore(%run_scoped3A : memref<!tpu.dma_semaphore, #tpu.memory_space<semaphore_mem>>) src(%arg13 : memref<12800xi32, #tpu.memory_space<vmem>>) dst(%dma_wait3A_215 : memref<12800xi32, #tpu.memory_space<hbm>>)
      tpu.yield
    }) : () -> ()
    %mul3A_210 = arith.constant 12800 : i32
    %mul3A_211 = arith.muli %add3A, %mul3A_210 : i32
    "tpu.region"() ({
      %run_scoped3A = tpu.sem_alloc : memref<!tpu.dma_semaphore, #tpu.memory_space<semaphore_mem>>
      %dma_start3A = tpu.memref_slice %arg7[%mul3A_211] : memref<409600xi32, #tpu.memory_space<hbm>> -> memref<12800xi32, #tpu.memory_space<hbm>>
      %dma_start3A_214 = tpu.memref_slice %arg7[%mul3A_211] : memref<409600xi32, #tpu.memory_space<hbm>> -> memref<12800xi32, #tpu.memory_space<hbm>>
      tpu.enqueue_dma source(%arg14 : memref<12800xi32, #tpu.memory_space<vmem>>) target(%dma_start3A_214 : memref<12800xi32, #tpu.memory_space<hbm>>) target_semaphore(%run_scoped3A : memref<!tpu.dma_semaphore, #tpu.memory_space<semaphore_mem>>)
      %dma_wait3A = tpu.memref_slice %arg7[%mul3A_211] : memref<409600xi32, #tpu.memory_space<hbm>> -> memref<12800xi32, #tpu.memory_space<hbm>>
      %dma_wait3A_215 = tpu.memref_slice %arg7[%mul3A_211] : memref<409600xi32, #tpu.memory_space<hbm>> -> memref<12800xi32, #tpu.memory_space<hbm>>
      tpu.wait_dma2 semaphore(%run_scoped3A : memref<!tpu.dma_semaphore, #tpu.memory_space<semaphore_mem>>) src(%arg14 : memref<12800xi32, #tpu.memory_space<vmem>>) dst(%dma_wait3A_215 : memref<12800xi32, #tpu.memory_space<hbm>>)
      tpu.yield
    }) : () -> ()
    %mul3A_212 = arith.constant 16 : i32
    %mul3A_213 = arith.muli %add3A, %mul3A_212 : i32
    "tpu.region"() ({
      %run_scoped3A = tpu.sem_alloc : memref<!tpu.dma_semaphore, #tpu.memory_space<semaphore_mem>>
      %dma_start3A = tpu.memref_slice %arg8[%mul3A_213] : memref<512xi32, #tpu.memory_space<hbm>> -> memref<16xi32, #tpu.memory_space<hbm>>
      %dma_start3A_214 = tpu.memref_slice %arg8[%mul3A_213] : memref<512xi32, #tpu.memory_space<hbm>> -> memref<16xi32, #tpu.memory_space<hbm>>
      tpu.enqueue_dma source(%arg15 : memref<16xi32, #tpu.memory_space<vmem>>) target(%dma_start3A_214 : memref<16xi32, #tpu.memory_space<hbm>>) target_semaphore(%run_scoped3A : memref<!tpu.dma_semaphore, #tpu.memory_space<semaphore_mem>>)
      %dma_wait3A = tpu.memref_slice %arg8[%mul3A_213] : memref<512xi32, #tpu.memory_space<hbm>> -> memref<16xi32, #tpu.memory_space<hbm>>
      %dma_wait3A_215 = tpu.memref_slice %arg8[%mul3A_213] : memref<512xi32, #tpu.memory_space<hbm>> -> memref<16xi32, #tpu.memory_space<hbm>>
      tpu.wait_dma2 semaphore(%run_scoped3A : memref<!tpu.dma_semaphore, #tpu.memory_space<semaphore_mem>>) src(%arg15 : memref<16xi32, #tpu.memory_space<vmem>>) dst(%dma_wait3A_215 : memref<16xi32, #tpu.memory_space<hbm>>)
      tpu.yield
    }) : () -> ()
    return
  }
}

module attributes {stable_mosaic.version = 14 : i64} {
  func.func @_lin2_kernel(%arg0: i32, %arg1: memref<1000x128xf32, #tpu.memory_space<vmem>>, %arg2: memref<128x128xf32, #tpu.memory_space<vmem>>, %arg3: memref<1x128xf32, #tpu.memory_space<vmem>>, %arg4: memref<128x128xf32, #tpu.memory_space<vmem>>, %arg5: memref<1x128xf32, #tpu.memory_space<vmem>>, %arg6: memref<1000x128xf32, #tpu.memory_space<vmem>>, %arg7: memref<1000x128xf32, #tpu.memory_space<vmem>>) attributes {dimension_semantics = [#tpu.dimension_semantics<arbitrary>], iteration_bounds = array<i64: 10>, scalar_prefetch = 0 : i64, scratch_operands = 0 : i64, tpu.core_type = #tpu.core_type<tc>, window_params = [{transform_indices = @transform_0, window_bounds = array<i64: 1000, 128>}, {pipeline_mode = #tpu.pipeline_mode<synchronous>, transform_indices = @transform_1, window_bounds = array<i64: 128, 128>}, {pipeline_mode = #tpu.pipeline_mode<synchronous>, transform_indices = @transform_2, window_bounds = array<i64: 1, 128>}, {pipeline_mode = #tpu.pipeline_mode<synchronous>, transform_indices = @transform_3, window_bounds = array<i64: 128, 128>}, {pipeline_mode = #tpu.pipeline_mode<synchronous>, transform_indices = @transform_4, window_bounds = array<i64: 1, 128>}, {transform_indices = @transform_5, window_bounds = array<i64: 1000, 128>}, {transform_indices = @transform_6, window_bounds = array<i64: 1000, 128>}]} {
    %get3A = arith.constant 0 : index
    %get3A_0 = arith.constant 0 : index
    %get3A_1 = vector.load %arg1[%get3A, %get3A_0] : memref<1000x128xf32, #tpu.memory_space<vmem>>, vector<1000x128xf32>
    %get3A_2 = arith.constant 0 : index
    %get3A_3 = arith.constant 0 : index
    %get3A_4 = vector.load %arg2[%get3A_2, %get3A_3] : memref<128x128xf32, #tpu.memory_space<vmem>>, vector<128x128xf32>
    %dot_general3A = arith.constant dense<0.000000e+00> : vector<1000x128xf32>
    %dot_general3A_5 = tpu.matmul %get3A_1, %get3A_4, %dot_general3A {dimension_numbers = #tpu.dot_dimension_numbers<[1], [0], [0], [1], [0, 0, 1, 1], [], []>, transpose_lhs_hint = false} : vector<1000x128xf32>, vector<128x128xf32>, vector<1000x128xf32> -> vector<1000x128xf32>
    %get3A_6 = arith.constant 0 : index
    %get3A_7 = arith.constant 0 : index
    %get3A_8 = vector.load %arg3[%get3A_6, %get3A_7] : memref<1x128xf32, #tpu.memory_space<vmem>>, vector<1x128xf32>
    %add3A = vector.broadcast %get3A_8 : vector<1x128xf32> to vector<1000x128xf32>
    %add3A_9 = arith.addf %dot_general3A_5, %add3A : vector<1000x128xf32>
    %swap3A = arith.constant 0 : index
    %swap3A_10 = arith.constant 0 : index
    %swap3A_11 = vector.load %arg6[%swap3A, %swap3A_10] : memref<1000x128xf32, #tpu.memory_space<vmem>>, vector<1000x128xf32>
    tpu.vector_store %arg6[%swap3A, %swap3A_10], %add3A_9 {strides = array<i32>} : memref<1000x128xf32, #tpu.memory_space<vmem>>, vector<1000x128xf32>,
    %get3A_12 = arith.constant 0 : index
    %get3A_13 = arith.constant 0 : index
    %get3A_14 = vector.load %arg4[%get3A_12, %get3A_13] : memref<128x128xf32, #tpu.memory_space<vmem>>, vector<128x128xf32>
    %dot_general3A_15 = arith.constant dense<0.000000e+00> : vector<1000x128xf32>
    %dot_general3A_16 = tpu.matmul %get3A_1, %get3A_14, %dot_general3A_15 {dimension_numbers = #tpu.dot_dimension_numbers<[1], [0], [0], [1], [0, 0, 1, 1], [], []>, transpose_lhs_hint = false} : vector<1000x128xf32>, vector<128x128xf32>, vector<1000x128xf32> -> vector<1000x128xf32>
    %get3A_17 = arith.constant 0 : index
    %get3A_18 = arith.constant 0 : index
    %get3A_19 = vector.load %arg5[%get3A_17, %get3A_18] : memref<1x128xf32, #tpu.memory_space<vmem>>, vector<1x128xf32>
    %add3A_20 = vector.broadcast %get3A_19 : vector<1x128xf32> to vector<1000x128xf32>
    %add3A_21 = arith.addf %dot_general3A_16, %add3A_20 : vector<1000x128xf32>
    %swap3A_22 = arith.constant 0 : index
    %swap3A_23 = arith.constant 0 : index
    %swap3A_24 = vector.load %arg7[%swap3A_22, %swap3A_23] : memref<1000x128xf32, #tpu.memory_space<vmem>>, vector<1000x128xf32>
    tpu.vector_store %arg7[%swap3A_22, %swap3A_23], %add3A_21 {strides = array<i32>} : memref<1000x128xf32, #tpu.memory_space<vmem>>, vector<1000x128xf32>,
    return
  }
  func.func @transform_0(%arg0: i32) -> (i32, i32) {
    %c0_i32 = arith.constant 0 : i32
    %c0_i32_0 = arith.constant 0 : i32
    return %arg0, %c0_i32 : i32, i32
  }
  func.func @transform_1(%arg0: i32) -> (i32, i32) {
    %c0_i32 = arith.constant 0 : i32
    %c0_i32_0 = arith.constant 0 : i32
    %c0_i32_1 = arith.constant 0 : i32
    return %c0_i32, %c0_i32_0 : i32, i32
  }
  func.func @transform_2(%arg0: i32) -> (i32, i32) {
    %c0_i32 = arith.constant 0 : i32
    %c0_i32_0 = arith.constant 0 : i32
    %c0_i32_1 = arith.constant 0 : i32
    return %c0_i32, %c0_i32_0 : i32, i32
  }
  func.func @transform_3(%arg0: i32) -> (i32, i32) {
    %c0_i32 = arith.constant 0 : i32
    %c0_i32_0 = arith.constant 0 : i32
    %c0_i32_1 = arith.constant 0 : i32
    return %c0_i32, %c0_i32_0 : i32, i32
  }
  func.func @transform_4(%arg0: i32) -> (i32, i32) {
    %c0_i32 = arith.constant 0 : i32
    %c0_i32_0 = arith.constant 0 : i32
    %c0_i32_1 = arith.constant 0 : i32
    return %c0_i32, %c0_i32_0 : i32, i32
  }
  func.func @transform_5(%arg0: i32) -> (i32, i32) {
    %c0_i32 = arith.constant 0 : i32
    %c0_i32_0 = arith.constant 0 : i32
    return %arg0, %c0_i32 : i32, i32
  }
  func.func @transform_6(%arg0: i32) -> (i32, i32) {
    %c0_i32 = arith.constant 0 : i32
    %c0_i32_0 = arith.constant 0 : i32
    return %arg0, %c0_i32 : i32, i32
  }
}

module attributes {stable_mosaic.version = 14 : i64} {
  func.func @_final_kernel(%arg0: i32, %arg1: memref<1000x128xf32, #tpu.memory_space<vmem>>, %arg2: memref<1000x128xf32, #tpu.memory_space<vmem>>, %arg3: memref<1x1000x128xf32, #tpu.memory_space<vmem>>, %arg4: memref<1000x128xf32, #tpu.memory_space<vmem>>) attributes {dimension_semantics = [#tpu.dimension_semantics<arbitrary>], iteration_bounds = array<i64: 10>, scalar_prefetch = 0 : i64, scratch_operands = 0 : i64, tpu.core_type = #tpu.core_type<tc>, window_params = [{transform_indices = @transform_0, window_bounds = array<i64: 1000, 128>}, {transform_indices = @transform_1, window_bounds = array<i64: 1000, 128>}, {transform_indices = @transform_2, window_bounds = array<i64: 1, 1000, 128>}, {transform_indices = @transform_3, window_bounds = array<i64: 1000, 128>}]} {
    %get3A = arith.constant 0 : index
    %get3A_0 = arith.constant 0 : index
    %get3A_1 = vector.load %arg2[%get3A, %get3A_0] : memref<1000x128xf32, #tpu.memory_space<vmem>>, vector<1000x128xf32>
    %get3A_2 = arith.constant 0 : index
    %get3A_3 = arith.constant 0 : index
    %get3A_4 = arith.constant 0 : index
    %get3A_5 = vector.load %arg3[%get3A_2, %get3A_3, %get3A_4] : memref<1x1000x128xf32, #tpu.memory_space<vmem>>, vector<1x1000x128xf32>
    %get3A_6 = vector.shape_cast %get3A_5 : vector<1x1000x128xf32> to vector<1000x128xf32>
    %add3A = arith.addf %get3A_1, %get3A_6 : vector<1000x128xf32>
    %max3A = arith.constant 0.000000e+00 : f32
    %max3A_7 = vector.broadcast %max3A : f32 to vector<1000x128xf32>
    %max3A_8 = arith.maximumf %add3A, %max3A_7 : vector<1000x128xf32>
    %get3A_9 = arith.constant 0 : index
    %get3A_10 = arith.constant 0 : index
    %get3A_11 = vector.load %arg1[%get3A_9, %get3A_10] : memref<1000x128xf32, #tpu.memory_space<vmem>>, vector<1000x128xf32>
    %add3A_12 = arith.addf %get3A_11, %max3A_8 : vector<1000x128xf32>
    %mul3A = arith.constant 5.000000e-01 : f32
    %mul3A_13 = vector.broadcast %mul3A : f32 to vector<1000x128xf32>
    %mul3A_14 = arith.mulf %add3A_12, %mul3A_13 : vector<1000x128xf32>
    %swap3A = arith.constant 0 : index
    %swap3A_15 = arith.constant 0 : index
    %swap3A_16 = vector.load %arg4[%swap3A, %swap3A_15] : memref<1000x128xf32, #tpu.memory_space<vmem>>, vector<1000x128xf32>
    tpu.vector_store %arg4[%swap3A, %swap3A_15], %mul3A_14 {strides = array<i32>} : memref<1000x128xf32, #tpu.memory_space<vmem>>, vector<1000x128xf32>,
    return
  }
  func.func @transform_0(%arg0: i32) -> (i32, i32) {
    %c0_i32 = arith.constant 0 : i32
    %c0_i32_0 = arith.constant 0 : i32
    return %arg0, %c0_i32 : i32, i32
  }
  func.func @transform_1(%arg0: i32) -> (i32, i32) {
    %c0_i32 = arith.constant 0 : i32
    %c0_i32_0 = arith.constant 0 : i32
    return %arg0, %c0_i32 : i32, i32
  }
  func.func @transform_2(%arg0: i32) -> (i32, i32, i32) {
    %jit3A = arith.constant 5 : i32
    %div3A = arith.divsi %arg0, %jit3A : i32
    %sign3A = arith.constant 0 : i32
    %sign3A_0 = arith.cmpi sgt, %arg0, %sign3A : i32
    %sign3A_1 = arith.extui %sign3A_0 : i1 to i32
    %sign3A_2 = arith.constant 0 : i32
    %sign3A_3 = arith.cmpi slt, %arg0, %sign3A_2 : i32
    %sign3A_4 = arith.extui %sign3A_3 : i1 to i32
    %sign3A_5 = arith.subi %sign3A_1, %sign3A_4 : i32
    %sign3A_6 = arith.constant 0 : i32
    %sign3A_7 = arith.cmpi sgt, %jit3A, %sign3A_6 : i32
    %sign3A_8 = arith.extui %sign3A_7 : i1 to i32
    %sign3A_9 = arith.constant 0 : i32
    %sign3A_10 = arith.cmpi slt, %jit3A, %sign3A_9 : i32
    %sign3A_11 = arith.extui %sign3A_10 : i1 to i32
    %sign3A_12 = arith.subi %sign3A_8, %sign3A_11 : i32
    %ne3A = arith.cmpi ne, %sign3A_5, %sign3A_12 : i32
    %rem3A = arith.remsi %arg0, %jit3A : i32
    %ne3A_13 = arith.constant 0 : i32
    %ne3A_14 = arith.cmpi ne, %rem3A, %ne3A_13 : i32
    %and3A = arith.andi %ne3A, %ne3A_14 : i1
    %sub3A = arith.constant 1 : i32
    %sub3A_15 = arith.subi %div3A, %sub3A : i32
    %select_n3A = arith.select %and3A, %sub3A_15, %div3A : i32
    %jit3A_16 = arith.constant 5 : i32
    %eq3A = arith.constant 0 : i32
    %eq3A_17 = arith.cmpi eq, %jit3A_16, %eq3A : i32
    %jit3A_18 = arith.constant 1 : i32
    %select_n3A_19 = arith.select %eq3A_17, %jit3A_18, %jit3A_16 : i32
    %rem3A_20 = arith.remsi %arg0, %select_n3A_19 : i32
    %ne3A_21 = arith.constant 0 : i32
    %ne3A_22 = arith.cmpi ne, %rem3A_20, %ne3A_21 : i32
    %lt3A = arith.constant 0 : i32
    %lt3A_23 = arith.cmpi slt, %rem3A_20, %lt3A : i32
    %lt3A_24 = arith.constant 0 : i32
    %lt3A_25 = arith.cmpi slt, %select_n3A_19, %lt3A_24 : i32
    %ne3A_26 = arith.xori %lt3A_23, %lt3A_25 : i1
    %and3A_27 = arith.andi %ne3A_26, %ne3A_22 : i1
    %add3A = arith.addi %rem3A_20, %select_n3A_19 : i32
    %select_n3A_28 = arith.select %and3A_27, %add3A, %rem3A_20 : i32
    %c0_i32 = arith.constant 0 : i32
    %c0_i32_29 = arith.constant 0 : i32
    return %select_n3A, %select_n3A_28, %c0_i32 : i32, i32, i32
  }
  func.func @transform_3(%arg0: i32) -> (i32, i32) {
    %c0_i32 = arith.constant 0 : i32
    %c0_i32_0 = arith.constant 0 : i32
    return %arg0, %c0_i32 : i32, i32
  }
}

module attributes {stable_mosaic.version = 14 : i64} {
  func.func @_lin2_fused_kernel(%arg0: i32, %arg1: memref<1000x128xf32, #tpu.memory_space<vmem>>, %arg2: memref<1x1000x128xf32, #tpu.memory_space<vmem>>, %arg3: memref<128x128xf32, #tpu.memory_space<vmem>>, %arg4: memref<1x128xf32, #tpu.memory_space<vmem>>, %arg5: memref<128x128xf32, #tpu.memory_space<vmem>>, %arg6: memref<1x128xf32, #tpu.memory_space<vmem>>, %arg7: memref<1000x128xf32, #tpu.memory_space<vmem>>, %arg8: memref<1000x128xf32, #tpu.memory_space<vmem>>) attributes {dimension_semantics = [#tpu.dimension_semantics<arbitrary>], iteration_bounds = array<i64: 10>, scalar_prefetch = 0 : i64, scratch_operands = 0 : i64, tpu.core_type = #tpu.core_type<tc>, window_params = [{transform_indices = @transform_0, window_bounds = array<i64: 1000, 128>}, {transform_indices = @transform_1, window_bounds = array<i64: 1, 1000, 128>}, {pipeline_mode = #tpu.pipeline_mode<synchronous>, transform_indices = @transform_2, window_bounds = array<i64: 128, 128>}, {pipeline_mode = #tpu.pipeline_mode<synchronous>, transform_indices = @transform_3, window_bounds = array<i64: 1, 128>}, {pipeline_mode = #tpu.pipeline_mode<synchronous>, transform_indices = @transform_4, window_bounds = array<i64: 128, 128>}, {pipeline_mode = #tpu.pipeline_mode<synchronous>, transform_indices = @transform_5, window_bounds = array<i64: 1, 128>}, {transform_indices = @transform_6, window_bounds = array<i64: 1000, 128>}, {transform_indices = @transform_7, window_bounds = array<i64: 1000, 128>}]} {
    %get3A = arith.constant 0 : index
    %get3A_0 = arith.constant 0 : index
    %get3A_1 = vector.load %arg1[%get3A, %get3A_0] : memref<1000x128xf32, #tpu.memory_space<vmem>>, vector<1000x128xf32>
    %get3A_2 = arith.constant 0 : index
    %get3A_3 = arith.constant 0 : index
    %get3A_4 = arith.constant 0 : index
    %get3A_5 = vector.load %arg2[%get3A_2, %get3A_3, %get3A_4] : memref<1x1000x128xf32, #tpu.memory_space<vmem>>, vector<1x1000x128xf32>
    %get3A_6 = vector.shape_cast %get3A_5 : vector<1x1000x128xf32> to vector<1000x128xf32>
    %add3A = arith.addf %get3A_1, %get3A_6 : vector<1000x128xf32>
    %max3A = arith.constant 0.000000e+00 : f32
    %max3A_7 = vector.broadcast %max3A : f32 to vector<1000x128xf32>
    %max3A_8 = arith.maximumf %add3A, %max3A_7 : vector<1000x128xf32>
    %get3A_9 = arith.constant 0 : index
    %get3A_10 = arith.constant 0 : index
    %get3A_11 = vector.load %arg3[%get3A_9, %get3A_10] : memref<128x128xf32, #tpu.memory_space<vmem>>, vector<128x128xf32>
    %dot_general3A = arith.constant dense<0.000000e+00> : vector<1000x128xf32>
    %dot_general3A_12 = tpu.matmul %max3A_8, %get3A_11, %dot_general3A {dimension_numbers = #tpu.dot_dimension_numbers<[1], [0], [0], [1], [0, 0, 1, 1], [], []>, transpose_lhs_hint = false} : vector<1000x128xf32>, vector<128x128xf32>, vector<1000x128xf32> -> vector<1000x128xf32>
    %get3A_13 = arith.constant 0 : index
    %get3A_14 = arith.constant 0 : index
    %get3A_15 = vector.load %arg4[%get3A_13, %get3A_14] : memref<1x128xf32, #tpu.memory_space<vmem>>, vector<1x128xf32>
    %add3A_16 = vector.broadcast %get3A_15 : vector<1x128xf32> to vector<1000x128xf32>
    %add3A_17 = arith.addf %dot_general3A_12, %add3A_16 : vector<1000x128xf32>
    %swap3A = arith.constant 0 : index
    %swap3A_18 = arith.constant 0 : index
    %swap3A_19 = vector.load %arg7[%swap3A, %swap3A_18] : memref<1000x128xf32, #tpu.memory_space<vmem>>, vector<1000x128xf32>
    tpu.vector_store %arg7[%swap3A, %swap3A_18], %add3A_17 {strides = array<i32>} : memref<1000x128xf32, #tpu.memory_space<vmem>>, vector<1000x128xf32>,
    %get3A_20 = arith.constant 0 : index
    %get3A_21 = arith.constant 0 : index
    %get3A_22 = vector.load %arg5[%get3A_20, %get3A_21] : memref<128x128xf32, #tpu.memory_space<vmem>>, vector<128x128xf32>
    %dot_general3A_23 = arith.constant dense<0.000000e+00> : vector<1000x128xf32>
    %dot_general3A_24 = tpu.matmul %max3A_8, %get3A_22, %dot_general3A_23 {dimension_numbers = #tpu.dot_dimension_numbers<[1], [0], [0], [1], [0, 0, 1, 1], [], []>, transpose_lhs_hint = false} : vector<1000x128xf32>, vector<128x128xf32>, vector<1000x128xf32> -> vector<1000x128xf32>
    %get3A_25 = arith.constant 0 : index
    %get3A_26 = arith.constant 0 : index
    %get3A_27 = vector.load %arg6[%get3A_25, %get3A_26] : memref<1x128xf32, #tpu.memory_space<vmem>>, vector<1x128xf32>
    %add3A_28 = vector.broadcast %get3A_27 : vector<1x128xf32> to vector<1000x128xf32>
    %add3A_29 = arith.addf %dot_general3A_24, %add3A_28 : vector<1000x128xf32>
    %swap3A_30 = arith.constant 0 : index
    %swap3A_31 = arith.constant 0 : index
    %swap3A_32 = vector.load %arg8[%swap3A_30, %swap3A_31] : memref<1000x128xf32, #tpu.memory_space<vmem>>, vector<1000x128xf32>
    tpu.vector_store %arg8[%swap3A_30, %swap3A_31], %add3A_29 {strides = array<i32>} : memref<1000x128xf32, #tpu.memory_space<vmem>>, vector<1000x128xf32>,
    return
  }
  func.func @transform_0(%arg0: i32) -> (i32, i32) {
    %c0_i32 = arith.constant 0 : i32
    %c0_i32_0 = arith.constant 0 : i32
    return %arg0, %c0_i32 : i32, i32
  }
  func.func @transform_1(%arg0: i32) -> (i32, i32, i32) {
    %jit3A = arith.constant 5 : i32
    %div3A = arith.divsi %arg0, %jit3A : i32
    %sign3A = arith.constant 0 : i32
    %sign3A_0 = arith.cmpi sgt, %arg0, %sign3A : i32
    %sign3A_1 = arith.extui %sign3A_0 : i1 to i32
    %sign3A_2 = arith.constant 0 : i32
    %sign3A_3 = arith.cmpi slt, %arg0, %sign3A_2 : i32
    %sign3A_4 = arith.extui %sign3A_3 : i1 to i32
    %sign3A_5 = arith.subi %sign3A_1, %sign3A_4 : i32
    %sign3A_6 = arith.constant 0 : i32
    %sign3A_7 = arith.cmpi sgt, %jit3A, %sign3A_6 : i32
    %sign3A_8 = arith.extui %sign3A_7 : i1 to i32
    %sign3A_9 = arith.constant 0 : i32
    %sign3A_10 = arith.cmpi slt, %jit3A, %sign3A_9 : i32
    %sign3A_11 = arith.extui %sign3A_10 : i1 to i32
    %sign3A_12 = arith.subi %sign3A_8, %sign3A_11 : i32
    %ne3A = arith.cmpi ne, %sign3A_5, %sign3A_12 : i32
    %rem3A = arith.remsi %arg0, %jit3A : i32
    %ne3A_13 = arith.constant 0 : i32
    %ne3A_14 = arith.cmpi ne, %rem3A, %ne3A_13 : i32
    %and3A = arith.andi %ne3A, %ne3A_14 : i1
    %sub3A = arith.constant 1 : i32
    %sub3A_15 = arith.subi %div3A, %sub3A : i32
    %select_n3A = arith.select %and3A, %sub3A_15, %div3A : i32
    %jit3A_16 = arith.constant 5 : i32
    %eq3A = arith.constant 0 : i32
    %eq3A_17 = arith.cmpi eq, %jit3A_16, %eq3A : i32
    %jit3A_18 = arith.constant 1 : i32
    %select_n3A_19 = arith.select %eq3A_17, %jit3A_18, %jit3A_16 : i32
    %rem3A_20 = arith.remsi %arg0, %select_n3A_19 : i32
    %ne3A_21 = arith.constant 0 : i32
    %ne3A_22 = arith.cmpi ne, %rem3A_20, %ne3A_21 : i32
    %lt3A = arith.constant 0 : i32
    %lt3A_23 = arith.cmpi slt, %rem3A_20, %lt3A : i32
    %lt3A_24 = arith.constant 0 : i32
    %lt3A_25 = arith.cmpi slt, %select_n3A_19, %lt3A_24 : i32
    %ne3A_26 = arith.xori %lt3A_23, %lt3A_25 : i1
    %and3A_27 = arith.andi %ne3A_26, %ne3A_22 : i1
    %add3A = arith.addi %rem3A_20, %select_n3A_19 : i32
    %select_n3A_28 = arith.select %and3A_27, %add3A, %rem3A_20 : i32
    %c0_i32 = arith.constant 0 : i32
    %c0_i32_29 = arith.constant 0 : i32
    return %select_n3A, %select_n3A_28, %c0_i32 : i32, i32, i32
  }
  func.func @transform_2(%arg0: i32) -> (i32, i32) {
    %c0_i32 = arith.constant 0 : i32
    %c0_i32_0 = arith.constant 0 : i32
    %c0_i32_1 = arith.constant 0 : i32
    return %c0_i32, %c0_i32_0 : i32, i32
  }
  func.func @transform_3(%arg0: i32) -> (i32, i32) {
    %c0_i32 = arith.constant 0 : i32
    %c0_i32_0 = arith.constant 0 : i32
    %c0_i32_1 = arith.constant 0 : i32
    return %c0_i32, %c0_i32_0 : i32, i32
  }
  func.func @transform_4(%arg0: i32) -> (i32, i32) {
    %c0_i32 = arith.constant 0 : i32
    %c0_i32_0 = arith.constant 0 : i32
    %c0_i32_1 = arith.constant 0 : i32
    return %c0_i32, %c0_i32_0 : i32, i32
  }
  func.func @transform_5(%arg0: i32) -> (i32, i32) {
    %c0_i32 = arith.constant 0 : i32
    %c0_i32_0 = arith.constant 0 : i32
    %c0_i32_1 = arith.constant 0 : i32
    return %c0_i32, %c0_i32_0 : i32, i32
  }
  func.func @transform_6(%arg0: i32) -> (i32, i32) {
    %c0_i32 = arith.constant 0 : i32
    %c0_i32_0 = arith.constant 0 : i32
    return %arg0, %c0_i32 : i32, i32
  }
  func.func @transform_7(%arg0: i32) -> (i32, i32) {
    %c0_i32 = arith.constant 0 : i32
    %c0_i32_0 = arith.constant 0 : i32
    return %arg0, %c0_i32 : i32, i32
  }
}

</mosaic_0001>

<sc_bundles>
// kernel: kernel.11.cloned.1.call-start
scs
__scs_entry_jumppad:
0x0: {  	(pc) =	sbr.rel $0x88, $3  }
0x1: {  	(tag) =	ssettag $0x0;
	lr =	simm.s32 $0x1  }
0x2: {  	[smem:$0x3F97] =	sst lr;
	_ =	strace $0xD0000000  }
0x3: {  	_ = 	snop  }
0x4: {  	_ = 	snop  }
0x5: {  	_ = 	snop  }
0x6: {  	_ = 	snop  }
0x7: {  	_ = 	snop  }
__scs_overlays_trampoline_lowered:
0x8: {  	[smem:$0x3FA6] =	sst s0  }
0x9: {  	[smem:$0x3FA7] =	sst s1  }
0xa: {  	[smem:$0x3FA8] =	sst s2  }
0xb: {  	[smem:$0x3FA9] =	sst s3  }
0xc: {  	[smem:$0x3FAA] =	sst s4  }
0xd: {  	[smem:$0x3FAB] =	sst s5  }
0xe: {  	[smem:$0x3FAC] =	sst s6  }
0xf: {  	[smem:$0x3FAD] =	sst s7  }
0x10: {  	[smem:$0x3FAE] =	sst s8  }
0x11: {  	[smem:$0x3FAF] =	sst s9;
	s0 =	simm.s32 @!p0 $0x0  }
0x12: {  	s1 =	sld [smem:$0x3F95];
	s0 =	simm.s32 @p0 $0x1  }
0x13: {  	[smem:$0x3FB0] =	sst s0;
	s0 =	simm.s32 @!p1 $0x0  }
0x14: {  	s2 =	sld [smem:$0x3F94];
	s0 =	simm.s32 @p1 $0x1  }
0x15: {  	[smem:$0x3FB1] =	sst s0;
	s0 =	simm.s32 @!p2 $0x0  }
0x16: {  	s3 =	sld [smem:$0x3FDB];
	s0 =	simm.s32 @p2 $0x1  }
0x17: {  	s4 =	simm.s32 $0x1BF5;
	[smem:$0x3FB3] =	sst s0  }
0x18: {  	s0 =	sld [smem:$0x3F96];
	_ =	swait.ge [sflag:s4], $0x0  }
0x19: {  	s7 =	sld [smem:$0x3F97]  }
0x1a: {  	s8 =	sadd.s32 $0xFFFFE003, lr  }
0x1b: {  	s9 =	sadd.s32 $0xFFFFFEF7, lr;
	s5 =	simm.s32 $0xFFFFFFFF;
	p2 =	slt.u32 s8, $0xFFFFF086  }
0x1c: {  	p1 =	slt.u32 s9, $0xF7A;
	s5 =	simm.s32 @!p2 $0x0  }
0x1d: {  	s5 =	simm.s32 @p1 $0x1;
	p0 =	seq.s32 s7, s2  }
0x1e: {  	s7 =	smul.u32 @!p0 $0xF7A, s2;
	p2 =	seq.s32 @!p0 s5, $0x0  }
0x1f: {  	s9 =	smul.u32 $0xF7A, s1;
	s8 =	simm.s32 @!p0 $0x1BF5;
	p2 =	por !p2, p0  }
0x20: {  	[sflag:s8] =	ssyncset.s32 @!p0 $0xFFFFF086;
	s6 =	sadd.s32 @!p0 s3, s7;
	s7 =	simm.s32 @!p0 $0x108  }
0x21: {  	s3 =	sadd.s32 s3, s9;
	s6 =	sadd.s32 @!p0 $0x88, s6;
	s7 =	simm.s32 @p2 $0x1082  }
0x22: {  	[simem:s7], [sflag:s8] =	dma.local @!p0 [hbm:s6], $0xF7A  }
0x23: {  	s9 =	sor.u32 $0xD0000000, s2;
	s6 =	simm.s32 $0x108;
	_ =	swait.ge @!p0 [sflag:s8], $0x0  }
0x24: {  	s3 =	sadd.s32 $0x88, s3;
	s6 =	simm.s32 @!p1 $0x1082;
	[sflag:s4] =	ssyncset.s32 $0xFFFFF086  }
0x25: {  	[simem:s6], [sflag:s4] =	dma.local [hbm:s3], $0xF7A  }
0x26: {  	[smem:$0x3F97] =	sst s1;
	(tag) =	ssettag s2;
	_ =	strace s9  }
0x27: {  	s1 =	sld [smem:$0x3FA7]  }
0x28: {  	s2 =	sld [smem:$0x3FA8]  }
0x29: {  	s4 =	sld [smem:$0x3FAA]  }
0x2a: {  	p0 =	seq.s32 s5, $0x0;
	s5 =	sld [smem:$0x3FAB]  }
0x2b: {  	s6 =	sld [smem:$0x3FAC]  }
0x2c: {  	s7 =	sld [smem:$0x3FAD]  }
0x2d: {  	s3 =	simm.s32 $0x108;
	s8 =	sld [smem:$0x3FAE]  }
0x2e: {  	s3 =	simm.s32 @!p0 $0x1082;
	s9 =	sld [smem:$0x3FAF]  }
0x2f: {  	lr =	sadd.s32 s0, s3;
	s0 =	sld [smem:$0x3FA6]  }
0x30: {  	s3 =	sld [smem:$0x3FA9]  }
0x31: {  	[smem:$0x3FB2] =	sst s10  }
0x32: {  	s10 =	sld [smem:$0x3FB0];
	_ =	sdelay $0x3  }
0x33: {  	p0 =	seq.s32 s10, $0x1;
	s10 =	sld [smem:$0x3FB2];
	_ =	sdelay $0x3  }
0x34: {  	[smem:$0x3FB2] =	sst s10  }
0x35: {  	s10 =	sld [smem:$0x3FB1];
	_ =	sdelay $0x3  }
0x36: {  	p1 =	seq.s32 s10, $0x1;
	s10 =	sld [smem:$0x3FB2];
	_ =	sdelay $0x3  }
0x37: {  	[smem:$0x3FB2] =	sst s10  }
0x38: {  	s10 =	sld [smem:$0x3FB3]  }
0x39: {  	_ = 	snop;
	(pc) =	sbr.ind lr, $3  }
0x3a: {  	_ = 	snop  }
0x3b: {  	_ = 	snop  }
0x3c: {  	p2 =	seq.s32 s10, $0x1;
	s10 =	sld [smem:$0x3FB2]  }
0x3d: {  	_ =	shalt  }
0x3e: {  	_ =	shalt  }
0x3f: {  	_ =	shalt  }
0x40: {  	_ =	shalt  }
0x41: {  	_ =	shalt  }
0x42: {  	_ =	shalt  }
0x43: {  	_ =	shalt  }
0x44: {  	_ =	shalt  }
0x45: {  	_ =	shalt  }
0x46: {  	_ =	shalt  }
0x47: {  	_ =	shalt  }
0x48: {  	_ =	shalt  }
0x49: {  	_ =	shalt  }
0x4a: {  	_ =	shalt  }
0x4b: {  	_ =	shalt  }
0x4c: {  	_ =	shalt  }
0x4d: {  	_ =	shalt  }
0x4e: {  	_ =	shalt  }
0x4f: {  	_ =	shalt  }
0x50: {  	_ =	shalt  }
0x51: {  	_ =	shalt  }
0x52: {  	_ =	shalt  }
0x53: {  	_ =	shalt  }
0x54: {  	_ =	shalt  }
0x55: {  	_ =	shalt  }
0x56: {  	_ =	shalt  }
0x57: {  	_ =	shalt  }
0x58: {  	_ =	shalt  }
0x59: {  	_ =	shalt  }
0x5a: {  	_ =	shalt  }
0x5b: {  	_ =	shalt  }
0x5c: {  	_ =	shalt  }
0x5d: {  	_ =	shalt  }
0x5e: {  	_ =	shalt  }
0x5f: {  	_ =	shalt  }
0x60: {  	_ =	shalt  }
0x61: {  	_ =	shalt  }
0x62: {  	_ =	shalt  }
0x63: {  	_ =	shalt  }
0x64: {  	_ =	shalt  }
0x65: {  	_ =	shalt  }
0x66: {  	_ =	shalt  }
0x67: {  	_ =	shalt  }
0x68: {  	_ =	shalt  }
0x69: {  	_ =	shalt  }
0x6a: {  	_ =	shalt  }
0x6b: {  	_ =	shalt  }
0x6c: {  	_ =	shalt  }
0x6d: {  	_ =	shalt  }
0x6e: {  	_ =	shalt  }
0x6f: {  	_ =	shalt  }
0x70: {  	_ =	shalt  }
0x71: {  	_ =	shalt  }
0x72: {  	_ =	shalt  }
0x73: {  	_ =	shalt  }
0x74: {  	_ =	shalt  }
0x75: {  	_ =	shalt  }
0x76: {  	_ =	shalt  }
0x77: {  	_ =	shalt  }
0x78: {  	_ =	shalt  }
0x79: {  	_ =	shalt  }
0x7a: {  	_ =	shalt  }
0x7b: {  	_ =	shalt  }
0x7c: {  	_ =	shalt  }
0x7d: {  	_ =	shalt  }
0x7e: {  	_ =	shalt  }
0x7f: {  	_ =	shalt  }
0x80: {  	_ =	shalt  }
0x81: {  	_ =	shalt  }
0x82: {  	_ =	shalt  }
0x83: {  	_ =	shalt  }
0x84: {  	_ =	shalt  }
0x85: {  	_ =	shalt  }
0x86: {  	_ =	shalt  }
0x87: {  	_ =	shalt  }
.Lfunc_end0:
.L_simem_size_0:
called_computation.1_lowered:
.L_overlay_start_0:
0x88: {  	s2 =	sld [smem:$0x3FD9]  }
0x89: {  	s3 =	sld [smem:$0x3FFE];
	_ =	sdelay $0x1  }
0x8a: {  	s1 =	srdreg.scid  }
0x8b: {  	s0 =	sand.u32 $0x1, s1  }
0x8c: {  	s17 =	sshll.u32 s0, $0xA;
	s2 =	sadd.s32 s3, s2  }
0x8d: {  	s2 =	sadd.s32 s2, s17  }
0x8e: {  	[smem:$0x3FBE] =	sst s2  }
0x8f: {  	_ = 	snop  }
0x90: {  	s2 =	sld [smem:$0x3FD0];
	(tm) =	ssettm $0x1  }
0x91: {  	s18 =	sld [smem:$0x3FFB];
	_ =	sdelay $0x3  }
0x92: {  	_ =	strace s18  }
0x93: {  	s3 =	sld [smem:$0x3FFC];
	_ =	sdelay $0x3  }
0x94: {  	_ =	strace s3  }
0x95: {  	s3 =	sld [smem:$0x3FFD];
	_ =	sdelay $0x3  }
0x96: {  	_ =	strace s3  }
0x97: {  	_ =	strace $0x8FFFFFFF  }
0x98: {  	s19 =	sld [smem:$0x3FDB];
	_ =	sdelay $0x1  }
0x99: {  	s4 =	simm.s32 $_scs_section_size  }
0x9a: {  	s5 =	simm.s32 $_size__tile_overlayer_lowered;
	s6 =	simm.s32 $_tile_overlayer_lowered  }
0x9b: {  	s22 =	simm.s32 $0x1BFF;
	s21 =	sshll.u32 s6, $0x1;
	s3 =	sadd.s32 s4, s19  }
0x9c: {  	s7 =	simm.s32 $0x0;
	s20 =	sshll.u32 s5, $0x1;
	s5 =	sadd.s32 s21, s3  }
0x9d: {  	[timem:s7], [sflag:s22] =	dma.local [hbm:s5], s20  }
0x9e: {  	_ =	swait.ge [sflag:s22], s20  }
0x9f: {  	s4 =	ssub.s32 $0x0, s20;
	[sflag:s22] =	ssyncset.done $0x0  }
0xa0: {  	[sflag:s22] =	ssyncadd.s32 s4;
	_ =	sdelay $0x1  }
0xa1: {  	s23 =	simm.s32 $0x1B8B  }
0xa2: {  	_ =	swait.ge [sflag:s23], $0x1  }
0xa3: {  	[sflag:s23] =	ssyncset.done $0x0  }
0xa4: {  	s25 =	simm.s32 $0x1B8E;
	s24 =	sld [smem:$0x3FFE];
	[sflag:s23] =	ssyncadd.s32 $0xFFFFFFFF  }
0xa5: {  	s26 =	simm.s32 $execute0_lowered;
	[smem:$0x3FD2] =	sst s25  }
0xa6: {  	s5 =	sshll.u32 s26, $0x1;
	_ =	strace $0x80000049;
	[dreg:$0x1] =	wrdreg $0xFFFFFFFF  }
0xa7: {  	s28 =	simm.s32 $_size_execute0_lowered;
	s3 =	sadd.s32 s3, s5;
	[dreg:$0x0] =	wrdreg $0x0  }
0xa8: {  	s5 =	sshll.u32 s28, $0x1;
	[dreg:$0x2] =	wrdreg s3  }
0xa9: {  	[dreg:$0x3] =	wrdreg s5  }
0xaa: {  	[dreg:$0x4] =	wrdreg $0xC0  }
0xab: {  	_ =	task [dreg:s7], $0x5FFFF  }
0xac: {  	[dreg:$0x1] =	wrdreg $0xFFFFFFFF  }
0xad: {  	[dreg:$0x0] =	wrdreg $0x60  }
0xae: {  	[dreg:$0x2] =	wrdreg s2  }
0xaf: {  	[dreg:$0x3] =	wrdreg s24  }
0xb0: {  	[dreg:$0x4] =	wrdreg $0xA6800  }
0xb1: {  	[dreg:$0x5] =	wrdreg $0x9  }
0xb2: {  	_ =	task.clear_ibuf [dreg:s7], $0x6FFFF;
	_ =	strace $0x90000049  }
0xb3: {  	s29 =	simm.s32 $0x9;
	_ =	strace $0x8000004B  }
0xb4: {  	_ =	swait.ge [sflag:s29], $0x1  }
0xb5: {  	[sflag:s29] =	ssyncadd.s32 $0xFFFFFFFF  }
0xb6: {  	_ =	strace $0x9000004B  }
0xb7: {  	_ =	sfence  }
0xb8: {  	s30 =	sld [smem:$0x0];
	_ =	sdelay $0x2  }
0xb9: {  	s31 =	sshll.u32 s1, $0xD;
	s1 =	sshrl.u32 s1, $0x2  }
0xba: {  	s3 =	sand.u32 $0x4000, s31;
	s1 =	sadd.s32 s1, s30  }
0xbb: {  	s0 =	sor.u32 s3, s0;
	s1 =	sshll.u32 s1, $0x11  }
0xbc: {  	s0 =	sor.u32 s1, s0  }
0xbd: {  	s0 =	sadd.s32 $0x8F2B, s0  }
0xbe: {  	[sflag:s0] =	ssyncadd.remote.s32 $0x1  }
0xbf: {  	_ =	sfence.sel $0xFFFF  }
0xc0: {  	[dreg:$0x0] =	wrdreg $0xFFFFFFFF;
	(pc) =	sbr.abs _section_cstart, $3  }
0xc1: {  	[dreg:$0x1] =	wrdreg $0xFFFFFFFF  }
0xc2: {  	_ =	task.clear_ibuf [dreg:s7], $0x2FFFF;
	_ =	strace $0x9FFFFFFF  }
0xc3: {  	(tm) =	ssettm $0x7FFFFFFF  }
tec
execute0_lowered:
.L_overlay_start_1:
0x0: {  	(tag) =	ssettag $0x1  }
0x1: {  	s1 =	rddreg [dreg:$0x0]  }
0x2: {  	s0 =	rddreg [dreg:$0x1]  }
0x3: {  	s2 =	rddreg [dreg:$0x2];
	s3 =	simm.s32 $0x0;
	s20 =	stileid.u32  }
0x4: {  	s8 =	srdreg.scid;
	s28 =	simm.s32 $0x3;
	s29 =	simm.s32 $0x8680  }
0x5: {  	s30 =	simm.s32 $0x4;
	s31 =	simm.s32 $0x9680;
	[smem:$0x7FF] =	sst s3  }
0x6: {  	s4 =	sadd.s32 $0x44000, s0;
	s5 =	sadd.s32 $0x50800, s0;
	s7 =	smul.u32 $0x1400, s20  }
0x7: {  	s6 =	sadd.s32 $0x3000, s0;
	s9 =	sadd.s32 $0x10000, s0;
	s12 =	smul.u32 $0x28000, s20  }
0x8: {  	s10 =	sadd.s32 $0x5D000, s0;
	s8 =	sand.u32 $0x1, s8;
	s15 =	smul.u32 $0xC80, s20  }
0x9: {  	s13 =	sadd.s32 $0x5D200, s0;
	s16 =	smul.u32 $0xD00, s20;
	s17 =	sshllo.u32 s20, $0x1  }
0xa: {  	s26 =	sshll.u32 s20, $0x2;
	s19 =	smul.u32 $0xA000, s20;
	_ =	strace $0x8000004A  }
0xb: {  	s11 =	ssub.s32 $0x2, s8;
	s18 =	smul.u32 $0x9C800, s8;
	p0 =	seq.s32 s8, $0x0  }
0xc: {  	s7 =	sadd.s32 s7, s0;
	s14 =	sshrl.u32 s11, $0x1;
	s12 =	sshrl.u32 s12, $0x2  }
0xd: {  	s0 =	sadd.s32 $0x2FC00, s0;
	s5 =	smov.u32 @p0 s4;
	s9 =	smov.u32 @p0 s6  }
0xe: {  	p0 =	seq.s32 s20, $0xF;
	s11 =	ssub.s32 s11, s14;
	s12 =	sadd.s32 s12, s2  }
0xf: {  	s14 =	smul.u32 $0x640, s17;
	s7 =	sadd.s32 $0x1D000, s7;
	[dreg:$0x5] =	wrdreg s0  }
0x10: {  	s0 =	sadd.s32 s10, s26;
	s19 =	sadd.s32 s19, s18;
	s18 =	sshrl.u32 s18, $0x3  }
0x11: {  	s24 =	sadd.s32 s5, s15;
	s25 =	sadd.s32 s9, s16;
	[dreg:$0x4] =	wrdreg s7  }
0x12: {  	s7 =	sadd.s32 $0x96000, s2;
	[dreg:$0x6] =	wrdreg s0;
	s0 =	smul.u32 $0x680, s17  }
0x13: {  	s17 =	sshll.u32 s17, $0x1;
	s19 =	sshrl.u32 s19, $0x3;
	[dreg:$0xb] =	wrdreg s24  }
0x14: {  	s21 =	sadd.s32 s13, s18;
	s23 =	smax.u32 s11, $0x1;
	[dreg:$0xc] =	wrdreg s25  }
0x15: {  	s18 =	sshrl.u32 @!p0 s12, $0x3;
	s24 =	simm.s32 $0x6680;
	s25 =	simm.s32 $0x2  }
0x16: {  	s10 =	sadd.s32 s10, s17;
	s22 =	sadd.s32 $0x12C00, s21;
	[dreg:$0xa] =	wrdreg s23  }
0x17: {  	s26 =	sadd.s32 s5, s14;
	s16 =	sshrl.u32 @p0 s7, $0x3;
	[dreg:$0x7] =	wrdreg s10  }
.Ltmp0:
0x18: {  	s23 =	simm.s32 $0x20;
	[dreg:$0x9] =	wrdreg s22;
	(pc) =	sbr.rel .LBB2_1-.Ltmp0, $4  }
0x19: {  	s10 =	sadd.s32 s13, s19;
	[dreg:$0xd] =	wrdreg s26;
	s0 =	sadd.s32 s9, s0  }
0x1a: {  	s19 =	simm.s32 $0x5;
	s13 =	simm.s32 $0x3200;
	s22 =	simm.s32 $0x1  }
0x1b: {  	v1 =	vlaneseq.u32;
	v0 =	vmov s8;
	s26 =	simm.s32 $0x7680;
	[dreg:$0xe] =	wrdreg s0;
	s0 =	sshll.u32 @!p0 s20, $0x6  }
0x1c: {  	vm0 =	veq.s32 v0, v1;
	[dreg:$0x8] =	wrdreg s10;
	s17 =	sor.u32 @!p0 $0x1C05, s0;
	s0 =	simm.s32 $0x0  }
.LBB2_12:
0x1d: {  	s13 =	simm.s32 $0x3200  }
.LBB2_15:
0x1e: {  	[sflag:s19] =	ssyncset.done @p1 $0x0  }
0x1f: {  	s5 =	simm.s32 @!p3 $0x20;
	s12 =	simm.s32 @!p3 $0x9680;
	[sflag:s19] =	ssyncadd.s32 @p1 $0xFFFFF000  }
0x20: {  	[tilespmem:s12], [sflag:$0x4] =	stream.indirect.gather @!p3 [hbm4b:s1+s5], $0x80, s7, s5, $0xb8;
	[tilespmem:$0x14300] =	vst v63  }
0x21: {  	_ =	swait.ge [sflag:s22], $0x1000  }
0x22: {  	[sflag:s22] =	ssyncset.done $0x0  }
0x23: {  	s14 =	sadd.s32 $0x4, s10;
	[sflag:s22] =	ssyncadd.s32 $0xFFFFF000  }
0x24: {  	[spmem:s2] =	stream.indirect.scatter.add.f32 [tilespmem:s24], [sflag:$0x5], $0x80, s11, s23, $0xb8;
	[tilespmem:$0x14300] =	vst v63  }
0x25: {  	p1 =	sge.s32 s14, s4;
	_ =	swait.ge [sflag:s19], $0x1000  }
0x26: {  	s5 =	sadd.s32 @!p1 $0x20, s7;
	[sflag:s19] =	ssyncset.done $0x0  }
0x27: {  	s10 =	simm.s32 @!p1 $0x20;
	s11 =	simm.s32 @!p1 $0x6680;
	[sflag:s19] =	ssyncadd.s32 $0xFFFFF000  }
0x28: {  	[tilespmem:s11], [sflag:$0x1] =	stream.indirect.gather @!p1 [hbm4b:s1+s10], $0x80, s5, s10, $0xb8;
	[tilespmem:$0x14300] =	vst v63  }
0x29: {  	_ =	swait.ge [sflag:s25], $0x1000  }
0x2a: {  	[sflag:s25] =	ssyncset.done $0x0  }
0x2b: {  	s15 =	sadd.s32 $0x3220, s6;
	[sflag:s25] =	ssyncadd.s32 $0xFFFFF000  }
0x2c: {  	[spmem:s2] =	stream.indirect.scatter.add.f32 [tilespmem:s26], [sflag:$0x5], $0x80, s15, s23, $0xb8;
	[tilespmem:$0x14300] =	vst v63  }
0x2d: {  	p1 =	sge.s32 s9, s4;
	_ =	swait.ge [sflag:s19], $0x1000  }
0x2e: {  	s5 =	sadd.s32 @!p1 $0x40, s7;
	[sflag:s19] =	ssyncset.done $0x0  }
0x2f: {  	s9 =	simm.s32 @!p1 $0x7680;
	s10 =	simm.s32 @!p1 $0x20;
	[sflag:s19] =	ssyncadd.s32 $0xFFFFF000  }
0x30: {  	[tilespmem:s9], [sflag:$0x2] =	stream.indirect.gather @!p1 [hbm4b:s1+s10], $0x80, s5, s10, $0xb8;
	[tilespmem:$0x14300] =	vst v63  }
0x31: {  	_ =	swait.ge [sflag:s28], $0x1000  }
0x32: {  	[sflag:s28] =	ssyncset.done $0x0  }
0x33: {  	s20 =	sadd.s32 $0x3240, s6;
	[sflag:s28] =	ssyncadd.s32 $0xFFFFF000  }
0x34: {  	[spmem:s2] =	stream.indirect.scatter.add.f32 [tilespmem:s29], [sflag:$0x5], $0x80, s20, s23, $0xb8;
	[tilespmem:$0x14300] =	vst v63  }
0x35: {  	p1 =	sge.s32 s8, s4;
	_ =	swait.ge [sflag:s19], $0x1000  }
0x36: {  	s4 =	sadd.s32 @!p1 $0x60, s7;
	[sflag:s19] =	ssyncset.done $0x0  }
0x37: {  	s5 =	simm.s32 @!p1 $0x8680;
	s7 =	simm.s32 @!p1 $0x20;
	[sflag:s19] =	ssyncadd.s32 $0xFFFFF000  }
0x38: {  	[tilespmem:s5], [sflag:$0x3] =	stream.indirect.gather @!p1 [hbm4b:s1+s7], $0x80, s4, s7, $0xb8;
	[tilespmem:$0x14300] =	vst v63  }
0x39: {  	_ =	swait.ge [sflag:s30], $0x1000  }
0x3a: {  	[sflag:s30] =	ssyncset.done $0x0  }
0x3b: {  	s21 =	sadd.s32 $0x3260, s6;
	[sflag:s30] =	ssyncadd.s32 $0xFFFFF000  }
0x3c: {  	[spmem:s2] =	stream.indirect.scatter.add.f32 [tilespmem:s31], [sflag:$0x5], $0x80, s21, s23, $0xb8;
	[tilespmem:$0x14300] =	vst v63  }
0x3d: {  	_ =	swait.ge [sflag:s19], $0x1000  }
0x3e: {  	[sflag:s19] =	ssyncset.done $0x0  }
0x3f: {  	[sflag:s19] =	ssyncadd.s32 $0xFFFFF000  }
.LBB2_16:
0x40: {  	[bflag:$0x0] =	sbarrier.arrive $0xFFFF  }
0x41: {  	s4 =	simm.s32 @p0 $0x1FC5;
	s5 =	rddreg [dreg:$0x9]  }
0x42: {  	[hbm:s5], [sflag:s4] =	dma.local @p0 [spmem:s16], $0xD00  }
0x43: {  	s4 =	simm.s32 @p0 $0x5  }
0x44: {  	_ =	swait.ge @p0 [sflag:s4], $0xD00  }
0x45: {  	[sflag:s4] =	ssyncset.done @p0 $0x0  }
0x46: {  	[sflag:s4] =	ssyncadd.s32 @p0 $0xFFFFF300;
	s4 =	rddreg [dreg:$0x8]  }
0x47: {  	[hbm:s4], [sflag:s17] =	dma.local @!p0 [spmem:s18], $0x1400  }
0x48: {  	s4 =	simm.s32 @!p0 $0x5  }
0x49: {  	_ =	swait.ge @!p0 [sflag:s4], $0x1400  }
0x4a: {  	s0 =	sadd.s32 $0x1, s0;
	s21 =	rddreg [dreg:$0xa]  }
0x4b: {  	p1 =	sne.s32 s0, s21  }
.Ltmp1:
0x4c: {  	_ = 	snop;
	(pc) =	sbr.rel @!p1 .LBB2_17-.Ltmp1, $3  }
0x4d: {  	_ =	sdelay $0x1  }
0x4e: {  	[sflag:s4] =	ssyncset.done @!p0 $0x0  }
0x4f: {  	[sflag:s4] =	ssyncadd.s32 @!p0 $0xFFFFEC00  }
.LBB2_1:
0x50: {  	s4 =	simm.s32 @p0 $0x1FC5;
	s5 =	rddreg [dreg:$0x5]  }
0x51: {  	[spmem:s16], [sflag:s4] =	dma.local @p0 [hbm:s5], $0xD00  }
0x52: {  	s4 =	simm.s32 @p0 $0x5  }
0x53: {  	_ =	swait.ge @p0 [sflag:s4], $0xD00  }
0x54: {  	[sflag:s4] =	ssyncset.done @p0 $0x0  }
0x55: {  	[sflag:s4] =	ssyncadd.s32 @p0 $0xFFFFF300;
	s4 =	rddreg [dreg:$0x4]  }
0x56: {  	[spmem:s18], [sflag:s17] =	dma.local @!p0 [hbm:s4], $0x1400  }
0x57: {  	s4 =	simm.s32 @!p0 $0x5  }
0x58: {  	_ =	swait.ge @!p0 [sflag:s4], $0x1400  }
0x59: {  	[sflag:s4] =	ssyncset.done @!p0 $0x0  }
0x5a: {  	[sflag:s4] =	ssyncadd.s32 @!p0 $0xFFFFEC00  }
0x5b: {  	[bflag:$0x0] =	sbarrier.arrive $0xFFFF  }
0x5c: {  	s9 =	rddreg [dreg:$0xb]  }
0x5d: {  	[tilespmem:s3], [sflag:$0x5] =	stream.linear.gather [hbm4b:s9+s3], $0x3200, $0x38;
	[tilespmem:$0x14300] =	vst v63  }
0x5e: {  	_ =	swait.ge [sflag:s19], $0x3200  }
0x5f: {  	[sflag:s19] =	ssyncset.done $0x0  }
0x60: {  	s10 =	rddreg [dreg:$0xc];
	[sflag:s19] =	ssyncadd.s32 $0xFFFFCE00  }
0x61: {  	[tilespmem:s13], [sflag:$0x5] =	stream.linear.gather [hbm4b:s10+s3], $0x3200, $0x38;
	[tilespmem:$0x14300] =	vst v63  }
0x62: {  	_ =	swait.ge [sflag:s19], $0x3200  }
0x63: {  	[sflag:s19] =	ssyncset.done $0x0  }
0x64: {  	s12 =	simm.s32 $0x6600;
	s11 =	rddreg [dreg:$0x6];
	[sflag:s19] =	ssyncadd.s32 $0xFFFFCE00  }
0x65: {  	[tilespmem:s12], [sflag:$0x5] =	stream.linear.gather [hbm4b:s11+s3], $0x10, $0x38;
	[tilespmem:$0x14300] =	vst v63  }
0x66: {  	_ =	swait.ge [sflag:s19], $0x10  }
0x67: {  	[sflag:s19] =	ssyncset.done $0x0  }
0x68: {  	[sflag:s19] =	ssyncadd.s32 $0xFFFFFFF0  }
0x69: {  	v0 =	vld [tilespmem:$0x6600];
	_ =	sdelay $0x4  }
0x6a: {  	v0 =	vnsel vm0, $0x0, v0  }
0x6b: {  	(xrf0) =	vadd.scan.msk.s32 $0xffff, v0;
	_ =	sdelay $0x5  }
0x6c: {  	v0, _, _ =	vpop (xrf0)  }
0x6d: {  	(v2sf) =	vpush v0, $0xF;
	_ =	sdelay $0xe  }
0x6e: {  	s14 =	spop (v2sf)  }
0x6f: {  	s15 =	sand.u32 $0x1F, s14  }
0x70: {  	s6 =	sshra.s32 s14, $0x1F;
	p2 =	slt.s32 s14, $0x1;
	p1 =	sne.s32 s15, $0x0  }
0x71: {  	s20 =	sshrl.u32 s6, $0x1B;
	p1 =	por !p2, !p1  }
0x72: {  	s7 =	simm.s32 $0x1;
	s4 =	sadd.s32 s20, s14;
	p1 =	por !p1, !p1  }
0x73: {  	s4 =	sshra.s32 s4, $0x5;
	s7 =	simm.s32 @!p1 $0x0  }
0x74: {  	s4 =	ssub.s32 s4, s7  }
0x75: {  	s21 =	sand.u32 $0x7F, s14;
	p1 =	slt.s32 s4, $0x1  }
0x76: {  	p3 =	sne.s32 s21, $0x0;
	s7 =	simm.s32 @!p1 $0x20  }
0x77: {  	s8 =	simm.s32 @!p1 $0x0;
	s9 =	simm.s32 @!p1 $0x6680;
	p4 =	seq.s32 @!p1 s4, $0x1  }
0x78: {  	[tilespmem:s9], [sflag:$0x1] =	stream.indirect.gather @!p1 [hbm4b:s1+s7], $0x80, s8, s7, $0xb8;
	[tilespmem:$0x14300] =	vst v63  }
0x79: {  	s6 =	sshrl.u32 s6, $0x19;
	p2 =	por !p2, !p3;
	p3 =	por p4, p1  }
0x7a: {  	s5 =	sadd.s32 s6, s14;
	s6 =	simm.s32 @!p3 $0x20;
	s7 =	simm.s32 @!p3 $0x7680  }
0x7b: {  	[tilespmem:s7], [sflag:$0x2] =	stream.indirect.gather @!p3 [hbm4b:s1+s6], $0x80, s6, s6, $0xb8;
	[tilespmem:$0x14300] =	vst v63  }
0x7c: {  	p2 =	por !p2, !p2;
	s6 =	simm.s32 $0x1;
	p3 =	slt.u32 @!p3 s4, $0x3  }
0x7d: {  	s5 =	sshra.s32 s5, $0x7;
	s6 =	simm.s32 @!p2 $0x0;
	p2 =	por @!p1 p3, p4  }
0x7e: {  	s5 =	ssub.s32 s5, s6;
	p1 =	por p2, p1  }
0x7f: {  	s6 =	simm.s32 @!p1 $0x20;
	s7 =	simm.s32 @!p1 $0x40;
	s8 =	simm.s32 @!p1 $0x8680  }
0x80: {  	[tilespmem:s8], [sflag:$0x3] =	stream.indirect.gather @!p1 [hbm4b:s1+s6], $0x80, s7, s6, $0xb8;
	[tilespmem:$0x14300] =	vst v63  }
0x81: {  	p1 =	slt.s32 s5, $0x1  }
.Ltmp2:
0x82: {  	_ = 	snop;
	(pc) =	sbr.rel @p1 .LBB2_9-.Ltmp2, $2  }
0x83: {  	_ =	sdelay $0x2  }
0x84: {  	s7 =	simm.s32 $0x60  }
0x85: {  	p2 =	sne.s32 s5, $0x1  }
.Ltmp3:
0x86: {  	_ = 	snop;
	(pc) =	sbr.rel @!p2 .LBB2_3-.Ltmp3, $3  }
0x87: {  	_ =	sdelay $0x1  }
0x88: {  	s9 =	simm.s32 $0x5;
	s6 =	simm.s32 $0x0  }
0x89: {  	s8 =	simm.s32 $0x6;
	p3 =	sle.s32 s4, $0x3;
	p1 =	por $0x0, $0x0  }
0x8a: {  	s6 =	simm.s32 @!p3 $0x20;
	s8 =	simm.s32 @!p3 $0x9680  }
0x8b: {  	[tilespmem:s8], [sflag:$0x4] =	stream.indirect.gather @!p3 [hbm4b:s1+s6], $0x80, s7, s6, $0xb8;
	[tilespmem:$0x14300] =	vst v63  }
0x8c: {  	_ =	swait.ge [sflag:s22], $0x1000  }
0x8d: {  	[sflag:s22] =	ssyncset.done $0x0  }
0x8e: {  	[sflag:s22] =	ssyncadd.s32 $0xFFFFF000  }
0x8f: {  	[spmem:s2] =	stream.indirect.scatter.add.f32 [tilespmem:s24], [sflag:$0x5], $0x80, s13, s23, $0xb8;
	[tilespmem:$0x14300] =	vst v63  }
0x90: {  	p1 =	sle.s32 s4, $0x4;
	_ =	swait.ge [sflag:s19], $0x1000  }
0x91: {  	s6 =	simm.s32 @!p1 $0x80;
	[sflag:s19] =	ssyncset.done $0x0  }
0x92: {  	s7 =	simm.s32 @!p1 $0x20;
	s8 =	simm.s32 @!p1 $0x6680;
	[sflag:s19] =	ssyncadd.s32 $0xFFFFF000  }
0x93: {  	[tilespmem:s8], [sflag:$0x1] =	stream.indirect.gather @!p1 [hbm4b:s1+s7], $0x80, s6, s7, $0xb8;
	[tilespmem:$0x14300] =	vst v63  }
0x94: {  	_ =	swait.ge [sflag:s25], $0x1000  }
0x95: {  	[sflag:s25] =	ssyncset.done $0x0  }
0x96: {  	s15 =	simm.s32 $0x3220;
	[sflag:s25] =	ssyncadd.s32 $0xFFFFF000  }
0x97: {  	[spmem:s2] =	stream.indirect.scatter.add.f32 [tilespmem:s26], [sflag:$0x5], $0x80, s15, s23, $0xb8;
	[tilespmem:$0x14300] =	vst v63  }
0x98: {  	p1 =	sle.s32 s4, $0x5;
	_ =	swait.ge [sflag:s19], $0x1000  }
0x99: {  	s6 =	simm.s32 @!p1 $0xA0;
	[sflag:s19] =	ssyncset.done $0x0  }
0x9a: {  	s7 =	simm.s32 @!p1 $0x7680;
	s8 =	simm.s32 @!p1 $0x20;
	[sflag:s19] =	ssyncadd.s32 $0xFFFFF000  }
0x9b: {  	[tilespmem:s7], [sflag:$0x2] =	stream.indirect.gather @!p1 [hbm4b:s1+s8], $0x80, s6, s8, $0xb8;
	[tilespmem:$0x14300] =	vst v63  }
0x9c: {  	_ =	swait.ge [sflag:s28], $0x1000  }
0x9d: {  	s20 =	simm.s32 $0x3240;
	[sflag:s28] =	ssyncset.done $0x0  }
0x9e: {  	s12 =	simm.s32 $0x2;
	p2 =	sne.s32 s5, $0x2;
	[sflag:s28] =	ssyncadd.s32 $0xFFFFF000  }
0x9f: {  	[spmem:s2] =	stream.indirect.scatter.add.f32 [tilespmem:s29], [sflag:$0x5], $0x80, s20, s23, $0xb8;
	[tilespmem:$0x14300] =	vst v63  }
0xa0: {  	s10 =	simm.s32 $0x4;
	p1 =	sle.s32 s4, $0x6;
	_ =	swait.ge [sflag:s19], $0x1000  }
0xa1: {  	s9 =	simm.s32 $0x9;
	s6 =	simm.s32 @!p1 $0xC0;
	[sflag:s19] =	ssyncset.done $0x0  }
0xa2: {  	s7 =	simm.s32 @!p1 $0x8680;
	s8 =	simm.s32 @!p1 $0x20;
	[sflag:s19] =	ssyncadd.s32 $0xFFFFF000  }
0xa3: {  	[tilespmem:s7], [sflag:$0x3] =	stream.indirect.gather @!p1 [hbm4b:s1+s8], $0x80, s6, s8, $0xb8;
	[tilespmem:$0x14300] =	vst v63  }
.Ltmp4:
0xa4: {  	s21 =	simm.s32 $0x3260;
	_ =	swait.ge [sflag:s30], $0x1000;
	(pc) =	sbr.rel @!p2 .LBB2_5-.Ltmp4, $4  }
0xa5: {  	s11 =	simm.s32 $0x3280;
	p3 =	sle.s32 s4, $0x7;
	[sflag:s30] =	ssyncset.done $0x0  }
0xa6: {  	s6 =	simm.s32 $0x80;
	s8 =	simm.s32 $0xA;
	[sflag:s30] =	ssyncadd.s32 $0xFFFFF000  }
0xa7: {  	[spmem:s2] =	stream.indirect.scatter.add.f32 [tilespmem:s31], [sflag:$0x5], $0x80, s21, s23, $0xb8;
	[tilespmem:$0x14300] =	vst v63  }
0xa8: {  	s7 =	simm.s32 $0xE0;
	p1 =	por $0x1, $0x1;
	_ =	swait.ge [sflag:s19], $0x1000  }
.LBB2_6:
0xa9: {  	s13 =	simm.s32 @!p3 $0x20;
	s21 =	simm.s32 @!p3 $0x9680;
	[sflag:s19] =	ssyncset.done $0x0  }
0xaa: {  	s14 =	smov.u32 s12;
	s12 =	sadd.s32 $0x1, s12;
	[sflag:s19] =	ssyncadd.s32 $0xFFFFF000  }
0xab: {  	[tilespmem:s21], [sflag:$0x4] =	stream.indirect.gather @!p3 [hbm4b:s1+s13], $0x80, s7, s13, $0xb8;
	[tilespmem:$0x14300] =	vst v63  }
0xac: {  	p2 =	sne.s32 s5, s12;
	_ =	swait.ge [sflag:s22], $0x1000  }
0xad: {  	[sflag:s22] =	ssyncset.done $0x0  }
0xae: {  	s10 =	sadd.s32 $0x4, s10;
	[sflag:s22] =	ssyncadd.s32 $0xFFFFF000  }
0xaf: {  	[spmem:s2] =	stream.indirect.scatter.add.f32 [tilespmem:s24], [sflag:$0x5], $0x80, s11, s23, $0xb8;
	[tilespmem:$0x14300] =	vst v63  }
0xb0: {  	s13 =	sshra.s32 s10, $0x1F;
	p3 =	sge.s32 s10, s4;
	_ =	swait.ge [sflag:s19], $0x1000  }
0xb1: {  	s21 =	sadd.s32 @!p3 $0x20, s7;
	s15 =	simm.s32 @!p3 $0x20;
	[sflag:s19] =	ssyncset.done $0x0  }
0xb2: {  	s13 =	sadd.s32 s13, s14;
	s14 =	simm.s32 @!p3 $0x6680;
	[sflag:s19] =	ssyncadd.s32 $0xFFFFF000  }
0xb3: {  	[tilespmem:s14], [sflag:$0x1] =	stream.indirect.gather @!p3 [hbm4b:s1+s15], $0x80, s21, s15, $0xb8;
	[tilespmem:$0x14300] =	vst v63  }
0xb4: {  	s13 =	sshll.u32 s13, $0x9;
	s14 =	sadd.s32 $0x5, s10;
	_ =	swait.ge [sflag:s25], $0x1000  }
0xb5: {  	s13 =	sshra.s32 s13, $0x2;
	s15 =	sadd.s32 $0x3220, s6;
	[sflag:s25] =	ssyncset.done $0x0  }
0xb6: {  	s21 =	sadd.s32 $0x6, s10;
	[sflag:s25] =	ssyncadd.s32 $0xFFFFF000  }
0xb7: {  	[spmem:s2] =	stream.indirect.scatter.add.f32 [tilespmem:s26], [sflag:$0x5], $0x80, s15, s23, $0xb8;
	[tilespmem:$0x14300] =	vst v63  }
0xb8: {  	p3 =	sge.s32 s9, s4;
	s9 =	smov.u32 s14;
	_ =	swait.ge [sflag:s19], $0x1000  }
0xb9: {  	s14 =	sadd.s32 @!p3 $0x40, s7;
	s15 =	simm.s32 @!p3 $0x7680;
	[sflag:s19] =	ssyncset.done $0x0  }
0xba: {  	s20 =	simm.s32 @!p3 $0x20;
	[sflag:s19] =	ssyncadd.s32 $0xFFFFF000  }
0xbb: {  	[tilespmem:s15], [sflag:$0x2] =	stream.indirect.gather @!p3 [hbm4b:s1+s20], $0x80, s14, s20, $0xb8;
	[tilespmem:$0x14300] =	vst v63  }
0xbc: {  	_ =	swait.ge [sflag:s28], $0x1000  }
0xbd: {  	s14 =	sadd.s32 $0x3240, s6;
	[sflag:s28] =	ssyncset.done $0x0  }
0xbe: {  	[sflag:s28] =	ssyncadd.s32 $0xFFFFF000  }
0xbf: {  	[spmem:s2] =	stream.indirect.scatter.add.f32 [tilespmem:s29], [sflag:$0x5], $0x80, s14, s23, $0xb8;
	[tilespmem:$0x14300] =	vst v63  }
0xc0: {  	p3 =	sge.s32 s8, s4;
	s8 =	smov.u32 s21;
	_ =	swait.ge [sflag:s19], $0x1000  }
0xc1: {  	s15 =	simm.s32 @!p3 $0x8680;
	s14 =	sadd.s32 @!p3 $0x60, s7;
	[sflag:s19] =	ssyncset.done $0x0  }
0xc2: {  	s20 =	simm.s32 @!p3 $0x20;
	[sflag:s19] =	ssyncadd.s32 $0xFFFFF000  }
0xc3: {  	[tilespmem:s15], [sflag:$0x3] =	stream.indirect.gather @!p3 [hbm4b:s1+s20], $0x80, s14, s20, $0xb8;
	[tilespmem:$0x14300] =	vst v63  }
.Ltmp5:
0xc4: {  	_ =	swait.ge [sflag:s30], $0x1000;
	(pc) =	sbr.rel @p2 .LBB2_6-.Ltmp5, $4  }
0xc5: {  	s14 =	sadd.s32 $0x3260, s6;
	s6 =	smov.u32 s13;
	[sflag:s30] =	ssyncset.done $0x0  }
0xc6: {  	s7 =	sadd.s32 $0x80, s7;
	s13 =	sadd.s32 $0x3, s10;
	[sflag:s30] =	ssyncadd.s32 $0xFFFFF000  }
0xc7: {  	[spmem:s2] =	stream.indirect.scatter.add.f32 [tilespmem:s31], [sflag:$0x5], $0x80, s14, s23, $0xb8;
	[tilespmem:$0x14300] =	vst v63  }
0xc8: {  	s11 =	sadd.s32 $0x80, s11;
	p3 =	sge.s32 s13, s4;
	_ =	swait.ge [sflag:s19], $0x1000  }
0xc9: {  	s13 =	simm.s32 $0x3200  }
.LBB2_8:
0xca: {  	[sflag:s19] =	ssyncset.done @p1 $0x0  }
0xcb: {  	s5 =	simm.s32 @!p3 $0x20;
	s12 =	simm.s32 @!p3 $0x9680;
	[sflag:s19] =	ssyncadd.s32 @p1 $0xFFFFF000  }
0xcc: {  	[tilespmem:s12], [sflag:$0x4] =	stream.indirect.gather @!p3 [hbm4b:s1+s5], $0x80, s7, s5, $0xb8;
	[tilespmem:$0x14300] =	vst v63  }
0xcd: {  	_ =	swait.ge [sflag:s22], $0x1000  }
0xce: {  	[sflag:s22] =	ssyncset.done $0x0  }
0xcf: {  	s14 =	sadd.s32 $0x4, s10;
	[sflag:s22] =	ssyncadd.s32 $0xFFFFF000  }
0xd0: {  	[spmem:s2] =	stream.indirect.scatter.add.f32 [tilespmem:s24], [sflag:$0x5], $0x80, s11, s23, $0xb8;
	[tilespmem:$0x14300] =	vst v63  }
0xd1: {  	p1 =	sge.s32 s14, s4;
	_ =	swait.ge [sflag:s19], $0x1000  }
0xd2: {  	s5 =	sadd.s32 @!p1 $0x20, s7;
	[sflag:s19] =	ssyncset.done $0x0  }
0xd3: {  	s10 =	simm.s32 @!p1 $0x20;
	s11 =	simm.s32 @!p1 $0x6680;
	[sflag:s19] =	ssyncadd.s32 $0xFFFFF000  }
0xd4: {  	[tilespmem:s11], [sflag:$0x1] =	stream.indirect.gather @!p1 [hbm4b:s1+s10], $0x80, s5, s10, $0xb8;
	[tilespmem:$0x14300] =	vst v63  }
0xd5: {  	_ =	swait.ge [sflag:s25], $0x1000  }
0xd6: {  	[sflag:s25] =	ssyncset.done $0x0  }
0xd7: {  	s15 =	sadd.s32 $0x3220, s6;
	[sflag:s25] =	ssyncadd.s32 $0xFFFFF000  }
0xd8: {  	[spmem:s2] =	stream.indirect.scatter.add.f32 [tilespmem:s26], [sflag:$0x5], $0x80, s15, s23, $0xb8;
	[tilespmem:$0x14300] =	vst v63  }
0xd9: {  	p1 =	sge.s32 s9, s4;
	_ =	swait.ge [sflag:s19], $0x1000  }
0xda: {  	s5 =	sadd.s32 @!p1 $0x40, s7;
	[sflag:s19] =	ssyncset.done $0x0  }
0xdb: {  	s9 =	simm.s32 @!p1 $0x7680;
	s10 =	simm.s32 @!p1 $0x20;
	[sflag:s19] =	ssyncadd.s32 $0xFFFFF000  }
0xdc: {  	[tilespmem:s9], [sflag:$0x2] =	stream.indirect.gather @!p1 [hbm4b:s1+s10], $0x80, s5, s10, $0xb8;
	[tilespmem:$0x14300] =	vst v63  }
0xdd: {  	_ =	swait.ge [sflag:s28], $0x1000  }
0xde: {  	[sflag:s28] =	ssyncset.done $0x0  }
0xdf: {  	s20 =	sadd.s32 $0x3240, s6;
	[sflag:s28] =	ssyncadd.s32 $0xFFFFF000  }
0xe0: {  	[spmem:s2] =	stream.indirect.scatter.add.f32 [tilespmem:s29], [sflag:$0x5], $0x80, s20, s23, $0xb8;
	[tilespmem:$0x14300] =	vst v63  }
0xe1: {  	p1 =	sge.s32 s8, s4;
	_ =	swait.ge [sflag:s19], $0x1000  }
0xe2: {  	s4 =	sadd.s32 @!p1 $0x60, s7;
	[sflag:s19] =	ssyncset.done $0x0  }
0xe3: {  	s5 =	simm.s32 @!p1 $0x8680;
	s7 =	simm.s32 @!p1 $0x20;
	[sflag:s19] =	ssyncadd.s32 $0xFFFFF000  }
0xe4: {  	[tilespmem:s5], [sflag:$0x3] =	stream.indirect.gather @!p1 [hbm4b:s1+s7], $0x80, s4, s7, $0xb8;
	[tilespmem:$0x14300] =	vst v63  }
0xe5: {  	_ =	swait.ge [sflag:s30], $0x1000  }
0xe6: {  	[sflag:s30] =	ssyncset.done $0x0  }
0xe7: {  	s21 =	sadd.s32 $0x3260, s6;
	[sflag:s30] =	ssyncadd.s32 $0xFFFFF000  }
0xe8: {  	[spmem:s2] =	stream.indirect.scatter.add.f32 [tilespmem:s31], [sflag:$0x5], $0x80, s21, s23, $0xb8;
	[tilespmem:$0x14300] =	vst v63  }
0xe9: {  	_ =	swait.ge [sflag:s19], $0x1000  }
0xea: {  	[sflag:s19] =	ssyncset.done $0x0  }
0xeb: {  	[sflag:s19] =	ssyncadd.s32 $0xFFFFF000  }
.LBB2_9:
0xec: {  	s4 =	rddreg [dreg:$0xd]  }
0xed: {  	[tilespmem:s3], [sflag:$0x5] =	stream.linear.gather [hbm4b:s4+s3], $0x3200, $0x38;
	[tilespmem:$0x14300] =	vst v63  }
0xee: {  	_ =	swait.ge [sflag:s19], $0x3200  }
0xef: {  	[sflag:s19] =	ssyncset.done $0x0  }
0xf0: {  	s11 =	rddreg [dreg:$0xe];
	[sflag:s19] =	ssyncadd.s32 $0xFFFFCE00  }
0xf1: {  	[tilespmem:s13], [sflag:$0x5] =	stream.linear.gather [hbm4b:s11+s3], $0x3200, $0x38;
	[tilespmem:$0x14300] =	vst v63  }
0xf2: {  	_ =	swait.ge [sflag:s19], $0x3200  }
0xf3: {  	[sflag:s19] =	ssyncset.done $0x0  }
0xf4: {  	s5 =	simm.s32 $0x6600;
	s12 =	rddreg [dreg:$0x7];
	[sflag:s19] =	ssyncadd.s32 $0xFFFFCE00  }
0xf5: {  	[tilespmem:s5], [sflag:$0x5] =	stream.linear.gather [hbm4b:s12+s3], $0x10, $0x38;
	[tilespmem:$0x14300] =	vst v63  }
0xf6: {  	_ =	swait.ge [sflag:s19], $0x10  }
0xf7: {  	[sflag:s19] =	ssyncset.done $0x0  }
0xf8: {  	[sflag:s19] =	ssyncadd.s32 $0xFFFFFFF0  }
0xf9: {  	v0 =	vld [tilespmem:$0x6600];
	_ =	sdelay $0x4  }
0xfa: {  	v0 =	vnsel vm0, $0x0, v0  }
0xfb: {  	(xrf0) =	vadd.scan.msk.s32 $0xffff, v0;
	_ =	sdelay $0x5  }
0xfc: {  	v0, _, _ =	vpop (xrf0)  }
0xfd: {  	(v2sf) =	vpush v0, $0xF;
	_ =	sdelay $0xe  }
0xfe: {  	s14 =	spop (v2sf)  }
0xff: {  	s15 =	sand.u32 $0x1F, s14  }
0x100: {  	s6 =	sshra.s32 s14, $0x1F;
	p2 =	slt.s32 s14, $0x1;
	p1 =	sne.s32 s15, $0x0  }
0x101: {  	s20 =	sshrl.u32 s6, $0x1B;
	p1 =	por !p2, !p1  }
0x102: {  	s7 =	simm.s32 $0x1;
	s4 =	sadd.s32 s20, s14;
	p1 =	por !p1, !p1  }
0x103: {  	s4 =	sshra.s32 s4, $0x5;
	s7 =	simm.s32 @!p1 $0x0  }
0x104: {  	s4 =	ssub.s32 s4, s7  }
0x105: {  	s21 =	sand.u32 $0x7F, s14;
	p1 =	slt.s32 s4, $0x1  }
0x106: {  	p3 =	sne.s32 s21, $0x0;
	s7 =	simm.s32 @!p1 $0x20  }
0x107: {  	s8 =	simm.s32 @!p1 $0x0;
	s9 =	simm.s32 @!p1 $0x6680;
	p4 =	seq.s32 @!p1 s4, $0x1  }
0x108: {  	[tilespmem:s9], [sflag:$0x1] =	stream.indirect.gather @!p1 [hbm4b:s1+s7], $0x80, s8, s7, $0xb8;
	[tilespmem:$0x14300] =	vst v63  }
0x109: {  	s6 =	sshrl.u32 s6, $0x19;
	p2 =	por !p2, !p3;
	p3 =	por p4, p1  }
0x10a: {  	s5 =	sadd.s32 s6, s14;
	s6 =	simm.s32 @!p3 $0x20;
	s7 =	simm.s32 @!p3 $0x7680  }
0x10b: {  	[tilespmem:s7], [sflag:$0x2] =	stream.indirect.gather @!p3 [hbm4b:s1+s6], $0x80, s6, s6, $0xb8;
	[tilespmem:$0x14300] =	vst v63  }
0x10c: {  	p2 =	por !p2, !p2;
	s6 =	simm.s32 $0x1;
	p3 =	slt.u32 @!p3 s4, $0x3  }
0x10d: {  	s5 =	sshra.s32 s5, $0x7;
	s6 =	simm.s32 @!p2 $0x0;
	p2 =	por @!p1 p3, p4  }
0x10e: {  	s5 =	ssub.s32 s5, s6;
	p1 =	por p2, p1  }
0x10f: {  	s6 =	simm.s32 @!p1 $0x20;
	s7 =	simm.s32 @!p1 $0x40;
	s8 =	simm.s32 @!p1 $0x8680  }
0x110: {  	[tilespmem:s8], [sflag:$0x3] =	stream.indirect.gather @!p1 [hbm4b:s1+s6], $0x80, s7, s6, $0xb8;
	[tilespmem:$0x14300] =	vst v63  }
0x111: {  	p1 =	slt.s32 s5, $0x1  }
.Ltmp6:
0x112: {  	_ = 	snop;
	(pc) =	sbr.rel @p1 .LBB2_16-.Ltmp6, $1  }
0x113: {  	_ =	sdelay $0x3  }
0x114: {  	p2 =	sne.s32 s5, $0x1  }
.Ltmp7:
0x115: {  	_ = 	snop;
	(pc) =	sbr.rel @!p2 .LBB2_15-.Ltmp7, $4  }
0x116: {  	_ = 	snop  }
0x117: {  	s11 =	simm.s32 $0x3200;
	s10 =	simm.s32 $0x0  }
0x118: {  	s7 =	simm.s32 $0x60;
	s9 =	simm.s32 $0x5;
	s6 =	simm.s32 $0x0  }
0x119: {  	s8 =	simm.s32 $0x6;
	p3 =	sle.s32 s4, $0x3;
	p1 =	por $0x0, $0x0  }
0x11a: {  	s6 =	simm.s32 @!p3 $0x20;
	s8 =	simm.s32 @!p3 $0x9680  }
0x11b: {  	[tilespmem:s8], [sflag:$0x4] =	stream.indirect.gather @!p3 [hbm4b:s1+s6], $0x80, s7, s6, $0xb8;
	[tilespmem:$0x14300] =	vst v63  }
0x11c: {  	_ =	swait.ge [sflag:s22], $0x1000  }
0x11d: {  	[sflag:s22] =	ssyncset.done $0x0  }
0x11e: {  	[sflag:s22] =	ssyncadd.s32 $0xFFFFF000  }
0x11f: {  	[spmem:s2] =	stream.indirect.scatter.add.f32 [tilespmem:s24], [sflag:$0x5], $0x80, s11, s23, $0xb8;
	[tilespmem:$0x14300] =	vst v63  }
0x120: {  	p1 =	sle.s32 s4, $0x4;
	_ =	swait.ge [sflag:s19], $0x1000  }
0x121: {  	s6 =	simm.s32 @!p1 $0x80;
	[sflag:s19] =	ssyncset.done $0x0  }
0x122: {  	s7 =	simm.s32 @!p1 $0x20;
	s8 =	simm.s32 @!p1 $0x6680;
	[sflag:s19] =	ssyncadd.s32 $0xFFFFF000  }
0x123: {  	[tilespmem:s8], [sflag:$0x1] =	stream.indirect.gather @!p1 [hbm4b:s1+s7], $0x80, s6, s7, $0xb8;
	[tilespmem:$0x14300] =	vst v63  }
0x124: {  	_ =	swait.ge [sflag:s25], $0x1000  }
0x125: {  	[sflag:s25] =	ssyncset.done $0x0  }
0x126: {  	s15 =	simm.s32 $0x3220;
	[sflag:s25] =	ssyncadd.s32 $0xFFFFF000  }
0x127: {  	[spmem:s2] =	stream.indirect.scatter.add.f32 [tilespmem:s26], [sflag:$0x5], $0x80, s15, s23, $0xb8;
	[tilespmem:$0x14300] =	vst v63  }
0x128: {  	p1 =	sle.s32 s4, $0x5;
	_ =	swait.ge [sflag:s19], $0x1000  }
0x129: {  	s6 =	simm.s32 @!p1 $0xA0;
	[sflag:s19] =	ssyncset.done $0x0  }
0x12a: {  	s7 =	simm.s32 @!p1 $0x7680;
	s8 =	simm.s32 @!p1 $0x20;
	[sflag:s19] =	ssyncadd.s32 $0xFFFFF000  }
0x12b: {  	[tilespmem:s7], [sflag:$0x2] =	stream.indirect.gather @!p1 [hbm4b:s1+s8], $0x80, s6, s8, $0xb8;
	[tilespmem:$0x14300] =	vst v63  }
0x12c: {  	_ =	swait.ge [sflag:s28], $0x1000  }
0x12d: {  	s20 =	simm.s32 $0x3240;
	[sflag:s28] =	ssyncset.done $0x0  }
0x12e: {  	s12 =	simm.s32 $0x2;
	p2 =	sne.s32 s5, $0x2;
	[sflag:s28] =	ssyncadd.s32 $0xFFFFF000  }
0x12f: {  	[spmem:s2] =	stream.indirect.scatter.add.f32 [tilespmem:s29], [sflag:$0x5], $0x80, s20, s23, $0xb8;
	[tilespmem:$0x14300] =	vst v63  }
0x130: {  	s10 =	simm.s32 $0x4;
	p1 =	sle.s32 s4, $0x6;
	_ =	swait.ge [sflag:s19], $0x1000  }
0x131: {  	s9 =	simm.s32 $0x9;
	s6 =	simm.s32 @!p1 $0xC0;
	[sflag:s19] =	ssyncset.done $0x0  }
0x132: {  	s7 =	simm.s32 @!p1 $0x8680;
	s8 =	simm.s32 @!p1 $0x20;
	[sflag:s19] =	ssyncadd.s32 $0xFFFFF000  }
0x133: {  	[tilespmem:s7], [sflag:$0x3] =	stream.indirect.gather @!p1 [hbm4b:s1+s8], $0x80, s6, s8, $0xb8;
	[tilespmem:$0x14300] =	vst v63  }
.Ltmp8:
0x134: {  	s21 =	simm.s32 $0x3260;
	_ =	swait.ge [sflag:s30], $0x1000;
	(pc) =	sbr.rel @!p2 .LBB2_12-.Ltmp8, $4  }
0x135: {  	p3 =	sle.s32 s4, $0x7;
	s11 =	simm.s32 $0x3280;
	[sflag:s30] =	ssyncset.done $0x0  }
0x136: {  	s6 =	simm.s32 $0x80;
	s8 =	simm.s32 $0xA;
	[sflag:s30] =	ssyncadd.s32 $0xFFFFF000  }
0x137: {  	[spmem:s2] =	stream.indirect.scatter.add.f32 [tilespmem:s31], [sflag:$0x5], $0x80, s21, s23, $0xb8;
	[tilespmem:$0x14300] =	vst v63  }
0x138: {  	s7 =	simm.s32 $0xE0;
	p1 =	por $0x1, $0x1;
	_ =	swait.ge [sflag:s19], $0x1000  }
.LBB2_13:
0x139: {  	s13 =	simm.s32 @!p3 $0x20;
	s14 =	simm.s32 @!p3 $0x9680;
	[sflag:s19] =	ssyncset.done $0x0  }
0x13a: {  	s15 =	smov.u32 s12;
	s12 =	sadd.s32 $0x1, s12;
	[sflag:s19] =	ssyncadd.s32 $0xFFFFF000  }
0x13b: {  	[tilespmem:s14], [sflag:$0x4] =	stream.indirect.gather @!p3 [hbm4b:s1+s13], $0x80, s7, s13, $0xb8;
	[tilespmem:$0x14300] =	vst v63  }
0x13c: {  	p2 =	sne.s32 s5, s12;
	_ =	swait.ge [sflag:s22], $0x1000  }
0x13d: {  	[sflag:s22] =	ssyncset.done $0x0  }
0x13e: {  	s10 =	sadd.s32 $0x4, s10;
	[sflag:s22] =	ssyncadd.s32 $0xFFFFF000  }
0x13f: {  	[spmem:s2] =	stream.indirect.scatter.add.f32 [tilespmem:s24], [sflag:$0x5], $0x80, s11, s23, $0xb8;
	[tilespmem:$0x14300] =	vst v63  }
0x140: {  	s13 =	sshra.s32 s10, $0x1F;
	p3 =	sge.s32 s10, s4;
	_ =	swait.ge [sflag:s19], $0x1000  }
0x141: {  	s14 =	sadd.s32 @!p3 $0x20, s7;
	s20 =	simm.s32 @!p3 $0x20;
	[sflag:s19] =	ssyncset.done $0x0  }
0x142: {  	s13 =	sadd.s32 s13, s15;
	s15 =	simm.s32 @!p3 $0x6680;
	[sflag:s19] =	ssyncadd.s32 $0xFFFFF000  }
0x143: {  	[tilespmem:s15], [sflag:$0x1] =	stream.indirect.gather @!p3 [hbm4b:s1+s20], $0x80, s14, s20, $0xb8;
	[tilespmem:$0x14300] =	vst v63  }
0x144: {  	s13 =	sshll.u32 s13, $0x9;
	s14 =	sadd.s32 $0x5, s10;
	_ =	swait.ge [sflag:s25], $0x1000  }
0x145: {  	s13 =	sshra.s32 s13, $0x2;
	s15 =	sadd.s32 $0x3220, s6;
	[sflag:s25] =	ssyncset.done $0x0  }
0x146: {  	s20 =	sadd.s32 $0x6, s10;
	[sflag:s25] =	ssyncadd.s32 $0xFFFFF000  }
0x147: {  	[spmem:s2] =	stream.indirect.scatter.add.f32 [tilespmem:s26], [sflag:$0x5], $0x80, s15, s23, $0xb8;
	[tilespmem:$0x14300] =	vst v63  }
0x148: {  	p3 =	sge.s32 s9, s4;
	s9 =	smov.u32 s14;
	_ =	swait.ge [sflag:s19], $0x1000  }
0x149: {  	s14 =	sadd.s32 @!p3 $0x40, s7;
	s15 =	simm.s32 @!p3 $0x7680;
	[sflag:s19] =	ssyncset.done $0x0  }
0x14a: {  	s21 =	simm.s32 @!p3 $0x20;
	[sflag:s19] =	ssyncadd.s32 $0xFFFFF000  }
0x14b: {  	[tilespmem:s15], [sflag:$0x2] =	stream.indirect.gather @!p3 [hbm4b:s1+s21], $0x80, s14, s21, $0xb8;
	[tilespmem:$0x14300] =	vst v63  }
0x14c: {  	_ =	swait.ge [sflag:s28], $0x1000  }
0x14d: {  	s14 =	sadd.s32 $0x3240, s6;
	[sflag:s28] =	ssyncset.done $0x0  }
0x14e: {  	[sflag:s28] =	ssyncadd.s32 $0xFFFFF000  }
0x14f: {  	[spmem:s2] =	stream.indirect.scatter.add.f32 [tilespmem:s29], [sflag:$0x5], $0x80, s14, s23, $0xb8;
	[tilespmem:$0x14300] =	vst v63  }
0x150: {  	p3 =	sge.s32 s8, s4;
	s8 =	smov.u32 s20;
	_ =	swait.ge [sflag:s19], $0x1000  }
0x151: {  	s15 =	simm.s32 @!p3 $0x8680;
	s14 =	sadd.s32 @!p3 $0x60, s7;
	[sflag:s19] =	ssyncset.done $0x0  }
0x152: {  	s20 =	simm.s32 @!p3 $0x20;
	[sflag:s19] =	ssyncadd.s32 $0xFFFFF000  }
0x153: {  	[tilespmem:s15], [sflag:$0x3] =	stream.indirect.gather @!p3 [hbm4b:s1+s20], $0x80, s14, s20, $0xb8;
	[tilespmem:$0x14300] =	vst v63  }
.Ltmp9:
0x154: {  	_ =	swait.ge [sflag:s30], $0x1000;
	(pc) =	sbr.rel @p2 .LBB2_13-.Ltmp9, $4  }
0x155: {  	s14 =	sadd.s32 $0x3260, s6;
	s6 =	smov.u32 s13;
	[sflag:s30] =	ssyncset.done $0x0  }
0x156: {  	s7 =	sadd.s32 $0x80, s7;
	s13 =	sadd.s32 $0x3, s10;
	[sflag:s30] =	ssyncadd.s32 $0xFFFFF000  }
0x157: {  	[spmem:s2] =	stream.indirect.scatter.add.f32 [tilespmem:s31], [sflag:$0x5], $0x80, s14, s23, $0xb8;
	[tilespmem:$0x14300] =	vst v63  }
0x158: {  	s11 =	sadd.s32 $0x80, s11;
	p3 =	sge.s32 s13, s4;
	_ =	swait.ge [sflag:s19], $0x1000  }
.Ltmp10:
0x159: {  	(pc) =	sbr.rel .LBB2_15-.Ltmp10, $2  }
0x15a: {  	_ =	sdelay $0x2  }
0x15b: {  	s13 =	simm.s32 $0x3200  }
.LBB2_3:
.Ltmp11:
0x15c: {  	(pc) =	sbr.rel .LBB2_8-.Ltmp11, $2  }
0x15d: {  	_ =	sdelay $0x2  }
0x15e: {  	s10 =	simm.s32 $0x0;
	s11 =	simm.s32 $0x3200  }
.LBB2_5:
.Ltmp12:
0x15f: {  	(pc) =	sbr.rel .LBB2_8-.Ltmp12, $2  }
0x160: {  	_ =	sdelay $0x2  }
0x161: {  	s13 =	simm.s32 $0x3200  }
.LBB2_17:
0x162: {  	_ =	sfence.sel $0x180000  }
0x163: {  	[bflag:$0x0] =	sbarrier.arrive $0xFFFF  }
0x164: {  	_ =	strace $0x9000004A  }
0x165: {  	s0 =	stileid.u32;
	[bflag:$0x2] =	sbarrier.arrive $0xFFFF  }
0x166: {  	p0 =	sne.s32 s0, $0x0;
	s0 =	rddreg [dreg:$0x3]  }
0x167: {  	s0 =	sadd.s32 @!p0 $0x100000, s0  }
0x168: {  	[sflag:s0] =	ssyncadd.tile.s32 @!p0 $0x1;
	_ =	shalt  }
.Lfunc_end2:
_tile_overlayer_lowered:
.L_overlay_start_2:
0x169: {  	(tag) =	ssettag $0x2  }
0x16a: {  	s0 =	rddreg [dreg:$0x0];
	s2 =	stileid.u32  }
0x16b: {  	s1 =	rddreg [dreg:$0x1];
	p0 =	sne.s32 s2, $0x0  }
0x16c: {  	s3 =	rddreg [dreg:$0x2];
	[bflag:$0x3] =	sbarrier.arrive $0xFFFF;
	s2 =	simm.s32 @!p0 $0x1C05  }
0x16d: {  	[timem:s3], [sflag:s2] =	dma.local @!p0 [hbm:s0], s1  }
0x16e: {  	s0 =	simm.s32 @!p0 $0x5  }
0x16f: {  	_ =	swait.ge @!p0 [sflag:s0], s1  }
0x170: {  	s1 =	ssub.s32 @!p0 $0x0, s1;
	[sflag:s0] =	ssyncset.done @!p0 $0x0  }
0x171: {  	[sflag:s0] =	ssyncadd.s32 @!p0 s1  }
0x172: {  	[bflag:$0x3] =	sbarrier.arrive $0xFFFF  }
0x173: {  	_ =	shalt  }

// kernel: kernel.14.cloned.1.call-start
scs
__scs_entry_jumppad:
0x0: {  	(pc) =	sbr.rel $0x88, $3  }
0x1: {  	(tag) =	ssettag $0x0;
	lr =	simm.s32 $0x1  }
0x2: {  	[smem:$0x3F97] =	sst lr;
	_ =	strace $0xD0000000  }
0x3: {  	_ = 	snop  }
0x4: {  	_ = 	snop  }
0x5: {  	_ = 	snop  }
0x6: {  	_ = 	snop  }
0x7: {  	_ = 	snop  }
__scs_overlays_trampoline_lowered:
0x8: {  	[smem:$0x3FA6] =	sst s0  }
0x9: {  	[smem:$0x3FA7] =	sst s1  }
0xa: {  	[smem:$0x3FA8] =	sst s2  }
0xb: {  	[smem:$0x3FA9] =	sst s3  }
0xc: {  	[smem:$0x3FAA] =	sst s4  }
0xd: {  	[smem:$0x3FAB] =	sst s5  }
0xe: {  	[smem:$0x3FAC] =	sst s6  }
0xf: {  	[smem:$0x3FAD] =	sst s7  }
0x10: {  	[smem:$0x3FAE] =	sst s8  }
0x11: {  	[smem:$0x3FAF] =	sst s9;
	s0 =	simm.s32 @!p0 $0x0  }
0x12: {  	s1 =	sld [smem:$0x3F95];
	s0 =	simm.s32 @p0 $0x1  }
0x13: {  	[smem:$0x3FB0] =	sst s0;
	s0 =	simm.s32 @!p1 $0x0  }
0x14: {  	s2 =	sld [smem:$0x3F94];
	s0 =	simm.s32 @p1 $0x1  }
0x15: {  	[smem:$0x3FB1] =	sst s0;
	s0 =	simm.s32 @!p2 $0x0  }
0x16: {  	s3 =	sld [smem:$0x3FDB];
	s0 =	simm.s32 @p2 $0x1  }
0x17: {  	s4 =	simm.s32 $0x1BF5;
	[smem:$0x3FB3] =	sst s0  }
0x18: {  	s0 =	sld [smem:$0x3F96];
	_ =	swait.ge [sflag:s4], $0x0  }
0x19: {  	s7 =	sld [smem:$0x3F97]  }
0x1a: {  	s8 =	sadd.s32 $0xFFFFE003, lr  }
0x1b: {  	s9 =	sadd.s32 $0xFFFFFEF7, lr;
	s5 =	simm.s32 $0xFFFFFFFF;
	p2 =	slt.u32 s8, $0xFFFFF086  }
0x1c: {  	p1 =	slt.u32 s9, $0xF7A;
	s5 =	simm.s32 @!p2 $0x0  }
0x1d: {  	s5 =	simm.s32 @p1 $0x1;
	p0 =	seq.s32 s7, s2  }
0x1e: {  	s7 =	smul.u32 @!p0 $0xF7A, s2;
	p2 =	seq.s32 @!p0 s5, $0x0  }
0x1f: {  	s9 =	smul.u32 $0xF7A, s1;
	s8 =	simm.s32 @!p0 $0x1BF5;
	p2 =	por !p2, p0  }
0x20: {  	[sflag:s8] =	ssyncset.s32 @!p0 $0xFFFFF086;
	s6 =	sadd.s32 @!p0 s3, s7;
	s7 =	simm.s32 @!p0 $0x108  }
0x21: {  	s3 =	sadd.s32 s3, s9;
	s6 =	sadd.s32 @!p0 $0x88, s6;
	s7 =	simm.s32 @p2 $0x1082  }
0x22: {  	[simem:s7], [sflag:s8] =	dma.local @!p0 [hbm:s6], $0xF7A  }
0x23: {  	s9 =	sor.u32 $0xD0000000, s2;
	s6 =	simm.s32 $0x108;
	_ =	swait.ge @!p0 [sflag:s8], $0x0  }
0x24: {  	s3 =	sadd.s32 $0x88, s3;
	s6 =	simm.s32 @!p1 $0x1082;
	[sflag:s4] =	ssyncset.s32 $0xFFFFF086  }
0x25: {  	[simem:s6], [sflag:s4] =	dma.local [hbm:s3], $0xF7A  }
0x26: {  	[smem:$0x3F97] =	sst s1;
	(tag) =	ssettag s2;
	_ =	strace s9  }
0x27: {  	s1 =	sld [smem:$0x3FA7]  }
0x28: {  	s2 =	sld [smem:$0x3FA8]  }
0x29: {  	s4 =	sld [smem:$0x3FAA]  }
0x2a: {  	p0 =	seq.s32 s5, $0x0;
	s5 =	sld [smem:$0x3FAB]  }
0x2b: {  	s6 =	sld [smem:$0x3FAC]  }
0x2c: {  	s7 =	sld [smem:$0x3FAD]  }
0x2d: {  	s3 =	simm.s32 $0x108;
	s8 =	sld [smem:$0x3FAE]  }
0x2e: {  	s3 =	simm.s32 @!p0 $0x1082;
	s9 =	sld [smem:$0x3FAF]  }
0x2f: {  	lr =	sadd.s32 s0, s3;
	s0 =	sld [smem:$0x3FA6]  }
0x30: {  	s3 =	sld [smem:$0x3FA9]  }
0x31: {  	[smem:$0x3FB2] =	sst s10  }
0x32: {  	s10 =	sld [smem:$0x3FB0];
	_ =	sdelay $0x3  }
0x33: {  	p0 =	seq.s32 s10, $0x1;
	s10 =	sld [smem:$0x3FB2];
	_ =	sdelay $0x3  }
0x34: {  	[smem:$0x3FB2] =	sst s10  }
0x35: {  	s10 =	sld [smem:$0x3FB1];
	_ =	sdelay $0x3  }
0x36: {  	p1 =	seq.s32 s10, $0x1;
	s10 =	sld [smem:$0x3FB2];
	_ =	sdelay $0x3  }
0x37: {  	[smem:$0x3FB2] =	sst s10  }
0x38: {  	s10 =	sld [smem:$0x3FB3]  }
0x39: {  	_ = 	snop;
	(pc) =	sbr.ind lr, $3  }
0x3a: {  	_ = 	snop  }
0x3b: {  	_ = 	snop  }
0x3c: {  	p2 =	seq.s32 s10, $0x1;
	s10 =	sld [smem:$0x3FB2]  }
0x3d: {  	_ =	shalt  }
0x3e: {  	_ =	shalt  }
0x3f: {  	_ =	shalt  }
0x40: {  	_ =	shalt  }
0x41: {  	_ =	shalt  }
0x42: {  	_ =	shalt  }
0x43: {  	_ =	shalt  }
0x44: {  	_ =	shalt  }
0x45: {  	_ =	shalt  }
0x46: {  	_ =	shalt  }
0x47: {  	_ =	shalt  }
0x48: {  	_ =	shalt  }
0x49: {  	_ =	shalt  }
0x4a: {  	_ =	shalt  }
0x4b: {  	_ =	shalt  }
0x4c: {  	_ =	shalt  }
0x4d: {  	_ =	shalt  }
0x4e: {  	_ =	shalt  }
0x4f: {  	_ =	shalt  }
0x50: {  	_ =	shalt  }
0x51: {  	_ =	shalt  }
0x52: {  	_ =	shalt  }
0x53: {  	_ =	shalt  }
0x54: {  	_ =	shalt  }
0x55: {  	_ =	shalt  }
0x56: {  	_ =	shalt  }
0x57: {  	_ =	shalt  }
0x58: {  	_ =	shalt  }
0x59: {  	_ =	shalt  }
0x5a: {  	_ =	shalt  }
0x5b: {  	_ =	shalt  }
0x5c: {  	_ =	shalt  }
0x5d: {  	_ =	shalt  }
0x5e: {  	_ =	shalt  }
0x5f: {  	_ =	shalt  }
0x60: {  	_ =	shalt  }
0x61: {  	_ =	shalt  }
0x62: {  	_ =	shalt  }
0x63: {  	_ =	shalt  }
0x64: {  	_ =	shalt  }
0x65: {  	_ =	shalt  }
0x66: {  	_ =	shalt  }
0x67: {  	_ =	shalt  }
0x68: {  	_ =	shalt  }
0x69: {  	_ =	shalt  }
0x6a: {  	_ =	shalt  }
0x6b: {  	_ =	shalt  }
0x6c: {  	_ =	shalt  }
0x6d: {  	_ =	shalt  }
0x6e: {  	_ =	shalt  }
0x6f: {  	_ =	shalt  }
0x70: {  	_ =	shalt  }
0x71: {  	_ =	shalt  }
0x72: {  	_ =	shalt  }
0x73: {  	_ =	shalt  }
0x74: {  	_ =	shalt  }
0x75: {  	_ =	shalt  }
0x76: {  	_ =	shalt  }
0x77: {  	_ =	shalt  }
0x78: {  	_ =	shalt  }
0x79: {  	_ =	shalt  }
0x7a: {  	_ =	shalt  }
0x7b: {  	_ =	shalt  }
0x7c: {  	_ =	shalt  }
0x7d: {  	_ =	shalt  }
0x7e: {  	_ =	shalt  }
0x7f: {  	_ =	shalt  }
0x80: {  	_ =	shalt  }
0x81: {  	_ =	shalt  }
0x82: {  	_ =	shalt  }
0x83: {  	_ =	shalt  }
0x84: {  	_ =	shalt  }
0x85: {  	_ =	shalt  }
0x86: {  	_ =	shalt  }
0x87: {  	_ =	shalt  }
.Lfunc_end0:
.L_simem_size_0:
called_computation.2_lowered:
.L_overlay_start_0:
0x88: {  	s2 =	sld [smem:$0x3FD9]  }
0x89: {  	s3 =	sld [smem:$0x3FFE];
	_ =	sdelay $0x1  }
0x8a: {  	s1 =	srdreg.scid  }
0x8b: {  	s0 =	sand.u32 $0x1, s1  }
0x8c: {  	s17 =	sshll.u32 s0, $0xA;
	s2 =	sadd.s32 s3, s2  }
0x8d: {  	s2 =	sadd.s32 s2, s17  }
0x8e: {  	[smem:$0x3FBE] =	sst s2  }
0x8f: {  	_ = 	snop  }
0x90: {  	s2 =	sld [smem:$0x3FD0];
	(tm) =	ssettm $0x1  }
0x91: {  	s18 =	sld [smem:$0x3FFB];
	_ =	sdelay $0x3  }
0x92: {  	_ =	strace s18  }
0x93: {  	s3 =	sld [smem:$0x3FFC];
	_ =	sdelay $0x3  }
0x94: {  	_ =	strace s3  }
0x95: {  	s3 =	sld [smem:$0x3FFD];
	_ =	sdelay $0x3  }
0x96: {  	_ =	strace s3  }
0x97: {  	_ =	strace $0x8FFFFFFF  }
0x98: {  	s19 =	sld [smem:$0x3FDB];
	_ =	sdelay $0x1  }
0x99: {  	s4 =	simm.s32 $_scs_section_size  }
0x9a: {  	s5 =	simm.s32 $_size__tile_overlayer_lowered;
	s6 =	simm.s32 $_tile_overlayer_lowered  }
0x9b: {  	s22 =	simm.s32 $0x1BFF;
	s21 =	sshll.u32 s6, $0x1;
	s3 =	sadd.s32 s4, s19  }
0x9c: {  	s7 =	simm.s32 $0x0;
	s20 =	sshll.u32 s5, $0x1;
	s5 =	sadd.s32 s21, s3  }
0x9d: {  	[timem:s7], [sflag:s22] =	dma.local [hbm:s5], s20  }
0x9e: {  	_ =	swait.ge [sflag:s22], s20  }
0x9f: {  	s4 =	ssub.s32 $0x0, s20;
	[sflag:s22] =	ssyncset.done $0x0  }
0xa0: {  	[sflag:s22] =	ssyncadd.s32 s4;
	_ =	sdelay $0x1  }
0xa1: {  	s23 =	simm.s32 $0x1B8B  }
0xa2: {  	_ =	swait.ge [sflag:s23], $0x1  }
0xa3: {  	[sflag:s23] =	ssyncset.done $0x0  }
0xa4: {  	s25 =	simm.s32 $0x1B8E;
	s24 =	sld [smem:$0x3FFE];
	[sflag:s23] =	ssyncadd.s32 $0xFFFFFFFF  }
0xa5: {  	s26 =	simm.s32 $execute0_lowered;
	[smem:$0x3FD2] =	sst s25  }
0xa6: {  	s5 =	sshll.u32 s26, $0x1;
	_ =	strace $0x8000004C;
	[dreg:$0x1] =	wrdreg $0xFFFFFFFF  }
0xa7: {  	s28 =	simm.s32 $_size_execute0_lowered;
	s3 =	sadd.s32 s3, s5;
	[dreg:$0x0] =	wrdreg $0x0  }
0xa8: {  	s5 =	sshll.u32 s28, $0x1;
	[dreg:$0x2] =	wrdreg s3  }
0xa9: {  	[dreg:$0x3] =	wrdreg s5  }
0xaa: {  	[dreg:$0x4] =	wrdreg $0xC0  }
0xab: {  	_ =	task [dreg:s7], $0x5FFFF  }
0xac: {  	[dreg:$0x1] =	wrdreg $0xFFFFFFFF  }
0xad: {  	[dreg:$0x0] =	wrdreg $0x60  }
0xae: {  	[dreg:$0x2] =	wrdreg s2  }
0xaf: {  	[dreg:$0x3] =	wrdreg s24  }
0xb0: {  	[dreg:$0x4] =	wrdreg $0xA6800  }
0xb1: {  	[dreg:$0x5] =	wrdreg $0x9  }
0xb2: {  	_ =	task.clear_ibuf [dreg:s7], $0x6FFFF;
	_ =	strace $0x9000004C  }
0xb3: {  	s29 =	simm.s32 $0x9;
	_ =	strace $0x8000004E  }
0xb4: {  	_ =	swait.ge [sflag:s29], $0x1  }
0xb5: {  	[sflag:s29] =	ssyncadd.s32 $0xFFFFFFFF  }
0xb6: {  	_ =	strace $0x9000004E  }
0xb7: {  	_ =	sfence  }
0xb8: {  	s30 =	sld [smem:$0x0];
	_ =	sdelay $0x2  }
0xb9: {  	s31 =	sshll.u32 s1, $0xD;
	s1 =	sshrl.u32 s1, $0x2  }
0xba: {  	s3 =	sand.u32 $0x4000, s31;
	s1 =	sadd.s32 s1, s30  }
0xbb: {  	s0 =	sor.u32 s3, s0;
	s1 =	sshll.u32 s1, $0x11  }
0xbc: {  	s0 =	sor.u32 s1, s0  }
0xbd: {  	s0 =	sadd.s32 $0x8F2B, s0  }
0xbe: {  	[sflag:s0] =	ssyncadd.remote.s32 $0x1  }
0xbf: {  	_ =	sfence.sel $0xFFFF  }
0xc0: {  	[dreg:$0x0] =	wrdreg $0xFFFFFFFF;
	(pc) =	sbr.abs _section_cstart, $3  }
0xc1: {  	[dreg:$0x1] =	wrdreg $0xFFFFFFFF  }
0xc2: {  	_ =	task.clear_ibuf [dreg:s7], $0x2FFFF;
	_ =	strace $0x9FFFFFFF  }
0xc3: {  	(tm) =	ssettm $0x7FFFFFFF  }
tec
execute0_lowered:
.L_overlay_start_1:
0x0: {  	(tag) =	ssettag $0x1  }
0x1: {  	s1 =	rddreg [dreg:$0x0]  }
0x2: {  	s0 =	rddreg [dreg:$0x1]  }
0x3: {  	s2 =	rddreg [dreg:$0x2];
	s3 =	simm.s32 $0x0;
	s20 =	stileid.u32  }
0x4: {  	s8 =	srdreg.scid;
	s28 =	simm.s32 $0x3;
	s29 =	simm.s32 $0x8680  }
0x5: {  	s30 =	simm.s32 $0x4;
	s31 =	simm.s32 $0x9680;
	[smem:$0x7FF] =	sst s3  }
0x6: {  	s4 =	sadd.s32 $0x44000, s0;
	s5 =	sadd.s32 $0x50800, s0;
	s7 =	smul.u32 $0x1400, s20  }
0x7: {  	s6 =	sadd.s32 $0x3000, s0;
	s9 =	sadd.s32 $0x10000, s0;
	s12 =	smul.u32 $0x28000, s20  }
0x8: {  	s10 =	sadd.s32 $0x5D000, s0;
	s8 =	sand.u32 $0x1, s8;
	s15 =	smul.u32 $0xC80, s20  }
0x9: {  	s13 =	sadd.s32 $0x5D200, s0;
	s16 =	smul.u32 $0xD00, s20;
	s17 =	sshllo.u32 s20, $0x1  }
0xa: {  	s26 =	sshll.u32 s20, $0x2;
	s19 =	smul.u32 $0xA000, s20;
	_ =	strace $0x8000004D  }
0xb: {  	s11 =	ssub.s32 $0x2, s8;
	s18 =	smul.u32 $0x9C800, s8;
	p0 =	seq.s32 s8, $0x0  }
0xc: {  	s7 =	sadd.s32 s7, s0;
	s14 =	sshrl.u32 s11, $0x1;
	s12 =	sshrl.u32 s12, $0x2  }
0xd: {  	s0 =	sadd.s32 $0x2FC00, s0;
	s5 =	smov.u32 @p0 s4;
	s9 =	smov.u32 @p0 s6  }
0xe: {  	p0 =	seq.s32 s20, $0xF;
	s11 =	ssub.s32 s11, s14;
	s12 =	sadd.s32 s12, s2  }
0xf: {  	s14 =	smul.u32 $0x640, s17;
	s7 =	sadd.s32 $0x1D000, s7;
	[dreg:$0x5] =	wrdreg s0  }
0x10: {  	s0 =	sadd.s32 s10, s26;
	s19 =	sadd.s32 s19, s18;
	s18 =	sshrl.u32 s18, $0x3  }
0x11: {  	s24 =	sadd.s32 s5, s15;
	s25 =	sadd.s32 s9, s16;
	[dreg:$0x4] =	wrdreg s7  }
0x12: {  	s7 =	sadd.s32 $0x96000, s2;
	[dreg:$0x6] =	wrdreg s0;
	s0 =	smul.u32 $0x680, s17  }
0x13: {  	s17 =	sshll.u32 s17, $0x1;
	s19 =	sshrl.u32 s19, $0x3;
	[dreg:$0xb] =	wrdreg s24  }
0x14: {  	s21 =	sadd.s32 s13, s18;
	s23 =	smax.u32 s11, $0x1;
	[dreg:$0xc] =	wrdreg s25  }
0x15: {  	s18 =	sshrl.u32 @!p0 s12, $0x3;
	s24 =	simm.s32 $0x6680;
	s25 =	simm.s32 $0x2  }
0x16: {  	s10 =	sadd.s32 s10, s17;
	s22 =	sadd.s32 $0x12C00, s21;
	[dreg:$0xa] =	wrdreg s23  }
0x17: {  	s26 =	sadd.s32 s5, s14;
	s16 =	sshrl.u32 @p0 s7, $0x3;
	[dreg:$0x7] =	wrdreg s10  }
.Ltmp0:
0x18: {  	s23 =	simm.s32 $0x20;
	[dreg:$0x9] =	wrdreg s22;
	(pc) =	sbr.rel .LBB2_1-.Ltmp0, $4  }
0x19: {  	s10 =	sadd.s32 s13, s19;
	[dreg:$0xd] =	wrdreg s26;
	s0 =	sadd.s32 s9, s0  }
0x1a: {  	s19 =	simm.s32 $0x5;
	s13 =	simm.s32 $0x3200;
	s22 =	simm.s32 $0x1  }
0x1b: {  	v1 =	vlaneseq.u32;
	v0 =	vmov s8;
	s26 =	simm.s32 $0x7680;
	[dreg:$0xe] =	wrdreg s0;
	s0 =	sshll.u32 @!p0 s20, $0x6  }
0x1c: {  	vm0 =	veq.s32 v0, v1;
	[dreg:$0x8] =	wrdreg s10;
	s17 =	sor.u32 @!p0 $0x1C05, s0;
	s0 =	simm.s32 $0x0  }
.LBB2_12:
0x1d: {  	s13 =	simm.s32 $0x3200  }
.LBB2_15:
0x1e: {  	[sflag:s19] =	ssyncset.done @p1 $0x0  }
0x1f: {  	s5 =	simm.s32 @!p3 $0x20;
	s12 =	simm.s32 @!p3 $0x9680;
	[sflag:s19] =	ssyncadd.s32 @p1 $0xFFFFF000  }
0x20: {  	[tilespmem:s12], [sflag:$0x4] =	stream.indirect.gather @!p3 [hbm4b:s1+s5], $0x80, s7, s5, $0xb8;
	[tilespmem:$0x14300] =	vst v63  }
0x21: {  	_ =	swait.ge [sflag:s22], $0x1000  }
0x22: {  	[sflag:s22] =	ssyncset.done $0x0  }
0x23: {  	s14 =	sadd.s32 $0x4, s10;
	[sflag:s22] =	ssyncadd.s32 $0xFFFFF000  }
0x24: {  	[spmem:s2] =	stream.indirect.scatter.add.f32 [tilespmem:s24], [sflag:$0x5], $0x80, s11, s23, $0xb8;
	[tilespmem:$0x14300] =	vst v63  }
0x25: {  	p1 =	sge.s32 s14, s4;
	_ =	swait.ge [sflag:s19], $0x1000  }
0x26: {  	s5 =	sadd.s32 @!p1 $0x20, s7;
	[sflag:s19] =	ssyncset.done $0x0  }
0x27: {  	s10 =	simm.s32 @!p1 $0x20;
	s11 =	simm.s32 @!p1 $0x6680;
	[sflag:s19] =	ssyncadd.s32 $0xFFFFF000  }
0x28: {  	[tilespmem:s11], [sflag:$0x1] =	stream.indirect.gather @!p1 [hbm4b:s1+s10], $0x80, s5, s10, $0xb8;
	[tilespmem:$0x14300] =	vst v63  }
0x29: {  	_ =	swait.ge [sflag:s25], $0x1000  }
0x2a: {  	[sflag:s25] =	ssyncset.done $0x0  }
0x2b: {  	s15 =	sadd.s32 $0x3220, s6;
	[sflag:s25] =	ssyncadd.s32 $0xFFFFF000  }
0x2c: {  	[spmem:s2] =	stream.indirect.scatter.add.f32 [tilespmem:s26], [sflag:$0x5], $0x80, s15, s23, $0xb8;
	[tilespmem:$0x14300] =	vst v63  }
0x2d: {  	p1 =	sge.s32 s9, s4;
	_ =	swait.ge [sflag:s19], $0x1000  }
0x2e: {  	s5 =	sadd.s32 @!p1 $0x40, s7;
	[sflag:s19] =	ssyncset.done $0x0  }
0x2f: {  	s9 =	simm.s32 @!p1 $0x7680;
	s10 =	simm.s32 @!p1 $0x20;
	[sflag:s19] =	ssyncadd.s32 $0xFFFFF000  }
0x30: {  	[tilespmem:s9], [sflag:$0x2] =	stream.indirect.gather @!p1 [hbm4b:s1+s10], $0x80, s5, s10, $0xb8;
	[tilespmem:$0x14300] =	vst v63  }
0x31: {  	_ =	swait.ge [sflag:s28], $0x1000  }
0x32: {  	[sflag:s28] =	ssyncset.done $0x0  }
0x33: {  	s20 =	sadd.s32 $0x3240, s6;
	[sflag:s28] =	ssyncadd.s32 $0xFFFFF000  }
0x34: {  	[spmem:s2] =	stream.indirect.scatter.add.f32 [tilespmem:s29], [sflag:$0x5], $0x80, s20, s23, $0xb8;
	[tilespmem:$0x14300] =	vst v63  }
0x35: {  	p1 =	sge.s32 s8, s4;
	_ =	swait.ge [sflag:s19], $0x1000  }
0x36: {  	s4 =	sadd.s32 @!p1 $0x60, s7;
	[sflag:s19] =	ssyncset.done $0x0  }
0x37: {  	s5 =	simm.s32 @!p1 $0x8680;
	s7 =	simm.s32 @!p1 $0x20;
	[sflag:s19] =	ssyncadd.s32 $0xFFFFF000  }
0x38: {  	[tilespmem:s5], [sflag:$0x3] =	stream.indirect.gather @!p1 [hbm4b:s1+s7], $0x80, s4, s7, $0xb8;
	[tilespmem:$0x14300] =	vst v63  }
0x39: {  	_ =	swait.ge [sflag:s30], $0x1000  }
0x3a: {  	[sflag:s30] =	ssyncset.done $0x0  }
0x3b: {  	s21 =	sadd.s32 $0x3260, s6;
	[sflag:s30] =	ssyncadd.s32 $0xFFFFF000  }
0x3c: {  	[spmem:s2] =	stream.indirect.scatter.add.f32 [tilespmem:s31], [sflag:$0x5], $0x80, s21, s23, $0xb8;
	[tilespmem:$0x14300] =	vst v63  }
0x3d: {  	_ =	swait.ge [sflag:s19], $0x1000  }
0x3e: {  	[sflag:s19] =	ssyncset.done $0x0  }
0x3f: {  	[sflag:s19] =	ssyncadd.s32 $0xFFFFF000  }
.LBB2_16:
0x40: {  	[bflag:$0x0] =	sbarrier.arrive $0xFFFF  }
0x41: {  	s4 =	simm.s32 @p0 $0x1FC5;
	s5 =	rddreg [dreg:$0x9]  }
0x42: {  	[hbm:s5], [sflag:s4] =	dma.local @p0 [spmem:s16], $0xD00  }
0x43: {  	s4 =	simm.s32 @p0 $0x5  }
0x44: {  	_ =	swait.ge @p0 [sflag:s4], $0xD00  }
0x45: {  	[sflag:s4] =	ssyncset.done @p0 $0x0  }
0x46: {  	[sflag:s4] =	ssyncadd.s32 @p0 $0xFFFFF300;
	s4 =	rddreg [dreg:$0x8]  }
0x47: {  	[hbm:s4], [sflag:s17] =	dma.local @!p0 [spmem:s18], $0x1400  }
0x48: {  	s4 =	simm.s32 @!p0 $0x5  }
0x49: {  	_ =	swait.ge @!p0 [sflag:s4], $0x1400  }
0x4a: {  	s0 =	sadd.s32 $0x1, s0;
	s21 =	rddreg [dreg:$0xa]  }
0x4b: {  	p1 =	sne.s32 s0, s21  }
.Ltmp1:
0x4c: {  	_ = 	snop;
	(pc) =	sbr.rel @!p1 .LBB2_17-.Ltmp1, $3  }
0x4d: {  	_ =	sdelay $0x1  }
0x4e: {  	[sflag:s4] =	ssyncset.done @!p0 $0x0  }
0x4f: {  	[sflag:s4] =	ssyncadd.s32 @!p0 $0xFFFFEC00  }
.LBB2_1:
0x50: {  	s4 =	simm.s32 @p0 $0x1FC5;
	s5 =	rddreg [dreg:$0x5]  }
0x51: {  	[spmem:s16], [sflag:s4] =	dma.local @p0 [hbm:s5], $0xD00  }
0x52: {  	s4 =	simm.s32 @p0 $0x5  }
0x53: {  	_ =	swait.ge @p0 [sflag:s4], $0xD00  }
0x54: {  	[sflag:s4] =	ssyncset.done @p0 $0x0  }
0x55: {  	[sflag:s4] =	ssyncadd.s32 @p0 $0xFFFFF300;
	s4 =	rddreg [dreg:$0x4]  }
0x56: {  	[spmem:s18], [sflag:s17] =	dma.local @!p0 [hbm:s4], $0x1400  }
0x57: {  	s4 =	simm.s32 @!p0 $0x5  }
0x58: {  	_ =	swait.ge @!p0 [sflag:s4], $0x1400  }
0x59: {  	[sflag:s4] =	ssyncset.done @!p0 $0x0  }
0x5a: {  	[sflag:s4] =	ssyncadd.s32 @!p0 $0xFFFFEC00  }
0x5b: {  	[bflag:$0x0] =	sbarrier.arrive $0xFFFF  }
0x5c: {  	s9 =	rddreg [dreg:$0xb]  }
0x5d: {  	[tilespmem:s3], [sflag:$0x5] =	stream.linear.gather [hbm4b:s9+s3], $0x3200, $0x38;
	[tilespmem:$0x14300] =	vst v63  }
0x5e: {  	_ =	swait.ge [sflag:s19], $0x3200  }
0x5f: {  	[sflag:s19] =	ssyncset.done $0x0  }
0x60: {  	s10 =	rddreg [dreg:$0xc];
	[sflag:s19] =	ssyncadd.s32 $0xFFFFCE00  }
0x61: {  	[tilespmem:s13], [sflag:$0x5] =	stream.linear.gather [hbm4b:s10+s3], $0x3200, $0x38;
	[tilespmem:$0x14300] =	vst v63  }
0x62: {  	_ =	swait.ge [sflag:s19], $0x3200  }
0x63: {  	[sflag:s19] =	ssyncset.done $0x0  }
0x64: {  	s12 =	simm.s32 $0x6600;
	s11 =	rddreg [dreg:$0x6];
	[sflag:s19] =	ssyncadd.s32 $0xFFFFCE00  }
0x65: {  	[tilespmem:s12], [sflag:$0x5] =	stream.linear.gather [hbm4b:s11+s3], $0x10, $0x38;
	[tilespmem:$0x14300] =	vst v63  }
0x66: {  	_ =	swait.ge [sflag:s19], $0x10  }
0x67: {  	[sflag:s19] =	ssyncset.done $0x0  }
0x68: {  	[sflag:s19] =	ssyncadd.s32 $0xFFFFFFF0  }
0x69: {  	v0 =	vld [tilespmem:$0x6600];
	_ =	sdelay $0x4  }
0x6a: {  	v0 =	vnsel vm0, $0x0, v0  }
0x6b: {  	(xrf0) =	vadd.scan.msk.s32 $0xffff, v0;
	_ =	sdelay $0x5  }
0x6c: {  	v0, _, _ =	vpop (xrf0)  }
0x6d: {  	(v2sf) =	vpush v0, $0xF;
	_ =	sdelay $0xe  }
0x6e: {  	s14 =	spop (v2sf)  }
0x6f: {  	s15 =	sand.u32 $0x1F, s14  }
0x70: {  	s6 =	sshra.s32 s14, $0x1F;
	p2 =	slt.s32 s14, $0x1;
	p1 =	sne.s32 s15, $0x0  }
0x71: {  	s20 =	sshrl.u32 s6, $0x1B;
	p1 =	por !p2, !p1  }
0x72: {  	s7 =	simm.s32 $0x1;
	s4 =	sadd.s32 s20, s14;
	p1 =	por !p1, !p1  }
0x73: {  	s4 =	sshra.s32 s4, $0x5;
	s7 =	simm.s32 @!p1 $0x0  }
0x74: {  	s4 =	ssub.s32 s4, s7  }
0x75: {  	s21 =	sand.u32 $0x7F, s14;
	p1 =	slt.s32 s4, $0x1  }
0x76: {  	p3 =	sne.s32 s21, $0x0;
	s7 =	simm.s32 @!p1 $0x20  }
0x77: {  	s8 =	simm.s32 @!p1 $0x0;
	s9 =	simm.s32 @!p1 $0x6680;
	p4 =	seq.s32 @!p1 s4, $0x1  }
0x78: {  	[tilespmem:s9], [sflag:$0x1] =	stream.indirect.gather @!p1 [hbm4b:s1+s7], $0x80, s8, s7, $0xb8;
	[tilespmem:$0x14300] =	vst v63  }
0x79: {  	s6 =	sshrl.u32 s6, $0x19;
	p2 =	por !p2, !p3;
	p3 =	por p4, p1  }
0x7a: {  	s5 =	sadd.s32 s6, s14;
	s6 =	simm.s32 @!p3 $0x20;
	s7 =	simm.s32 @!p3 $0x7680  }
0x7b: {  	[tilespmem:s7], [sflag:$0x2] =	stream.indirect.gather @!p3 [hbm4b:s1+s6], $0x80, s6, s6, $0xb8;
	[tilespmem:$0x14300] =	vst v63  }
0x7c: {  	p2 =	por !p2, !p2;
	s6 =	simm.s32 $0x1;
	p3 =	slt.u32 @!p3 s4, $0x3  }
0x7d: {  	s5 =	sshra.s32 s5, $0x7;
	s6 =	simm.s32 @!p2 $0x0;
	p2 =	por @!p1 p3, p4  }
0x7e: {  	s5 =	ssub.s32 s5, s6;
	p1 =	por p2, p1  }
0x7f: {  	s6 =	simm.s32 @!p1 $0x20;
	s7 =	simm.s32 @!p1 $0x40;
	s8 =	simm.s32 @!p1 $0x8680  }
0x80: {  	[tilespmem:s8], [sflag:$0x3] =	stream.indirect.gather @!p1 [hbm4b:s1+s6], $0x80, s7, s6, $0xb8;
	[tilespmem:$0x14300] =	vst v63  }
0x81: {  	p1 =	slt.s32 s5, $0x1  }
.Ltmp2:
0x82: {  	_ = 	snop;
	(pc) =	sbr.rel @p1 .LBB2_9-.Ltmp2, $2  }
0x83: {  	_ =	sdelay $0x2  }
0x84: {  	s7 =	simm.s32 $0x60  }
0x85: {  	p2 =	sne.s32 s5, $0x1  }
.Ltmp3:
0x86: {  	_ = 	snop;
	(pc) =	sbr.rel @!p2 .LBB2_3-.Ltmp3, $3  }
0x87: {  	_ =	sdelay $0x1  }
0x88: {  	s9 =	simm.s32 $0x5;
	s6 =	simm.s32 $0x0  }
0x89: {  	s8 =	simm.s32 $0x6;
	p3 =	sle.s32 s4, $0x3;
	p1 =	por $0x0, $0x0  }
0x8a: {  	s6 =	simm.s32 @!p3 $0x20;
	s8 =	simm.s32 @!p3 $0x9680  }
0x8b: {  	[tilespmem:s8], [sflag:$0x4] =	stream.indirect.gather @!p3 [hbm4b:s1+s6], $0x80, s7, s6, $0xb8;
	[tilespmem:$0x14300] =	vst v63  }
0x8c: {  	_ =	swait.ge [sflag:s22], $0x1000  }
0x8d: {  	[sflag:s22] =	ssyncset.done $0x0  }
0x8e: {  	[sflag:s22] =	ssyncadd.s32 $0xFFFFF000  }
0x8f: {  	[spmem:s2] =	stream.indirect.scatter.add.f32 [tilespmem:s24], [sflag:$0x5], $0x80, s13, s23, $0xb8;
	[tilespmem:$0x14300] =	vst v63  }
0x90: {  	p1 =	sle.s32 s4, $0x4;
	_ =	swait.ge [sflag:s19], $0x1000  }
0x91: {  	s6 =	simm.s32 @!p1 $0x80;
	[sflag:s19] =	ssyncset.done $0x0  }
0x92: {  	s7 =	simm.s32 @!p1 $0x20;
	s8 =	simm.s32 @!p1 $0x6680;
	[sflag:s19] =	ssyncadd.s32 $0xFFFFF000  }
0x93: {  	[tilespmem:s8], [sflag:$0x1] =	stream.indirect.gather @!p1 [hbm4b:s1+s7], $0x80, s6, s7, $0xb8;
	[tilespmem:$0x14300] =	vst v63  }
0x94: {  	_ =	swait.ge [sflag:s25], $0x1000  }
0x95: {  	[sflag:s25] =	ssyncset.done $0x0  }
0x96: {  	s15 =	simm.s32 $0x3220;
	[sflag:s25] =	ssyncadd.s32 $0xFFFFF000  }
0x97: {  	[spmem:s2] =	stream.indirect.scatter.add.f32 [tilespmem:s26], [sflag:$0x5], $0x80, s15, s23, $0xb8;
	[tilespmem:$0x14300] =	vst v63  }
0x98: {  	p1 =	sle.s32 s4, $0x5;
	_ =	swait.ge [sflag:s19], $0x1000  }
0x99: {  	s6 =	simm.s32 @!p1 $0xA0;
	[sflag:s19] =	ssyncset.done $0x0  }
0x9a: {  	s7 =	simm.s32 @!p1 $0x7680;
	s8 =	simm.s32 @!p1 $0x20;
	[sflag:s19] =	ssyncadd.s32 $0xFFFFF000  }
0x9b: {  	[tilespmem:s7], [sflag:$0x2] =	stream.indirect.gather @!p1 [hbm4b:s1+s8], $0x80, s6, s8, $0xb8;
	[tilespmem:$0x14300] =	vst v63  }
0x9c: {  	_ =	swait.ge [sflag:s28], $0x1000  }
0x9d: {  	s20 =	simm.s32 $0x3240;
	[sflag:s28] =	ssyncset.done $0x0  }
0x9e: {  	s12 =	simm.s32 $0x2;
	p2 =	sne.s32 s5, $0x2;
	[sflag:s28] =	ssyncadd.s32 $0xFFFFF000  }
0x9f: {  	[spmem:s2] =	stream.indirect.scatter.add.f32 [tilespmem:s29], [sflag:$0x5], $0x80, s20, s23, $0xb8;
	[tilespmem:$0x14300] =	vst v63  }
0xa0: {  	s10 =	simm.s32 $0x4;
	p1 =	sle.s32 s4, $0x6;
	_ =	swait.ge [sflag:s19], $0x1000  }
0xa1: {  	s9 =	simm.s32 $0x9;
	s6 =	simm.s32 @!p1 $0xC0;
	[sflag:s19] =	ssyncset.done $0x0  }
0xa2: {  	s7 =	simm.s32 @!p1 $0x8680;
	s8 =	simm.s32 @!p1 $0x20;
	[sflag:s19] =	ssyncadd.s32 $0xFFFFF000  }
0xa3: {  	[tilespmem:s7], [sflag:$0x3] =	stream.indirect.gather @!p1 [hbm4b:s1+s8], $0x80, s6, s8, $0xb8;
	[tilespmem:$0x14300] =	vst v63  }
.Ltmp4:
0xa4: {  	s21 =	simm.s32 $0x3260;
	_ =	swait.ge [sflag:s30], $0x1000;
	(pc) =	sbr.rel @!p2 .LBB2_5-.Ltmp4, $4  }
0xa5: {  	s11 =	simm.s32 $0x3280;
	p3 =	sle.s32 s4, $0x7;
	[sflag:s30] =	ssyncset.done $0x0  }
0xa6: {  	s6 =	simm.s32 $0x80;
	s8 =	simm.s32 $0xA;
	[sflag:s30] =	ssyncadd.s32 $0xFFFFF000  }
0xa7: {  	[spmem:s2] =	stream.indirect.scatter.add.f32 [tilespmem:s31], [sflag:$0x5], $0x80, s21, s23, $0xb8;
	[tilespmem:$0x14300] =	vst v63  }
0xa8: {  	s7 =	simm.s32 $0xE0;
	p1 =	por $0x1, $0x1;
	_ =	swait.ge [sflag:s19], $0x1000  }
.LBB2_6:
0xa9: {  	s13 =	simm.s32 @!p3 $0x20;
	s21 =	simm.s32 @!p3 $0x9680;
	[sflag:s19] =	ssyncset.done $0x0  }
0xaa: {  	s14 =	smov.u32 s12;
	s12 =	sadd.s32 $0x1, s12;
	[sflag:s19] =	ssyncadd.s32 $0xFFFFF000  }
0xab: {  	[tilespmem:s21], [sflag:$0x4] =	stream.indirect.gather @!p3 [hbm4b:s1+s13], $0x80, s7, s13, $0xb8;
	[tilespmem:$0x14300] =	vst v63  }
0xac: {  	p2 =	sne.s32 s5, s12;
	_ =	swait.ge [sflag:s22], $0x1000  }
0xad: {  	[sflag:s22] =	ssyncset.done $0x0  }
0xae: {  	s10 =	sadd.s32 $0x4, s10;
	[sflag:s22] =	ssyncadd.s32 $0xFFFFF000  }
0xaf: {  	[spmem:s2] =	stream.indirect.scatter.add.f32 [tilespmem:s24], [sflag:$0x5], $0x80, s11, s23, $0xb8;
	[tilespmem:$0x14300] =	vst v63  }
0xb0: {  	s13 =	sshra.s32 s10, $0x1F;
	p3 =	sge.s32 s10, s4;
	_ =	swait.ge [sflag:s19], $0x1000  }
0xb1: {  	s21 =	sadd.s32 @!p3 $0x20, s7;
	s15 =	simm.s32 @!p3 $0x20;
	[sflag:s19] =	ssyncset.done $0x0  }
0xb2: {  	s13 =	sadd.s32 s13, s14;
	s14 =	simm.s32 @!p3 $0x6680;
	[sflag:s19] =	ssyncadd.s32 $0xFFFFF000  }
0xb3: {  	[tilespmem:s14], [sflag:$0x1] =	stream.indirect.gather @!p3 [hbm4b:s1+s15], $0x80, s21, s15, $0xb8;
	[tilespmem:$0x14300] =	vst v63  }
0xb4: {  	s13 =	sshll.u32 s13, $0x9;
	s14 =	sadd.s32 $0x5, s10;
	_ =	swait.ge [sflag:s25], $0x1000  }
0xb5: {  	s13 =	sshra.s32 s13, $0x2;
	s15 =	sadd.s32 $0x3220, s6;
	[sflag:s25] =	ssyncset.done $0x0  }
0xb6: {  	s21 =	sadd.s32 $0x6, s10;
	[sflag:s25] =	ssyncadd.s32 $0xFFFFF000  }
0xb7: {  	[spmem:s2] =	stream.indirect.scatter.add.f32 [tilespmem:s26], [sflag:$0x5], $0x80, s15, s23, $0xb8;
	[tilespmem:$0x14300] =	vst v63  }
0xb8: {  	p3 =	sge.s32 s9, s4;
	s9 =	smov.u32 s14;
	_ =	swait.ge [sflag:s19], $0x1000  }
0xb9: {  	s14 =	sadd.s32 @!p3 $0x40, s7;
	s15 =	simm.s32 @!p3 $0x7680;
	[sflag:s19] =	ssyncset.done $0x0  }
0xba: {  	s20 =	simm.s32 @!p3 $0x20;
	[sflag:s19] =	ssyncadd.s32 $0xFFFFF000  }
0xbb: {  	[tilespmem:s15], [sflag:$0x2] =	stream.indirect.gather @!p3 [hbm4b:s1+s20], $0x80, s14, s20, $0xb8;
	[tilespmem:$0x14300] =	vst v63  }
0xbc: {  	_ =	swait.ge [sflag:s28], $0x1000  }
0xbd: {  	s14 =	sadd.s32 $0x3240, s6;
	[sflag:s28] =	ssyncset.done $0x0  }
0xbe: {  	[sflag:s28] =	ssyncadd.s32 $0xFFFFF000  }
0xbf: {  	[spmem:s2] =	stream.indirect.scatter.add.f32 [tilespmem:s29], [sflag:$0x5], $0x80, s14, s23, $0xb8;
	[tilespmem:$0x14300] =	vst v63  }
0xc0: {  	p3 =	sge.s32 s8, s4;
	s8 =	smov.u32 s21;
	_ =	swait.ge [sflag:s19], $0x1000  }
0xc1: {  	s15 =	simm.s32 @!p3 $0x8680;
	s14 =	sadd.s32 @!p3 $0x60, s7;
	[sflag:s19] =	ssyncset.done $0x0  }
0xc2: {  	s20 =	simm.s32 @!p3 $0x20;
	[sflag:s19] =	ssyncadd.s32 $0xFFFFF000  }
0xc3: {  	[tilespmem:s15], [sflag:$0x3] =	stream.indirect.gather @!p3 [hbm4b:s1+s20], $0x80, s14, s20, $0xb8;
	[tilespmem:$0x14300] =	vst v63  }
.Ltmp5:
0xc4: {  	_ =	swait.ge [sflag:s30], $0x1000;
	(pc) =	sbr.rel @p2 .LBB2_6-.Ltmp5, $4  }
0xc5: {  	s14 =	sadd.s32 $0x3260, s6;
	s6 =	smov.u32 s13;
	[sflag:s30] =	ssyncset.done $0x0  }
0xc6: {  	s7 =	sadd.s32 $0x80, s7;
	s13 =	sadd.s32 $0x3, s10;
	[sflag:s30] =	ssyncadd.s32 $0xFFFFF000  }
0xc7: {  	[spmem:s2] =	stream.indirect.scatter.add.f32 [tilespmem:s31], [sflag:$0x5], $0x80, s14, s23, $0xb8;
	[tilespmem:$0x14300] =	vst v63  }
0xc8: {  	s11 =	sadd.s32 $0x80, s11;
	p3 =	sge.s32 s13, s4;
	_ =	swait.ge [sflag:s19], $0x1000  }
0xc9: {  	s13 =	simm.s32 $0x3200  }
.LBB2_8:
0xca: {  	[sflag:s19] =	ssyncset.done @p1 $0x0  }
0xcb: {  	s5 =	simm.s32 @!p3 $0x20;
	s12 =	simm.s32 @!p3 $0x9680;
	[sflag:s19] =	ssyncadd.s32 @p1 $0xFFFFF000  }
0xcc: {  	[tilespmem:s12], [sflag:$0x4] =	stream.indirect.gather @!p3 [hbm4b:s1+s5], $0x80, s7, s5, $0xb8;
	[tilespmem:$0x14300] =	vst v63  }
0xcd: {  	_ =	swait.ge [sflag:s22], $0x1000  }
0xce: {  	[sflag:s22] =	ssyncset.done $0x0  }
0xcf: {  	s14 =	sadd.s32 $0x4, s10;
	[sflag:s22] =	ssyncadd.s32 $0xFFFFF000  }
0xd0: {  	[spmem:s2] =	stream.indirect.scatter.add.f32 [tilespmem:s24], [sflag:$0x5], $0x80, s11, s23, $0xb8;
	[tilespmem:$0x14300] =	vst v63  }
0xd1: {  	p1 =	sge.s32 s14, s4;
	_ =	swait.ge [sflag:s19], $0x1000  }
0xd2: {  	s5 =	sadd.s32 @!p1 $0x20, s7;
	[sflag:s19] =	ssyncset.done $0x0  }
0xd3: {  	s10 =	simm.s32 @!p1 $0x20;
	s11 =	simm.s32 @!p1 $0x6680;
	[sflag:s19] =	ssyncadd.s32 $0xFFFFF000  }
0xd4: {  	[tilespmem:s11], [sflag:$0x1] =	stream.indirect.gather @!p1 [hbm4b:s1+s10], $0x80, s5, s10, $0xb8;
	[tilespmem:$0x14300] =	vst v63  }
0xd5: {  	_ =	swait.ge [sflag:s25], $0x1000  }
0xd6: {  	[sflag:s25] =	ssyncset.done $0x0  }
0xd7: {  	s15 =	sadd.s32 $0x3220, s6;
	[sflag:s25] =	ssyncadd.s32 $0xFFFFF000  }
0xd8: {  	[spmem:s2] =	stream.indirect.scatter.add.f32 [tilespmem:s26], [sflag:$0x5], $0x80, s15, s23, $0xb8;
	[tilespmem:$0x14300] =	vst v63  }
0xd9: {  	p1 =	sge.s32 s9, s4;
	_ =	swait.ge [sflag:s19], $0x1000  }
0xda: {  	s5 =	sadd.s32 @!p1 $0x40, s7;
	[sflag:s19] =	ssyncset.done $0x0  }
0xdb: {  	s9 =	simm.s32 @!p1 $0x7680;
	s10 =	simm.s32 @!p1 $0x20;
	[sflag:s19] =	ssyncadd.s32 $0xFFFFF000  }
0xdc: {  	[tilespmem:s9], [sflag:$0x2] =	stream.indirect.gather @!p1 [hbm4b:s1+s10], $0x80, s5, s10, $0xb8;
	[tilespmem:$0x14300] =	vst v63  }
0xdd: {  	_ =	swait.ge [sflag:s28], $0x1000  }
0xde: {  	[sflag:s28] =	ssyncset.done $0x0  }
0xdf: {  	s20 =	sadd.s32 $0x3240, s6;
	[sflag:s28] =	ssyncadd.s32 $0xFFFFF000  }
0xe0: {  	[spmem:s2] =	stream.indirect.scatter.add.f32 [tilespmem:s29], [sflag:$0x5], $0x80, s20, s23, $0xb8;
	[tilespmem:$0x14300] =	vst v63  }
0xe1: {  	p1 =	sge.s32 s8, s4;
	_ =	swait.ge [sflag:s19], $0x1000  }
0xe2: {  	s4 =	sadd.s32 @!p1 $0x60, s7;
	[sflag:s19] =	ssyncset.done $0x0  }
0xe3: {  	s5 =	simm.s32 @!p1 $0x8680;
	s7 =	simm.s32 @!p1 $0x20;
	[sflag:s19] =	ssyncadd.s32 $0xFFFFF000  }
0xe4: {  	[tilespmem:s5], [sflag:$0x3] =	stream.indirect.gather @!p1 [hbm4b:s1+s7], $0x80, s4, s7, $0xb8;
	[tilespmem:$0x14300] =	vst v63  }
0xe5: {  	_ =	swait.ge [sflag:s30], $0x1000  }
0xe6: {  	[sflag:s30] =	ssyncset.done $0x0  }
0xe7: {  	s21 =	sadd.s32 $0x3260, s6;
	[sflag:s30] =	ssyncadd.s32 $0xFFFFF000  }
0xe8: {  	[spmem:s2] =	stream.indirect.scatter.add.f32 [tilespmem:s31], [sflag:$0x5], $0x80, s21, s23, $0xb8;
	[tilespmem:$0x14300] =	vst v63  }
0xe9: {  	_ =	swait.ge [sflag:s19], $0x1000  }
0xea: {  	[sflag:s19] =	ssyncset.done $0x0  }
0xeb: {  	[sflag:s19] =	ssyncadd.s32 $0xFFFFF000  }
.LBB2_9:
0xec: {  	s4 =	rddreg [dreg:$0xd]  }
0xed: {  	[tilespmem:s3], [sflag:$0x5] =	stream.linear.gather [hbm4b:s4+s3], $0x3200, $0x38;
	[tilespmem:$0x14300] =	vst v63  }
0xee: {  	_ =	swait.ge [sflag:s19], $0x3200  }
0xef: {  	[sflag:s19] =	ssyncset.done $0x0  }
0xf0: {  	s11 =	rddreg [dreg:$0xe];
	[sflag:s19] =	ssyncadd.s32 $0xFFFFCE00  }
0xf1: {  	[tilespmem:s13], [sflag:$0x5] =	stream.linear.gather [hbm4b:s11+s3], $0x3200, $0x38;
	[tilespmem:$0x14300] =	vst v63  }
0xf2: {  	_ =	swait.ge [sflag:s19], $0x3200  }
0xf3: {  	[sflag:s19] =	ssyncset.done $0x0  }
0xf4: {  	s5 =	simm.s32 $0x6600;
	s12 =	rddreg [dreg:$0x7];
	[sflag:s19] =	ssyncadd.s32 $0xFFFFCE00  }
0xf5: {  	[tilespmem:s5], [sflag:$0x5] =	stream.linear.gather [hbm4b:s12+s3], $0x10, $0x38;
	[tilespmem:$0x14300] =	vst v63  }
0xf6: {  	_ =	swait.ge [sflag:s19], $0x10  }
0xf7: {  	[sflag:s19] =	ssyncset.done $0x0  }
0xf8: {  	[sflag:s19] =	ssyncadd.s32 $0xFFFFFFF0  }
0xf9: {  	v0 =	vld [tilespmem:$0x6600];
	_ =	sdelay $0x4  }
0xfa: {  	v0 =	vnsel vm0, $0x0, v0  }
0xfb: {  	(xrf0) =	vadd.scan.msk.s32 $0xffff, v0;
	_ =	sdelay $0x5  }
0xfc: {  	v0, _, _ =	vpop (xrf0)  }
0xfd: {  	(v2sf) =	vpush v0, $0xF;
	_ =	sdelay $0xe  }
0xfe: {  	s14 =	spop (v2sf)  }
0xff: {  	s15 =	sand.u32 $0x1F, s14  }
0x100: {  	s6 =	sshra.s32 s14, $0x1F;
	p2 =	slt.s32 s14, $0x1;
	p1 =	sne.s32 s15, $0x0  }
0x101: {  	s20 =	sshrl.u32 s6, $0x1B;
	p1 =	por !p2, !p1  }
0x102: {  	s7 =	simm.s32 $0x1;
	s4 =	sadd.s32 s20, s14;
	p1 =	por !p1, !p1  }
0x103: {  	s4 =	sshra.s32 s4, $0x5;
	s7 =	simm.s32 @!p1 $0x0  }
0x104: {  	s4 =	ssub.s32 s4, s7  }
0x105: {  	s21 =	sand.u32 $0x7F, s14;
	p1 =	slt.s32 s4, $0x1  }
0x106: {  	p3 =	sne.s32 s21, $0x0;
	s7 =	simm.s32 @!p1 $0x20  }
0x107: {  	s8 =	simm.s32 @!p1 $0x0;
	s9 =	simm.s32 @!p1 $0x6680;
	p4 =	seq.s32 @!p1 s4, $0x1  }
0x108: {  	[tilespmem:s9], [sflag:$0x1] =	stream.indirect.gather @!p1 [hbm4b:s1+s7], $0x80, s8, s7, $0xb8;
	[tilespmem:$0x14300] =	vst v63  }
0x109: {  	s6 =	sshrl.u32 s6, $0x19;
	p2 =	por !p2, !p3;
	p3 =	por p4, p1  }
0x10a: {  	s5 =	sadd.s32 s6, s14;
	s6 =	simm.s32 @!p3 $0x20;
	s7 =	simm.s32 @!p3 $0x7680  }
0x10b: {  	[tilespmem:s7], [sflag:$0x2] =	stream.indirect.gather @!p3 [hbm4b:s1+s6], $0x80, s6, s6, $0xb8;
	[tilespmem:$0x14300] =	vst v63  }
0x10c: {  	p2 =	por !p2, !p2;
	s6 =	simm.s32 $0x1;
	p3 =	slt.u32 @!p3 s4, $0x3  }
0x10d: {  	s5 =	sshra.s32 s5, $0x7;
	s6 =	simm.s32 @!p2 $0x0;
	p2 =	por @!p1 p3, p4  }
0x10e: {  	s5 =	ssub.s32 s5, s6;
	p1 =	por p2, p1  }
0x10f: {  	s6 =	simm.s32 @!p1 $0x20;
	s7 =	simm.s32 @!p1 $0x40;
	s8 =	simm.s32 @!p1 $0x8680  }
0x110: {  	[tilespmem:s8], [sflag:$0x3] =	stream.indirect.gather @!p1 [hbm4b:s1+s6], $0x80, s7, s6, $0xb8;
	[tilespmem:$0x14300] =	vst v63  }
0x111: {  	p1 =	slt.s32 s5, $0x1  }
.Ltmp6:
0x112: {  	_ = 	snop;
	(pc) =	sbr.rel @p1 .LBB2_16-.Ltmp6, $1  }
0x113: {  	_ =	sdelay $0x3  }
0x114: {  	p2 =	sne.s32 s5, $0x1  }
.Ltmp7:
0x115: {  	_ = 	snop;
	(pc) =	sbr.rel @!p2 .LBB2_15-.Ltmp7, $4  }
0x116: {  	_ = 	snop  }
0x117: {  	s11 =	simm.s32 $0x3200;
	s10 =	simm.s32 $0x0  }
0x118: {  	s7 =	simm.s32 $0x60;
	s9 =	simm.s32 $0x5;
	s6 =	simm.s32 $0x0  }
0x119: {  	s8 =	simm.s32 $0x6;
	p3 =	sle.s32 s4, $0x3;
	p1 =	por $0x0, $0x0  }
0x11a: {  	s6 =	simm.s32 @!p3 $0x20;
	s8 =	simm.s32 @!p3 $0x9680  }
0x11b: {  	[tilespmem:s8], [sflag:$0x4] =	stream.indirect.gather @!p3 [hbm4b:s1+s6], $0x80, s7, s6, $0xb8;
	[tilespmem:$0x14300] =	vst v63  }
0x11c: {  	_ =	swait.ge [sflag:s22], $0x1000  }
0x11d: {  	[sflag:s22] =	ssyncset.done $0x0  }
0x11e: {  	[sflag:s22] =	ssyncadd.s32 $0xFFFFF000  }
0x11f: {  	[spmem:s2] =	stream.indirect.scatter.add.f32 [tilespmem:s24], [sflag:$0x5], $0x80, s11, s23, $0xb8;
	[tilespmem:$0x14300] =	vst v63  }
0x120: {  	p1 =	sle.s32 s4, $0x4;
	_ =	swait.ge [sflag:s19], $0x1000  }
0x121: {  	s6 =	simm.s32 @!p1 $0x80;
	[sflag:s19] =	ssyncset.done $0x0  }
0x122: {  	s7 =	simm.s32 @!p1 $0x20;
	s8 =	simm.s32 @!p1 $0x6680;
	[sflag:s19] =	ssyncadd.s32 $0xFFFFF000  }
0x123: {  	[tilespmem:s8], [sflag:$0x1] =	stream.indirect.gather @!p1 [hbm4b:s1+s7], $0x80, s6, s7, $0xb8;
	[tilespmem:$0x14300] =	vst v63  }
0x124: {  	_ =	swait.ge [sflag:s25], $0x1000  }
0x125: {  	[sflag:s25] =	ssyncset.done $0x0  }
0x126: {  	s15 =	simm.s32 $0x3220;
	[sflag:s25] =	ssyncadd.s32 $0xFFFFF000  }
0x127: {  	[spmem:s2] =	stream.indirect.scatter.add.f32 [tilespmem:s26], [sflag:$0x5], $0x80, s15, s23, $0xb8;
	[tilespmem:$0x14300] =	vst v63  }
0x128: {  	p1 =	sle.s32 s4, $0x5;
	_ =	swait.ge [sflag:s19], $0x1000  }
0x129: {  	s6 =	simm.s32 @!p1 $0xA0;
	[sflag:s19] =	ssyncset.done $0x0  }
0x12a: {  	s7 =	simm.s32 @!p1 $0x7680;
	s8 =	simm.s32 @!p1 $0x20;
	[sflag:s19] =	ssyncadd.s32 $0xFFFFF000  }
0x12b: {  	[tilespmem:s7], [sflag:$0x2] =	stream.indirect.gather @!p1 [hbm4b:s1+s8], $0x80, s6, s8, $0xb8;
	[tilespmem:$0x14300] =	vst v63  }
0x12c: {  	_ =	swait.ge [sflag:s28], $0x1000  }
0x12d: {  	s20 =	simm.s32 $0x3240;
	[sflag:s28] =	ssyncset.done $0x0  }
0x12e: {  	s12 =	simm.s32 $0x2;
	p2 =	sne.s32 s5, $0x2;
	[sflag:s28] =	ssyncadd.s32 $0xFFFFF000  }
0x12f: {  	[spmem:s2] =	stream.indirect.scatter.add.f32 [tilespmem:s29], [sflag:$0x5], $0x80, s20, s23, $0xb8;
	[tilespmem:$0x14300] =	vst v63  }
0x130: {  	s10 =	simm.s32 $0x4;
	p1 =	sle.s32 s4, $0x6;
	_ =	swait.ge [sflag:s19], $0x1000  }
0x131: {  	s9 =	simm.s32 $0x9;
	s6 =	simm.s32 @!p1 $0xC0;
	[sflag:s19] =	ssyncset.done $0x0  }
0x132: {  	s7 =	simm.s32 @!p1 $0x8680;
	s8 =	simm.s32 @!p1 $0x20;
	[sflag:s19] =	ssyncadd.s32 $0xFFFFF000  }
0x133: {  	[tilespmem:s7], [sflag:$0x3] =	stream.indirect.gather @!p1 [hbm4b:s1+s8], $0x80, s6, s8, $0xb8;
	[tilespmem:$0x14300] =	vst v63  }
.Ltmp8:
0x134: {  	s21 =	simm.s32 $0x3260;
	_ =	swait.ge [sflag:s30], $0x1000;
	(pc) =	sbr.rel @!p2 .LBB2_12-.Ltmp8, $4  }
0x135: {  	p3 =	sle.s32 s4, $0x7;
	s11 =	simm.s32 $0x3280;
	[sflag:s30] =	ssyncset.done $0x0  }
0x136: {  	s6 =	simm.s32 $0x80;
	s8 =	simm.s32 $0xA;
	[sflag:s30] =	ssyncadd.s32 $0xFFFFF000  }
0x137: {  	[spmem:s2] =	stream.indirect.scatter.add.f32 [tilespmem:s31], [sflag:$0x5], $0x80, s21, s23, $0xb8;
	[tilespmem:$0x14300] =	vst v63  }
0x138: {  	s7 =	simm.s32 $0xE0;
	p1 =	por $0x1, $0x1;
	_ =	swait.ge [sflag:s19], $0x1000  }
.LBB2_13:
0x139: {  	s13 =	simm.s32 @!p3 $0x20;
	s14 =	simm.s32 @!p3 $0x9680;
	[sflag:s19] =	ssyncset.done $0x0  }
0x13a: {  	s15 =	smov.u32 s12;
	s12 =	sadd.s32 $0x1, s12;
	[sflag:s19] =	ssyncadd.s32 $0xFFFFF000  }
0x13b: {  	[tilespmem:s14], [sflag:$0x4] =	stream.indirect.gather @!p3 [hbm4b:s1+s13], $0x80, s7, s13, $0xb8;
	[tilespmem:$0x14300] =	vst v63  }
0x13c: {  	p2 =	sne.s32 s5, s12;
	_ =	swait.ge [sflag:s22], $0x1000  }
0x13d: {  	[sflag:s22] =	ssyncset.done $0x0  }
0x13e: {  	s10 =	sadd.s32 $0x4, s10;
	[sflag:s22] =	ssyncadd.s32 $0xFFFFF000  }
0x13f: {  	[spmem:s2] =	stream.indirect.scatter.add.f32 [tilespmem:s24], [sflag:$0x5], $0x80, s11, s23, $0xb8;
	[tilespmem:$0x14300] =	vst v63  }
0x140: {  	s13 =	sshra.s32 s10, $0x1F;
	p3 =	sge.s32 s10, s4;
	_ =	swait.ge [sflag:s19], $0x1000  }
0x141: {  	s14 =	sadd.s32 @!p3 $0x20, s7;
	s20 =	simm.s32 @!p3 $0x20;
	[sflag:s19] =	ssyncset.done $0x0  }
0x142: {  	s13 =	sadd.s32 s13, s15;
	s15 =	simm.s32 @!p3 $0x6680;
	[sflag:s19] =	ssyncadd.s32 $0xFFFFF000  }
0x143: {  	[tilespmem:s15], [sflag:$0x1] =	stream.indirect.gather @!p3 [hbm4b:s1+s20], $0x80, s14, s20, $0xb8;
	[tilespmem:$0x14300] =	vst v63  }
0x144: {  	s13 =	sshll.u32 s13, $0x9;
	s14 =	sadd.s32 $0x5, s10;
	_ =	swait.ge [sflag:s25], $0x1000  }
0x145: {  	s13 =	sshra.s32 s13, $0x2;
	s15 =	sadd.s32 $0x3220, s6;
	[sflag:s25] =	ssyncset.done $0x0  }
0x146: {  	s20 =	sadd.s32 $0x6, s10;
	[sflag:s25] =	ssyncadd.s32 $0xFFFFF000  }
0x147: {  	[spmem:s2] =	stream.indirect.scatter.add.f32 [tilespmem:s26], [sflag:$0x5], $0x80, s15, s23, $0xb8;
	[tilespmem:$0x14300] =	vst v63  }
0x148: {  	p3 =	sge.s32 s9, s4;
	s9 =	smov.u32 s14;
	_ =	swait.ge [sflag:s19], $0x1000  }
0x149: {  	s14 =	sadd.s32 @!p3 $0x40, s7;
	s15 =	simm.s32 @!p3 $0x7680;
	[sflag:s19] =	ssyncset.done $0x0  }
0x14a: {  	s21 =	simm.s32 @!p3 $0x20;
	[sflag:s19] =	ssyncadd.s32 $0xFFFFF000  }
0x14b: {  	[tilespmem:s15], [sflag:$0x2] =	stream.indirect.gather @!p3 [hbm4b:s1+s21], $0x80, s14, s21, $0xb8;
	[tilespmem:$0x14300] =	vst v63  }
0x14c: {  	_ =	swait.ge [sflag:s28], $0x1000  }
0x14d: {  	s14 =	sadd.s32 $0x3240, s6;
	[sflag:s28] =	ssyncset.done $0x0  }
0x14e: {  	[sflag:s28] =	ssyncadd.s32 $0xFFFFF000  }
0x14f: {  	[spmem:s2] =	stream.indirect.scatter.add.f32 [tilespmem:s29], [sflag:$0x5], $0x80, s14, s23, $0xb8;
	[tilespmem:$0x14300] =	vst v63  }
0x150: {  	p3 =	sge.s32 s8, s4;
	s8 =	smov.u32 s20;
	_ =	swait.ge [sflag:s19], $0x1000  }
0x151: {  	s15 =	simm.s32 @!p3 $0x8680;
	s14 =	sadd.s32 @!p3 $0x60, s7;
	[sflag:s19] =	ssyncset.done $0x0  }
0x152: {  	s20 =	simm.s32 @!p3 $0x20;
	[sflag:s19] =	ssyncadd.s32 $0xFFFFF000  }
0x153: {  	[tilespmem:s15], [sflag:$0x3] =	stream.indirect.gather @!p3 [hbm4b:s1+s20], $0x80, s14, s20, $0xb8;
	[tilespmem:$0x14300] =	vst v63  }
.Ltmp9:
0x154: {  	_ =	swait.ge [sflag:s30], $0x1000;
	(pc) =	sbr.rel @p2 .LBB2_13-.Ltmp9, $4  }
0x155: {  	s14 =	sadd.s32 $0x3260, s6;
	s6 =	smov.u32 s13;
	[sflag:s30] =	ssyncset.done $0x0  }
0x156: {  	s7 =	sadd.s32 $0x80, s7;
	s13 =	sadd.s32 $0x3, s10;
	[sflag:s30] =	ssyncadd.s32 $0xFFFFF000  }
0x157: {  	[spmem:s2] =	stream.indirect.scatter.add.f32 [tilespmem:s31], [sflag:$0x5], $0x80, s14, s23, $0xb8;
	[tilespmem:$0x14300] =	vst v63  }
0x158: {  	s11 =	sadd.s32 $0x80, s11;
	p3 =	sge.s32 s13, s4;
	_ =	swait.ge [sflag:s19], $0x1000  }
.Ltmp10:
0x159: {  	(pc) =	sbr.rel .LBB2_15-.Ltmp10, $2  }
0x15a: {  	_ =	sdelay $0x2  }
0x15b: {  	s13 =	simm.s32 $0x3200  }
.LBB2_3:
.Ltmp11:
0x15c: {  	(pc) =	sbr.rel .LBB2_8-.Ltmp11, $2  }
0x15d: {  	_ =	sdelay $0x2  }
0x15e: {  	s10 =	simm.s32 $0x0;
	s11 =	simm.s32 $0x3200  }
.LBB2_5:
.Ltmp12:
0x15f: {  	(pc) =	sbr.rel .LBB2_8-.Ltmp12, $2  }
0x160: {  	_ =	sdelay $0x2  }
0x161: {  	s13 =	simm.s32 $0x3200  }
.LBB2_17:
0x162: {  	_ =	sfence.sel $0x180000  }
0x163: {  	[bflag:$0x0] =	sbarrier.arrive $0xFFFF  }
0x164: {  	_ =	strace $0x9000004D  }
0x165: {  	s0 =	stileid.u32;
	[bflag:$0x2] =	sbarrier.arrive $0xFFFF  }
0x166: {  	p0 =	sne.s32 s0, $0x0;
	s0 =	rddreg [dreg:$0x3]  }
0x167: {  	s0 =	sadd.s32 @!p0 $0x100000, s0  }
0x168: {  	[sflag:s0] =	ssyncadd.tile.s32 @!p0 $0x1;
	_ =	shalt  }
.Lfunc_end2:
_tile_overlayer_lowered:
.L_overlay_start_2:
0x169: {  	(tag) =	ssettag $0x2  }
0x16a: {  	s0 =	rddreg [dreg:$0x0];
	s2 =	stileid.u32  }
0x16b: {  	s1 =	rddreg [dreg:$0x1];
	p0 =	sne.s32 s2, $0x0  }
0x16c: {  	s3 =	rddreg [dreg:$0x2];
	[bflag:$0x3] =	sbarrier.arrive $0xFFFF;
	s2 =	simm.s32 @!p0 $0x1C05  }
0x16d: {  	[timem:s3], [sflag:s2] =	dma.local @!p0 [hbm:s0], s1  }
0x16e: {  	s0 =	simm.s32 @!p0 $0x5  }
0x16f: {  	_ =	swait.ge @!p0 [sflag:s0], s1  }
0x170: {  	s1 =	ssub.s32 @!p0 $0x0, s1;
	[sflag:s0] =	ssyncset.done @!p0 $0x0  }
0x171: {  	[sflag:s0] =	ssyncadd.s32 @!p0 s1  }
0x172: {  	[bflag:$0x3] =	sbarrier.arrive $0xFFFF  }
0x173: {  	_ =	shalt  }

// kernel: kernel.8.cloned.1.call-start
scs
__scs_entry_jumppad:
0x0: {  	(pc) =	sbr.rel $0x88, $3  }
0x1: {  	(tag) =	ssettag $0x0;
	lr =	simm.s32 $0x1  }
0x2: {  	[smem:$0x3F97] =	sst lr;
	_ =	strace $0xD0000000  }
0x3: {  	_ = 	snop  }
0x4: {  	_ = 	snop  }
0x5: {  	_ = 	snop  }
0x6: {  	_ = 	snop  }
0x7: {  	_ = 	snop  }
__scs_overlays_trampoline_lowered:
0x8: {  	[smem:$0x3FA6] =	sst s0  }
0x9: {  	[smem:$0x3FA7] =	sst s1  }
0xa: {  	[smem:$0x3FA8] =	sst s2  }
0xb: {  	[smem:$0x3FA9] =	sst s3  }
0xc: {  	[smem:$0x3FAA] =	sst s4  }
0xd: {  	[smem:$0x3FAB] =	sst s5  }
0xe: {  	[smem:$0x3FAC] =	sst s6  }
0xf: {  	[smem:$0x3FAD] =	sst s7  }
0x10: {  	[smem:$0x3FAE] =	sst s8  }
0x11: {  	[smem:$0x3FAF] =	sst s9;
	s0 =	simm.s32 @!p0 $0x0  }
0x12: {  	s1 =	sld [smem:$0x3F95];
	s0 =	simm.s32 @p0 $0x1  }
0x13: {  	[smem:$0x3FB0] =	sst s0;
	s0 =	simm.s32 @!p1 $0x0  }
0x14: {  	s2 =	sld [smem:$0x3F94];
	s0 =	simm.s32 @p1 $0x1  }
0x15: {  	[smem:$0x3FB1] =	sst s0;
	s0 =	simm.s32 @!p2 $0x0  }
0x16: {  	s3 =	sld [smem:$0x3FDB];
	s0 =	simm.s32 @p2 $0x1  }
0x17: {  	s4 =	simm.s32 $0x1BF5;
	[smem:$0x3FB3] =	sst s0  }
0x18: {  	s0 =	sld [smem:$0x3F96];
	_ =	swait.ge [sflag:s4], $0x0  }
0x19: {  	s7 =	sld [smem:$0x3F97]  }
0x1a: {  	s8 =	sadd.s32 $0xFFFFE003, lr  }
0x1b: {  	s9 =	sadd.s32 $0xFFFFFEF7, lr;
	s5 =	simm.s32 $0xFFFFFFFF;
	p2 =	slt.u32 s8, $0xFFFFF086  }
0x1c: {  	p1 =	slt.u32 s9, $0xF7A;
	s5 =	simm.s32 @!p2 $0x0  }
0x1d: {  	s5 =	simm.s32 @p1 $0x1;
	p0 =	seq.s32 s7, s2  }
0x1e: {  	s7 =	smul.u32 @!p0 $0xF7A, s2;
	p2 =	seq.s32 @!p0 s5, $0x0  }
0x1f: {  	s9 =	smul.u32 $0xF7A, s1;
	s8 =	simm.s32 @!p0 $0x1BF5;
	p2 =	por !p2, p0  }
0x20: {  	[sflag:s8] =	ssyncset.s32 @!p0 $0xFFFFF086;
	s6 =	sadd.s32 @!p0 s3, s7;
	s7 =	simm.s32 @!p0 $0x108  }
0x21: {  	s3 =	sadd.s32 s3, s9;
	s6 =	sadd.s32 @!p0 $0x88, s6;
	s7 =	simm.s32 @p2 $0x1082  }
0x22: {  	[simem:s7], [sflag:s8] =	dma.local @!p0 [hbm:s6], $0xF7A  }
0x23: {  	s9 =	sor.u32 $0xD0000000, s2;
	s6 =	simm.s32 $0x108;
	_ =	swait.ge @!p0 [sflag:s8], $0x0  }
0x24: {  	s3 =	sadd.s32 $0x88, s3;
	s6 =	simm.s32 @!p1 $0x1082;
	[sflag:s4] =	ssyncset.s32 $0xFFFFF086  }
0x25: {  	[simem:s6], [sflag:s4] =	dma.local [hbm:s3], $0xF7A  }
0x26: {  	[smem:$0x3F97] =	sst s1;
	(tag) =	ssettag s2;
	_ =	strace s9  }
0x27: {  	s1 =	sld [smem:$0x3FA7]  }
0x28: {  	s2 =	sld [smem:$0x3FA8]  }
0x29: {  	s4 =	sld [smem:$0x3FAA]  }
0x2a: {  	p0 =	seq.s32 s5, $0x0;
	s5 =	sld [smem:$0x3FAB]  }
0x2b: {  	s6 =	sld [smem:$0x3FAC]  }
0x2c: {  	s7 =	sld [smem:$0x3FAD]  }
0x2d: {  	s3 =	simm.s32 $0x108;
	s8 =	sld [smem:$0x3FAE]  }
0x2e: {  	s3 =	simm.s32 @!p0 $0x1082;
	s9 =	sld [smem:$0x3FAF]  }
0x2f: {  	lr =	sadd.s32 s0, s3;
	s0 =	sld [smem:$0x3FA6]  }
0x30: {  	s3 =	sld [smem:$0x3FA9]  }
0x31: {  	[smem:$0x3FB2] =	sst s10  }
0x32: {  	s10 =	sld [smem:$0x3FB0];
	_ =	sdelay $0x3  }
0x33: {  	p0 =	seq.s32 s10, $0x1;
	s10 =	sld [smem:$0x3FB2];
	_ =	sdelay $0x3  }
0x34: {  	[smem:$0x3FB2] =	sst s10  }
0x35: {  	s10 =	sld [smem:$0x3FB1];
	_ =	sdelay $0x3  }
0x36: {  	p1 =	seq.s32 s10, $0x1;
	s10 =	sld [smem:$0x3FB2];
	_ =	sdelay $0x3  }
0x37: {  	[smem:$0x3FB2] =	sst s10  }
0x38: {  	s10 =	sld [smem:$0x3FB3]  }
0x39: {  	_ = 	snop;
	(pc) =	sbr.ind lr, $3  }
0x3a: {  	_ = 	snop  }
0x3b: {  	_ = 	snop  }
0x3c: {  	p2 =	seq.s32 s10, $0x1;
	s10 =	sld [smem:$0x3FB2]  }
0x3d: {  	_ =	shalt  }
0x3e: {  	_ =	shalt  }
0x3f: {  	_ =	shalt  }
0x40: {  	_ =	shalt  }
0x41: {  	_ =	shalt  }
0x42: {  	_ =	shalt  }
0x43: {  	_ =	shalt  }
0x44: {  	_ =	shalt  }
0x45: {  	_ =	shalt  }
0x46: {  	_ =	shalt  }
0x47: {  	_ =	shalt  }
0x48: {  	_ =	shalt  }
0x49: {  	_ =	shalt  }
0x4a: {  	_ =	shalt  }
0x4b: {  	_ =	shalt  }
0x4c: {  	_ =	shalt  }
0x4d: {  	_ =	shalt  }
0x4e: {  	_ =	shalt  }
0x4f: {  	_ =	shalt  }
0x50: {  	_ =	shalt  }
0x51: {  	_ =	shalt  }
0x52: {  	_ =	shalt  }
0x53: {  	_ =	shalt  }
0x54: {  	_ =	shalt  }
0x55: {  	_ =	shalt  }
0x56: {  	_ =	shalt  }
0x57: {  	_ =	shalt  }
0x58: {  	_ =	shalt  }
0x59: {  	_ =	shalt  }
0x5a: {  	_ =	shalt  }
0x5b: {  	_ =	shalt  }
0x5c: {  	_ =	shalt  }
0x5d: {  	_ =	shalt  }
0x5e: {  	_ =	shalt  }
0x5f: {  	_ =	shalt  }
0x60: {  	_ =	shalt  }
0x61: {  	_ =	shalt  }
0x62: {  	_ =	shalt  }
0x63: {  	_ =	shalt  }
0x64: {  	_ =	shalt  }
0x65: {  	_ =	shalt  }
0x66: {  	_ =	shalt  }
0x67: {  	_ =	shalt  }
0x68: {  	_ =	shalt  }
0x69: {  	_ =	shalt  }
0x6a: {  	_ =	shalt  }
0x6b: {  	_ =	shalt  }
0x6c: {  	_ =	shalt  }
0x6d: {  	_ =	shalt  }
0x6e: {  	_ =	shalt  }
0x6f: {  	_ =	shalt  }
0x70: {  	_ =	shalt  }
0x71: {  	_ =	shalt  }
0x72: {  	_ =	shalt  }
0x73: {  	_ =	shalt  }
0x74: {  	_ =	shalt  }
0x75: {  	_ =	shalt  }
0x76: {  	_ =	shalt  }
0x77: {  	_ =	shalt  }
0x78: {  	_ =	shalt  }
0x79: {  	_ =	shalt  }
0x7a: {  	_ =	shalt  }
0x7b: {  	_ =	shalt  }
0x7c: {  	_ =	shalt  }
0x7d: {  	_ =	shalt  }
0x7e: {  	_ =	shalt  }
0x7f: {  	_ =	shalt  }
0x80: {  	_ =	shalt  }
0x81: {  	_ =	shalt  }
0x82: {  	_ =	shalt  }
0x83: {  	_ =	shalt  }
0x84: {  	_ =	shalt  }
0x85: {  	_ =	shalt  }
0x86: {  	_ =	shalt  }
0x87: {  	_ =	shalt  }
.Lfunc_end0:
.L_simem_size_0:
called_computation_lowered:
.L_overlay_start_0:
0x88: {  	s2 =	sld [smem:$0x3FD9]  }
0x89: {  	s3 =	sld [smem:$0x3FFE];
	_ =	sdelay $0x1  }
0x8a: {  	s1 =	srdreg.scid  }
0x8b: {  	s0 =	sand.u32 $0x1, s1  }
0x8c: {  	s16 =	sshll.u32 s0, $0xA;
	s2 =	sadd.s32 s3, s2  }
0x8d: {  	s2 =	sadd.s32 s2, s16  }
0x8e: {  	[smem:$0x3FBE] =	sst s2  }
0x8f: {  	_ = 	snop  }
0x90: {  	(tm) =	ssettm $0x1  }
0x91: {  	s17 =	sld [smem:$0x3FFB];
	_ =	sdelay $0x3  }
0x92: {  	_ =	strace s17  }
0x93: {  	s2 =	sld [smem:$0x3FFC];
	_ =	sdelay $0x3  }
0x94: {  	_ =	strace s2  }
0x95: {  	s2 =	sld [smem:$0x3FFD];
	_ =	sdelay $0x3  }
0x96: {  	_ =	strace s2  }
0x97: {  	_ =	strace $0x8FFFFFFF  }
0x98: {  	s18 =	sld [smem:$0x3FDB];
	_ =	sdelay $0x1  }
0x99: {  	s19 =	simm.s32 $_scs_section_size  }
0x9a: {  	s4 =	simm.s32 $_size__tile_overlayer_lowered;
	s5 =	simm.s32 $_tile_overlayer_lowered  }
0x9b: {  	s22 =	simm.s32 $0x1BFF;
	s21 =	sshll.u32 s5, $0x1;
	s2 =	sadd.s32 s19, s18  }
0x9c: {  	s6 =	simm.s32 $0x0;
	s20 =	sshll.u32 s4, $0x1;
	s4 =	sadd.s32 s21, s2  }
0x9d: {  	[timem:s6], [sflag:s22] =	dma.local [hbm:s4], s20  }
0x9e: {  	_ =	swait.ge [sflag:s22], s20  }
0x9f: {  	s3 =	ssub.s32 $0x0, s20;
	[sflag:s22] =	ssyncset.done $0x0  }
0xa0: {  	[sflag:s22] =	ssyncadd.s32 s3;
	_ =	sdelay $0x1  }
0xa1: {  	s23 =	simm.s32 $0x1B8B  }
0xa2: {  	_ =	swait.ge [sflag:s23], $0x1  }
0xa3: {  	[sflag:s23] =	ssyncset.done $0x0  }
0xa4: {  	s25 =	simm.s32 $0x1B8E;
	s24 =	sld [smem:$0x3FFE];
	[sflag:s23] =	ssyncadd.s32 $0xFFFFFFFF  }
0xa5: {  	s26 =	simm.s32 $execute0_lowered;
	[smem:$0x3FD2] =	sst s25  }
0xa6: {  	s4 =	sshll.u32 s26, $0x1;
	_ =	strace $0x80000046;
	[dreg:$0x1] =	wrdreg $0xFFFFFFFF  }
0xa7: {  	s28 =	simm.s32 $_size_execute0_lowered;
	s2 =	sadd.s32 s2, s4;
	[dreg:$0x0] =	wrdreg $0x0  }
0xa8: {  	s4 =	sshll.u32 s28, $0x1;
	[dreg:$0x2] =	wrdreg s2  }
0xa9: {  	[dreg:$0x3] =	wrdreg s4  }
0xaa: {  	[dreg:$0x4] =	wrdreg $0xC0  }
0xab: {  	_ =	task [dreg:s6], $0x5FFFF  }
0xac: {  	[dreg:$0x1] =	wrdreg $0xFFFFFFFF  }
0xad: {  	[dreg:$0x0] =	wrdreg $0x60  }
0xae: {  	[dreg:$0x2] =	wrdreg s24  }
0xaf: {  	[dreg:$0x3] =	wrdreg $0x9  }
0xb0: {  	_ =	task.clear_ibuf [dreg:s6], $0x4FFFF;
	_ =	strace $0x90000046  }
0xb1: {  	s29 =	simm.s32 $0x9;
	_ =	strace $0x80000048  }
0xb2: {  	_ =	swait.ge [sflag:s29], $0x1  }
0xb3: {  	[sflag:s29] =	ssyncadd.s32 $0xFFFFFFFF  }
0xb4: {  	_ =	strace $0x90000048  }
0xb5: {  	_ =	sfence  }
0xb6: {  	s30 =	sld [smem:$0x0];
	_ =	sdelay $0x2  }
0xb7: {  	s31 =	sshll.u32 s1, $0xD;
	s1 =	sshrl.u32 s1, $0x2  }
0xb8: {  	s3 =	sand.u32 $0x4000, s31;
	s1 =	sadd.s32 s1, s30  }
0xb9: {  	s0 =	sor.u32 s3, s0;
	s1 =	sshll.u32 s1, $0x11  }
0xba: {  	s0 =	sor.u32 s1, s0  }
0xbb: {  	s0 =	sadd.s32 $0x8F2B, s0  }
0xbc: {  	[sflag:s0] =	ssyncadd.remote.s32 $0x1  }
0xbd: {  	_ =	sfence.sel $0xFFFF  }
0xbe: {  	[dreg:$0x0] =	wrdreg $0xFFFFFFFF;
	(pc) =	sbr.abs _section_cstart, $3  }
0xbf: {  	[dreg:$0x1] =	wrdreg $0xFFFFFFFF  }
0xc0: {  	_ =	task.clear_ibuf [dreg:s6], $0x2FFFF;
	_ =	strace $0x9FFFFFFF  }
0xc1: {  	(tm) =	ssettm $0x7FFFFFFF  }
tec
execute0_lowered:
.L_overlay_start_1:
0x0: {  	(tag) =	ssettag $0x1  }
0x1: {  	s0 =	srdreg.scid;
	s4 =	rddreg [dreg:$0x0]  }
0x2: {  	s2 =	simm.s32 $0x0;
	s11 =	simm.s32 $0x1;
	s12 =	simm.s32 $0x5000  }
0x3: {  	s13 =	simm.s32 $0xA000;
	s14 =	simm.s32 $0xD200;
	s15 =	simm.s32 $0x10400  }
0x4: {  	s16 =	simm.s32 $0x13600;
	s17 =	simm.s32 $0x16800;
	s3 =	sand.u32 $0x1, s0  }
0x5: {  	s18 =	simm.s32 $0x0;
	s0 =	stileid.u32;
	s1 =	sshll.u32 s3, $0x4  }
0x6: {  	[smem:$0x7FF] =	sst s2;
	s3 =	ssub.s32 $0x2, s3;
	s5 =	sor.u32 s0, s1  }
0x7: {  	s1 =	rddreg [dreg:$0x1];
	s31 =	sshrl.u32 s3, $0x1;
	s6 =	smul.u32 $0xA00, s5  }
0x8: {  	s7 =	smul.u32 $0x640, s5;
	s5 =	sshll.u32 s5, $0x1;
	s10 =	ssub.s32 s3, s31  }
0x9: {  	_ =	strace $0x80000047;
	s9 =	sadd.s32 s5, s4;
	s10 =	smax.u32 s10, $0x1  }
0xa: {  	s6 =	sadd.s32 s6, s4;
	s8 =	sadd.s32 s7, s4;
	s9 =	sadd.s32 $0x5D000, s9  }
0xb: {  	v0 =	vimm.s32 $0x0;
	s3 =	sadd.s32 $0x17000, s6;
	s4 =	sadd.s32 $0x3000, s6;
	s5 =	sadd.s32 $0x44000, s8  }
0xc: {  	v1 =	vimm.s32 $0x1388;
	vm0 =	vcmask $0x300;
	vm1 =	vcmask $0x704;
	s6 =	sadd.s32 $0x2B000, s8;
	s7 =	sadd.s32 $0x50800, s8;
	s8 =	sadd.s32 $0x37800, s8  }
.LBB2_1:
0xd: {  	[tilespmem:s2], [sflag:$0x1] =	stream.linear.gather [hbm4b:s3+s2], $0x5000, $0x38;
	[tilespmem:$0x16880] =	vst v63  }
0xe: {  	_ =	swait.ge [sflag:s11], $0x5000  }
0xf: {  	[sflag:s11] =	ssyncset.done $0x0  }
0x10: {  	[sflag:s11] =	ssyncadd.s32 $0xFFFFB000  }
0x11: {  	[tilespmem:s12], [sflag:$0x1] =	stream.linear.gather [hbm4b:s4+s2], $0x5000, $0x38;
	[tilespmem:$0x16880] =	vst v63  }
0x12: {  	_ =	swait.ge [sflag:s11], $0x5000  }
0x13: {  	[sflag:s11] =	ssyncset.done $0x0  }
0x14: {  	s19 =	simm.s32 $0x0;
	[sflag:s11] =	ssyncadd.s32 $0xFFFFB000  }
0x15: {  	v2 =	vld [tilespmem:s19+$0x5000];
	_ =	sdelay $0x4  }
0x16: {  	vm2 =	vlt.u32 v2, $0x1388  }
0x17: {  	vm3 =	vgt.s32 v2, $0x1387;
	v3 =	vsel vm2, $0x1, v0  }
0x18: {  	v4 =	vsel vm3, $0x1, v0;
	(xrf0) =	vadd.scan.msk.s32 $0xffff, v3  }
0x19: {  	(xrf0) =	vadd.scan.msk.s32 $0xffff, v4;
	_ =	sdelay $0x1  }
0x1a: {  	v3 =	vmov s2  }
0x1b: {  	v3 =	vadd.s32 $0xFFFFFFFF, v3  }
0x1c: {  	v3 =	vbroadcast v3, $0x0  }
0x1d: {  	v4, _, _ =	vpop (xrf0)  }
0x1e: {  	v5 =	vadd.s32 v4, v3;
	v6, _, _ =	vpop (xrf0);
	(v2sf) =	vpush v4, $0xF  }
0x1f: {  	v4 =	vld [tilespmem:s19+$0x0];
	v5 =	vnsel vm2, $0x31FF, v5;
	(v2sf) =	vpush v6, $0xF  }
0x20: {  	v3 =	vadd.s32 v6, v3  }
0x21: {  	v3 =	vnsel vm3, $0x31FF, v3;
	_ =	sdelay $0x2  }
0x22: {  	[tilespmem:v5+s13+$0x0] =	vst.idx.msk $0xffff, v4  }
0x23: {  	[tilespmem:v5+s14+$0x0] =	vst.idx.msk $0xffff, v2  }
0x24: {  	v2 =	vadd.s32 $0xFFFFEC78, v2;
	[tilespmem:v3+s15+$0x0] =	vst.idx.msk $0xffff, v4  }
0x25: {  	s21 =	simm.s32 $0x10;
	[tilespmem:v3+s16+$0x0] =	vst.idx.msk $0xffff, v2  }
0x26: {  	v2 =	vld [tilespmem:s21+$0x5000];
	_ =	sdelay $0x4  }
0x27: {  	vm3 =	vlt.u32 v2, $0x1388;
	s30 =	spop (v2sf)  }
0x28: {  	vm2 =	vgt.s32 v2, $0x1387;
	v4 =	vsel vm3, $0x1, v0;
	s20 =	sadd.s32 $0x0, s30;
	s31 =	spop (v2sf)  }
0x29: {  	s22 =	simm.s32 $0x80;
	v3 =	vsel vm2, $0x1, v0;
	(xrf0) =	vadd.scan.msk.s32 $0xffff, v4;
	p1 =	slt.s32 s20, $0x3100;
	s19 =	sadd.s32 $0x0, s31  }
.LBB2_2:
0x2a: {  	s20 =	simm.s32 @!p1 $0x3100  }
0x2b: {  	(xrf0) =	vadd.scan.msk.s32 $0xffff, v3;
	p1 =	slt.s32 s19, $0x3100;
	s23 =	smov.u32 s22;
	s24 =	sadd.s32 $0x40, s22  }
0x2c: {  	p0 =	sne.s32 s22, $0x13FC0;
	v3 =	vmov s20;
	s19 =	simm.s32 @!p1 $0x3100  }
0x2d: {  	v3 =	vadd.s32 $0xFFFFFFFF, v3;
	v4 =	vmov s19  }
0x2e: {  	v4 =	vadd.s32 $0xFFFFFFFF, v4  }
0x2f: {  	v3 =	vbroadcast v3, $0x0  }
0x30: {  	v4 =	vbroadcast v4, $0x0;
	v5, _, _ =	vpop (xrf0)  }
0x31: {  	v3 =	vadd.s32 v5, v3;
	v6, _, _ =	vpop (xrf0);
	(v2sf) =	vpush v5, $0xF  }
0x32: {  	v5 =	vld [tilespmem:s21+$0x0];
	v3 =	vnsel vm3, $0x31FF, v3;
	v4 =	vadd.s32 v6, v4;
	(v2sf) =	vpush v6, $0xF;
	_ =	sdelay $0x1  }
0x33: {  	v4 =	vnsel vm2, $0x31FF, v4;
	_ =	sdelay $0x2  }
0x34: {  	[tilespmem:v3+s13+$0x0] =	vst.idx.msk $0xffff, v5  }
0x35: {  	[tilespmem:v3+s14+$0x0] =	vst.idx.msk $0xffff, v2  }
0x36: {  	v2 =	vadd.s32 $0xFFFFEC78, v2;
	[tilespmem:v4+s15+$0x0] =	vst.idx.msk $0xffff, v5  }
0x37: {  	s21 =	sshra.s32 s23, $0x2;
	[tilespmem:v4+s16+$0x0] =	vst.idx.msk $0xffff, v2  }
0x38: {  	v2 =	vld [tilespmem:s21+$0x5000];
	_ =	sdelay $0x2  }
.Ltmp0:
0x39: {  	(pc) =	sbr.rel @p0 .LBB2_2-.Ltmp0, $4  }
0x3a: {  	_ = 	snop  }
0x3b: {  	vm3 =	vlt.u32 v2, $0x1388;
	vm2 =	vgt.s32 v2, $0x1387;
	s22 =	spop (v2sf)  }
0x3c: {  	v4 =	vsel vm3, $0x1, v0;
	v3 =	vsel vm2, $0x1, v0;
	s20 =	sadd.s32 s20, s22;
	s22 =	spop (v2sf)  }
0x3d: {  	(xrf0) =	vadd.scan.msk.s32 $0xffff, v4;
	p1 =	slt.s32 s20, $0x3100;
	s19 =	sadd.s32 s19, s22;
	s22 =	smov.u32 s24  }
0x3e: {  	_ = 	snop  }
0x3f: {  	(xrf0) =	vadd.scan.msk.s32 $0xffff, v3;
	_ =	sdelay $0x3  }
0x40: {  	v3, _, _ =	vpop (xrf0)  }
0x41: {  	(v2sf) =	vpush v3, $0xF  }
0x42: {  	v4, _, _ =	vpop (xrf0)  }
0x43: {  	(v2sf) =	vpush v4, $0xF;
	_ =	sdelay $0x1  }
0x44: {  	s20 =	simm.s32 @!p1 $0x3100  }
0x45: {  	p0 =	slt.s32 s19, $0x3100;
	v5 =	vmov s20  }
0x46: {  	s19 =	simm.s32 @!p0 $0x3100;
	v5 =	vadd.s32 $0xFFFFFFFF, v5  }
0x47: {  	v6 =	vmov s19;
	v5 =	vbroadcast v5, $0x0  }
0x48: {  	v6 =	vadd.s32 $0xFFFFFFFF, v6  }
0x49: {  	v6 =	vbroadcast v6, $0x0;
	v3 =	vadd.s32 v3, v5  }
0x4a: {  	v63 =	vld [tilespmem:s21+$0x0];
	v3 =	vnsel vm3, $0x31FF, v3  }
0x4b: {  	v4 =	vadd.s32 v4, v6  }
0x4c: {  	v4 =	vnsel vm2, $0x31FF, v4;
	_ =	sdelay $0x2  }
0x4d: {  	[tilespmem:v3+s13+$0x0] =	vst.idx.msk $0xffff, v63;
	s24 =	spop (v2sf)  }
0x4e: {  	[tilespmem:v3+s14+$0x0] =	vst.idx.msk $0xffff, v2;
	s20 =	sadd.s32 s20, s24  }
0x4f: {  	v2 =	vadd.s32 $0xFFFFEC78, v2;
	[tilespmem:v4+s15+$0x0] =	vst.idx.msk $0xffff, v63;
	s25 =	spop (v2sf);
	p0 =	slt.s32 s20, $0x3100;
	s22 =	smov.u32 s20  }
0x50: {  	[tilespmem:v4+s16+$0x0] =	vst.idx.msk $0xffff, v2;
	s21 =	sadd.s32 s19, s25;
	s22 =	simm.s32 @!p0 $0x3100  }
0x51: {  	p0 =	slt.s32 s21, $0x3100;
	s19 =	smov.u32 s21;
	[tilespmem:s22+$0xA000] =	vst v0  }
0x52: {  	s19 =	simm.s32 @!p0 $0x3100;
	[tilespmem:s22+$0xD200] =	vst v1  }
0x53: {  	[tilespmem:s19+$0x10400] =	vst v0  }
0x54: {  	[tilespmem:s19+$0x13600] =	vst v1  }
0x55: {  	[tilespmem:s22+$0xA010] =	vst v0  }
0x56: {  	[tilespmem:s22+$0xD210] =	vst v1  }
0x57: {  	[tilespmem:s19+$0x10410] =	vst v0  }
0x58: {  	[tilespmem:s19+$0x13610] =	vst v1  }
0x59: {  	[tilespmem:s22+$0xA020] =	vst v0  }
0x5a: {  	[tilespmem:s22+$0xD220] =	vst v1  }
0x5b: {  	[tilespmem:s19+$0x10420] =	vst v0  }
0x5c: {  	[tilespmem:s19+$0x13620] =	vst v1  }
0x5d: {  	[tilespmem:s22+$0xA030] =	vst v0  }
0x5e: {  	[tilespmem:s22+$0xD230] =	vst v1  }
0x5f: {  	[tilespmem:s19+$0x10430] =	vst v0  }
0x60: {  	[tilespmem:s19+$0x13630] =	vst v1  }
0x61: {  	[tilespmem:s22+$0xA040] =	vst v0  }
0x62: {  	[tilespmem:s22+$0xD240] =	vst v1  }
0x63: {  	[tilespmem:s19+$0x10440] =	vst v0  }
0x64: {  	[tilespmem:s19+$0x13640] =	vst v1  }
0x65: {  	p3 =	slt.s32 s20, $0xFFFFFF82;
	s23 =	sadd.s32 $0x7F, s22;
	[tilespmem:s22+$0xA050] =	vst v0  }
0x66: {  	p5 =	slt.s32 s21, $0xFFFFFF82;
	s24 =	sshra.s32 s23, $0x1F;
	s25 =	sand.u32 $0x7F, s23;
	[tilespmem:s22+$0xD250] =	vst v1  }
0x67: {  	s28 =	sadd.s32 $0x7F, s19;
	s26 =	sshrl.u32 s24, $0x19;
	p4 =	sne.s32 s25, $0x0;
	[tilespmem:s19+$0x10450] =	vst v0  }
0x68: {  	s24 =	simm.s32 $0x1;
	s29 =	sand.u32 $0x7F, s28;
	s30 =	sshra.s32 s28, $0x1F;
	[tilespmem:s19+$0x13650] =	vst v1  }
0x69: {  	s20 =	sadd.s32 s26, s23;
	p0 =	por !p3, !p4;
	p6 =	sne.s32 s29, $0x0;
	[tilespmem:s22+$0xA060] =	vst v0  }
0x6a: {  	s21 =	sshrl.u32 s30, $0x19;
	s23 =	simm.s32 $0x1;
	p0 =	por !p0, !p0;
	[tilespmem:s22+$0xD260] =	vst v1  }
0x6b: {  	s20 =	sshrl.u32 s20, $0x7;
	s24 =	simm.s32 @!p0 $0x0;
	p0 =	por !p5, !p6;
	[tilespmem:s19+$0x10460] =	vst v0  }
0x6c: {  	s21 =	sadd.s32 s21, s28;
	s20 =	ssub.s32 s20, s24;
	p0 =	por !p0, !p0;
	[tilespmem:s19+$0x13660] =	vst v1  }
0x6d: {  	s21 =	sshrl.u32 s21, $0x7;
	s20 =	sshll.u32 s20, $0x7;
	s23 =	simm.s32 @!p0 $0x0;
	[tilespmem:s22+$0xA070] =	vst v0  }
0x6e: {  	s21 =	ssub.s32 s21, s23;
	v2 =	vmov s20;
	[tilespmem:s22+$0xD270] =	vst v1  }
0x6f: {  	s31 =	sshll.u32 s21, $0x7;
	v2 =	vnsel vm0, $0x0, v2;
	[tilespmem:s19+$0x10470] =	vst v0  }
0x70: {  	v2 =	vsel vm1, s31, v2;
	[tilespmem:s19+$0x13670] =	vst v1  }
0x71: {  	[tilespmem:$0x16800] =	vst v2  }
0x72: {  	[hbm4b:s5+s2] =	stream.linear.scatter [tilespmem:s13], [sflag:$0x1], $0x3200, $0x38;
	[tilespmem:$0x16880] =	vst v63  }
0x73: {  	_ =	swait.ge [sflag:s11], $0x3200  }
0x74: {  	[sflag:s11] =	ssyncset.done $0x0  }
0x75: {  	[sflag:s11] =	ssyncadd.s32 $0xFFFFCE00  }
0x76: {  	[hbm4b:s6+s2] =	stream.linear.scatter [tilespmem:s14], [sflag:$0x1], $0x3200, $0x38;
	[tilespmem:$0x16880] =	vst v63  }
0x77: {  	_ =	swait.ge [sflag:s11], $0x3200  }
0x78: {  	[sflag:s11] =	ssyncset.done $0x0  }
0x79: {  	[sflag:s11] =	ssyncadd.s32 $0xFFFFCE00  }
0x7a: {  	[hbm4b:s7+s2] =	stream.linear.scatter [tilespmem:s15], [sflag:$0x1], $0x3200, $0x38;
	[tilespmem:$0x16880] =	vst v63  }
0x7b: {  	_ =	swait.ge [sflag:s11], $0x3200  }
0x7c: {  	[sflag:s11] =	ssyncset.done $0x0  }
0x7d: {  	[sflag:s11] =	ssyncadd.s32 $0xFFFFCE00  }
0x7e: {  	[hbm4b:s8+s2] =	stream.linear.scatter [tilespmem:s16], [sflag:$0x1], $0x3200, $0x38;
	[tilespmem:$0x16880] =	vst v63  }
0x7f: {  	s18 =	sadd.s32 $0x1, s18;
	_ =	swait.ge [sflag:s11], $0x3200  }
0x80: {  	p0 =	sne.s32 s18, s10;
	[sflag:s11] =	ssyncset.done $0x0  }
.Ltmp1:
0x81: {  	[sflag:s11] =	ssyncadd.s32 $0xFFFFCE00;
	(pc) =	sbr.rel @p0 .LBB2_1-.Ltmp1, $4  }
0x82: {  	[hbm4b:s9+s2] =	stream.linear.scatter [tilespmem:s17], [sflag:$0x1], $0x10, $0x38;
	[tilespmem:$0x16880] =	vst v63  }
0x83: {  	_ =	swait.ge [sflag:s11], $0x10  }
0x84: {  	[sflag:s11] =	ssyncset.done $0x0  }
0x85: {  	[sflag:s11] =	ssyncadd.s32 $0xFFFFFFF0  }
0x86: {  	_ =	sfence.sel $0x180000  }
0x87: {  	[bflag:$0x0] =	sbarrier.arrive $0xFFFF  }
0x88: {  	p0 =	sne.s32 s0, $0x0;
	_ =	strace $0x90000047  }
0x89: {  	s0 =	sadd.s32 @!p0 $0x100000, s1;
	[bflag:$0x2] =	sbarrier.arrive $0xFFFF  }
0x8a: {  	[sflag:s0] =	ssyncadd.tile.s32 @!p0 $0x1;
	_ =	shalt  }
.Lfunc_end2:
_tile_overlayer_lowered:
.L_overlay_start_2:
0x8b: {  	(tag) =	ssettag $0x2  }
0x8c: {  	s0 =	rddreg [dreg:$0x0];
	s2 =	stileid.u32  }
0x8d: {  	s1 =	rddreg [dreg:$0x1];
	p0 =	sne.s32 s2, $0x0  }
0x8e: {  	s3 =	rddreg [dreg:$0x2];
	[bflag:$0x3] =	sbarrier.arrive $0xFFFF;
	s2 =	simm.s32 @!p0 $0x1C01  }
0x8f: {  	[timem:s3], [sflag:s2] =	dma.local @!p0 [hbm:s0], s1  }
0x90: {  	s0 =	simm.s32 @!p0 $0x1  }
0x91: {  	_ =	swait.ge @!p0 [sflag:s0], s1  }
0x92: {  	s1 =	ssub.s32 @!p0 $0x0, s1;
	[sflag:s0] =	ssyncset.done @!p0 $0x0  }
0x93: {  	[sflag:s0] =	ssyncadd.s32 @!p0 s1  }
0x94: {  	[bflag:$0x3] =	sbarrier.arrive $0xFFFF  }
0x95: {  	_ =	shalt  }

</sc_bundles>
